<compile_context>
chip_gen: v7x
topology: tpu7x:2x2x1
jax: 0.10.2.dev20260603
libtpu: 0.0.44.dev20260713+nightly
codegen_flags: <defaults>
</compile_context>

<pallas_src>
import functools
import jax
import jax.numpy as jnp
from jax import lax
from jax.experimental import pallas as pl
from jax.experimental.pallas import tpu as pltpu
from jax.experimental.pallas import tpu_sc as plsc

N = 10000
IN_DIM = 256
OUT_DIM = 256
HEADS = 4
C = OUT_DIM // HEADS
G = 64
EPS = 1e-5

NB = 79
NP = NB * 128
ROWS_PER_TILE = NP // 16
DUMMY = N

DROWS_PER_TILE = 80
NDEN = 16 * DROWS_PER_TILE

E_TOT = 160000 + N
CHUNK = 48
CHUNKS_PER_TILE = 224
EP = 16 * CHUNKS_PER_TILE * CHUNK


def _s1_body(x_ref, wl_ref, bl_ref, wr_ref, br_ref, ws_ref, bs_ref,
             xl_ref, xr_ref, sk_ref):
    xb = x_ref[...]
    xl = jnp.dot(xb, wl_ref[...], preferred_element_type=jnp.float32) + bl_ref[...]
    xr = jnp.dot(xb, wr_ref[...], preferred_element_type=jnp.float32) + br_ref[...]
    xl_ref[0] = xl[:, :128]
    xl_ref[1] = xl[:, 128:]
    xr_ref[0] = xr[:, :128]
    xr_ref[1] = xr[:, 128:]
    sk_ref[...] = jnp.dot(xb, ws_ref[...], preferred_element_type=jnp.float32) + bs_ref[...]


def _stage1(xp, W_l, b_l, W_r, b_r, W_skip, b_skip):
    full = lambda s: pl.BlockSpec(s, lambda i: (0,) * len(s))
    return pl.pallas_call(
        _s1_body,
        grid=(NB,),
        in_specs=[
            pl.BlockSpec((128, IN_DIM), lambda i: (i, 0)),
            full((IN_DIM, OUT_DIM)), full((1, OUT_DIM)),
            full((IN_DIM, OUT_DIM)), full((1, OUT_DIM)),
            full((IN_DIM, OUT_DIM)), full((1, OUT_DIM)),
        ],
        out_specs=[
            pl.BlockSpec((2, 128, 128), lambda i: (0, i, 0)),
            pl.BlockSpec((2, 128, 128), lambda i: (0, i, 0)),
            pl.BlockSpec((128, OUT_DIM), lambda i: (i, 0)),
        ],
        out_shape=[
            jax.ShapeDtypeStruct((2, NP, 128), jnp.float32),
            jax.ShapeDtypeStruct((2, NP, 128), jnp.float32),
            jax.ShapeDtypeStruct((NP, OUT_DIM), jnp.float32),
        ],
    )(xp, W_l, b_l.reshape(1, -1), W_r, b_r.reshape(1, -1),
      W_skip, b_skip.reshape(1, -1))


def _sc_body(idx_hbm, xl_hbm, xr_hbm, att_hbm,
             out_hbm, den_hbm,
             idxv0, idxv1, sgv0, sgv1, dgov0, dgov1, dsuv0, dsuv1,
             dspv0, dspv1, attv, posb0, posb1,
             xl0, xl1, xr0, xr1, dn0, dn1,
             u_sh, den_sh,
             gx0, gx1, gr0, gr1, su0, su1, sd0, sd1, si0, si1):
    c = lax.axis_index("c")
    s = lax.axis_index("s")
    coff = c * NP
    rbase = s * ROWS_PER_TILE
    dbase = s * DROWS_PER_TILE
    cbase = s * CHUNKS_PER_TILE

    idxv = (idxv0, idxv1)
    sgv = (sgv0, sgv1)
    dgov = (dgov0, dgov1)
    dsuv = (dsuv0, dsuv1)
    dspv = (dspv0, dspv1)
    posb = (posb0, posb1)
    xlb = (xl0, xl1)
    xrb = (xr0, xr1)
    dnb = (dn0, dn1)
    gx = (gx0, gx1)
    gr = (gr0, gr1)
    su = (su0, su1)
    sd = (sd0, sd1)
    si = (si0, si1)

    def zrow(e, carry):
        for k in range(8):
            xl0[e, pl.ds(16 * k, 16)] = jnp.zeros((16,), jnp.float32)
            dn0[e, pl.ds(16 * k, 16)] = jnp.zeros((16,), jnp.float32)
            dn1[e, pl.ds(16 * k, 16)] = jnp.zeros((16,), jnp.float32)
        return carry
    lax.fori_loop(0, CHUNK, zrow, 0)
    for k in range(CHUNK // 16):
        posb0[pl.ds(16 * k, 16)] = jnp.zeros((16,), jnp.int32)
        posb1[pl.ds(16 * k, 16)] = jnp.zeros((16,), jnp.int32)

    for q in range(13):
        pltpu.sync_copy(xl0, u_sh.at[pl.ds(rbase + q * CHUNK, CHUNK)])
    rem = ROWS_PER_TILE - 13 * CHUNK
    pltpu.sync_copy(xl0.at[pl.ds(0, rem)],
                    u_sh.at[pl.ds(rbase + 13 * CHUNK, rem)])
    pltpu.sync_copy(dn0, den_sh.at[pl.ds(dbase, CHUNK)])
    pltpu.sync_copy(dn0.at[pl.ds(0, DROWS_PER_TILE - CHUNK)],
                    den_sh.at[pl.ds(dbase + CHUNK, DROWS_PER_TILE - CHUNK)])
    plsc.subcore_barrier()

    pltpu.sync_copy(att_hbm.at[c], attv)

    def idx_slice(j):
        return idx_hbm.at[pl.ds((cbase + j) * (4 * CHUNK), 4 * CHUNK)]

    def build_and_fire(j, b):
        for k in range(CHUNK // 16):
            sgv[b][pl.ds(16 * k, 16)] = idxv[b][pl.ds(16 * k, 16)] + coff
            dgov[b][pl.ds(16 * k, 16)] = idxv[b][pl.ds(CHUNK + 16 * k, 16)] + coff
            dsuv[b][pl.ds(16 * k, 16)] = idxv[b][pl.ds(CHUNK + 16 * k, 16)]
            dspv[b][pl.ds(16 * k, 16)] = idxv[b][pl.ds(2 * CHUNK + 16 * k, 16)]
        pltpu.async_copy(xl_hbm.at[sgv[b]], xlb[b], gx[b])
        pltpu.async_copy(xr_hbm.at[dgov[b]], xrb[b], gr[b])

    def wait_scatters(b):
        pltpu.make_async_copy(xlb[b], u_sh.at[dsuv[b]], su[b]).wait()
        pltpu.make_async_copy(dnb[b], den_sh.at[dspv[b]], sd[b]).wait()

    def compute_chunk(b):
        xlr = xlb[b]
        xrr = xrb[b]
        dnr = dnb[b]
        pb = posb[b]
        attvals = [attv[pl.ds(16 * k, 16)] for k in range(8)]
        lane = lax.iota(jnp.int32, 16)
        m01 = lane < 2
        zv = jnp.zeros((16,), jnp.float32)

        def do_edge(e):
            pvs = []
            for h in range(2):
                acc = zv
                for k in range(4):
                    off = h * 64 + 16 * k
                    t = xlr[e, pl.ds(off, 16)] + xrr[e, pl.ds(off, 16)]
                    t = jnp.maximum(t, 0.0) + 0.2 * jnp.minimum(t, 0.0)
                    acc = acc + t * attvals[h * 4 + k]
                pv = jnp.exp(jnp.broadcast_to(jnp.sum(acc), (16,)))
                for k in range(4):
                    off = h * 64 + 16 * k
                    xlr[e, pl.ds(off, 16)] = xlr[e, pl.ds(off, 16)] * pv
                pvs.append(pv)
            pv01 = jnp.where(lane == 0, pvs[0],
                             jnp.where(lane == 1, pvs[1], zv))
            mv = plsc.load_gather(
                idxv[b], [jnp.broadcast_to(3 * CHUNK + e, (16,)).astype(jnp.int32)])
            ev = jnp.broadcast_to(e, (16,)).astype(jnp.int32)
            oldm = plsc.load_gather(pb, [ev])
            plsc.store_scatter(dnr, [ev, oldm * 16 + lane], zv, mask=m01)
            plsc.store_scatter(dnr, [ev, mv * 16 + lane], pv01, mask=m01)
            plsc.store_scatter(pb, [ev], mv, mask=lane == 0)

        def edge_body(i, carry2):
            do_edge(2 * i)
            do_edge(2 * i + 1)
            return carry2
        lax.fori_loop(0, CHUNK // 2, edge_body, 0)

    pltpu.sync_copy(idx_slice(0), idxv[0])
    build_and_fire(0, 0)
    pltpu.async_copy(idx_slice(1), idxv[1], si[1])

    def pair_body(jb, carry):
        for b in range(2):
            j = 2 * jb + b
            b1 = 1 - b

            @pl.when(j + 1 < CHUNKS_PER_TILE)
            def _prefetch():
                @pl.when(j >= 1)
                def _drain():
                    wait_scatters(b1)
                pltpu.make_async_copy(idx_slice(j + 1), idxv[b1], si[b1]).wait()
                build_and_fire(j + 1, b1)

            pltpu.make_async_copy(xl_hbm.at[sgv[b]], xlb[b], gx[b]).wait()
            pltpu.make_async_copy(xr_hbm.at[dgov[b]], xrb[b], gr[b]).wait()
            compute_chunk(b)
            pltpu.async_copy(xlb[b], u_sh.at[dsuv[b]], su[b], add=True)
            pltpu.async_copy(dnb[b], den_sh.at[dspv[b]], sd[b], add=True)

            @pl.when(j + 2 < CHUNKS_PER_TILE)
            def _idx_prefetch():
                pltpu.async_copy(idx_slice(j + 2), idxv[b], si[b])
        return carry
    lax.fori_loop(0, CHUNKS_PER_TILE // 2, pair_body, 0)
    wait_scatters(0)
    wait_scatters(1)
    plsc.subcore_barrier()

    for q in range(13):
        pltpu.sync_copy(u_sh.at[pl.ds(rbase + q * CHUNK, CHUNK)], xl0)
        pltpu.sync_copy(xl0, out_hbm.at[pl.ds(coff + rbase + q * CHUNK, CHUNK)])
    rem2 = ROWS_PER_TILE - 13 * CHUNK
    pltpu.sync_copy(u_sh.at[pl.ds(rbase + 13 * CHUNK, rem2)], xl0.at[pl.ds(0, rem2)])
    pltpu.sync_copy(xl0.at[pl.ds(0, rem2)],
                    out_hbm.at[pl.ds(coff + rbase + 13 * CHUNK, rem2)])
    pltpu.sync_copy(den_sh.at[pl.ds(dbase, CHUNK)], dn0)
    pltpu.sync_copy(dn0, den_hbm.at[pl.ds(c * NDEN + dbase, CHUNK)])
    drem = DROWS_PER_TILE - CHUNK
    pltpu.sync_copy(den_sh.at[pl.ds(dbase + CHUNK, drem)], dn0.at[pl.ds(0, drem)])
    pltpu.sync_copy(dn0.at[pl.ds(0, drem)],
                    den_hbm.at[pl.ds(c * NDEN + dbase + CHUNK, drem)])


def _stage2(idx4, XL, XR, ATT):
    mesh = plsc.VectorSubcoreMesh(core_axis_name="c", subcore_axis_name="s")
    ibuf = lambda n: pltpu.VMEM((n,), jnp.int32)
    fbuf = lambda: pltpu.VMEM((CHUNK, 128), jnp.float32)
    f = pl.kernel(
        _sc_body,
        out_type=(
            jax.ShapeDtypeStruct((2 * NP, 128), jnp.float32),
            jax.ShapeDtypeStruct((2 * NDEN, 128), jnp.float32),
        ),
        mesh=mesh,
        compiler_params=pltpu.CompilerParams(needs_layout_passes=False),
        scratch_types=[
            ibuf(4 * CHUNK), ibuf(4 * CHUNK),
            ibuf(CHUNK), ibuf(CHUNK),
            ibuf(CHUNK), ibuf(CHUNK),
            ibuf(CHUNK), ibuf(CHUNK),
            ibuf(CHUNK), ibuf(CHUNK),
            pltpu.VMEM((128,), jnp.float32),
            ibuf(CHUNK), ibuf(CHUNK),
            fbuf(), fbuf(),
            fbuf(), fbuf(),
            fbuf(), fbuf(),
            pltpu.VMEM_SHARED((NP, 128), jnp.float32),
            pltpu.VMEM_SHARED((NDEN, 128), jnp.float32),
        ] + [pltpu.SemaphoreType.DMA] * 10,
    )
    return f(idx4, XL, XR, ATT)


def _s3_body(o0_ref, o1_ref, d0_ref, d1_ref, sk_ref, batch_ref, bias_ref,
             g1w_ref, g1b_ref, g1a_ref, g2w_ref, g2b_ref, g2a_ref,
             y_ref, s1m, s2m, s1s, s2s, cntm):
    p = pl.program_id(0)
    o0 = o0_ref[...]
    o1 = o1_ref[...]
    d0 = d0_ref[...]
    d1 = d1_ref[...]
    den = jnp.concatenate(
        [jnp.broadcast_to(d0[:, 0:1], (128, 64)),
         jnp.broadcast_to(d0[:, 1:2], (128, 64)),
         jnp.broadcast_to(d1[:, 0:1], (128, 64)),
         jnp.broadcast_to(d1[:, 1:2], (128, 64))], axis=1)
    den = jnp.maximum(den, 1e-30)
    x_main = jnp.concatenate([o0, o1], axis=1) / den + bias_ref[...]
    x_skip = sk_ref[...]

    gids = lax.broadcasted_iota(jnp.int32, (128, G), 1)
    oh = jnp.where(batch_ref[...] == gids, 1.0, 0.0)

    @pl.when(p == 0)
    def _accum():
        @pl.when(pl.program_id(1) == 0)
        def _init():
            s1m[...] = jnp.zeros_like(s1m)
            s2m[...] = jnp.zeros_like(s2m)
            s1s[...] = jnp.zeros_like(s1s)
            s2s[...] = jnp.zeros_like(s2s)
            cntm[...] = jnp.zeros_like(cntm)
        dn = (((0,), (0,)), ((), ()))
        s1m[...] += lax.dot_general(oh, x_main, dn, preferred_element_type=jnp.float32)
        s2m[...] += lax.dot_general(oh, x_main * x_main, dn, preferred_element_type=jnp.float32)
        s1s[...] += lax.dot_general(oh, x_skip, dn, preferred_element_type=jnp.float32)
        s2s[...] += lax.dot_general(oh, x_skip * x_skip, dn, preferred_element_type=jnp.float32)
        cntm[...] += lax.dot_general(oh, jnp.ones((128, OUT_DIM), jnp.float32), dn,
                                     preferred_element_type=jnp.float32)

    @pl.when(p == 1)
    def _apply():
        cnt = jnp.maximum(cntm[...], 1.0)

        def norm(h, S1, S2, w, b, a):
            mean = S1 / cnt
            var = jnp.maximum(S2 / cnt - (2.0 * a - a * a) * mean * mean, 0.0)
            std = jnp.sqrt(var + EPS)
            gm = jnp.dot(oh, mean, preferred_element_type=jnp.float32)
            gs = jnp.dot(oh, std, preferred_element_type=jnp.float32)
            return w * (h - a * gm) / gs + b

        ym = norm(x_main, s1m[...], s2m[...], g1w_ref[...], g1b_ref[...], g1a_ref[...])
        ys = norm(x_skip, s1s[...], s2s[...], g2w_ref[...], g2b_ref[...], g2a_ref[...])
        z = ym + ys
        y_ref[...] = jnp.where(z > 0, z, jnp.exp(jnp.minimum(z, 0.0)) - 1.0)


def _stage3(OUT, DEN, SK, batchp, bias, g1w, g1b, g1a, g2w, g2b, g2a):
    vec = lambda: pl.BlockSpec((1, OUT_DIM), lambda p, i: (0, 0))
    return pl.pallas_call(
        _s3_body,
        grid=(2, NB),
        in_specs=[
            pl.BlockSpec((128, 128), lambda p, i: (i, 0)),
            pl.BlockSpec((128, 128), lambda p, i: (NB + i, 0)),
            pl.BlockSpec((128, 16), lambda p, i: (i, 0)),
            pl.BlockSpec((128, 16), lambda p, i: (NB + i, 0)),
            pl.BlockSpec((128, OUT_DIM), lambda p, i: (i, 0)),
            pl.BlockSpec((128, 1), lambda p, i: (i, 0)),
            vec(), vec(), vec(), vec(), vec(), vec(), vec(),
        ],
        out_specs=pl.BlockSpec((128, OUT_DIM), lambda p, i: (i, 0)),
        out_shape=jax.ShapeDtypeStruct((NP, OUT_DIM), jnp.float32),
        scratch_shapes=[pltpu.VMEM((G, OUT_DIM), jnp.float32)] * 5,
    )(OUT, OUT, DEN, DEN, SK, batchp,
      bias.reshape(1, -1), g1w.reshape(1, -1), g1b.reshape(1, -1),
      g1a.reshape(1, -1), g2w.reshape(1, -1), g2b.reshape(1, -1),
      g2a.reshape(1, -1))


def kernel(x, edge_index, batch, W_l, b_l, W_r, b_r, att, bias,
           W_skip, b_skip, gn1_w, gn1_b, gn1_a, gn2_w, gn2_b, gn2_a):
    xp = jnp.pad(x, ((0, NP - N), (0, 0)))
    batchp = jnp.pad(batch, (0, NP - N), constant_values=G).reshape(NP, 1)

    loop = jnp.arange(N, dtype=jnp.int32)
    src = jnp.concatenate([edge_index[0], loop])
    dst = jnp.concatenate([edge_index[1], loop])
    srcp = jnp.pad(src, (0, EP - E_TOT))
    dstg = jnp.pad(dst, (0, EP - E_TOT), constant_values=DUMMY)
    dstp = jnp.pad(dst // 8, (0, EP - E_TOT), constant_values=DUMMY // 8)
    dstm = jnp.pad(dst % 8, (0, EP - E_TOT))
    idx4 = (jnp.stack([srcp, dstg, dstp, dstm], axis=0)
            .reshape(4, EP // CHUNK, CHUNK)
            .transpose(1, 0, 2).reshape(4 * EP))
    ATT = att.reshape(2, 128)

    XL3, XR3, SK = _stage1(xp, W_l, b_l, W_r, b_r, W_skip, b_skip)
    OUT, DENP = _stage2(idx4,
                        XL3.reshape(2 * NP, 128), XR3.reshape(2 * NP, 128), ATT)
    DEN = DENP.reshape(2, NDEN * 8, 16)[:, :NP, :].reshape(2 * NP, 16)
    y = _stage3(OUT, DEN, SK, batchp, bias,
                gn1_w, gn1_b, gn1_a, gn2_w, gn2_b, gn2_a)
    return y[:N]

# --- scband reference (transcript-rebuilt; emitter-appended) ---
"""Pipeline reference for scband-residual-block-gat-27599459844198 (READ-ONLY COPY).

The authoritative reference and input builder live on the scoring server;
editing this copy changes nothing except your own understanding.
"""

import jax, jax.numpy as jnp
import numpy as np

N = 10000
E = 160000
IN_DIM = 256
OUT_DIM = 256
HEADS = 4
C = OUT_DIM // HEADS
G = 64
EPS = 1e-5


def setup_inputs(seed: int = 0):
    key = jax.random.key(seed)
    ks = jax.random.split(key, 12)
    x = jax.random.normal(ks[0], (N, IN_DIM), dtype=jnp.float32)
    edge_index = jax.random.randint(ks[1], (2, E), 0, N, dtype=jnp.int32)
    batch = jnp.sort(jax.random.randint(ks[2], (N,), 0, G, dtype=jnp.int32))
    s = 1.0 / np.sqrt(IN_DIM)
    W_l = jax.random.normal(ks[3], (IN_DIM, OUT_DIM), dtype=jnp.float32) * s
    b_l = jnp.zeros((OUT_DIM,), dtype=jnp.float32)
    W_r = jax.random.normal(ks[4], (IN_DIM, OUT_DIM), dtype=jnp.float32) * s
    b_r = jnp.zeros((OUT_DIM,), dtype=jnp.float32)
    att = jax.random.normal(ks[5], (HEADS, C), dtype=jnp.float32) * (1.0 / np.sqrt(C))
    bias = jnp.zeros((OUT_DIM,), dtype=jnp.float32)
    W_skip = jax.random.normal(ks[6], (IN_DIM, OUT_DIM), dtype=jnp.float32) * s
    b_skip = jnp.zeros((OUT_DIM,), dtype=jnp.float32)
    gn1_w = jnp.ones((OUT_DIM,), dtype=jnp.float32)
    gn1_b = jnp.zeros((OUT_DIM,), dtype=jnp.float32)
    gn1_a = jnp.ones((OUT_DIM,), dtype=jnp.float32)
    gn2_w = jnp.ones((OUT_DIM,), dtype=jnp.float32)
    gn2_b = jnp.zeros((OUT_DIM,), dtype=jnp.float32)
    gn2_a = jnp.ones((OUT_DIM,), dtype=jnp.float32)
    return {"x": x, "edge_index": edge_index, "batch": batch, "W_l": W_l, "b_l": b_l, "W_r": W_r, "b_r": b_r, "att": att, "bias": bias, "W_skip": W_skip, "b_skip": b_skip, "gn1_w": gn1_w, "gn1_b": gn1_b, "gn1_a": gn1_a, "gn2_w": gn2_w, "gn2_b": gn2_b, "gn2_a": gn2_a}


def graph_norm(h, batch, w, b, a):
    cnt = jax.ops.segment_sum(jnp.ones((h.shape[0],), dtype=h.dtype), batch, num_segments=G)
    cnt = jnp.maximum(cnt, 1.0)[:, None]
    mean = jax.ops.segment_sum(h, batch, num_segments=G) / cnt
    sub = h - a[None, :] * mean[batch]
    var = jax.ops.segment_sum(sub * sub, batch, num_segments=G) / cnt
    std = jnp.sqrt(var + EPS)
    return w[None, :] * sub / std[batch] + b[None, :]


def reference(x, edge_index, batch, W_l, b_l, W_r, b_r, att, bias, W_skip, b_skip, gn1_w, gn1_b, gn1_a, gn2_w, gn2_b, gn2_a):
    # GATv2Conv (add_self_loops=True default in PyG)
    loop = jnp.arange(N, dtype=edge_index.dtype)
    src = jnp.concatenate([edge_index[0], loop])
    dst = jnp.concatenate([edge_index[1], loop])
    xl = (x @ W_l + b_l[None, :]).reshape(N, HEADS, C)
    xr = (x @ W_r + b_r[None, :]).reshape(N, HEADS, C)
    e = jax.nn.leaky_relu(xl[src] + xr[dst], 0.2)
    alpha = jnp.sum(e * att[None, :, :], axis=-1)  # [E+N, H]
    m = jax.ops.segment_max(alpha, dst, num_segments=N)
    a = jnp.exp(alpha - m[dst])
    denom = jax.ops.segment_sum(a, dst, num_segments=N)
    a = a / (denom[dst] + 1e-16)
    out = jax.ops.segment_sum(xl[src] * a[:, :, None], dst, num_segments=N)
    x_main = out.reshape(N, OUT_DIM) + bias[None, :]
    x_main = graph_norm(x_main, batch, gn1_w, gn1_b, gn1_a)
    x_skip = graph_norm(x @ W_skip + b_skip[None, :], batch, gn2_w, gn2_b, gn2_a)
    return jax.nn.elu(x_main + x_skip)

if __name__ == "__main__":
    import jax
    _d = setup_inputs()
    print(jax.jit(kernel)(*tuple(_d.values())))

</pallas_src>

<mosaic_0001>
#map = affine_map<(d0, d1) -> (0)>
#map1 = affine_map<(d0, d1) -> (0, 0)>
module attributes {stable_mosaic.version = 14 : i64} {
  func.func @_sc_body(%arg0: i32, %arg1: i32, %arg2: memref<688128xi32, #tpu.memory_space<hbm>>, %arg3: memref<20224x128xf32, #tpu.memory_space<hbm>>, %arg4: memref<20224x128xf32, #tpu.memory_space<hbm>>, %arg5: memref<2x128xf32, #tpu.memory_space<hbm>>, %arg6: memref<20224x128xf32, #tpu.memory_space<hbm>>, %arg7: memref<2560x128xf32, #tpu.memory_space<hbm>>, %arg8: memref<192xi32, #tpu.memory_space<vmem>>, %arg9: memref<192xi32, #tpu.memory_space<vmem>>, %arg10: memref<48xi32, #tpu.memory_space<vmem>>, %arg11: memref<48xi32, #tpu.memory_space<vmem>>, %arg12: memref<48xi32, #tpu.memory_space<vmem>>, %arg13: memref<48xi32, #tpu.memory_space<vmem>>, %arg14: memref<48xi32, #tpu.memory_space<vmem>>, %arg15: memref<48xi32, #tpu.memory_space<vmem>>, %arg16: memref<48xi32, #tpu.memory_space<vmem>>, %arg17: memref<48xi32, #tpu.memory_space<vmem>>, %arg18: memref<128xf32, #tpu.memory_space<vmem>>, %arg19: memref<48xi32, #tpu.memory_space<vmem>>, %arg20: memref<48xi32, #tpu.memory_space<vmem>>, %arg21: memref<48x128xf32, #tpu.memory_space<vmem>>, %arg22: memref<48x128xf32, #tpu.memory_space<vmem>>, %arg23: memref<48x128xf32, #tpu.memory_space<vmem>>, %arg24: memref<48x128xf32, #tpu.memory_space<vmem>>, %arg25: memref<48x128xf32, #tpu.memory_space<vmem>>, %arg26: memref<48x128xf32, #tpu.memory_space<vmem>>, %arg27: memref<10112x128xf32, #tpu.memory_space<vmem_shared>>, %arg28: memref<1280x128xf32, #tpu.memory_space<vmem_shared>>, %arg29: memref<!tpu.dma_semaphore, #tpu.memory_space<semaphore_mem>>, %arg30: memref<!tpu.dma_semaphore, #tpu.memory_space<semaphore_mem>>, %arg31: memref<!tpu.dma_semaphore, #tpu.memory_space<semaphore_mem>>, %arg32: memref<!tpu.dma_semaphore, #tpu.memory_space<semaphore_mem>>, %arg33: memref<!tpu.dma_semaphore, #tpu.memory_space<semaphore_mem>>, %arg34: memref<!tpu.dma_semaphore, #tpu.memory_space<semaphore_mem>>, %arg35: memref<!tpu.dma_semaphore, #tpu.memory_space<semaphore_mem>>, %arg36: memref<!tpu.dma_semaphore, #tpu.memory_space<semaphore_mem>>, %arg37: memref<!tpu.dma_semaphore, #tpu.memory_space<semaphore_mem>>, %arg38: memref<!tpu.dma_semaphore, #tpu.memory_space<semaphore_mem>>) attributes {dimension_semantics = [#tpu.dimension_semantics<core_parallel>, #tpu.dimension_semantics<subcore_parallel>], iteration_bounds = array<i64: 2, 16>, scalar_prefetch = 0 : i64, scratch_operands = 31 : i64, tpu.core_type = #tpu.core_type<sc_vector_subcore>, window_params = [{transform_indices = #map}, {transform_indices = #map1}, {transform_indices = #map1}, {transform_indices = #map1}, {transform_indices = #map1}, {transform_indices = #map1}]} {
    %mul3A = arith.constant 10112 : i32
    %mul3A_0 = arith.muli %arg0, %mul3A : i32
    %mul3A_1 = arith.constant 632 : i32
    %mul3A_2 = arith.muli %arg1, %mul3A_1 : i32
    %mul3A_3 = arith.constant 80 : i32
    %mul3A_4 = arith.muli %arg1, %mul3A_3 : i32
    %mul3A_5 = arith.constant 224 : i32
    %mul3A_6 = arith.muli %arg1, %mul3A_5 : i32
    %scan3A = arith.constant 0 : i32
    %scan3A_7 = arith.constant 0 : i32
    %scan3A_8 = arith.constant 48 : i32
    %scan3A_9 = arith.addi %scan3A_7, %scan3A_8 : i32
    %scan3A_10 = arith.constant 1 : i32
    scf.for %scan3A_235 = %scan3A_7 to %scan3A_9 step %scan3A_10  : i32 {
      %broadcast_in_dim3A_236 = arith.constant 0.000000e+00 : f32
      %broadcast_in_dim3A_237 = vector.broadcast %broadcast_in_dim3A_236 : f32 to vector<16xf32>
      %swap3A_238 = arith.index_cast %scan3A_235 : i32 to index
      %swap3A_239 = arith.constant 0 : index
      %swap3A_240 = tpu.vector_load %arg21[%swap3A_238, %swap3A_239] {strides = array<i32>} : memref<48x128xf32, #tpu.memory_space<vmem>>, vector<16xf32>,
      tpu.vector_store %arg21[%swap3A_238, %swap3A_239], %broadcast_in_dim3A_237 {strides = array<i32>} : memref<48x128xf32, #tpu.memory_space<vmem>>, vector<16xf32>,
      %broadcast_in_dim3A_241 = arith.constant 0.000000e+00 : f32
      %broadcast_in_dim3A_242 = vector.broadcast %broadcast_in_dim3A_241 : f32 to vector<16xf32>
      %swap3A_243 = arith.index_cast %scan3A_235 : i32 to index
      %swap3A_244 = arith.constant 0 : index
      %swap3A_245 = tpu.vector_load %arg25[%swap3A_243, %swap3A_244] {strides = array<i32>} : memref<48x128xf32, #tpu.memory_space<vmem>>, vector<16xf32>,
      tpu.vector_store %arg25[%swap3A_243, %swap3A_244], %broadcast_in_dim3A_242 {strides = array<i32>} : memref<48x128xf32, #tpu.memory_space<vmem>>, vector<16xf32>,
      %broadcast_in_dim3A_246 = arith.constant 0.000000e+00 : f32
      %broadcast_in_dim3A_247 = vector.broadcast %broadcast_in_dim3A_246 : f32 to vector<16xf32>
      %swap3A_248 = arith.index_cast %scan3A_235 : i32 to index
      %swap3A_249 = arith.constant 0 : index
      %swap3A_250 = tpu.vector_load %arg26[%swap3A_248, %swap3A_249] {strides = array<i32>} : memref<48x128xf32, #tpu.memory_space<vmem>>, vector<16xf32>,
      tpu.vector_store %arg26[%swap3A_248, %swap3A_249], %broadcast_in_dim3A_247 {strides = array<i32>} : memref<48x128xf32, #tpu.memory_space<vmem>>, vector<16xf32>,
      %broadcast_in_dim3A_251 = arith.constant 0.000000e+00 : f32
      %broadcast_in_dim3A_252 = vector.broadcast %broadcast_in_dim3A_251 : f32 to vector<16xf32>
      %swap3A_253 = arith.index_cast %scan3A_235 : i32 to index
      %swap3A_254 = arith.constant 16 : index
      %swap3A_255 = tpu.vector_load %arg21[%swap3A_253, %swap3A_254] {strides = array<i32>} : memref<48x128xf32, #tpu.memory_space<vmem>>, vector<16xf32>,
      tpu.vector_store %arg21[%swap3A_253, %swap3A_254], %broadcast_in_dim3A_252 {strides = array<i32>} : memref<48x128xf32, #tpu.memory_space<vmem>>, vector<16xf32>,
      %broadcast_in_dim3A_256 = arith.constant 0.000000e+00 : f32
      %broadcast_in_dim3A_257 = vector.broadcast %broadcast_in_dim3A_256 : f32 to vector<16xf32>
      %swap3A_258 = arith.index_cast %scan3A_235 : i32 to index
      %swap3A_259 = arith.constant 16 : index
      %swap3A_260 = tpu.vector_load %arg25[%swap3A_258, %swap3A_259] {strides = array<i32>} : memref<48x128xf32, #tpu.memory_space<vmem>>, vector<16xf32>,
      tpu.vector_store %arg25[%swap3A_258, %swap3A_259], %broadcast_in_dim3A_257 {strides = array<i32>} : memref<48x128xf32, #tpu.memory_space<vmem>>, vector<16xf32>,
      %broadcast_in_dim3A_261 = arith.constant 0.000000e+00 : f32
      %broadcast_in_dim3A_262 = vector.broadcast %broadcast_in_dim3A_261 : f32 to vector<16xf32>
      %swap3A_263 = arith.index_cast %scan3A_235 : i32 to index
      %swap3A_264 = arith.constant 16 : index
      %swap3A_265 = tpu.vector_load %arg26[%swap3A_263, %swap3A_264] {strides = array<i32>} : memref<48x128xf32, #tpu.memory_space<vmem>>, vector<16xf32>,
      tpu.vector_store %arg26[%swap3A_263, %swap3A_264], %broadcast_in_dim3A_262 {strides = array<i32>} : memref<48x128xf32, #tpu.memory_space<vmem>>, vector<16xf32>,
      %broadcast_in_dim3A_266 = arith.constant 0.000000e+00 : f32
      %broadcast_in_dim3A_267 = vector.broadcast %broadcast_in_dim3A_266 : f32 to vector<16xf32>
      %swap3A_268 = arith.index_cast %scan3A_235 : i32 to index
      %swap3A_269 = arith.constant 32 : index
      %swap3A_270 = tpu.vector_load %arg21[%swap3A_268, %swap3A_269] {strides = array<i32>} : memref<48x128xf32, #tpu.memory_space<vmem>>, vector<16xf32>,
      tpu.vector_store %arg21[%swap3A_268, %swap3A_269], %broadcast_in_dim3A_267 {strides = array<i32>} : memref<48x128xf32, #tpu.memory_space<vmem>>, vector<16xf32>,
      %broadcast_in_dim3A_271 = arith.constant 0.000000e+00 : f32
      %broadcast_in_dim3A_272 = vector.broadcast %broadcast_in_dim3A_271 : f32 to vector<16xf32>
      %swap3A_273 = arith.index_cast %scan3A_235 : i32 to index
      %swap3A_274 = arith.constant 32 : index
      %swap3A_275 = tpu.vector_load %arg25[%swap3A_273, %swap3A_274] {strides = array<i32>} : memref<48x128xf32, #tpu.memory_space<vmem>>, vector<16xf32>,
      tpu.vector_store %arg25[%swap3A_273, %swap3A_274], %broadcast_in_dim3A_272 {strides = array<i32>} : memref<48x128xf32, #tpu.memory_space<vmem>>, vector<16xf32>,
      %broadcast_in_dim3A_276 = arith.constant 0.000000e+00 : f32
      %broadcast_in_dim3A_277 = vector.broadcast %broadcast_in_dim3A_276 : f32 to vector<16xf32>
      %swap3A_278 = arith.index_cast %scan3A_235 : i32 to index
      %swap3A_279 = arith.constant 32 : index
      %swap3A_280 = tpu.vector_load %arg26[%swap3A_278, %swap3A_279] {strides = array<i32>} : memref<48x128xf32, #tpu.memory_space<vmem>>, vector<16xf32>,
      tpu.vector_store %arg26[%swap3A_278, %swap3A_279], %broadcast_in_dim3A_277 {strides = array<i32>} : memref<48x128xf32, #tpu.memory_space<vmem>>, vector<16xf32>,
      %broadcast_in_dim3A_281 = arith.constant 0.000000e+00 : f32
      %broadcast_in_dim3A_282 = vector.broadcast %broadcast_in_dim3A_281 : f32 to vector<16xf32>
      %swap3A_283 = arith.index_cast %scan3A_235 : i32 to index
      %swap3A_284 = arith.constant 48 : index
      %swap3A_285 = tpu.vector_load %arg21[%swap3A_283, %swap3A_284] {strides = array<i32>} : memref<48x128xf32, #tpu.memory_space<vmem>>, vector<16xf32>,
      tpu.vector_store %arg21[%swap3A_283, %swap3A_284], %broadcast_in_dim3A_282 {strides = array<i32>} : memref<48x128xf32, #tpu.memory_space<vmem>>, vector<16xf32>,
      %broadcast_in_dim3A_286 = arith.constant 0.000000e+00 : f32
      %broadcast_in_dim3A_287 = vector.broadcast %broadcast_in_dim3A_286 : f32 to vector<16xf32>
      %swap3A_288 = arith.index_cast %scan3A_235 : i32 to index
      %swap3A_289 = arith.constant 48 : index
      %swap3A_290 = tpu.vector_load %arg25[%swap3A_288, %swap3A_289] {strides = array<i32>} : memref<48x128xf32, #tpu.memory_space<vmem>>, vector<16xf32>,
      tpu.vector_store %arg25[%swap3A_288, %swap3A_289], %broadcast_in_dim3A_287 {strides = array<i32>} : memref<48x128xf32, #tpu.memory_space<vmem>>, vector<16xf32>,
      %broadcast_in_dim3A_291 = arith.constant 0.000000e+00 : f32
      %broadcast_in_dim3A_292 = vector.broadcast %broadcast_in_dim3A_291 : f32 to vector<16xf32>
      %swap3A_293 = arith.index_cast %scan3A_235 : i32 to index
      %swap3A_294 = arith.constant 48 : index
      %swap3A_295 = tpu.vector_load %arg26[%swap3A_293, %swap3A_294] {strides = array<i32>} : memref<48x128xf32, #tpu.memory_space<vmem>>, vector<16xf32>,
      tpu.vector_store %arg26[%swap3A_293, %swap3A_294], %broadcast_in_dim3A_292 {strides = array<i32>} : memref<48x128xf32, #tpu.memory_space<vmem>>, vector<16xf32>,
      %broadcast_in_dim3A_296 = arith.constant 0.000000e+00 : f32
      %broadcast_in_dim3A_297 = vector.broadcast %broadcast_in_dim3A_296 : f32 to vector<16xf32>
      %swap3A_298 = arith.index_cast %scan3A_235 : i32 to index
      %swap3A_299 = arith.constant 64 : index
      %swap3A_300 = tpu.vector_load %arg21[%swap3A_298, %swap3A_299] {strides = array<i32>} : memref<48x128xf32, #tpu.memory_space<vmem>>, vector<16xf32>,
      tpu.vector_store %arg21[%swap3A_298, %swap3A_299], %broadcast_in_dim3A_297 {strides = array<i32>} : memref<48x128xf32, #tpu.memory_space<vmem>>, vector<16xf32>,
      %broadcast_in_dim3A_301 = arith.constant 0.000000e+00 : f32
      %broadcast_in_dim3A_302 = vector.broadcast %broadcast_in_dim3A_301 : f32 to vector<16xf32>
      %swap3A_303 = arith.index_cast %scan3A_235 : i32 to index
      %swap3A_304 = arith.constant 64 : index
      %swap3A_305 = tpu.vector_load %arg25[%swap3A_303, %swap3A_304] {strides = array<i32>} : memref<48x128xf32, #tpu.memory_space<vmem>>, vector<16xf32>,
      tpu.vector_store %arg25[%swap3A_303, %swap3A_304], %broadcast_in_dim3A_302 {strides = array<i32>} : memref<48x128xf32, #tpu.memory_space<vmem>>, vector<16xf32>,
      %broadcast_in_dim3A_306 = arith.constant 0.000000e+00 : f32
      %broadcast_in_dim3A_307 = vector.broadcast %broadcast_in_dim3A_306 : f32 to vector<16xf32>
      %swap3A_308 = arith.index_cast %scan3A_235 : i32 to index
      %swap3A_309 = arith.constant 64 : index
      %swap3A_310 = tpu.vector_load %arg26[%swap3A_308, %swap3A_309] {strides = array<i32>} : memref<48x128xf32, #tpu.memory_space<vmem>>, vector<16xf32>,
      tpu.vector_store %arg26[%swap3A_308, %swap3A_309], %broadcast_in_dim3A_307 {strides = array<i32>} : memref<48x128xf32, #tpu.memory_space<vmem>>, vector<16xf32>,
      %broadcast_in_dim3A_311 = arith.constant 0.000000e+00 : f32
      %broadcast_in_dim3A_312 = vector.broadcast %broadcast_in_dim3A_311 : f32 to vector<16xf32>
      %swap3A_313 = arith.index_cast %scan3A_235 : i32 to index
      %swap3A_314 = arith.constant 80 : index
      %swap3A_315 = tpu.vector_load %arg21[%swap3A_313, %swap3A_314] {strides = array<i32>} : memref<48x128xf32, #tpu.memory_space<vmem>>, vector<16xf32>,
      tpu.vector_store %arg21[%swap3A_313, %swap3A_314], %broadcast_in_dim3A_312 {strides = array<i32>} : memref<48x128xf32, #tpu.memory_space<vmem>>, vector<16xf32>,
      %broadcast_in_dim3A_316 = arith.constant 0.000000e+00 : f32
      %broadcast_in_dim3A_317 = vector.broadcast %broadcast_in_dim3A_316 : f32 to vector<16xf32>
      %swap3A_318 = arith.index_cast %scan3A_235 : i32 to index
      %swap3A_319 = arith.constant 80 : index
      %swap3A_320 = tpu.vector_load %arg25[%swap3A_318, %swap3A_319] {strides = array<i32>} : memref<48x128xf32, #tpu.memory_space<vmem>>, vector<16xf32>,
      tpu.vector_store %arg25[%swap3A_318, %swap3A_319], %broadcast_in_dim3A_317 {strides = array<i32>} : memref<48x128xf32, #tpu.memory_space<vmem>>, vector<16xf32>,
      %broadcast_in_dim3A_321 = arith.constant 0.000000e+00 : f32
      %broadcast_in_dim3A_322 = vector.broadcast %broadcast_in_dim3A_321 : f32 to vector<16xf32>
      %swap3A_323 = arith.index_cast %scan3A_235 : i32 to index
      %swap3A_324 = arith.constant 80 : index
      %swap3A_325 = tpu.vector_load %arg26[%swap3A_323, %swap3A_324] {strides = array<i32>} : memref<48x128xf32, #tpu.memory_space<vmem>>, vector<16xf32>,
      tpu.vector_store %arg26[%swap3A_323, %swap3A_324], %broadcast_in_dim3A_322 {strides = array<i32>} : memref<48x128xf32, #tpu.memory_space<vmem>>, vector<16xf32>,
      %broadcast_in_dim3A_326 = arith.constant 0.000000e+00 : f32
      %broadcast_in_dim3A_327 = vector.broadcast %broadcast_in_dim3A_326 : f32 to vector<16xf32>
      %swap3A_328 = arith.index_cast %scan3A_235 : i32 to index
      %swap3A_329 = arith.constant 96 : index
      %swap3A_330 = tpu.vector_load %arg21[%swap3A_328, %swap3A_329] {strides = array<i32>} : memref<48x128xf32, #tpu.memory_space<vmem>>, vector<16xf32>,
      tpu.vector_store %arg21[%swap3A_328, %swap3A_329], %broadcast_in_dim3A_327 {strides = array<i32>} : memref<48x128xf32, #tpu.memory_space<vmem>>, vector<16xf32>,
      %broadcast_in_dim3A_331 = arith.constant 0.000000e+00 : f32
      %broadcast_in_dim3A_332 = vector.broadcast %broadcast_in_dim3A_331 : f32 to vector<16xf32>
      %swap3A_333 = arith.index_cast %scan3A_235 : i32 to index
      %swap3A_334 = arith.constant 96 : index
      %swap3A_335 = tpu.vector_load %arg25[%swap3A_333, %swap3A_334] {strides = array<i32>} : memref<48x128xf32, #tpu.memory_space<vmem>>, vector<16xf32>,
      tpu.vector_store %arg25[%swap3A_333, %swap3A_334], %broadcast_in_dim3A_332 {strides = array<i32>} : memref<48x128xf32, #tpu.memory_space<vmem>>, vector<16xf32>,
      %broadcast_in_dim3A_336 = arith.constant 0.000000e+00 : f32
      %broadcast_in_dim3A_337 = vector.broadcast %broadcast_in_dim3A_336 : f32 to vector<16xf32>
      %swap3A_338 = arith.index_cast %scan3A_235 : i32 to index
      %swap3A_339 = arith.constant 96 : index
      %swap3A_340 = tpu.vector_load %arg26[%swap3A_338, %swap3A_339] {strides = array<i32>} : memref<48x128xf32, #tpu.memory_space<vmem>>, vector<16xf32>,
      tpu.vector_store %arg26[%swap3A_338, %swap3A_339], %broadcast_in_dim3A_337 {strides = array<i32>} : memref<48x128xf32, #tpu.memory_space<vmem>>, vector<16xf32>,
      %broadcast_in_dim3A_341 = arith.constant 0.000000e+00 : f32
      %broadcast_in_dim3A_342 = vector.broadcast %broadcast_in_dim3A_341 : f32 to vector<16xf32>
      %swap3A_343 = arith.index_cast %scan3A_235 : i32 to index
      %swap3A_344 = arith.constant 112 : index
      %swap3A_345 = tpu.vector_load %arg21[%swap3A_343, %swap3A_344] {strides = array<i32>} : memref<48x128xf32, #tpu.memory_space<vmem>>, vector<16xf32>,
      tpu.vector_store %arg21[%swap3A_343, %swap3A_344], %broadcast_in_dim3A_342 {strides = array<i32>} : memref<48x128xf32, #tpu.memory_space<vmem>>, vector<16xf32>,
      %broadcast_in_dim3A_346 = arith.constant 0.000000e+00 : f32
      %broadcast_in_dim3A_347 = vector.broadcast %broadcast_in_dim3A_346 : f32 to vector<16xf32>
      %swap3A_348 = arith.index_cast %scan3A_235 : i32 to index
      %swap3A_349 = arith.constant 112 : index
      %swap3A_350 = tpu.vector_load %arg25[%swap3A_348, %swap3A_349] {strides = array<i32>} : memref<48x128xf32, #tpu.memory_space<vmem>>, vector<16xf32>,
      tpu.vector_store %arg25[%swap3A_348, %swap3A_349], %broadcast_in_dim3A_347 {strides = array<i32>} : memref<48x128xf32, #tpu.memory_space<vmem>>, vector<16xf32>,
      %broadcast_in_dim3A_351 = arith.constant 0.000000e+00 : f32
      %broadcast_in_dim3A_352 = vector.broadcast %broadcast_in_dim3A_351 : f32 to vector<16xf32>
      %swap3A_353 = arith.index_cast %scan3A_235 : i32 to index
      %swap3A_354 = arith.constant 112 : index
      %swap3A_355 = tpu.vector_load %arg26[%swap3A_353, %swap3A_354] {strides = array<i32>} : memref<48x128xf32, #tpu.memory_space<vmem>>, vector<16xf32>,
      tpu.vector_store %arg26[%swap3A_353, %swap3A_354], %broadcast_in_dim3A_352 {strides = array<i32>} : memref<48x128xf32, #tpu.memory_space<vmem>>, vector<16xf32>,
    }
    %scan3A_11 = arith.constant 48 : i32
    %broadcast_in_dim3A = arith.constant 0 : i32
    %broadcast_in_dim3A_12 = vector.broadcast %broadcast_in_dim3A : i32 to vector<16xi32>
    %swap3A = arith.constant 0 : index
    %swap3A_13 = tpu.vector_load %arg19[%swap3A] {strides = array<i32>} : memref<48xi32, #tpu.memory_space<vmem>>, vector<16xi32>,
    tpu.vector_store %arg19[%swap3A], %broadcast_in_dim3A_12 {strides = array<i32>} : memref<48xi32, #tpu.memory_space<vmem>>, vector<16xi32>,
    %broadcast_in_dim3A_14 = arith.constant 0 : i32
    %broadcast_in_dim3A_15 = vector.broadcast %broadcast_in_dim3A_14 : i32 to vector<16xi32>
    %swap3A_16 = arith.constant 0 : index
    %swap3A_17 = tpu.vector_load %arg20[%swap3A_16] {strides = array<i32>} : memref<48xi32, #tpu.memory_space<vmem>>, vector<16xi32>,
    tpu.vector_store %arg20[%swap3A_16], %broadcast_in_dim3A_15 {strides = array<i32>} : memref<48xi32, #tpu.memory_space<vmem>>, vector<16xi32>,
    %broadcast_in_dim3A_18 = arith.constant 0 : i32
    %broadcast_in_dim3A_19 = vector.broadcast %broadcast_in_dim3A_18 : i32 to vector<16xi32>
    %swap3A_20 = arith.constant 16 : index
    %swap3A_21 = tpu.vector_load %arg19[%swap3A_20] {strides = array<i32>} : memref<48xi32, #tpu.memory_space<vmem>>, vector<16xi32>,
    tpu.vector_store %arg19[%swap3A_20], %broadcast_in_dim3A_19 {strides = array<i32>} : memref<48xi32, #tpu.memory_space<vmem>>, vector<16xi32>,
    %broadcast_in_dim3A_22 = arith.constant 0 : i32
    %broadcast_in_dim3A_23 = vector.broadcast %broadcast_in_dim3A_22 : i32 to vector<16xi32>
    %swap3A_24 = arith.constant 16 : index
    %swap3A_25 = tpu.vector_load %arg20[%swap3A_24] {strides = array<i32>} : memref<48xi32, #tpu.memory_space<vmem>>, vector<16xi32>,
    tpu.vector_store %arg20[%swap3A_24], %broadcast_in_dim3A_23 {strides = array<i32>} : memref<48xi32, #tpu.memory_space<vmem>>, vector<16xi32>,
    %broadcast_in_dim3A_26 = arith.constant 0 : i32
    %broadcast_in_dim3A_27 = vector.broadcast %broadcast_in_dim3A_26 : i32 to vector<16xi32>
    %swap3A_28 = arith.constant 32 : index
    %swap3A_29 = tpu.vector_load %arg19[%swap3A_28] {strides = array<i32>} : memref<48xi32, #tpu.memory_space<vmem>>, vector<16xi32>,
    tpu.vector_store %arg19[%swap3A_28], %broadcast_in_dim3A_27 {strides = array<i32>} : memref<48xi32, #tpu.memory_space<vmem>>, vector<16xi32>,
    %broadcast_in_dim3A_30 = arith.constant 0 : i32
    %broadcast_in_dim3A_31 = vector.broadcast %broadcast_in_dim3A_30 : i32 to vector<16xi32>
    %swap3A_32 = arith.constant 32 : index
    %swap3A_33 = tpu.vector_load %arg20[%swap3A_32] {strides = array<i32>} : memref<48xi32, #tpu.memory_space<vmem>>, vector<16xi32>,
    tpu.vector_store %arg20[%swap3A_32], %broadcast_in_dim3A_31 {strides = array<i32>} : memref<48xi32, #tpu.memory_space<vmem>>, vector<16xi32>,
    %add3A = arith.constant 0 : i32
    %add3A_34 = arith.addi %mul3A_2, %add3A : i32
    "tpu.region"() ({
      %run_scoped3A = tpu.sem_alloc : memref<!tpu.dma_semaphore, #tpu.memory_space<semaphore_mem>>
      %dma_start3A_235 = arith.constant 0 : i32
      %dma_start3A_236 = tpu.memref_slice %arg27[%add3A_34, %dma_start3A_235] : memref<10112x128xf32, #tpu.memory_space<vmem_shared>> -> memref<48x128xf32, #tpu.memory_space<vmem_shared>>
      %dma_start3A_237 = arith.constant 0 : i32
      %dma_start3A_238 = tpu.memref_slice %arg27[%add3A_34, %dma_start3A_237] : memref<10112x128xf32, #tpu.memory_space<vmem_shared>> -> memref<48x128xf32, #tpu.memory_space<vmem_shared>>
      tpu.enqueue_dma source(%arg21 : memref<48x128xf32, #tpu.memory_space<vmem>>) target(%dma_start3A_238 : memref<48x128xf32, #tpu.memory_space<vmem_shared>>) target_semaphore(%run_scoped3A : memref<!tpu.dma_semaphore, #tpu.memory_space<semaphore_mem>>)
      %dma_wait3A_239 = arith.constant 0 : i32
      %dma_wait3A_240 = tpu.memref_slice %arg27[%add3A_34, %dma_wait3A_239] : memref<10112x128xf32, #tpu.memory_space<vmem_shared>> -> memref<48x128xf32, #tpu.memory_space<vmem_shared>>
      %dma_wait3A_241 = arith.constant 0 : i32
      %dma_wait3A_242 = tpu.memref_slice %arg27[%add3A_34, %dma_wait3A_241] : memref<10112x128xf32, #tpu.memory_space<vmem_shared>> -> memref<48x128xf32, #tpu.memory_space<vmem_shared>>
      tpu.wait_dma2 semaphore(%run_scoped3A : memref<!tpu.dma_semaphore, #tpu.memory_space<semaphore_mem>>) src(%arg21 : memref<48x128xf32, #tpu.memory_space<vmem>>) dst(%dma_wait3A_242 : memref<48x128xf32, #tpu.memory_space<vmem_shared>>)
      tpu.yield
    }) : () -> ()
    %add3A_35 = arith.constant 48 : i32
    %add3A_36 = arith.addi %mul3A_2, %add3A_35 : i32
    "tpu.region"() ({
      %run_scoped3A = tpu.sem_alloc : memref<!tpu.dma_semaphore, #tpu.memory_space<semaphore_mem>>
      %dma_start3A_235 = arith.constant 0 : i32
      %dma_start3A_236 = tpu.memref_slice %arg27[%add3A_36, %dma_start3A_235] : memref<10112x128xf32, #tpu.memory_space<vmem_shared>> -> memref<48x128xf32, #tpu.memory_space<vmem_shared>>
      %dma_start3A_237 = arith.constant 0 : i32
      %dma_start3A_238 = tpu.memref_slice %arg27[%add3A_36, %dma_start3A_237] : memref<10112x128xf32, #tpu.memory_space<vmem_shared>> -> memref<48x128xf32, #tpu.memory_space<vmem_shared>>
      tpu.enqueue_dma source(%arg21 : memref<48x128xf32, #tpu.memory_space<vmem>>) target(%dma_start3A_238 : memref<48x128xf32, #tpu.memory_space<vmem_shared>>) target_semaphore(%run_scoped3A : memref<!tpu.dma_semaphore, #tpu.memory_space<semaphore_mem>>)
      %dma_wait3A_239 = arith.constant 0 : i32
      %dma_wait3A_240 = tpu.memref_slice %arg27[%add3A_36, %dma_wait3A_239] : memref<10112x128xf32, #tpu.memory_space<vmem_shared>> -> memref<48x128xf32, #tpu.memory_space<vmem_shared>>
      %dma_wait3A_241 = arith.constant 0 : i32
      %dma_wait3A_242 = tpu.memref_slice %arg27[%add3A_36, %dma_wait3A_241] : memref<10112x128xf32, #tpu.memory_space<vmem_shared>> -> memref<48x128xf32, #tpu.memory_space<vmem_shared>>
      tpu.wait_dma2 semaphore(%run_scoped3A : memref<!tpu.dma_semaphore, #tpu.memory_space<semaphore_mem>>) src(%arg21 : memref<48x128xf32, #tpu.memory_space<vmem>>) dst(%dma_wait3A_242 : memref<48x128xf32, #tpu.memory_space<vmem_shared>>)
      tpu.yield
    }) : () -> ()
    %add3A_37 = arith.constant 96 : i32
    %add3A_38 = arith.addi %mul3A_2, %add3A_37 : i32
    "tpu.region"() ({
      %run_scoped3A = tpu.sem_alloc : memref<!tpu.dma_semaphore, #tpu.memory_space<semaphore_mem>>
      %dma_start3A_235 = arith.constant 0 : i32
      %dma_start3A_236 = tpu.memref_slice %arg27[%add3A_38, %dma_start3A_235] : memref<10112x128xf32, #tpu.memory_space<vmem_shared>> -> memref<48x128xf32, #tpu.memory_space<vmem_shared>>
      %dma_start3A_237 = arith.constant 0 : i32
      %dma_start3A_238 = tpu.memref_slice %arg27[%add3A_38, %dma_start3A_237] : memref<10112x128xf32, #tpu.memory_space<vmem_shared>> -> memref<48x128xf32, #tpu.memory_space<vmem_shared>>
      tpu.enqueue_dma source(%arg21 : memref<48x128xf32, #tpu.memory_space<vmem>>) target(%dma_start3A_238 : memref<48x128xf32, #tpu.memory_space<vmem_shared>>) target_semaphore(%run_scoped3A : memref<!tpu.dma_semaphore, #tpu.memory_space<semaphore_mem>>)
      %dma_wait3A_239 = arith.constant 0 : i32
      %dma_wait3A_240 = tpu.memref_slice %arg27[%add3A_38, %dma_wait3A_239] : memref<10112x128xf32, #tpu.memory_space<vmem_shared>> -> memref<48x128xf32, #tpu.memory_space<vmem_shared>>
      %dma_wait3A_241 = arith.constant 0 : i32
      %dma_wait3A_242 = tpu.memref_slice %arg27[%add3A_38, %dma_wait3A_241] : memref<10112x128xf32, #tpu.memory_space<vmem_shared>> -> memref<48x128xf32, #tpu.memory_space<vmem_shared>>
      tpu.wait_dma2 semaphore(%run_scoped3A : memref<!tpu.dma_semaphore, #tpu.memory_space<semaphore_mem>>) src(%arg21 : memref<48x128xf32, #tpu.memory_space<vmem>>) dst(%dma_wait3A_242 : memref<48x128xf32, #tpu.memory_space<vmem_shared>>)
      tpu.yield
    }) : () -> ()
    %add3A_39 = arith.constant 144 : i32
    %add3A_40 = arith.addi %mul3A_2, %add3A_39 : i32
    "tpu.region"() ({
      %run_scoped3A = tpu.sem_alloc : memref<!tpu.dma_semaphore, #tpu.memory_space<semaphore_mem>>
      %dma_start3A_235 = arith.constant 0 : i32
      %dma_start3A_236 = tpu.memref_slice %arg27[%add3A_40, %dma_start3A_235] : memref<10112x128xf32, #tpu.memory_space<vmem_shared>> -> memref<48x128xf32, #tpu.memory_space<vmem_shared>>
      %dma_start3A_237 = arith.constant 0 : i32
      %dma_start3A_238 = tpu.memref_slice %arg27[%add3A_40, %dma_start3A_237] : memref<10112x128xf32, #tpu.memory_space<vmem_shared>> -> memref<48x128xf32, #tpu.memory_space<vmem_shared>>
      tpu.enqueue_dma source(%arg21 : memref<48x128xf32, #tpu.memory_space<vmem>>) target(%dma_start3A_238 : memref<48x128xf32, #tpu.memory_space<vmem_shared>>) target_semaphore(%run_scoped3A : memref<!tpu.dma_semaphore, #tpu.memory_space<semaphore_mem>>)
      %dma_wait3A_239 = arith.constant 0 : i32
      %dma_wait3A_240 = tpu.memref_slice %arg27[%add3A_40, %dma_wait3A_239] : memref<10112x128xf32, #tpu.memory_space<vmem_shared>> -> memref<48x128xf32, #tpu.memory_space<vmem_shared>>
      %dma_wait3A_241 = arith.constant 0 : i32
      %dma_wait3A_242 = tpu.memref_slice %arg27[%add3A_40, %dma_wait3A_241] : memref<10112x128xf32, #tpu.memory_space<vmem_shared>> -> memref<48x128xf32, #tpu.memory_space<vmem_shared>>
      tpu.wait_dma2 semaphore(%run_scoped3A : memref<!tpu.dma_semaphore, #tpu.memory_space<semaphore_mem>>) src(%arg21 : memref<48x128xf32, #tpu.memory_space<vmem>>) dst(%dma_wait3A_242 : memref<48x128xf32, #tpu.memory_space<vmem_shared>>)
      tpu.yield
    }) : () -> ()
    %add3A_41 = arith.constant 192 : i32
    %add3A_42 = arith.addi %mul3A_2, %add3A_41 : i32
    "tpu.region"() ({
      %run_scoped3A = tpu.sem_alloc : memref<!tpu.dma_semaphore, #tpu.memory_space<semaphore_mem>>
      %dma_start3A_235 = arith.constant 0 : i32
      %dma_start3A_236 = tpu.memref_slice %arg27[%add3A_42, %dma_start3A_235] : memref<10112x128xf32, #tpu.memory_space<vmem_shared>> -> memref<48x128xf32, #tpu.memory_space<vmem_shared>>
      %dma_start3A_237 = arith.constant 0 : i32
      %dma_start3A_238 = tpu.memref_slice %arg27[%add3A_42, %dma_start3A_237] : memref<10112x128xf32, #tpu.memory_space<vmem_shared>> -> memref<48x128xf32, #tpu.memory_space<vmem_shared>>
      tpu.enqueue_dma source(%arg21 : memref<48x128xf32, #tpu.memory_space<vmem>>) target(%dma_start3A_238 : memref<48x128xf32, #tpu.memory_space<vmem_shared>>) target_semaphore(%run_scoped3A : memref<!tpu.dma_semaphore, #tpu.memory_space<semaphore_mem>>)
      %dma_wait3A_239 = arith.constant 0 : i32
      %dma_wait3A_240 = tpu.memref_slice %arg27[%add3A_42, %dma_wait3A_239] : memref<10112x128xf32, #tpu.memory_space<vmem_shared>> -> memref<48x128xf32, #tpu.memory_space<vmem_shared>>
      %dma_wait3A_241 = arith.constant 0 : i32
      %dma_wait3A_242 = tpu.memref_slice %arg27[%add3A_42, %dma_wait3A_241] : memref<10112x128xf32, #tpu.memory_space<vmem_shared>> -> memref<48x128xf32, #tpu.memory_space<vmem_shared>>
      tpu.wait_dma2 semaphore(%run_scoped3A : memref<!tpu.dma_semaphore, #tpu.memory_space<semaphore_mem>>) src(%arg21 : memref<48x128xf32, #tpu.memory_space<vmem>>) dst(%dma_wait3A_242 : memref<48x128xf32, #tpu.memory_space<vmem_shared>>)
      tpu.yield
    }) : () -> ()
    %add3A_43 = arith.constant 240 : i32
    %add3A_44 = arith.addi %mul3A_2, %add3A_43 : i32
    "tpu.region"() ({
      %run_scoped3A = tpu.sem_alloc : memref<!tpu.dma_semaphore, #tpu.memory_space<semaphore_mem>>
      %dma_start3A_235 = arith.constant 0 : i32
      %dma_start3A_236 = tpu.memref_slice %arg27[%add3A_44, %dma_start3A_235] : memref<10112x128xf32, #tpu.memory_space<vmem_shared>> -> memref<48x128xf32, #tpu.memory_space<vmem_shared>>
      %dma_start3A_237 = arith.constant 0 : i32
      %dma_start3A_238 = tpu.memref_slice %arg27[%add3A_44, %dma_start3A_237] : memref<10112x128xf32, #tpu.memory_space<vmem_shared>> -> memref<48x128xf32, #tpu.memory_space<vmem_shared>>
      tpu.enqueue_dma source(%arg21 : memref<48x128xf32, #tpu.memory_space<vmem>>) target(%dma_start3A_238 : memref<48x128xf32, #tpu.memory_space<vmem_shared>>) target_semaphore(%run_scoped3A : memref<!tpu.dma_semaphore, #tpu.memory_space<semaphore_mem>>)
      %dma_wait3A_239 = arith.constant 0 : i32
      %dma_wait3A_240 = tpu.memref_slice %arg27[%add3A_44, %dma_wait3A_239] : memref<10112x128xf32, #tpu.memory_space<vmem_shared>> -> memref<48x128xf32, #tpu.memory_space<vmem_shared>>
      %dma_wait3A_241 = arith.constant 0 : i32
      %dma_wait3A_242 = tpu.memref_slice %arg27[%add3A_44, %dma_wait3A_241] : memref<10112x128xf32, #tpu.memory_space<vmem_shared>> -> memref<48x128xf32, #tpu.memory_space<vmem_shared>>
      tpu.wait_dma2 semaphore(%run_scoped3A : memref<!tpu.dma_semaphore, #tpu.memory_space<semaphore_mem>>) src(%arg21 : memref<48x128xf32, #tpu.memory_space<vmem>>) dst(%dma_wait3A_242 : memref<48x128xf32, #tpu.memory_space<vmem_shared>>)
      tpu.yield
    }) : () -> ()
    %add3A_45 = arith.constant 288 : i32
    %add3A_46 = arith.addi %mul3A_2, %add3A_45 : i32
    "tpu.region"() ({
      %run_scoped3A = tpu.sem_alloc : memref<!tpu.dma_semaphore, #tpu.memory_space<semaphore_mem>>
      %dma_start3A_235 = arith.constant 0 : i32
      %dma_start3A_236 = tpu.memref_slice %arg27[%add3A_46, %dma_start3A_235] : memref<10112x128xf32, #tpu.memory_space<vmem_shared>> -> memref<48x128xf32, #tpu.memory_space<vmem_shared>>
      %dma_start3A_237 = arith.constant 0 : i32
      %dma_start3A_238 = tpu.memref_slice %arg27[%add3A_46, %dma_start3A_237] : memref<10112x128xf32, #tpu.memory_space<vmem_shared>> -> memref<48x128xf32, #tpu.memory_space<vmem_shared>>
      tpu.enqueue_dma source(%arg21 : memref<48x128xf32, #tpu.memory_space<vmem>>) target(%dma_start3A_238 : memref<48x128xf32, #tpu.memory_space<vmem_shared>>) target_semaphore(%run_scoped3A : memref<!tpu.dma_semaphore, #tpu.memory_space<semaphore_mem>>)
      %dma_wait3A_239 = arith.constant 0 : i32
      %dma_wait3A_240 = tpu.memref_slice %arg27[%add3A_46, %dma_wait3A_239] : memref<10112x128xf32, #tpu.memory_space<vmem_shared>> -> memref<48x128xf32, #tpu.memory_space<vmem_shared>>
      %dma_wait3A_241 = arith.constant 0 : i32
      %dma_wait3A_242 = tpu.memref_slice %arg27[%add3A_46, %dma_wait3A_241] : memref<10112x128xf32, #tpu.memory_space<vmem_shared>> -> memref<48x128xf32, #tpu.memory_space<vmem_shared>>
      tpu.wait_dma2 semaphore(%run_scoped3A : memref<!tpu.dma_semaphore, #tpu.memory_space<semaphore_mem>>) src(%arg21 : memref<48x128xf32, #tpu.memory_space<vmem>>) dst(%dma_wait3A_242 : memref<48x128xf32, #tpu.memory_space<vmem_shared>>)
      tpu.yield
    }) : () -> ()
    %add3A_47 = arith.constant 336 : i32
    %add3A_48 = arith.addi %mul3A_2, %add3A_47 : i32
    "tpu.region"() ({
      %run_scoped3A = tpu.sem_alloc : memref<!tpu.dma_semaphore, #tpu.memory_space<semaphore_mem>>
      %dma_start3A_235 = arith.constant 0 : i32
      %dma_start3A_236 = tpu.memref_slice %arg27[%add3A_48, %dma_start3A_235] : memref<10112x128xf32, #tpu.memory_space<vmem_shared>> -> memref<48x128xf32, #tpu.memory_space<vmem_shared>>
      %dma_start3A_237 = arith.constant 0 : i32
      %dma_start3A_238 = tpu.memref_slice %arg27[%add3A_48, %dma_start3A_237] : memref<10112x128xf32, #tpu.memory_space<vmem_shared>> -> memref<48x128xf32, #tpu.memory_space<vmem_shared>>
      tpu.enqueue_dma source(%arg21 : memref<48x128xf32, #tpu.memory_space<vmem>>) target(%dma_start3A_238 : memref<48x128xf32, #tpu.memory_space<vmem_shared>>) target_semaphore(%run_scoped3A : memref<!tpu.dma_semaphore, #tpu.memory_space<semaphore_mem>>)
      %dma_wait3A_239 = arith.constant 0 : i32
      %dma_wait3A_240 = tpu.memref_slice %arg27[%add3A_48, %dma_wait3A_239] : memref<10112x128xf32, #tpu.memory_space<vmem_shared>> -> memref<48x128xf32, #tpu.memory_space<vmem_shared>>
      %dma_wait3A_241 = arith.constant 0 : i32
      %dma_wait3A_242 = tpu.memref_slice %arg27[%add3A_48, %dma_wait3A_241] : memref<10112x128xf32, #tpu.memory_space<vmem_shared>> -> memref<48x128xf32, #tpu.memory_space<vmem_shared>>
      tpu.wait_dma2 semaphore(%run_scoped3A : memref<!tpu.dma_semaphore, #tpu.memory_space<semaphore_mem>>) src(%arg21 : memref<48x128xf32, #tpu.memory_space<vmem>>) dst(%dma_wait3A_242 : memref<48x128xf32, #tpu.memory_space<vmem_shared>>)
      tpu.yield
    }) : () -> ()
    %add3A_49 = arith.constant 384 : i32
    %add3A_50 = arith.addi %mul3A_2, %add3A_49 : i32
    "tpu.region"() ({
      %run_scoped3A = tpu.sem_alloc : memref<!tpu.dma_semaphore, #tpu.memory_space<semaphore_mem>>
      %dma_start3A_235 = arith.constant 0 : i32
      %dma_start3A_236 = tpu.memref_slice %arg27[%add3A_50, %dma_start3A_235] : memref<10112x128xf32, #tpu.memory_space<vmem_shared>> -> memref<48x128xf32, #tpu.memory_space<vmem_shared>>
      %dma_start3A_237 = arith.constant 0 : i32
      %dma_start3A_238 = tpu.memref_slice %arg27[%add3A_50, %dma_start3A_237] : memref<10112x128xf32, #tpu.memory_space<vmem_shared>> -> memref<48x128xf32, #tpu.memory_space<vmem_shared>>
      tpu.enqueue_dma source(%arg21 : memref<48x128xf32, #tpu.memory_space<vmem>>) target(%dma_start3A_238 : memref<48x128xf32, #tpu.memory_space<vmem_shared>>) target_semaphore(%run_scoped3A : memref<!tpu.dma_semaphore, #tpu.memory_space<semaphore_mem>>)
      %dma_wait3A_239 = arith.constant 0 : i32
      %dma_wait3A_240 = tpu.memref_slice %arg27[%add3A_50, %dma_wait3A_239] : memref<10112x128xf32, #tpu.memory_space<vmem_shared>> -> memref<48x128xf32, #tpu.memory_space<vmem_shared>>
      %dma_wait3A_241 = arith.constant 0 : i32
      %dma_wait3A_242 = tpu.memref_slice %arg27[%add3A_50, %dma_wait3A_241] : memref<10112x128xf32, #tpu.memory_space<vmem_shared>> -> memref<48x128xf32, #tpu.memory_space<vmem_shared>>
      tpu.wait_dma2 semaphore(%run_scoped3A : memref<!tpu.dma_semaphore, #tpu.memory_space<semaphore_mem>>) src(%arg21 : memref<48x128xf32, #tpu.memory_space<vmem>>) dst(%dma_wait3A_242 : memref<48x128xf32, #tpu.memory_space<vmem_shared>>)
      tpu.yield
    }) : () -> ()
    %add3A_51 = arith.constant 432 : i32
    %add3A_52 = arith.addi %mul3A_2, %add3A_51 : i32
    "tpu.region"() ({
      %run_scoped3A = tpu.sem_alloc : memref<!tpu.dma_semaphore, #tpu.memory_space<semaphore_mem>>
      %dma_start3A_235 = arith.constant 0 : i32
      %dma_start3A_236 = tpu.memref_slice %arg27[%add3A_52, %dma_start3A_235] : memref<10112x128xf32, #tpu.memory_space<vmem_shared>> -> memref<48x128xf32, #tpu.memory_space<vmem_shared>>
      %dma_start3A_237 = arith.constant 0 : i32
      %dma_start3A_238 = tpu.memref_slice %arg27[%add3A_52, %dma_start3A_237] : memref<10112x128xf32, #tpu.memory_space<vmem_shared>> -> memref<48x128xf32, #tpu.memory_space<vmem_shared>>
      tpu.enqueue_dma source(%arg21 : memref<48x128xf32, #tpu.memory_space<vmem>>) target(%dma_start3A_238 : memref<48x128xf32, #tpu.memory_space<vmem_shared>>) target_semaphore(%run_scoped3A : memref<!tpu.dma_semaphore, #tpu.memory_space<semaphore_mem>>)
      %dma_wait3A_239 = arith.constant 0 : i32
      %dma_wait3A_240 = tpu.memref_slice %arg27[%add3A_52, %dma_wait3A_239] : memref<10112x128xf32, #tpu.memory_space<vmem_shared>> -> memref<48x128xf32, #tpu.memory_space<vmem_shared>>
      %dma_wait3A_241 = arith.constant 0 : i32
      %dma_wait3A_242 = tpu.memref_slice %arg27[%add3A_52, %dma_wait3A_241] : memref<10112x128xf32, #tpu.memory_space<vmem_shared>> -> memref<48x128xf32, #tpu.memory_space<vmem_shared>>
      tpu.wait_dma2 semaphore(%run_scoped3A : memref<!tpu.dma_semaphore, #tpu.memory_space<semaphore_mem>>) src(%arg21 : memref<48x128xf32, #tpu.memory_space<vmem>>) dst(%dma_wait3A_242 : memref<48x128xf32, #tpu.memory_space<vmem_shared>>)
      tpu.yield
    }) : () -> ()
    %add3A_53 = arith.constant 480 : i32
    %add3A_54 = arith.addi %mul3A_2, %add3A_53 : i32
    "tpu.region"() ({
      %run_scoped3A = tpu.sem_alloc : memref<!tpu.dma_semaphore, #tpu.memory_space<semaphore_mem>>
      %dma_start3A_235 = arith.constant 0 : i32
      %dma_start3A_236 = tpu.memref_slice %arg27[%add3A_54, %dma_start3A_235] : memref<10112x128xf32, #tpu.memory_space<vmem_shared>> -> memref<48x128xf32, #tpu.memory_space<vmem_shared>>
      %dma_start3A_237 = arith.constant 0 : i32
      %dma_start3A_238 = tpu.memref_slice %arg27[%add3A_54, %dma_start3A_237] : memref<10112x128xf32, #tpu.memory_space<vmem_shared>> -> memref<48x128xf32, #tpu.memory_space<vmem_shared>>
      tpu.enqueue_dma source(%arg21 : memref<48x128xf32, #tpu.memory_space<vmem>>) target(%dma_start3A_238 : memref<48x128xf32, #tpu.memory_space<vmem_shared>>) target_semaphore(%run_scoped3A : memref<!tpu.dma_semaphore, #tpu.memory_space<semaphore_mem>>)
      %dma_wait3A_239 = arith.constant 0 : i32
      %dma_wait3A_240 = tpu.memref_slice %arg27[%add3A_54, %dma_wait3A_239] : memref<10112x128xf32, #tpu.memory_space<vmem_shared>> -> memref<48x128xf32, #tpu.memory_space<vmem_shared>>
      %dma_wait3A_241 = arith.constant 0 : i32
      %dma_wait3A_242 = tpu.memref_slice %arg27[%add3A_54, %dma_wait3A_241] : memref<10112x128xf32, #tpu.memory_space<vmem_shared>> -> memref<48x128xf32, #tpu.memory_space<vmem_shared>>
      tpu.wait_dma2 semaphore(%run_scoped3A : memref<!tpu.dma_semaphore, #tpu.memory_space<semaphore_mem>>) src(%arg21 : memref<48x128xf32, #tpu.memory_space<vmem>>) dst(%dma_wait3A_242 : memref<48x128xf32, #tpu.memory_space<vmem_shared>>)
      tpu.yield
    }) : () -> ()
    %add3A_55 = arith.constant 528 : i32
    %add3A_56 = arith.addi %mul3A_2, %add3A_55 : i32
    "tpu.region"() ({
      %run_scoped3A = tpu.sem_alloc : memref<!tpu.dma_semaphore, #tpu.memory_space<semaphore_mem>>
      %dma_start3A_235 = arith.constant 0 : i32
      %dma_start3A_236 = tpu.memref_slice %arg27[%add3A_56, %dma_start3A_235] : memref<10112x128xf32, #tpu.memory_space<vmem_shared>> -> memref<48x128xf32, #tpu.memory_space<vmem_shared>>
      %dma_start3A_237 = arith.constant 0 : i32
      %dma_start3A_238 = tpu.memref_slice %arg27[%add3A_56, %dma_start3A_237] : memref<10112x128xf32, #tpu.memory_space<vmem_shared>> -> memref<48x128xf32, #tpu.memory_space<vmem_shared>>
      tpu.enqueue_dma source(%arg21 : memref<48x128xf32, #tpu.memory_space<vmem>>) target(%dma_start3A_238 : memref<48x128xf32, #tpu.memory_space<vmem_shared>>) target_semaphore(%run_scoped3A : memref<!tpu.dma_semaphore, #tpu.memory_space<semaphore_mem>>)
      %dma_wait3A_239 = arith.constant 0 : i32
      %dma_wait3A_240 = tpu.memref_slice %arg27[%add3A_56, %dma_wait3A_239] : memref<10112x128xf32, #tpu.memory_space<vmem_shared>> -> memref<48x128xf32, #tpu.memory_space<vmem_shared>>
      %dma_wait3A_241 = arith.constant 0 : i32
      %dma_wait3A_242 = tpu.memref_slice %arg27[%add3A_56, %dma_wait3A_241] : memref<10112x128xf32, #tpu.memory_space<vmem_shared>> -> memref<48x128xf32, #tpu.memory_space<vmem_shared>>
      tpu.wait_dma2 semaphore(%run_scoped3A : memref<!tpu.dma_semaphore, #tpu.memory_space<semaphore_mem>>) src(%arg21 : memref<48x128xf32, #tpu.memory_space<vmem>>) dst(%dma_wait3A_242 : memref<48x128xf32, #tpu.memory_space<vmem_shared>>)
      tpu.yield
    }) : () -> ()
    %add3A_57 = arith.constant 576 : i32
    %add3A_58 = arith.addi %mul3A_2, %add3A_57 : i32
    "tpu.region"() ({
      %run_scoped3A = tpu.sem_alloc : memref<!tpu.dma_semaphore, #tpu.memory_space<semaphore_mem>>
      %dma_start3A_235 = arith.constant 0 : i32
      %dma_start3A_236 = tpu.memref_slice %arg27[%add3A_58, %dma_start3A_235] : memref<10112x128xf32, #tpu.memory_space<vmem_shared>> -> memref<48x128xf32, #tpu.memory_space<vmem_shared>>
      %dma_start3A_237 = arith.constant 0 : i32
      %dma_start3A_238 = tpu.memref_slice %arg27[%add3A_58, %dma_start3A_237] : memref<10112x128xf32, #tpu.memory_space<vmem_shared>> -> memref<48x128xf32, #tpu.memory_space<vmem_shared>>
      tpu.enqueue_dma source(%arg21 : memref<48x128xf32, #tpu.memory_space<vmem>>) target(%dma_start3A_238 : memref<48x128xf32, #tpu.memory_space<vmem_shared>>) target_semaphore(%run_scoped3A : memref<!tpu.dma_semaphore, #tpu.memory_space<semaphore_mem>>)
      %dma_wait3A_239 = arith.constant 0 : i32
      %dma_wait3A_240 = tpu.memref_slice %arg27[%add3A_58, %dma_wait3A_239] : memref<10112x128xf32, #tpu.memory_space<vmem_shared>> -> memref<48x128xf32, #tpu.memory_space<vmem_shared>>
      %dma_wait3A_241 = arith.constant 0 : i32
      %dma_wait3A_242 = tpu.memref_slice %arg27[%add3A_58, %dma_wait3A_241] : memref<10112x128xf32, #tpu.memory_space<vmem_shared>> -> memref<48x128xf32, #tpu.memory_space<vmem_shared>>
      tpu.wait_dma2 semaphore(%run_scoped3A : memref<!tpu.dma_semaphore, #tpu.memory_space<semaphore_mem>>) src(%arg21 : memref<48x128xf32, #tpu.memory_space<vmem>>) dst(%dma_wait3A_242 : memref<48x128xf32, #tpu.memory_space<vmem_shared>>)
      tpu.yield
    }) : () -> ()
    %add3A_59 = arith.constant 624 : i32
    %add3A_60 = arith.addi %mul3A_2, %add3A_59 : i32
    "tpu.region"() ({
      %run_scoped3A = tpu.sem_alloc : memref<!tpu.dma_semaphore, #tpu.memory_space<semaphore_mem>>
      %dma_start3A_235 = arith.constant 0 : i32
      %dma_start3A_236 = arith.constant 0 : i32
      %dma_start3A_237 = tpu.memref_slice %arg21[%dma_start3A_235, %dma_start3A_236] : memref<48x128xf32, #tpu.memory_space<vmem>> -> memref<8x128xf32, #tpu.memory_space<vmem>>
      %dma_start3A_238 = arith.constant 0 : i32
      %dma_start3A_239 = tpu.memref_slice %arg27[%add3A_60, %dma_start3A_238] : memref<10112x128xf32, #tpu.memory_space<vmem_shared>> -> memref<8x128xf32, #tpu.memory_space<vmem_shared>>
      %dma_start3A_240 = arith.constant 0 : i32
      %dma_start3A_241 = tpu.memref_slice %arg27[%add3A_60, %dma_start3A_240] : memref<10112x128xf32, #tpu.memory_space<vmem_shared>> -> memref<8x128xf32, #tpu.memory_space<vmem_shared>>
      %dma_start3A_242 = arith.constant 0 : i32
      %dma_start3A_243 = arith.constant 0 : i32
      %dma_start3A_244 = tpu.memref_slice %arg21[%dma_start3A_242, %dma_start3A_243] : memref<48x128xf32, #tpu.memory_space<vmem>> -> memref<8x128xf32, #tpu.memory_space<vmem>>
      tpu.enqueue_dma source(%dma_start3A_244 : memref<8x128xf32, #tpu.memory_space<vmem>>) target(%dma_start3A_241 : memref<8x128xf32, #tpu.memory_space<vmem_shared>>) target_semaphore(%run_scoped3A : memref<!tpu.dma_semaphore, #tpu.memory_space<semaphore_mem>>)
      %dma_wait3A_245 = arith.constant 0 : i32
      %dma_wait3A_246 = arith.constant 0 : i32
      %dma_wait3A_247 = tpu.memref_slice %arg21[%dma_wait3A_245, %dma_wait3A_246] : memref<48x128xf32, #tpu.memory_space<vmem>> -> memref<8x128xf32, #tpu.memory_space<vmem>>
      %dma_wait3A_248 = arith.constant 0 : i32
      %dma_wait3A_249 = tpu.memref_slice %arg27[%add3A_60, %dma_wait3A_248] : memref<10112x128xf32, #tpu.memory_space<vmem_shared>> -> memref<8x128xf32, #tpu.memory_space<vmem_shared>>
      %dma_wait3A_250 = arith.constant 0 : i32
      %dma_wait3A_251 = tpu.memref_slice %arg27[%add3A_60, %dma_wait3A_250] : memref<10112x128xf32, #tpu.memory_space<vmem_shared>> -> memref<8x128xf32, #tpu.memory_space<vmem_shared>>
      %dma_wait3A_252 = arith.constant 0 : i32
      %dma_wait3A_253 = arith.constant 0 : i32
      %dma_wait3A_254 = tpu.memref_slice %arg21[%dma_wait3A_252, %dma_wait3A_253] : memref<48x128xf32, #tpu.memory_space<vmem>> -> memref<8x128xf32, #tpu.memory_space<vmem>>
      tpu.wait_dma2 semaphore(%run_scoped3A : memref<!tpu.dma_semaphore, #tpu.memory_space<semaphore_mem>>) src(%dma_wait3A_254 : memref<8x128xf32, #tpu.memory_space<vmem>>) dst(%dma_wait3A_251 : memref<8x128xf32, #tpu.memory_space<vmem_shared>>)
      tpu.yield
    }) : () -> ()
    "tpu.region"() ({
      %run_scoped3A = tpu.sem_alloc : memref<!tpu.dma_semaphore, #tpu.memory_space<semaphore_mem>>
      %dma_start3A_235 = arith.constant 0 : i32
      %dma_start3A_236 = tpu.memref_slice %arg28[%mul3A_4, %dma_start3A_235] : memref<1280x128xf32, #tpu.memory_space<vmem_shared>> -> memref<48x128xf32, #tpu.memory_space<vmem_shared>>
      %dma_start3A_237 = arith.constant 0 : i32
      %dma_start3A_238 = tpu.memref_slice %arg28[%mul3A_4, %dma_start3A_237] : memref<1280x128xf32, #tpu.memory_space<vmem_shared>> -> memref<48x128xf32, #tpu.memory_space<vmem_shared>>
      tpu.enqueue_dma source(%arg25 : memref<48x128xf32, #tpu.memory_space<vmem>>) target(%dma_start3A_238 : memref<48x128xf32, #tpu.memory_space<vmem_shared>>) target_semaphore(%run_scoped3A : memref<!tpu.dma_semaphore, #tpu.memory_space<semaphore_mem>>)
      %dma_wait3A_239 = arith.constant 0 : i32
      %dma_wait3A_240 = tpu.memref_slice %arg28[%mul3A_4, %dma_wait3A_239] : memref<1280x128xf32, #tpu.memory_space<vmem_shared>> -> memref<48x128xf32, #tpu.memory_space<vmem_shared>>
      %dma_wait3A_241 = arith.constant 0 : i32
      %dma_wait3A_242 = tpu.memref_slice %arg28[%mul3A_4, %dma_wait3A_241] : memref<1280x128xf32, #tpu.memory_space<vmem_shared>> -> memref<48x128xf32, #tpu.memory_space<vmem_shared>>
      tpu.wait_dma2 semaphore(%run_scoped3A : memref<!tpu.dma_semaphore, #tpu.memory_space<semaphore_mem>>) src(%arg25 : memref<48x128xf32, #tpu.memory_space<vmem>>) dst(%dma_wait3A_242 : memref<48x128xf32, #tpu.memory_space<vmem_shared>>)
      tpu.yield
    }) : () -> ()
    %add3A_61 = arith.constant 48 : i32
    %add3A_62 = arith.addi %mul3A_4, %add3A_61 : i32
    "tpu.region"() ({
      %run_scoped3A = tpu.sem_alloc : memref<!tpu.dma_semaphore, #tpu.memory_space<semaphore_mem>>
      %dma_start3A_235 = arith.constant 0 : i32
      %dma_start3A_236 = arith.constant 0 : i32
      %dma_start3A_237 = tpu.memref_slice %arg25[%dma_start3A_235, %dma_start3A_236] : memref<48x128xf32, #tpu.memory_space<vmem>> -> memref<32x128xf32, #tpu.memory_space<vmem>>
      %dma_start3A_238 = arith.constant 0 : i32
      %dma_start3A_239 = tpu.memref_slice %arg28[%add3A_62, %dma_start3A_238] : memref<1280x128xf32, #tpu.memory_space<vmem_shared>> -> memref<32x128xf32, #tpu.memory_space<vmem_shared>>
      %dma_start3A_240 = arith.constant 0 : i32
      %dma_start3A_241 = tpu.memref_slice %arg28[%add3A_62, %dma_start3A_240] : memref<1280x128xf32, #tpu.memory_space<vmem_shared>> -> memref<32x128xf32, #tpu.memory_space<vmem_shared>>
      %dma_start3A_242 = arith.constant 0 : i32
      %dma_start3A_243 = arith.constant 0 : i32
      %dma_start3A_244 = tpu.memref_slice %arg25[%dma_start3A_242, %dma_start3A_243] : memref<48x128xf32, #tpu.memory_space<vmem>> -> memref<32x128xf32, #tpu.memory_space<vmem>>
      tpu.enqueue_dma source(%dma_start3A_244 : memref<32x128xf32, #tpu.memory_space<vmem>>) target(%dma_start3A_241 : memref<32x128xf32, #tpu.memory_space<vmem_shared>>) target_semaphore(%run_scoped3A : memref<!tpu.dma_semaphore, #tpu.memory_space<semaphore_mem>>)
      %dma_wait3A_245 = arith.constant 0 : i32
      %dma_wait3A_246 = arith.constant 0 : i32
      %dma_wait3A_247 = tpu.memref_slice %arg25[%dma_wait3A_245, %dma_wait3A_246] : memref<48x128xf32, #tpu.memory_space<vmem>> -> memref<32x128xf32, #tpu.memory_space<vmem>>
      %dma_wait3A_248 = arith.constant 0 : i32
      %dma_wait3A_249 = tpu.memref_slice %arg28[%add3A_62, %dma_wait3A_248] : memref<1280x128xf32, #tpu.memory_space<vmem_shared>> -> memref<32x128xf32, #tpu.memory_space<vmem_shared>>
      %dma_wait3A_250 = arith.constant 0 : i32
      %dma_wait3A_251 = tpu.memref_slice %arg28[%add3A_62, %dma_wait3A_250] : memref<1280x128xf32, #tpu.memory_space<vmem_shared>> -> memref<32x128xf32, #tpu.memory_space<vmem_shared>>
      %dma_wait3A_252 = arith.constant 0 : i32
      %dma_wait3A_253 = arith.constant 0 : i32
      %dma_wait3A_254 = tpu.memref_slice %arg25[%dma_wait3A_252, %dma_wait3A_253] : memref<48x128xf32, #tpu.memory_space<vmem>> -> memref<32x128xf32, #tpu.memory_space<vmem>>
      tpu.wait_dma2 semaphore(%run_scoped3A : memref<!tpu.dma_semaphore, #tpu.memory_space<semaphore_mem>>) src(%dma_wait3A_254 : memref<32x128xf32, #tpu.memory_space<vmem>>) dst(%dma_wait3A_251 : memref<32x128xf32, #tpu.memory_space<vmem_shared>>)
      tpu.yield
    }) : () -> ()
    %barrier3A = arith.constant 0 : index
    tpu.barrier barrier_id(%barrier3A)
    "tpu.region"() ({
      %run_scoped3A = tpu.sem_alloc : memref<!tpu.dma_semaphore, #tpu.memory_space<semaphore_mem>>
      %dma_start3A_235 = arith.constant 0 : i32
      %dma_start3A_236 = tpu.memref_slice %arg5[%arg0, %dma_start3A_235] : memref<2x128xf32, #tpu.memory_space<hbm>> -> memref<1x128xf32, #tpu.memory_space<hbm>>
      %dma_start3A_237 = tpu.memref_squeeze %dma_start3A_236 : memref<1x128xf32, #tpu.memory_space<hbm>> -> memref<128xf32, #tpu.memory_space<hbm>>
      %dma_start3A_238 = arith.constant 0 : i32
      %dma_start3A_239 = tpu.memref_slice %arg5[%arg0, %dma_start3A_238] : memref<2x128xf32, #tpu.memory_space<hbm>> -> memref<1x128xf32, #tpu.memory_space<hbm>>
      %dma_start3A_240 = tpu.memref_squeeze %dma_start3A_239 : memref<1x128xf32, #tpu.memory_space<hbm>> -> memref<128xf32, #tpu.memory_space<hbm>>
      tpu.enqueue_dma source(%dma_start3A_240 : memref<128xf32, #tpu.memory_space<hbm>>) target(%arg18 : memref<128xf32, #tpu.memory_space<vmem>>) target_semaphore(%run_scoped3A : memref<!tpu.dma_semaphore, #tpu.memory_space<semaphore_mem>>)
      %dma_wait3A_241 = arith.constant 0 : i32
      %dma_wait3A_242 = tpu.memref_slice %arg5[%arg0, %dma_wait3A_241] : memref<2x128xf32, #tpu.memory_space<hbm>> -> memref<1x128xf32, #tpu.memory_space<hbm>>
      %dma_wait3A_243 = tpu.memref_squeeze %dma_wait3A_242 : memref<1x128xf32, #tpu.memory_space<hbm>> -> memref<128xf32, #tpu.memory_space<hbm>>
      %dma_wait3A_244 = arith.constant 0 : i32
      %dma_wait3A_245 = tpu.memref_slice %arg5[%arg0, %dma_wait3A_244] : memref<2x128xf32, #tpu.memory_space<hbm>> -> memref<1x128xf32, #tpu.memory_space<hbm>>
      %dma_wait3A_246 = tpu.memref_squeeze %dma_wait3A_245 : memref<1x128xf32, #tpu.memory_space<hbm>> -> memref<128xf32, #tpu.memory_space<hbm>>
      tpu.wait_dma2 semaphore(%run_scoped3A : memref<!tpu.dma_semaphore, #tpu.memory_space<semaphore_mem>>) src(%dma_wait3A_246 : memref<128xf32, #tpu.memory_space<hbm>>) dst(%arg18 : memref<128xf32, #tpu.memory_space<vmem>>)
      tpu.yield
    }) : () -> ()
    %add3A_63 = arith.constant 0 : i32
    %add3A_64 = arith.addi %mul3A_6, %add3A_63 : i32
    %mul3A_65 = arith.constant 192 : i32
    %mul3A_66 = arith.muli %add3A_64, %mul3A_65 : i32
    "tpu.region"() ({
      %run_scoped3A = tpu.sem_alloc : memref<!tpu.dma_semaphore, #tpu.memory_space<semaphore_mem>>
      %dma_start3A_235 = tpu.memref_slice %arg2[%mul3A_66] : memref<688128xi32, #tpu.memory_space<hbm>> -> memref<192xi32, #tpu.memory_space<hbm>>
      %dma_start3A_236 = tpu.memref_slice %arg2[%mul3A_66] : memref<688128xi32, #tpu.memory_space<hbm>> -> memref<192xi32, #tpu.memory_space<hbm>>
      tpu.enqueue_dma source(%dma_start3A_236 : memref<192xi32, #tpu.memory_space<hbm>>) target(%arg8 : memref<192xi32, #tpu.memory_space<vmem>>) target_semaphore(%run_scoped3A : memref<!tpu.dma_semaphore, #tpu.memory_space<semaphore_mem>>)
      %dma_wait3A_237 = tpu.memref_slice %arg2[%mul3A_66] : memref<688128xi32, #tpu.memory_space<hbm>> -> memref<192xi32, #tpu.memory_space<hbm>>
      %dma_wait3A_238 = tpu.memref_slice %arg2[%mul3A_66] : memref<688128xi32, #tpu.memory_space<hbm>> -> memref<192xi32, #tpu.memory_space<hbm>>
      tpu.wait_dma2 semaphore(%run_scoped3A : memref<!tpu.dma_semaphore, #tpu.memory_space<semaphore_mem>>) src(%dma_wait3A_238 : memref<192xi32, #tpu.memory_space<hbm>>) dst(%arg8 : memref<192xi32, #tpu.memory_space<vmem>>)
      tpu.yield
    }) : () -> ()
    %get3A = arith.constant 0 : index
    %get3A_67 = tpu.vector_load %arg8[%get3A] {strides = array<i32>} : memref<192xi32, #tpu.memory_space<vmem>>, vector<16xi32>,
    %add3A_68 = vector.broadcast %mul3A_0 : i32 to vector<16xi32>
    %add3A_69 = arith.addi %get3A_67, %add3A_68 : vector<16xi32>
    %swap3A_70 = arith.constant 0 : index
    %swap3A_71 = tpu.vector_load %arg10[%swap3A_70] {strides = array<i32>} : memref<48xi32, #tpu.memory_space<vmem>>, vector<16xi32>,
    tpu.vector_store %arg10[%swap3A_70], %add3A_69 {strides = array<i32>} : memref<48xi32, #tpu.memory_space<vmem>>, vector<16xi32>,
    %get3A_72 = arith.constant 48 : index
    %get3A_73 = tpu.vector_load %arg8[%get3A_72] {strides = array<i32>} : memref<192xi32, #tpu.memory_space<vmem>>, vector<16xi32>,
    %add3A_74 = vector.broadcast %mul3A_0 : i32 to vector<16xi32>
    %add3A_75 = arith.addi %get3A_73, %add3A_74 : vector<16xi32>
    %swap3A_76 = arith.constant 0 : index
    %swap3A_77 = tpu.vector_load %arg12[%swap3A_76] {strides = array<i32>} : memref<48xi32, #tpu.memory_space<vmem>>, vector<16xi32>,
    tpu.vector_store %arg12[%swap3A_76], %add3A_75 {strides = array<i32>} : memref<48xi32, #tpu.memory_space<vmem>>, vector<16xi32>,
    %get3A_78 = arith.constant 48 : index
    %get3A_79 = tpu.vector_load %arg8[%get3A_78] {strides = array<i32>} : memref<192xi32, #tpu.memory_space<vmem>>, vector<16xi32>,
    %swap3A_80 = arith.constant 0 : index
    %swap3A_81 = tpu.vector_load %arg14[%swap3A_80] {strides = array<i32>} : memref<48xi32, #tpu.memory_space<vmem>>, vector<16xi32>,
    tpu.vector_store %arg14[%swap3A_80], %get3A_79 {strides = array<i32>} : memref<48xi32, #tpu.memory_space<vmem>>, vector<16xi32>,
    %get3A_82 = arith.constant 96 : index
    %get3A_83 = tpu.vector_load %arg8[%get3A_82] {strides = array<i32>} : memref<192xi32, #tpu.memory_space<vmem>>, vector<16xi32>,
    %swap3A_84 = arith.constant 0 : index
    %swap3A_85 = tpu.vector_load %arg16[%swap3A_84] {strides = array<i32>} : memref<48xi32, #tpu.memory_space<vmem>>, vector<16xi32>,
    tpu.vector_store %arg16[%swap3A_84], %get3A_83 {strides = array<i32>} : memref<48xi32, #tpu.memory_space<vmem>>, vector<16xi32>,
    %get3A_86 = arith.constant 16 : index
    %get3A_87 = tpu.vector_load %arg8[%get3A_86] {strides = array<i32>} : memref<192xi32, #tpu.memory_space<vmem>>, vector<16xi32>,
    %add3A_88 = vector.broadcast %mul3A_0 : i32 to vector<16xi32>
    %add3A_89 = arith.addi %get3A_87, %add3A_88 : vector<16xi32>
    %swap3A_90 = arith.constant 16 : index
    %swap3A_91 = tpu.vector_load %arg10[%swap3A_90] {strides = array<i32>} : memref<48xi32, #tpu.memory_space<vmem>>, vector<16xi32>,
    tpu.vector_store %arg10[%swap3A_90], %add3A_89 {strides = array<i32>} : memref<48xi32, #tpu.memory_space<vmem>>, vector<16xi32>,
    %get3A_92 = arith.constant 64 : index
    %get3A_93 = tpu.vector_load %arg8[%get3A_92] {strides = array<i32>} : memref<192xi32, #tpu.memory_space<vmem>>, vector<16xi32>,
    %add3A_94 = vector.broadcast %mul3A_0 : i32 to vector<16xi32>
    %add3A_95 = arith.addi %get3A_93, %add3A_94 : vector<16xi32>
    %swap3A_96 = arith.constant 16 : index
    %swap3A_97 = tpu.vector_load %arg12[%swap3A_96] {strides = array<i32>} : memref<48xi32, #tpu.memory_space<vmem>>, vector<16xi32>,
    tpu.vector_store %arg12[%swap3A_96], %add3A_95 {strides = array<i32>} : memref<48xi32, #tpu.memory_space<vmem>>, vector<16xi32>,
    %get3A_98 = arith.constant 64 : index
    %get3A_99 = tpu.vector_load %arg8[%get3A_98] {strides = array<i32>} : memref<192xi32, #tpu.memory_space<vmem>>, vector<16xi32>,
    %swap3A_100 = arith.constant 16 : index
    %swap3A_101 = tpu.vector_load %arg14[%swap3A_100] {strides = array<i32>} : memref<48xi32, #tpu.memory_space<vmem>>, vector<16xi32>,
    tpu.vector_store %arg14[%swap3A_100], %get3A_99 {strides = array<i32>} : memref<48xi32, #tpu.memory_space<vmem>>, vector<16xi32>,
    %get3A_102 = arith.constant 112 : index
    %get3A_103 = tpu.vector_load %arg8[%get3A_102] {strides = array<i32>} : memref<192xi32, #tpu.memory_space<vmem>>, vector<16xi32>,
    %swap3A_104 = arith.constant 16 : index
    %swap3A_105 = tpu.vector_load %arg16[%swap3A_104] {strides = array<i32>} : memref<48xi32, #tpu.memory_space<vmem>>, vector<16xi32>,
    tpu.vector_store %arg16[%swap3A_104], %get3A_103 {strides = array<i32>} : memref<48xi32, #tpu.memory_space<vmem>>, vector<16xi32>,
    %get3A_106 = arith.constant 32 : index
    %get3A_107 = tpu.vector_load %arg8[%get3A_106] {strides = array<i32>} : memref<192xi32, #tpu.memory_space<vmem>>, vector<16xi32>,
    %add3A_108 = vector.broadcast %mul3A_0 : i32 to vector<16xi32>
    %add3A_109 = arith.addi %get3A_107, %add3A_108 : vector<16xi32>
    %swap3A_110 = arith.constant 32 : index
    %swap3A_111 = tpu.vector_load %arg10[%swap3A_110] {strides = array<i32>} : memref<48xi32, #tpu.memory_space<vmem>>, vector<16xi32>,
    tpu.vector_store %arg10[%swap3A_110], %add3A_109 {strides = array<i32>} : memref<48xi32, #tpu.memory_space<vmem>>, vector<16xi32>,
    %get3A_112 = arith.constant 80 : index
    %get3A_113 = tpu.vector_load %arg8[%get3A_112] {strides = array<i32>} : memref<192xi32, #tpu.memory_space<vmem>>, vector<16xi32>,
    %add3A_114 = vector.broadcast %mul3A_0 : i32 to vector<16xi32>
    %add3A_115 = arith.addi %get3A_113, %add3A_114 : vector<16xi32>
    %swap3A_116 = arith.constant 32 : index
    %swap3A_117 = tpu.vector_load %arg12[%swap3A_116] {strides = array<i32>} : memref<48xi32, #tpu.memory_space<vmem>>, vector<16xi32>,
    tpu.vector_store %arg12[%swap3A_116], %add3A_115 {strides = array<i32>} : memref<48xi32, #tpu.memory_space<vmem>>, vector<16xi32>,
    %get3A_118 = arith.constant 80 : index
    %get3A_119 = tpu.vector_load %arg8[%get3A_118] {strides = array<i32>} : memref<192xi32, #tpu.memory_space<vmem>>, vector<16xi32>,
    %swap3A_120 = arith.constant 32 : index
    %swap3A_121 = tpu.vector_load %arg14[%swap3A_120] {strides = array<i32>} : memref<48xi32, #tpu.memory_space<vmem>>, vector<16xi32>,
    tpu.vector_store %arg14[%swap3A_120], %get3A_119 {strides = array<i32>} : memref<48xi32, #tpu.memory_space<vmem>>, vector<16xi32>,
    %get3A_122 = arith.constant 128 : index
    %get3A_123 = tpu.vector_load %arg8[%get3A_122] {strides = array<i32>} : memref<192xi32, #tpu.memory_space<vmem>>, vector<16xi32>,
    %swap3A_124 = arith.constant 32 : index
    %swap3A_125 = tpu.vector_load %arg16[%swap3A_124] {strides = array<i32>} : memref<48xi32, #tpu.memory_space<vmem>>, vector<16xi32>,
    tpu.vector_store %arg16[%swap3A_124], %get3A_123 {strides = array<i32>} : memref<48xi32, #tpu.memory_space<vmem>>, vector<16xi32>,
    %dma_start3A = arith.constant 0 : i32
    %dma_start3A_126 = arith.constant 0 : i32
    %dma_start3A_127 = tpu.memref_slice %arg3[%dma_start3A, %dma_start3A_126] : memref<20224x128xf32, #tpu.memory_space<hbm>> -> memref<20224x128xf32, #tpu.memory_space<hbm>>
    tpu.enqueue_indirect_dma source(%dma_start3A_127 : memref<20224x128xf32, #tpu.memory_space<hbm>>) target(%arg21 : memref<48x128xf32, #tpu.memory_space<vmem>>) offsets(%arg10 : memref<48xi32, #tpu.memory_space<vmem>>) semaphore(%arg29 : memref<!tpu.dma_semaphore, #tpu.memory_space<semaphore_mem>>)
    %dma_start3A_128 = arith.constant 0 : i32
    %dma_start3A_129 = arith.constant 0 : i32
    %dma_start3A_130 = tpu.memref_slice %arg4[%dma_start3A_128, %dma_start3A_129] : memref<20224x128xf32, #tpu.memory_space<hbm>> -> memref<20224x128xf32, #tpu.memory_space<hbm>>
    tpu.enqueue_indirect_dma source(%dma_start3A_130 : memref<20224x128xf32, #tpu.memory_space<hbm>>) target(%arg23 : memref<48x128xf32, #tpu.memory_space<vmem>>) offsets(%arg12 : memref<48xi32, #tpu.memory_space<vmem>>) semaphore(%arg31 : memref<!tpu.dma_semaphore, #tpu.memory_space<semaphore_mem>>)
    %add3A_131 = arith.constant 1 : i32
    %add3A_132 = arith.addi %mul3A_6, %add3A_131 : i32
    %mul3A_133 = arith.constant 192 : i32
    %mul3A_134 = arith.muli %add3A_132, %mul3A_133 : i32
    %dma_start3A_135 = tpu.memref_slice %arg2[%mul3A_134] : memref<688128xi32, #tpu.memory_space<hbm>> -> memref<192xi32, #tpu.memory_space<hbm>>
    %dma_start3A_136 = tpu.memref_slice %arg2[%mul3A_134] : memref<688128xi32, #tpu.memory_space<hbm>> -> memref<192xi32, #tpu.memory_space<hbm>>
    tpu.enqueue_dma source(%dma_start3A_136 : memref<192xi32, #tpu.memory_space<hbm>>) target(%arg9 : memref<192xi32, #tpu.memory_space<vmem>>) target_semaphore(%arg38 : memref<!tpu.dma_semaphore, #tpu.memory_space<semaphore_mem>>)
    %scan3A_137 = arith.constant 0 : i32
    %scan3A_138 = arith.constant 0 : i32
    %scan3A_139 = arith.constant 112 : i32
    %scan3A_140 = arith.addi %scan3A_138, %scan3A_139 : i32
    %scan3A_141 = arith.constant 1 : i32
    scf.for %scan3A_235 = %scan3A_138 to %scan3A_140 step %scan3A_141  : i32 {
      %mul3A_236 = arith.constant 2 : i32
      %mul3A_237 = arith.muli %mul3A_236, %scan3A_235 : i32
      %add3A_238 = arith.constant 0 : i32
      %add3A_239 = arith.addi %mul3A_237, %add3A_238 : i32
      %add3A_240 = arith.constant 1 : i32
      %add3A_241 = arith.addi %add3A_239, %add3A_240 : i32
      %lt3A = arith.constant 224 : i32
      %lt3A_242 = arith.cmpi slt, %add3A_241, %lt3A : i32
      %convert_element_type3A = arith.extui %lt3A_242 : i1 to i32
      %cond3A = arith.constant 0 : i32
      %cond3A_243 = arith.cmpi ne, %convert_element_type3A, %cond3A : i32
      scf.if %cond3A_243 {
        %ge3A = arith.constant 1 : i32
        %ge3A_348 = arith.cmpi sge, %add3A_239, %ge3A : i32
        %convert_element_type3A_349 = arith.extui %ge3A_348 : i1 to i32
        %cond3A_350 = arith.constant 0 : i32
        %cond3A_351 = arith.cmpi ne, %convert_element_type3A_349, %cond3A_350 : i32
        scf.if %cond3A_351 {
          %dma_wait3A_427 = arith.constant 0 : i32
          %dma_wait3A_428 = arith.constant 0 : i32
          %dma_wait3A_429 = tpu.memref_slice %arg27[%dma_wait3A_427, %dma_wait3A_428] : memref<10112x128xf32, #tpu.memory_space<vmem_shared>> -> memref<10112x128xf32, #tpu.memory_space<vmem_shared>>
          tpu.wait_indirect_dma semaphore(%arg34 : memref<!tpu.dma_semaphore, #tpu.memory_space<semaphore_mem>>) src(%arg22 : memref<48x128xf32, #tpu.memory_space<vmem>>) dst(%dma_wait3A_429 : memref<10112x128xf32, #tpu.memory_space<vmem_shared>>)
          %dma_wait3A_430 = arith.constant 0 : i32
          %dma_wait3A_431 = arith.constant 0 : i32
          %dma_wait3A_432 = tpu.memref_slice %arg28[%dma_wait3A_430, %dma_wait3A_431] : memref<1280x128xf32, #tpu.memory_space<vmem_shared>> -> memref<1280x128xf32, #tpu.memory_space<vmem_shared>>
          tpu.wait_indirect_dma semaphore(%arg36 : memref<!tpu.dma_semaphore, #tpu.memory_space<semaphore_mem>>) src(%arg26 : memref<48x128xf32, #tpu.memory_space<vmem>>) dst(%dma_wait3A_432 : memref<1280x128xf32, #tpu.memory_space<vmem_shared>>)
        } else {
        }
        %add3A_352 = arith.constant 1 : i32
        %add3A_353 = arith.addi %add3A_239, %add3A_352 : i32
        %add3A_354 = arith.addi %mul3A_6, %add3A_353 : i32
        %mul3A_355 = arith.constant 192 : i32
        %mul3A_356 = arith.muli %add3A_354, %mul3A_355 : i32
        %dma_wait3A_357 = tpu.memref_slice %arg2[%mul3A_356] : memref<688128xi32, #tpu.memory_space<hbm>> -> memref<192xi32, #tpu.memory_space<hbm>>
        %dma_wait3A_358 = tpu.memref_slice %arg2[%mul3A_356] : memref<688128xi32, #tpu.memory_space<hbm>> -> memref<192xi32, #tpu.memory_space<hbm>>
        tpu.wait_dma2 semaphore(%arg38 : memref<!tpu.dma_semaphore, #tpu.memory_space<semaphore_mem>>) src(%dma_wait3A_358 : memref<192xi32, #tpu.memory_space<hbm>>) dst(%arg9 : memref<192xi32, #tpu.memory_space<vmem>>)
        %add3A_359 = arith.constant 1 : i32
        %add3A_360 = arith.addi %add3A_239, %add3A_359 : i32
        %get3A_361 = arith.constant 0 : index
        %get3A_362 = tpu.vector_load %arg9[%get3A_361] {strides = array<i32>} : memref<192xi32, #tpu.memory_space<vmem>>, vector<16xi32>,
        %add3A_363 = vector.broadcast %mul3A_0 : i32 to vector<16xi32>
        %add3A_364 = arith.addi %get3A_362, %add3A_363 : vector<16xi32>
        %swap3A_365 = arith.constant 0 : index
        %swap3A_366 = tpu.vector_load %arg11[%swap3A_365] {strides = array<i32>} : memref<48xi32, #tpu.memory_space<vmem>>, vector<16xi32>,
        tpu.vector_store %arg11[%swap3A_365], %add3A_364 {strides = array<i32>} : memref<48xi32, #tpu.memory_space<vmem>>, vector<16xi32>,
        %get3A_367 = arith.constant 48 : index
        %get3A_368 = tpu.vector_load %arg9[%get3A_367] {strides = array<i32>} : memref<192xi32, #tpu.memory_space<vmem>>, vector<16xi32>,
        %add3A_369 = vector.broadcast %mul3A_0 : i32 to vector<16xi32>
        %add3A_370 = arith.addi %get3A_368, %add3A_369 : vector<16xi32>
        %swap3A_371 = arith.constant 0 : index
        %swap3A_372 = tpu.vector_load %arg13[%swap3A_371] {strides = array<i32>} : memref<48xi32, #tpu.memory_space<vmem>>, vector<16xi32>,
        tpu.vector_store %arg13[%swap3A_371], %add3A_370 {strides = array<i32>} : memref<48xi32, #tpu.memory_space<vmem>>, vector<16xi32>,
        %get3A_373 = arith.constant 48 : index
        %get3A_374 = tpu.vector_load %arg9[%get3A_373] {strides = array<i32>} : memref<192xi32, #tpu.memory_space<vmem>>, vector<16xi32>,
        %swap3A_375 = arith.constant 0 : index
        %swap3A_376 = tpu.vector_load %arg15[%swap3A_375] {strides = array<i32>} : memref<48xi32, #tpu.memory_space<vmem>>, vector<16xi32>,
        tpu.vector_store %arg15[%swap3A_375], %get3A_374 {strides = array<i32>} : memref<48xi32, #tpu.memory_space<vmem>>, vector<16xi32>,
        %get3A_377 = arith.constant 96 : index
        %get3A_378 = tpu.vector_load %arg9[%get3A_377] {strides = array<i32>} : memref<192xi32, #tpu.memory_space<vmem>>, vector<16xi32>,
        %swap3A_379 = arith.constant 0 : index
        %swap3A_380 = tpu.vector_load %arg17[%swap3A_379] {strides = array<i32>} : memref<48xi32, #tpu.memory_space<vmem>>, vector<16xi32>,
        tpu.vector_store %arg17[%swap3A_379], %get3A_378 {strides = array<i32>} : memref<48xi32, #tpu.memory_space<vmem>>, vector<16xi32>,
        %get3A_381 = arith.constant 16 : index
        %get3A_382 = tpu.vector_load %arg9[%get3A_381] {strides = array<i32>} : memref<192xi32, #tpu.memory_space<vmem>>, vector<16xi32>,
        %add3A_383 = vector.broadcast %mul3A_0 : i32 to vector<16xi32>
        %add3A_384 = arith.addi %get3A_382, %add3A_383 : vector<16xi32>
        %swap3A_385 = arith.constant 16 : index
        %swap3A_386 = tpu.vector_load %arg11[%swap3A_385] {strides = array<i32>} : memref<48xi32, #tpu.memory_space<vmem>>, vector<16xi32>,
        tpu.vector_store %arg11[%swap3A_385], %add3A_384 {strides = array<i32>} : memref<48xi32, #tpu.memory_space<vmem>>, vector<16xi32>,
        %get3A_387 = arith.constant 64 : index
        %get3A_388 = tpu.vector_load %arg9[%get3A_387] {strides = array<i32>} : memref<192xi32, #tpu.memory_space<vmem>>, vector<16xi32>,
        %add3A_389 = vector.broadcast %mul3A_0 : i32 to vector<16xi32>
        %add3A_390 = arith.addi %get3A_388, %add3A_389 : vector<16xi32>
        %swap3A_391 = arith.constant 16 : index
        %swap3A_392 = tpu.vector_load %arg13[%swap3A_391] {strides = array<i32>} : memref<48xi32, #tpu.memory_space<vmem>>, vector<16xi32>,
        tpu.vector_store %arg13[%swap3A_391], %add3A_390 {strides = array<i32>} : memref<48xi32, #tpu.memory_space<vmem>>, vector<16xi32>,
        %get3A_393 = arith.constant 64 : index
        %get3A_394 = tpu.vector_load %arg9[%get3A_393] {strides = array<i32>} : memref<192xi32, #tpu.memory_space<vmem>>, vector<16xi32>,
        %swap3A_395 = arith.constant 16 : index
        %swap3A_396 = tpu.vector_load %arg15[%swap3A_395] {strides = array<i32>} : memref<48xi32, #tpu.memory_space<vmem>>, vector<16xi32>,
        tpu.vector_store %arg15[%swap3A_395], %get3A_394 {strides = array<i32>} : memref<48xi32, #tpu.memory_space<vmem>>, vector<16xi32>,
        %get3A_397 = arith.constant 112 : index
        %get3A_398 = tpu.vector_load %arg9[%get3A_397] {strides = array<i32>} : memref<192xi32, #tpu.memory_space<vmem>>, vector<16xi32>,
        %swap3A_399 = arith.constant 16 : index
        %swap3A_400 = tpu.vector_load %arg17[%swap3A_399] {strides = array<i32>} : memref<48xi32, #tpu.memory_space<vmem>>, vector<16xi32>,
        tpu.vector_store %arg17[%swap3A_399], %get3A_398 {strides = array<i32>} : memref<48xi32, #tpu.memory_space<vmem>>, vector<16xi32>,
        %get3A_401 = arith.constant 32 : index
        %get3A_402 = tpu.vector_load %arg9[%get3A_401] {strides = array<i32>} : memref<192xi32, #tpu.memory_space<vmem>>, vector<16xi32>,
        %add3A_403 = vector.broadcast %mul3A_0 : i32 to vector<16xi32>
        %add3A_404 = arith.addi %get3A_402, %add3A_403 : vector<16xi32>
        %swap3A_405 = arith.constant 32 : index
        %swap3A_406 = tpu.vector_load %arg11[%swap3A_405] {strides = array<i32>} : memref<48xi32, #tpu.memory_space<vmem>>, vector<16xi32>,
        tpu.vector_store %arg11[%swap3A_405], %add3A_404 {strides = array<i32>} : memref<48xi32, #tpu.memory_space<vmem>>, vector<16xi32>,
        %get3A_407 = arith.constant 80 : index
        %get3A_408 = tpu.vector_load %arg9[%get3A_407] {strides = array<i32>} : memref<192xi32, #tpu.memory_space<vmem>>, vector<16xi32>,
        %add3A_409 = vector.broadcast %mul3A_0 : i32 to vector<16xi32>
        %add3A_410 = arith.addi %get3A_408, %add3A_409 : vector<16xi32>
        %swap3A_411 = arith.constant 32 : index
        %swap3A_412 = tpu.vector_load %arg13[%swap3A_411] {strides = array<i32>} : memref<48xi32, #tpu.memory_space<vmem>>, vector<16xi32>,
        tpu.vector_store %arg13[%swap3A_411], %add3A_410 {strides = array<i32>} : memref<48xi32, #tpu.memory_space<vmem>>, vector<16xi32>,
        %get3A_413 = arith.constant 80 : index
        %get3A_414 = tpu.vector_load %arg9[%get3A_413] {strides = array<i32>} : memref<192xi32, #tpu.memory_space<vmem>>, vector<16xi32>,
        %swap3A_415 = arith.constant 32 : index
        %swap3A_416 = tpu.vector_load %arg15[%swap3A_415] {strides = array<i32>} : memref<48xi32, #tpu.memory_space<vmem>>, vector<16xi32>,
        tpu.vector_store %arg15[%swap3A_415], %get3A_414 {strides = array<i32>} : memref<48xi32, #tpu.memory_space<vmem>>, vector<16xi32>,
        %get3A_417 = arith.constant 128 : index
        %get3A_418 = tpu.vector_load %arg9[%get3A_417] {strides = array<i32>} : memref<192xi32, #tpu.memory_space<vmem>>, vector<16xi32>,
        %swap3A_419 = arith.constant 32 : index
        %swap3A_420 = tpu.vector_load %arg17[%swap3A_419] {strides = array<i32>} : memref<48xi32, #tpu.memory_space<vmem>>, vector<16xi32>,
        tpu.vector_store %arg17[%swap3A_419], %get3A_418 {strides = array<i32>} : memref<48xi32, #tpu.memory_space<vmem>>, vector<16xi32>,
        %dma_start3A_421 = arith.constant 0 : i32
        %dma_start3A_422 = arith.constant 0 : i32
        %dma_start3A_423 = tpu.memref_slice %arg3[%dma_start3A_421, %dma_start3A_422] : memref<20224x128xf32, #tpu.memory_space<hbm>> -> memref<20224x128xf32, #tpu.memory_space<hbm>>
        tpu.enqueue_indirect_dma source(%dma_start3A_423 : memref<20224x128xf32, #tpu.memory_space<hbm>>) target(%arg22 : memref<48x128xf32, #tpu.memory_space<vmem>>) offsets(%arg11 : memref<48xi32, #tpu.memory_space<vmem>>) semaphore(%arg30 : memref<!tpu.dma_semaphore, #tpu.memory_space<semaphore_mem>>)
        %dma_start3A_424 = arith.constant 0 : i32
        %dma_start3A_425 = arith.constant 0 : i32
        %dma_start3A_426 = tpu.memref_slice %arg4[%dma_start3A_424, %dma_start3A_425] : memref<20224x128xf32, #tpu.memory_space<hbm>> -> memref<20224x128xf32, #tpu.memory_space<hbm>>
        tpu.enqueue_indirect_dma source(%dma_start3A_426 : memref<20224x128xf32, #tpu.memory_space<hbm>>) target(%arg24 : memref<48x128xf32, #tpu.memory_space<vmem>>) offsets(%arg13 : memref<48xi32, #tpu.memory_space<vmem>>) semaphore(%arg32 : memref<!tpu.dma_semaphore, #tpu.memory_space<semaphore_mem>>)
      } else {
      }
      %dma_wait3A_244 = arith.constant 0 : i32
      %dma_wait3A_245 = arith.constant 0 : i32
      %dma_wait3A_246 = tpu.memref_slice %arg3[%dma_wait3A_244, %dma_wait3A_245] : memref<20224x128xf32, #tpu.memory_space<hbm>> -> memref<20224x128xf32, #tpu.memory_space<hbm>>
      tpu.wait_indirect_dma semaphore(%arg29 : memref<!tpu.dma_semaphore, #tpu.memory_space<semaphore_mem>>) src(%dma_wait3A_246 : memref<20224x128xf32, #tpu.memory_space<hbm>>) dst(%arg21 : memref<48x128xf32, #tpu.memory_space<vmem>>)
      %dma_wait3A_247 = arith.constant 0 : i32
      %dma_wait3A_248 = arith.constant 0 : i32
      %dma_wait3A_249 = tpu.memref_slice %arg4[%dma_wait3A_247, %dma_wait3A_248] : memref<20224x128xf32, #tpu.memory_space<hbm>> -> memref<20224x128xf32, #tpu.memory_space<hbm>>
      tpu.wait_indirect_dma semaphore(%arg31 : memref<!tpu.dma_semaphore, #tpu.memory_space<semaphore_mem>>) src(%dma_wait3A_249 : memref<20224x128xf32, #tpu.memory_space<hbm>>) dst(%arg23 : memref<48x128xf32, #tpu.memory_space<vmem>>)
      %get3A_250 = arith.constant 0 : index
      %get3A_251 = tpu.vector_load %arg18[%get3A_250] {strides = array<i32>} : memref<128xf32, #tpu.memory_space<vmem>>, vector<16xf32>,
      %get3A_252 = arith.constant 16 : index
      %get3A_253 = tpu.vector_load %arg18[%get3A_252] {strides = array<i32>} : memref<128xf32, #tpu.memory_space<vmem>>, vector<16xf32>,
      %get3A_254 = arith.constant 32 : index
      %get3A_255 = tpu.vector_load %arg18[%get3A_254] {strides = array<i32>} : memref<128xf32, #tpu.memory_space<vmem>>, vector<16xf32>,
      %get3A_256 = arith.constant 48 : index
      %get3A_257 = tpu.vector_load %arg18[%get3A_256] {strides = array<i32>} : memref<128xf32, #tpu.memory_space<vmem>>, vector<16xf32>,
      %get3A_258 = arith.constant 64 : index
      %get3A_259 = tpu.vector_load %arg18[%get3A_258] {strides = array<i32>} : memref<128xf32, #tpu.memory_space<vmem>>, vector<16xf32>,
      %get3A_260 = arith.constant 80 : index
      %get3A_261 = tpu.vector_load %arg18[%get3A_260] {strides = array<i32>} : memref<128xf32, #tpu.memory_space<vmem>>, vector<16xf32>,
      %get3A_262 = arith.constant 96 : index
      %get3A_263 = tpu.vector_load %arg18[%get3A_262] {strides = array<i32>} : memref<128xf32, #tpu.memory_space<vmem>>, vector<16xf32>,
      %get3A_264 = arith.constant 112 : index
      %get3A_265 = tpu.vector_load %arg18[%get3A_264] {strides = array<i32>} : memref<128xf32, #tpu.memory_space<vmem>>, vector<16xf32>,
      %iota3A = tpu.iota {dimensions = array<i32: 0>} : vector<16xi32>
      %lt3A_266 = arith.constant 2 : i32
      %lt3A_267 = vector.broadcast %lt3A_266 : i32 to vector<16xi32>
      %lt3A_268 = arith.cmpi slt, %iota3A, %lt3A_267 : vector<16xi32>
      %broadcast_in_dim3A_269 = arith.constant 0.000000e+00 : f32
      %broadcast_in_dim3A_270 = vector.broadcast %broadcast_in_dim3A_269 : f32 to vector<16xf32>
      %scan3A_271 = arith.constant 0 : i32
      %scan3A_272 = arith.constant 0 : i32
      %scan3A_273 = arith.constant 24 : i32
      %scan3A_274 = arith.addi %scan3A_272, %scan3A_273 : i32
      %scan3A_275 = arith.constant 1 : i32
      scf.for %scan3A_348 = %scan3A_272 to %scan3A_274 step %scan3A_275  : i32 {
        %mul3A_349 = arith.constant 2 : i32
        %mul3A_350 = arith.muli %mul3A_349, %scan3A_348 : i32
        %get3A_351 = arith.index_cast %mul3A_350 : i32 to index
        %get3A_352 = arith.constant 0 : index
        %get3A_353 = tpu.vector_load %arg21[%get3A_351, %get3A_352] {strides = array<i32>} : memref<48x128xf32, #tpu.memory_space<vmem>>, vector<16xf32>,
        %get3A_354 = arith.index_cast %mul3A_350 : i32 to index
        %get3A_355 = arith.constant 0 : index
        %get3A_356 = tpu.vector_load %arg23[%get3A_354, %get3A_355] {strides = array<i32>} : memref<48x128xf32, #tpu.memory_space<vmem>>, vector<16xf32>,
        %add3A_357 = arith.addf %get3A_353, %get3A_356 : vector<16xf32>
        %max3A = arith.constant 0.000000e+00 : f32
        %max3A_358 = vector.broadcast %max3A : f32 to vector<16xf32>
        %max3A_359 = arith.maximumf %add3A_357, %max3A_358 : vector<16xf32>
        %min3A = arith.constant 0.000000e+00 : f32
        %min3A_360 = vector.broadcast %min3A : f32 to vector<16xf32>
        %min3A_361 = arith.minimumf %add3A_357, %min3A_360 : vector<16xf32>
        %mul3A_362 = arith.constant 2.000000e-01 : f32
        %mul3A_363 = vector.broadcast %mul3A_362 : f32 to vector<16xf32>
        %mul3A_364 = arith.mulf %mul3A_363, %min3A_361 : vector<16xf32>
        %add3A_365 = arith.addf %max3A_359, %mul3A_364 : vector<16xf32>
        %mul3A_366 = arith.mulf %add3A_365, %get3A_251 : vector<16xf32>
        %add3A_367 = arith.addf %broadcast_in_dim3A_270, %mul3A_366 : vector<16xf32>
        %get3A_368 = arith.index_cast %mul3A_350 : i32 to index
        %get3A_369 = arith.constant 16 : index
        %get3A_370 = tpu.vector_load %arg21[%get3A_368, %get3A_369] {strides = array<i32>} : memref<48x128xf32, #tpu.memory_space<vmem>>, vector<16xf32>,
        %get3A_371 = arith.index_cast %mul3A_350 : i32 to index
        %get3A_372 = arith.constant 16 : index
        %get3A_373 = tpu.vector_load %arg23[%get3A_371, %get3A_372] {strides = array<i32>} : memref<48x128xf32, #tpu.memory_space<vmem>>, vector<16xf32>,
        %add3A_374 = arith.addf %get3A_370, %get3A_373 : vector<16xf32>
        %max3A_375 = arith.constant 0.000000e+00 : f32
        %max3A_376 = vector.broadcast %max3A_375 : f32 to vector<16xf32>
        %max3A_377 = arith.maximumf %add3A_374, %max3A_376 : vector<16xf32>
        %min3A_378 = arith.constant 0.000000e+00 : f32
        %min3A_379 = vector.broadcast %min3A_378 : f32 to vector<16xf32>
        %min3A_380 = arith.minimumf %add3A_374, %min3A_379 : vector<16xf32>
        %mul3A_381 = arith.constant 2.000000e-01 : f32
        %mul3A_382 = vector.broadcast %mul3A_381 : f32 to vector<16xf32>
        %mul3A_383 = arith.mulf %mul3A_382, %min3A_380 : vector<16xf32>
        %add3A_384 = arith.addf %max3A_377, %mul3A_383 : vector<16xf32>
        %mul3A_385 = arith.mulf %add3A_384, %get3A_253 : vector<16xf32>
        %add3A_386 = arith.addf %add3A_367, %mul3A_385 : vector<16xf32>
        %get3A_387 = arith.index_cast %mul3A_350 : i32 to index
        %get3A_388 = arith.constant 32 : index
        %get3A_389 = tpu.vector_load %arg21[%get3A_387, %get3A_388] {strides = array<i32>} : memref<48x128xf32, #tpu.memory_space<vmem>>, vector<16xf32>,
        %get3A_390 = arith.index_cast %mul3A_350 : i32 to index
        %get3A_391 = arith.constant 32 : index
        %get3A_392 = tpu.vector_load %arg23[%get3A_390, %get3A_391] {strides = array<i32>} : memref<48x128xf32, #tpu.memory_space<vmem>>, vector<16xf32>,
        %add3A_393 = arith.addf %get3A_389, %get3A_392 : vector<16xf32>
        %max3A_394 = arith.constant 0.000000e+00 : f32
        %max3A_395 = vector.broadcast %max3A_394 : f32 to vector<16xf32>
        %max3A_396 = arith.maximumf %add3A_393, %max3A_395 : vector<16xf32>
        %min3A_397 = arith.constant 0.000000e+00 : f32
        %min3A_398 = vector.broadcast %min3A_397 : f32 to vector<16xf32>
        %min3A_399 = arith.minimumf %add3A_393, %min3A_398 : vector<16xf32>
        %mul3A_400 = arith.constant 2.000000e-01 : f32
        %mul3A_401 = vector.broadcast %mul3A_400 : f32 to vector<16xf32>
        %mul3A_402 = arith.mulf %mul3A_401, %min3A_399 : vector<16xf32>
        %add3A_403 = arith.addf %max3A_396, %mul3A_402 : vector<16xf32>
        %mul3A_404 = arith.mulf %add3A_403, %get3A_255 : vector<16xf32>
        %add3A_405 = arith.addf %add3A_386, %mul3A_404 : vector<16xf32>
        %get3A_406 = arith.index_cast %mul3A_350 : i32 to index
        %get3A_407 = arith.constant 48 : index
        %get3A_408 = tpu.vector_load %arg21[%get3A_406, %get3A_407] {strides = array<i32>} : memref<48x128xf32, #tpu.memory_space<vmem>>, vector<16xf32>,
        %get3A_409 = arith.index_cast %mul3A_350 : i32 to index
        %get3A_410 = arith.constant 48 : index
        %get3A_411 = tpu.vector_load %arg23[%get3A_409, %get3A_410] {strides = array<i32>} : memref<48x128xf32, #tpu.memory_space<vmem>>, vector<16xf32>,
        %add3A_412 = arith.addf %get3A_408, %get3A_411 : vector<16xf32>
        %max3A_413 = arith.constant 0.000000e+00 : f32
        %max3A_414 = vector.broadcast %max3A_413 : f32 to vector<16xf32>
        %max3A_415 = arith.maximumf %add3A_412, %max3A_414 : vector<16xf32>
        %min3A_416 = arith.constant 0.000000e+00 : f32
        %min3A_417 = vector.broadcast %min3A_416 : f32 to vector<16xf32>
        %min3A_418 = arith.minimumf %add3A_412, %min3A_417 : vector<16xf32>
        %mul3A_419 = arith.constant 2.000000e-01 : f32
        %mul3A_420 = vector.broadcast %mul3A_419 : f32 to vector<16xf32>
        %mul3A_421 = arith.mulf %mul3A_420, %min3A_418 : vector<16xf32>
        %add3A_422 = arith.addf %max3A_415, %mul3A_421 : vector<16xf32>
        %mul3A_423 = arith.mulf %add3A_422, %get3A_257 : vector<16xf32>
        %add3A_424 = arith.addf %add3A_405, %mul3A_423 : vector<16xf32>
        %reduce_sum3A = arith.constant true
        %reduce_sum3A_425 = vector.broadcast %reduce_sum3A : i1 to vector<16xi1>
        %reduce_sum3A_426 = tpu.scan <sum>, %add3A_424 masked %reduce_sum3A_425 : vector<16xf32>, vector<16xi1> -> vector<16xf32>
        %reduce_sum3A_427 = vector.extract %reduce_sum3A_426[15] : f32 from vector<16xf32>
        %broadcast_in_dim3A_428 = vector.broadcast %reduce_sum3A_427 : f32 to vector<16xf32>
        %exp3A = math.exp %broadcast_in_dim3A_428 : vector<16xf32>
        %get3A_429 = arith.index_cast %mul3A_350 : i32 to index
        %get3A_430 = arith.constant 0 : index
        %get3A_431 = tpu.vector_load %arg21[%get3A_429, %get3A_430] {strides = array<i32>} : memref<48x128xf32, #tpu.memory_space<vmem>>, vector<16xf32>,
        %mul3A_432 = arith.mulf %get3A_431, %exp3A : vector<16xf32>
        %swap3A_433 = arith.index_cast %mul3A_350 : i32 to index
        %swap3A_434 = arith.constant 0 : index
        %swap3A_435 = tpu.vector_load %arg21[%swap3A_433, %swap3A_434] {strides = array<i32>} : memref<48x128xf32, #tpu.memory_space<vmem>>, vector<16xf32>,
        tpu.vector_store %arg21[%swap3A_433, %swap3A_434], %mul3A_432 {strides = array<i32>} : memref<48x128xf32, #tpu.memory_space<vmem>>, vector<16xf32>,
        %get3A_436 = arith.index_cast %mul3A_350 : i32 to index
        %get3A_437 = arith.constant 16 : index
        %get3A_438 = tpu.vector_load %arg21[%get3A_436, %get3A_437] {strides = array<i32>} : memref<48x128xf32, #tpu.memory_space<vmem>>, vector<16xf32>,
        %mul3A_439 = arith.mulf %get3A_438, %exp3A : vector<16xf32>
        %swap3A_440 = arith.index_cast %mul3A_350 : i32 to index
        %swap3A_441 = arith.constant 16 : index
        %swap3A_442 = tpu.vector_load %arg21[%swap3A_440, %swap3A_441] {strides = array<i32>} : memref<48x128xf32, #tpu.memory_space<vmem>>, vector<16xf32>,
        tpu.vector_store %arg21[%swap3A_440, %swap3A_441], %mul3A_439 {strides = array<i32>} : memref<48x128xf32, #tpu.memory_space<vmem>>, vector<16xf32>,
        %get3A_443 = arith.index_cast %mul3A_350 : i32 to index
        %get3A_444 = arith.constant 32 : index
        %get3A_445 = tpu.vector_load %arg21[%get3A_443, %get3A_444] {strides = array<i32>} : memref<48x128xf32, #tpu.memory_space<vmem>>, vector<16xf32>,
        %mul3A_446 = arith.mulf %get3A_445, %exp3A : vector<16xf32>
        %swap3A_447 = arith.index_cast %mul3A_350 : i32 to index
        %swap3A_448 = arith.constant 32 : index
        %swap3A_449 = tpu.vector_load %arg21[%swap3A_447, %swap3A_448] {strides = array<i32>} : memref<48x128xf32, #tpu.memory_space<vmem>>, vector<16xf32>,
        tpu.vector_store %arg21[%swap3A_447, %swap3A_448], %mul3A_446 {strides = array<i32>} : memref<48x128xf32, #tpu.memory_space<vmem>>, vector<16xf32>,
        %get3A_450 = arith.index_cast %mul3A_350 : i32 to index
        %get3A_451 = arith.constant 48 : index
        %get3A_452 = tpu.vector_load %arg21[%get3A_450, %get3A_451] {strides = array<i32>} : memref<48x128xf32, #tpu.memory_space<vmem>>, vector<16xf32>,
        %mul3A_453 = arith.mulf %get3A_452, %exp3A : vector<16xf32>
        %swap3A_454 = arith.index_cast %mul3A_350 : i32 to index
        %swap3A_455 = arith.constant 48 : index
        %swap3A_456 = tpu.vector_load %arg21[%swap3A_454, %swap3A_455] {strides = array<i32>} : memref<48x128xf32, #tpu.memory_space<vmem>>, vector<16xf32>,
        tpu.vector_store %arg21[%swap3A_454, %swap3A_455], %mul3A_453 {strides = array<i32>} : memref<48x128xf32, #tpu.memory_space<vmem>>, vector<16xf32>,
        %get3A_457 = arith.index_cast %mul3A_350 : i32 to index
        %get3A_458 = arith.constant 64 : index
        %get3A_459 = tpu.vector_load %arg21[%get3A_457, %get3A_458] {strides = array<i32>} : memref<48x128xf32, #tpu.memory_space<vmem>>, vector<16xf32>,
        %get3A_460 = arith.index_cast %mul3A_350 : i32 to index
        %get3A_461 = arith.constant 64 : index
        %get3A_462 = tpu.vector_load %arg23[%get3A_460, %get3A_461] {strides = array<i32>} : memref<48x128xf32, #tpu.memory_space<vmem>>, vector<16xf32>,
        %add3A_463 = arith.addf %get3A_459, %get3A_462 : vector<16xf32>
        %max3A_464 = arith.constant 0.000000e+00 : f32
        %max3A_465 = vector.broadcast %max3A_464 : f32 to vector<16xf32>
        %max3A_466 = arith.maximumf %add3A_463, %max3A_465 : vector<16xf32>
        %min3A_467 = arith.constant 0.000000e+00 : f32
        %min3A_468 = vector.broadcast %min3A_467 : f32 to vector<16xf32>
        %min3A_469 = arith.minimumf %add3A_463, %min3A_468 : vector<16xf32>
        %mul3A_470 = arith.constant 2.000000e-01 : f32
        %mul3A_471 = vector.broadcast %mul3A_470 : f32 to vector<16xf32>
        %mul3A_472 = arith.mulf %mul3A_471, %min3A_469 : vector<16xf32>
        %add3A_473 = arith.addf %max3A_466, %mul3A_472 : vector<16xf32>
        %mul3A_474 = arith.mulf %add3A_473, %get3A_259 : vector<16xf32>
        %add3A_475 = arith.addf %broadcast_in_dim3A_270, %mul3A_474 : vector<16xf32>
        %get3A_476 = arith.index_cast %mul3A_350 : i32 to index
        %get3A_477 = arith.constant 80 : index
        %get3A_478 = tpu.vector_load %arg21[%get3A_476, %get3A_477] {strides = array<i32>} : memref<48x128xf32, #tpu.memory_space<vmem>>, vector<16xf32>,
        %get3A_479 = arith.index_cast %mul3A_350 : i32 to index
        %get3A_480 = arith.constant 80 : index
        %get3A_481 = tpu.vector_load %arg23[%get3A_479, %get3A_480] {strides = array<i32>} : memref<48x128xf32, #tpu.memory_space<vmem>>, vector<16xf32>,
        %add3A_482 = arith.addf %get3A_478, %get3A_481 : vector<16xf32>
        %max3A_483 = arith.constant 0.000000e+00 : f32
        %max3A_484 = vector.broadcast %max3A_483 : f32 to vector<16xf32>
        %max3A_485 = arith.maximumf %add3A_482, %max3A_484 : vector<16xf32>
        %min3A_486 = arith.constant 0.000000e+00 : f32
        %min3A_487 = vector.broadcast %min3A_486 : f32 to vector<16xf32>
        %min3A_488 = arith.minimumf %add3A_482, %min3A_487 : vector<16xf32>
        %mul3A_489 = arith.constant 2.000000e-01 : f32
        %mul3A_490 = vector.broadcast %mul3A_489 : f32 to vector<16xf32>
        %mul3A_491 = arith.mulf %mul3A_490, %min3A_488 : vector<16xf32>
        %add3A_492 = arith.addf %max3A_485, %mul3A_491 : vector<16xf32>
        %mul3A_493 = arith.mulf %add3A_492, %get3A_261 : vector<16xf32>
        %add3A_494 = arith.addf %add3A_475, %mul3A_493 : vector<16xf32>
        %get3A_495 = arith.index_cast %mul3A_350 : i32 to index
        %get3A_496 = arith.constant 96 : index
        %get3A_497 = tpu.vector_load %arg21[%get3A_495, %get3A_496] {strides = array<i32>} : memref<48x128xf32, #tpu.memory_space<vmem>>, vector<16xf32>,
        %get3A_498 = arith.index_cast %mul3A_350 : i32 to index
        %get3A_499 = arith.constant 96 : index
        %get3A_500 = tpu.vector_load %arg23[%get3A_498, %get3A_499] {strides = array<i32>} : memref<48x128xf32, #tpu.memory_space<vmem>>, vector<16xf32>,
        %add3A_501 = arith.addf %get3A_497, %get3A_500 : vector<16xf32>
        %max3A_502 = arith.constant 0.000000e+00 : f32
        %max3A_503 = vector.broadcast %max3A_502 : f32 to vector<16xf32>
        %max3A_504 = arith.maximumf %add3A_501, %max3A_503 : vector<16xf32>
        %min3A_505 = arith.constant 0.000000e+00 : f32
        %min3A_506 = vector.broadcast %min3A_505 : f32 to vector<16xf32>
        %min3A_507 = arith.minimumf %add3A_501, %min3A_506 : vector<16xf32>
        %mul3A_508 = arith.constant 2.000000e-01 : f32
        %mul3A_509 = vector.broadcast %mul3A_508 : f32 to vector<16xf32>
        %mul3A_510 = arith.mulf %mul3A_509, %min3A_507 : vector<16xf32>
        %add3A_511 = arith.addf %max3A_504, %mul3A_510 : vector<16xf32>
        %mul3A_512 = arith.mulf %add3A_511, %get3A_263 : vector<16xf32>
        %add3A_513 = arith.addf %add3A_494, %mul3A_512 : vector<16xf32>
        %get3A_514 = arith.index_cast %mul3A_350 : i32 to index
        %get3A_515 = arith.constant 112 : index
        %get3A_516 = tpu.vector_load %arg21[%get3A_514, %get3A_515] {strides = array<i32>} : memref<48x128xf32, #tpu.memory_space<vmem>>, vector<16xf32>,
        %get3A_517 = arith.index_cast %mul3A_350 : i32 to index
        %get3A_518 = arith.constant 112 : index
        %get3A_519 = tpu.vector_load %arg23[%get3A_517, %get3A_518] {strides = array<i32>} : memref<48x128xf32, #tpu.memory_space<vmem>>, vector<16xf32>,
        %add3A_520 = arith.addf %get3A_516, %get3A_519 : vector<16xf32>
        %max3A_521 = arith.constant 0.000000e+00 : f32
        %max3A_522 = vector.broadcast %max3A_521 : f32 to vector<16xf32>
        %max3A_523 = arith.maximumf %add3A_520, %max3A_522 : vector<16xf32>
        %min3A_524 = arith.constant 0.000000e+00 : f32
        %min3A_525 = vector.broadcast %min3A_524 : f32 to vector<16xf32>
        %min3A_526 = arith.minimumf %add3A_520, %min3A_525 : vector<16xf32>
        %mul3A_527 = arith.constant 2.000000e-01 : f32
        %mul3A_528 = vector.broadcast %mul3A_527 : f32 to vector<16xf32>
        %mul3A_529 = arith.mulf %mul3A_528, %min3A_526 : vector<16xf32>
        %add3A_530 = arith.addf %max3A_523, %mul3A_529 : vector<16xf32>
        %mul3A_531 = arith.mulf %add3A_530, %get3A_265 : vector<16xf32>
        %add3A_532 = arith.addf %add3A_513, %mul3A_531 : vector<16xf32>
        %reduce_sum3A_533 = arith.constant true
        %reduce_sum3A_534 = vector.broadcast %reduce_sum3A_533 : i1 to vector<16xi1>
        %reduce_sum3A_535 = tpu.scan <sum>, %add3A_532 masked %reduce_sum3A_534 : vector<16xf32>, vector<16xi1> -> vector<16xf32>
        %reduce_sum3A_536 = vector.extract %reduce_sum3A_535[15] : f32 from vector<16xf32>
        %broadcast_in_dim3A_537 = vector.broadcast %reduce_sum3A_536 : f32 to vector<16xf32>
        %exp3A_538 = math.exp %broadcast_in_dim3A_537 : vector<16xf32>
        %get3A_539 = arith.index_cast %mul3A_350 : i32 to index
        %get3A_540 = arith.constant 64 : index
        %get3A_541 = tpu.vector_load %arg21[%get3A_539, %get3A_540] {strides = array<i32>} : memref<48x128xf32, #tpu.memory_space<vmem>>, vector<16xf32>,
        %mul3A_542 = arith.mulf %get3A_541, %exp3A_538 : vector<16xf32>
        %swap3A_543 = arith.index_cast %mul3A_350 : i32 to index
        %swap3A_544 = arith.constant 64 : index
        %swap3A_545 = tpu.vector_load %arg21[%swap3A_543, %swap3A_544] {strides = array<i32>} : memref<48x128xf32, #tpu.memory_space<vmem>>, vector<16xf32>,
        tpu.vector_store %arg21[%swap3A_543, %swap3A_544], %mul3A_542 {strides = array<i32>} : memref<48x128xf32, #tpu.memory_space<vmem>>, vector<16xf32>,
        %get3A_546 = arith.index_cast %mul3A_350 : i32 to index
        %get3A_547 = arith.constant 80 : index
        %get3A_548 = tpu.vector_load %arg21[%get3A_546, %get3A_547] {strides = array<i32>} : memref<48x128xf32, #tpu.memory_space<vmem>>, vector<16xf32>,
        %mul3A_549 = arith.mulf %get3A_548, %exp3A_538 : vector<16xf32>
        %swap3A_550 = arith.index_cast %mul3A_350 : i32 to index
        %swap3A_551 = arith.constant 80 : index
        %swap3A_552 = tpu.vector_load %arg21[%swap3A_550, %swap3A_551] {strides = array<i32>} : memref<48x128xf32, #tpu.memory_space<vmem>>, vector<16xf32>,
        tpu.vector_store %arg21[%swap3A_550, %swap3A_551], %mul3A_549 {strides = array<i32>} : memref<48x128xf32, #tpu.memory_space<vmem>>, vector<16xf32>,
        %get3A_553 = arith.index_cast %mul3A_350 : i32 to index
        %get3A_554 = arith.constant 96 : index
        %get3A_555 = tpu.vector_load %arg21[%get3A_553, %get3A_554] {strides = array<i32>} : memref<48x128xf32, #tpu.memory_space<vmem>>, vector<16xf32>,
        %mul3A_556 = arith.mulf %get3A_555, %exp3A_538 : vector<16xf32>
        %swap3A_557 = arith.index_cast %mul3A_350 : i32 to index
        %swap3A_558 = arith.constant 96 : index
        %swap3A_559 = tpu.vector_load %arg21[%swap3A_557, %swap3A_558] {strides = array<i32>} : memref<48x128xf32, #tpu.memory_space<vmem>>, vector<16xf32>,
        tpu.vector_store %arg21[%swap3A_557, %swap3A_558], %mul3A_556 {strides = array<i32>} : memref<48x128xf32, #tpu.memory_space<vmem>>, vector<16xf32>,
        %get3A_560 = arith.index_cast %mul3A_350 : i32 to index
        %get3A_561 = arith.constant 112 : index
        %get3A_562 = tpu.vector_load %arg21[%get3A_560, %get3A_561] {strides = array<i32>} : memref<48x128xf32, #tpu.memory_space<vmem>>, vector<16xf32>,
        %mul3A_563 = arith.mulf %get3A_562, %exp3A_538 : vector<16xf32>
        %swap3A_564 = arith.index_cast %mul3A_350 : i32 to index
        %swap3A_565 = arith.constant 112 : index
        %swap3A_566 = tpu.vector_load %arg21[%swap3A_564, %swap3A_565] {strides = array<i32>} : memref<48x128xf32, #tpu.memory_space<vmem>>, vector<16xf32>,
        tpu.vector_store %arg21[%swap3A_564, %swap3A_565], %mul3A_563 {strides = array<i32>} : memref<48x128xf32, #tpu.memory_space<vmem>>, vector<16xf32>,
        %eq3A = arith.constant 0 : i32
        %eq3A_567 = vector.broadcast %eq3A : i32 to vector<16xi32>
        %eq3A_568 = arith.cmpi eq, %iota3A, %eq3A_567 : vector<16xi32>
        %eq3A_569 = arith.constant 1 : i32
        %eq3A_570 = vector.broadcast %eq3A_569 : i32 to vector<16xi32>
        %eq3A_571 = arith.cmpi eq, %iota3A, %eq3A_570 : vector<16xi32>
        %select_n3A = arith.select %eq3A_571, %exp3A_538, %broadcast_in_dim3A_270 : vector<16xi1>, vector<16xf32>
        %select_n3A_572 = arith.select %eq3A_568, %exp3A, %select_n3A : vector<16xi1>, vector<16xf32>
        %add3A_573 = arith.constant 144 : i32
        %add3A_574 = arith.addi %add3A_573, %mul3A_350 : i32
        %broadcast_in_dim3A_575 = vector.broadcast %add3A_574 : i32 to vector<16xi32>
        %gather3A = tpu.vector_load_idx %arg8[%broadcast_in_dim3A_575] : memref<192xi32, #tpu.memory_space<vmem>>[vector<16xi32>], vector<16xi32>,
        %broadcast_in_dim3A_576 = vector.broadcast %mul3A_350 : i32 to vector<16xi32>
        %gather3A_577 = tpu.vector_load_idx %arg19[%broadcast_in_dim3A_576] : memref<48xi32, #tpu.memory_space<vmem>>[vector<16xi32>], vector<16xi32>,
        %mul3A_578 = arith.constant 16 : i32
        %mul3A_579 = vector.broadcast %mul3A_578 : i32 to vector<16xi32>
        %mul3A_580 = arith.muli %gather3A_577, %mul3A_579 : vector<16xi32>
        %add3A_581 = arith.addi %mul3A_580, %iota3A : vector<16xi32>
        tpu.vector_store_idx %arg25[%broadcast_in_dim3A_576, %add3A_581], %broadcast_in_dim3A_270 masked %lt3A_268 : memref<48x128xf32, #tpu.memory_space<vmem>>[vector<16xi32>, vector<16xi32>], vector<16xf32>, vector<16xi1>
        %mul3A_582 = arith.constant 16 : i32
        %mul3A_583 = vector.broadcast %mul3A_582 : i32 to vector<16xi32>
        %mul3A_584 = arith.muli %gather3A, %mul3A_583 : vector<16xi32>
        %add3A_585 = arith.addi %mul3A_584, %iota3A : vector<16xi32>
        tpu.vector_store_idx %arg25[%broadcast_in_dim3A_576, %add3A_585], %select_n3A_572 masked %lt3A_268 : memref<48x128xf32, #tpu.memory_space<vmem>>[vector<16xi32>, vector<16xi32>], vector<16xf32>, vector<16xi1>
        %eq3A_586 = arith.constant 0 : i32
        %eq3A_587 = vector.broadcast %eq3A_586 : i32 to vector<16xi32>
        %eq3A_588 = arith.cmpi eq, %iota3A, %eq3A_587 : vector<16xi32>
        tpu.vector_store_idx %arg19[%broadcast_in_dim3A_576], %gather3A masked %eq3A_588 : memref<48xi32, #tpu.memory_space<vmem>>[vector<16xi32>], vector<16xi32>, vector<16xi1>
        %mul3A_589 = arith.constant 2 : i32
        %mul3A_590 = arith.muli %mul3A_589, %scan3A_348 : i32
        %add3A_591 = arith.constant 1 : i32
        %add3A_592 = arith.addi %mul3A_590, %add3A_591 : i32
        %get3A_593 = arith.index_cast %add3A_592 : i32 to index
        %get3A_594 = arith.constant 0 : index
        %get3A_595 = tpu.vector_load %arg21[%get3A_593, %get3A_594] {strides = array<i32>} : memref<48x128xf32, #tpu.memory_space<vmem>>, vector<16xf32>,
        %get3A_596 = arith.index_cast %add3A_592 : i32 to index
        %get3A_597 = arith.constant 0 : index
        %get3A_598 = tpu.vector_load %arg23[%get3A_596, %get3A_597] {strides = array<i32>} : memref<48x128xf32, #tpu.memory_space<vmem>>, vector<16xf32>,
        %add3A_599 = arith.addf %get3A_595, %get3A_598 : vector<16xf32>
        %max3A_600 = arith.constant 0.000000e+00 : f32
        %max3A_601 = vector.broadcast %max3A_600 : f32 to vector<16xf32>
        %max3A_602 = arith.maximumf %add3A_599, %max3A_601 : vector<16xf32>
        %min3A_603 = arith.constant 0.000000e+00 : f32
        %min3A_604 = vector.broadcast %min3A_603 : f32 to vector<16xf32>
        %min3A_605 = arith.minimumf %add3A_599, %min3A_604 : vector<16xf32>
        %mul3A_606 = arith.constant 2.000000e-01 : f32
        %mul3A_607 = vector.broadcast %mul3A_606 : f32 to vector<16xf32>
        %mul3A_608 = arith.mulf %mul3A_607, %min3A_605 : vector<16xf32>
        %add3A_609 = arith.addf %max3A_602, %mul3A_608 : vector<16xf32>
        %mul3A_610 = arith.mulf %add3A_609, %get3A_251 : vector<16xf32>
        %add3A_611 = arith.addf %broadcast_in_dim3A_270, %mul3A_610 : vector<16xf32>
        %get3A_612 = arith.index_cast %add3A_592 : i32 to index
        %get3A_613 = arith.constant 16 : index
        %get3A_614 = tpu.vector_load %arg21[%get3A_612, %get3A_613] {strides = array<i32>} : memref<48x128xf32, #tpu.memory_space<vmem>>, vector<16xf32>,
        %get3A_615 = arith.index_cast %add3A_592 : i32 to index
        %get3A_616 = arith.constant 16 : index
        %get3A_617 = tpu.vector_load %arg23[%get3A_615, %get3A_616] {strides = array<i32>} : memref<48x128xf32, #tpu.memory_space<vmem>>, vector<16xf32>,
        %add3A_618 = arith.addf %get3A_614, %get3A_617 : vector<16xf32>
        %max3A_619 = arith.constant 0.000000e+00 : f32
        %max3A_620 = vector.broadcast %max3A_619 : f32 to vector<16xf32>
        %max3A_621 = arith.maximumf %add3A_618, %max3A_620 : vector<16xf32>
        %min3A_622 = arith.constant 0.000000e+00 : f32
        %min3A_623 = vector.broadcast %min3A_622 : f32 to vector<16xf32>
        %min3A_624 = arith.minimumf %add3A_618, %min3A_623 : vector<16xf32>
        %mul3A_625 = arith.constant 2.000000e-01 : f32
        %mul3A_626 = vector.broadcast %mul3A_625 : f32 to vector<16xf32>
        %mul3A_627 = arith.mulf %mul3A_626, %min3A_624 : vector<16xf32>
        %add3A_628 = arith.addf %max3A_621, %mul3A_627 : vector<16xf32>
        %mul3A_629 = arith.mulf %add3A_628, %get3A_253 : vector<16xf32>
        %add3A_630 = arith.addf %add3A_611, %mul3A_629 : vector<16xf32>
        %get3A_631 = arith.index_cast %add3A_592 : i32 to index
        %get3A_632 = arith.constant 32 : index
        %get3A_633 = tpu.vector_load %arg21[%get3A_631, %get3A_632] {strides = array<i32>} : memref<48x128xf32, #tpu.memory_space<vmem>>, vector<16xf32>,
        %get3A_634 = arith.index_cast %add3A_592 : i32 to index
        %get3A_635 = arith.constant 32 : index
        %get3A_636 = tpu.vector_load %arg23[%get3A_634, %get3A_635] {strides = array<i32>} : memref<48x128xf32, #tpu.memory_space<vmem>>, vector<16xf32>,
        %add3A_637 = arith.addf %get3A_633, %get3A_636 : vector<16xf32>
        %max3A_638 = arith.constant 0.000000e+00 : f32
        %max3A_639 = vector.broadcast %max3A_638 : f32 to vector<16xf32>
        %max3A_640 = arith.maximumf %add3A_637, %max3A_639 : vector<16xf32>
        %min3A_641 = arith.constant 0.000000e+00 : f32
        %min3A_642 = vector.broadcast %min3A_641 : f32 to vector<16xf32>
        %min3A_643 = arith.minimumf %add3A_637, %min3A_642 : vector<16xf32>
        %mul3A_644 = arith.constant 2.000000e-01 : f32
        %mul3A_645 = vector.broadcast %mul3A_644 : f32 to vector<16xf32>
        %mul3A_646 = arith.mulf %mul3A_645, %min3A_643 : vector<16xf32>
        %add3A_647 = arith.addf %max3A_640, %mul3A_646 : vector<16xf32>
        %mul3A_648 = arith.mulf %add3A_647, %get3A_255 : vector<16xf32>
        %add3A_649 = arith.addf %add3A_630, %mul3A_648 : vector<16xf32>
        %get3A_650 = arith.index_cast %add3A_592 : i32 to index
        %get3A_651 = arith.constant 48 : index
        %get3A_652 = tpu.vector_load %arg21[%get3A_650, %get3A_651] {strides = array<i32>} : memref<48x128xf32, #tpu.memory_space<vmem>>, vector<16xf32>,
        %get3A_653 = arith.index_cast %add3A_592 : i32 to index
        %get3A_654 = arith.constant 48 : index
        %get3A_655 = tpu.vector_load %arg23[%get3A_653, %get3A_654] {strides = array<i32>} : memref<48x128xf32, #tpu.memory_space<vmem>>, vector<16xf32>,
        %add3A_656 = arith.addf %get3A_652, %get3A_655 : vector<16xf32>
        %max3A_657 = arith.constant 0.000000e+00 : f32
        %max3A_658 = vector.broadcast %max3A_657 : f32 to vector<16xf32>
        %max3A_659 = arith.maximumf %add3A_656, %max3A_658 : vector<16xf32>
        %min3A_660 = arith.constant 0.000000e+00 : f32
        %min3A_661 = vector.broadcast %min3A_660 : f32 to vector<16xf32>
        %min3A_662 = arith.minimumf %add3A_656, %min3A_661 : vector<16xf32>
        %mul3A_663 = arith.constant 2.000000e-01 : f32
        %mul3A_664 = vector.broadcast %mul3A_663 : f32 to vector<16xf32>
        %mul3A_665 = arith.mulf %mul3A_664, %min3A_662 : vector<16xf32>
        %add3A_666 = arith.addf %max3A_659, %mul3A_665 : vector<16xf32>
        %mul3A_667 = arith.mulf %add3A_666, %get3A_257 : vector<16xf32>
        %add3A_668 = arith.addf %add3A_649, %mul3A_667 : vector<16xf32>
        %reduce_sum3A_669 = arith.constant true
        %reduce_sum3A_670 = vector.broadcast %reduce_sum3A_669 : i1 to vector<16xi1>
        %reduce_sum3A_671 = tpu.scan <sum>, %add3A_668 masked %reduce_sum3A_670 : vector<16xf32>, vector<16xi1> -> vector<16xf32>
        %reduce_sum3A_672 = vector.extract %reduce_sum3A_671[15] : f32 from vector<16xf32>
        %broadcast_in_dim3A_673 = vector.broadcast %reduce_sum3A_672 : f32 to vector<16xf32>
        %exp3A_674 = math.exp %broadcast_in_dim3A_673 : vector<16xf32>
        %get3A_675 = arith.index_cast %add3A_592 : i32 to index
        %get3A_676 = arith.constant 0 : index
        %get3A_677 = tpu.vector_load %arg21[%get3A_675, %get3A_676] {strides = array<i32>} : memref<48x128xf32, #tpu.memory_space<vmem>>, vector<16xf32>,
        %mul3A_678 = arith.mulf %get3A_677, %exp3A_674 : vector<16xf32>
        %swap3A_679 = arith.index_cast %add3A_592 : i32 to index
        %swap3A_680 = arith.constant 0 : index
        %swap3A_681 = tpu.vector_load %arg21[%swap3A_679, %swap3A_680] {strides = array<i32>} : memref<48x128xf32, #tpu.memory_space<vmem>>, vector<16xf32>,
        tpu.vector_store %arg21[%swap3A_679, %swap3A_680], %mul3A_678 {strides = array<i32>} : memref<48x128xf32, #tpu.memory_space<vmem>>, vector<16xf32>,
        %get3A_682 = arith.index_cast %add3A_592 : i32 to index
        %get3A_683 = arith.constant 16 : index
        %get3A_684 = tpu.vector_load %arg21[%get3A_682, %get3A_683] {strides = array<i32>} : memref<48x128xf32, #tpu.memory_space<vmem>>, vector<16xf32>,
        %mul3A_685 = arith.mulf %get3A_684, %exp3A_674 : vector<16xf32>
        %swap3A_686 = arith.index_cast %add3A_592 : i32 to index
        %swap3A_687 = arith.constant 16 : index
        %swap3A_688 = tpu.vector_load %arg21[%swap3A_686, %swap3A_687] {strides = array<i32>} : memref<48x128xf32, #tpu.memory_space<vmem>>, vector<16xf32>,
        tpu.vector_store %arg21[%swap3A_686, %swap3A_687], %mul3A_685 {strides = array<i32>} : memref<48x128xf32, #tpu.memory_space<vmem>>, vector<16xf32>,
        %get3A_689 = arith.index_cast %add3A_592 : i32 to index
        %get3A_690 = arith.constant 32 : index
        %get3A_691 = tpu.vector_load %arg21[%get3A_689, %get3A_690] {strides = array<i32>} : memref<48x128xf32, #tpu.memory_space<vmem>>, vector<16xf32>,
        %mul3A_692 = arith.mulf %get3A_691, %exp3A_674 : vector<16xf32>
        %swap3A_693 = arith.index_cast %add3A_592 : i32 to index
        %swap3A_694 = arith.constant 32 : index
        %swap3A_695 = tpu.vector_load %arg21[%swap3A_693, %swap3A_694] {strides = array<i32>} : memref<48x128xf32, #tpu.memory_space<vmem>>, vector<16xf32>,
        tpu.vector_store %arg21[%swap3A_693, %swap3A_694], %mul3A_692 {strides = array<i32>} : memref<48x128xf32, #tpu.memory_space<vmem>>, vector<16xf32>,
        %get3A_696 = arith.index_cast %add3A_592 : i32 to index
        %get3A_697 = arith.constant 48 : index
        %get3A_698 = tpu.vector_load %arg21[%get3A_696, %get3A_697] {strides = array<i32>} : memref<48x128xf32, #tpu.memory_space<vmem>>, vector<16xf32>,
        %mul3A_699 = arith.mulf %get3A_698, %exp3A_674 : vector<16xf32>
        %swap3A_700 = arith.index_cast %add3A_592 : i32 to index
        %swap3A_701 = arith.constant 48 : index
        %swap3A_702 = tpu.vector_load %arg21[%swap3A_700, %swap3A_701] {strides = array<i32>} : memref<48x128xf32, #tpu.memory_space<vmem>>, vector<16xf32>,
        tpu.vector_store %arg21[%swap3A_700, %swap3A_701], %mul3A_699 {strides = array<i32>} : memref<48x128xf32, #tpu.memory_space<vmem>>, vector<16xf32>,
        %get3A_703 = arith.index_cast %add3A_592 : i32 to index
        %get3A_704 = arith.constant 64 : index
        %get3A_705 = tpu.vector_load %arg21[%get3A_703, %get3A_704] {strides = array<i32>} : memref<48x128xf32, #tpu.memory_space<vmem>>, vector<16xf32>,
        %get3A_706 = arith.index_cast %add3A_592 : i32 to index
        %get3A_707 = arith.constant 64 : index
        %get3A_708 = tpu.vector_load %arg23[%get3A_706, %get3A_707] {strides = array<i32>} : memref<48x128xf32, #tpu.memory_space<vmem>>, vector<16xf32>,
        %add3A_709 = arith.addf %get3A_705, %get3A_708 : vector<16xf32>
        %max3A_710 = arith.constant 0.000000e+00 : f32
        %max3A_711 = vector.broadcast %max3A_710 : f32 to vector<16xf32>
        %max3A_712 = arith.maximumf %add3A_709, %max3A_711 : vector<16xf32>
        %min3A_713 = arith.constant 0.000000e+00 : f32
        %min3A_714 = vector.broadcast %min3A_713 : f32 to vector<16xf32>
        %min3A_715 = arith.minimumf %add3A_709, %min3A_714 : vector<16xf32>
        %mul3A_716 = arith.constant 2.000000e-01 : f32
        %mul3A_717 = vector.broadcast %mul3A_716 : f32 to vector<16xf32>
        %mul3A_718 = arith.mulf %mul3A_717, %min3A_715 : vector<16xf32>
        %add3A_719 = arith.addf %max3A_712, %mul3A_718 : vector<16xf32>
        %mul3A_720 = arith.mulf %add3A_719, %get3A_259 : vector<16xf32>
        %add3A_721 = arith.addf %broadcast_in_dim3A_270, %mul3A_720 : vector<16xf32>
        %get3A_722 = arith.index_cast %add3A_592 : i32 to index
        %get3A_723 = arith.constant 80 : index
        %get3A_724 = tpu.vector_load %arg21[%get3A_722, %get3A_723] {strides = array<i32>} : memref<48x128xf32, #tpu.memory_space<vmem>>, vector<16xf32>,
        %get3A_725 = arith.index_cast %add3A_592 : i32 to index
        %get3A_726 = arith.constant 80 : index
        %get3A_727 = tpu.vector_load %arg23[%get3A_725, %get3A_726] {strides = array<i32>} : memref<48x128xf32, #tpu.memory_space<vmem>>, vector<16xf32>,
        %add3A_728 = arith.addf %get3A_724, %get3A_727 : vector<16xf32>
        %max3A_729 = arith.constant 0.000000e+00 : f32
        %max3A_730 = vector.broadcast %max3A_729 : f32 to vector<16xf32>
        %max3A_731 = arith.maximumf %add3A_728, %max3A_730 : vector<16xf32>
        %min3A_732 = arith.constant 0.000000e+00 : f32
        %min3A_733 = vector.broadcast %min3A_732 : f32 to vector<16xf32>
        %min3A_734 = arith.minimumf %add3A_728, %min3A_733 : vector<16xf32>
        %mul3A_735 = arith.constant 2.000000e-01 : f32
        %mul3A_736 = vector.broadcast %mul3A_735 : f32 to vector<16xf32>
        %mul3A_737 = arith.mulf %mul3A_736, %min3A_734 : vector<16xf32>
        %add3A_738 = arith.addf %max3A_731, %mul3A_737 : vector<16xf32>
        %mul3A_739 = arith.mulf %add3A_738, %get3A_261 : vector<16xf32>
        %add3A_740 = arith.addf %add3A_721, %mul3A_739 : vector<16xf32>
        %get3A_741 = arith.index_cast %add3A_592 : i32 to index
        %get3A_742 = arith.constant 96 : index
        %get3A_743 = tpu.vector_load %arg21[%get3A_741, %get3A_742] {strides = array<i32>} : memref<48x128xf32, #tpu.memory_space<vmem>>, vector<16xf32>,
        %get3A_744 = arith.index_cast %add3A_592 : i32 to index
        %get3A_745 = arith.constant 96 : index
        %get3A_746 = tpu.vector_load %arg23[%get3A_744, %get3A_745] {strides = array<i32>} : memref<48x128xf32, #tpu.memory_space<vmem>>, vector<16xf32>,
        %add3A_747 = arith.addf %get3A_743, %get3A_746 : vector<16xf32>
        %max3A_748 = arith.constant 0.000000e+00 : f32
        %max3A_749 = vector.broadcast %max3A_748 : f32 to vector<16xf32>
        %max3A_750 = arith.maximumf %add3A_747, %max3A_749 : vector<16xf32>
        %min3A_751 = arith.constant 0.000000e+00 : f32
        %min3A_752 = vector.broadcast %min3A_751 : f32 to vector<16xf32>
        %min3A_753 = arith.minimumf %add3A_747, %min3A_752 : vector<16xf32>
        %mul3A_754 = arith.constant 2.000000e-01 : f32
        %mul3A_755 = vector.broadcast %mul3A_754 : f32 to vector<16xf32>
        %mul3A_756 = arith.mulf %mul3A_755, %min3A_753 : vector<16xf32>
        %add3A_757 = arith.addf %max3A_750, %mul3A_756 : vector<16xf32>
        %mul3A_758 = arith.mulf %add3A_757, %get3A_263 : vector<16xf32>
        %add3A_759 = arith.addf %add3A_740, %mul3A_758 : vector<16xf32>
        %get3A_760 = arith.index_cast %add3A_592 : i32 to index
        %get3A_761 = arith.constant 112 : index
        %get3A_762 = tpu.vector_load %arg21[%get3A_760, %get3A_761] {strides = array<i32>} : memref<48x128xf32, #tpu.memory_space<vmem>>, vector<16xf32>,
        %get3A_763 = arith.index_cast %add3A_592 : i32 to index
        %get3A_764 = arith.constant 112 : index
        %get3A_765 = tpu.vector_load %arg23[%get3A_763, %get3A_764] {strides = array<i32>} : memref<48x128xf32, #tpu.memory_space<vmem>>, vector<16xf32>,
        %add3A_766 = arith.addf %get3A_762, %get3A_765 : vector<16xf32>
        %max3A_767 = arith.constant 0.000000e+00 : f32
        %max3A_768 = vector.broadcast %max3A_767 : f32 to vector<16xf32>
        %max3A_769 = arith.maximumf %add3A_766, %max3A_768 : vector<16xf32>
        %min3A_770 = arith.constant 0.000000e+00 : f32
        %min3A_771 = vector.broadcast %min3A_770 : f32 to vector<16xf32>
        %min3A_772 = arith.minimumf %add3A_766, %min3A_771 : vector<16xf32>
        %mul3A_773 = arith.constant 2.000000e-01 : f32
        %mul3A_774 = vector.broadcast %mul3A_773 : f32 to vector<16xf32>
        %mul3A_775 = arith.mulf %mul3A_774, %min3A_772 : vector<16xf32>
        %add3A_776 = arith.addf %max3A_769, %mul3A_775 : vector<16xf32>
        %mul3A_777 = arith.mulf %add3A_776, %get3A_265 : vector<16xf32>
        %add3A_778 = arith.addf %add3A_759, %mul3A_777 : vector<16xf32>
        %reduce_sum3A_779 = arith.constant true
        %reduce_sum3A_780 = vector.broadcast %reduce_sum3A_779 : i1 to vector<16xi1>
        %reduce_sum3A_781 = tpu.scan <sum>, %add3A_778 masked %reduce_sum3A_780 : vector<16xf32>, vector<16xi1> -> vector<16xf32>
        %reduce_sum3A_782 = vector.extract %reduce_sum3A_781[15] : f32 from vector<16xf32>
        %broadcast_in_dim3A_783 = vector.broadcast %reduce_sum3A_782 : f32 to vector<16xf32>
        %exp3A_784 = math.exp %broadcast_in_dim3A_783 : vector<16xf32>
        %get3A_785 = arith.index_cast %add3A_592 : i32 to index
        %get3A_786 = arith.constant 64 : index
        %get3A_787 = tpu.vector_load %arg21[%get3A_785, %get3A_786] {strides = array<i32>} : memref<48x128xf32, #tpu.memory_space<vmem>>, vector<16xf32>,
        %mul3A_788 = arith.mulf %get3A_787, %exp3A_784 : vector<16xf32>
        %swap3A_789 = arith.index_cast %add3A_592 : i32 to index
        %swap3A_790 = arith.constant 64 : index
        %swap3A_791 = tpu.vector_load %arg21[%swap3A_789, %swap3A_790] {strides = array<i32>} : memref<48x128xf32, #tpu.memory_space<vmem>>, vector<16xf32>,
        tpu.vector_store %arg21[%swap3A_789, %swap3A_790], %mul3A_788 {strides = array<i32>} : memref<48x128xf32, #tpu.memory_space<vmem>>, vector<16xf32>,
        %get3A_792 = arith.index_cast %add3A_592 : i32 to index
        %get3A_793 = arith.constant 80 : index
        %get3A_794 = tpu.vector_load %arg21[%get3A_792, %get3A_793] {strides = array<i32>} : memref<48x128xf32, #tpu.memory_space<vmem>>, vector<16xf32>,
        %mul3A_795 = arith.mulf %get3A_794, %exp3A_784 : vector<16xf32>
        %swap3A_796 = arith.index_cast %add3A_592 : i32 to index
        %swap3A_797 = arith.constant 80 : index
        %swap3A_798 = tpu.vector_load %arg21[%swap3A_796, %swap3A_797] {strides = array<i32>} : memref<48x128xf32, #tpu.memory_space<vmem>>, vector<16xf32>,
        tpu.vector_store %arg21[%swap3A_796, %swap3A_797], %mul3A_795 {strides = array<i32>} : memref<48x128xf32, #tpu.memory_space<vmem>>, vector<16xf32>,
        %get3A_799 = arith.index_cast %add3A_592 : i32 to index
        %get3A_800 = arith.constant 96 : index
        %get3A_801 = tpu.vector_load %arg21[%get3A_799, %get3A_800] {strides = array<i32>} : memref<48x128xf32, #tpu.memory_space<vmem>>, vector<16xf32>,
        %mul3A_802 = arith.mulf %get3A_801, %exp3A_784 : vector<16xf32>
        %swap3A_803 = arith.index_cast %add3A_592 : i32 to index
        %swap3A_804 = arith.constant 96 : index
        %swap3A_805 = tpu.vector_load %arg21[%swap3A_803, %swap3A_804] {strides = array<i32>} : memref<48x128xf32, #tpu.memory_space<vmem>>, vector<16xf32>,
        tpu.vector_store %arg21[%swap3A_803, %swap3A_804], %mul3A_802 {strides = array<i32>} : memref<48x128xf32, #tpu.memory_space<vmem>>, vector<16xf32>,
        %get3A_806 = arith.index_cast %add3A_592 : i32 to index
        %get3A_807 = arith.constant 112 : index
        %get3A_808 = tpu.vector_load %arg21[%get3A_806, %get3A_807] {strides = array<i32>} : memref<48x128xf32, #tpu.memory_space<vmem>>, vector<16xf32>,
        %mul3A_809 = arith.mulf %get3A_808, %exp3A_784 : vector<16xf32>
        %swap3A_810 = arith.index_cast %add3A_592 : i32 to index
        %swap3A_811 = arith.constant 112 : index
        %swap3A_812 = tpu.vector_load %arg21[%swap3A_810, %swap3A_811] {strides = array<i32>} : memref<48x128xf32, #tpu.memory_space<vmem>>, vector<16xf32>,
        tpu.vector_store %arg21[%swap3A_810, %swap3A_811], %mul3A_809 {strides = array<i32>} : memref<48x128xf32, #tpu.memory_space<vmem>>, vector<16xf32>,
        %eq3A_813 = arith.constant 0 : i32
        %eq3A_814 = vector.broadcast %eq3A_813 : i32 to vector<16xi32>
        %eq3A_815 = arith.cmpi eq, %iota3A, %eq3A_814 : vector<16xi32>
        %eq3A_816 = arith.constant 1 : i32
        %eq3A_817 = vector.broadcast %eq3A_816 : i32 to vector<16xi32>
        %eq3A_818 = arith.cmpi eq, %iota3A, %eq3A_817 : vector<16xi32>
        %select_n3A_819 = arith.select %eq3A_818, %exp3A_784, %broadcast_in_dim3A_270 : vector<16xi1>, vector<16xf32>
        %select_n3A_820 = arith.select %eq3A_815, %exp3A_674, %select_n3A_819 : vector<16xi1>, vector<16xf32>
        %add3A_821 = arith.constant 144 : i32
        %add3A_822 = arith.addi %add3A_821, %add3A_592 : i32
        %broadcast_in_dim3A_823 = vector.broadcast %add3A_822 : i32 to vector<16xi32>
        %gather3A_824 = tpu.vector_load_idx %arg8[%broadcast_in_dim3A_823] : memref<192xi32, #tpu.memory_space<vmem>>[vector<16xi32>], vector<16xi32>,
        %broadcast_in_dim3A_825 = vector.broadcast %add3A_592 : i32 to vector<16xi32>
        %gather3A_826 = tpu.vector_load_idx %arg19[%broadcast_in_dim3A_825] : memref<48xi32, #tpu.memory_space<vmem>>[vector<16xi32>], vector<16xi32>,
        %mul3A_827 = arith.constant 16 : i32
        %mul3A_828 = vector.broadcast %mul3A_827 : i32 to vector<16xi32>
        %mul3A_829 = arith.muli %gather3A_826, %mul3A_828 : vector<16xi32>
        %add3A_830 = arith.addi %mul3A_829, %iota3A : vector<16xi32>
        tpu.vector_store_idx %arg25[%broadcast_in_dim3A_825, %add3A_830], %broadcast_in_dim3A_270 masked %lt3A_268 : memref<48x128xf32, #tpu.memory_space<vmem>>[vector<16xi32>, vector<16xi32>], vector<16xf32>, vector<16xi1>
        %mul3A_831 = arith.constant 16 : i32
        %mul3A_832 = vector.broadcast %mul3A_831 : i32 to vector<16xi32>
        %mul3A_833 = arith.muli %gather3A_824, %mul3A_832 : vector<16xi32>
        %add3A_834 = arith.addi %mul3A_833, %iota3A : vector<16xi32>
        tpu.vector_store_idx %arg25[%broadcast_in_dim3A_825, %add3A_834], %select_n3A_820 masked %lt3A_268 : memref<48x128xf32, #tpu.memory_space<vmem>>[vector<16xi32>, vector<16xi32>], vector<16xf32>, vector<16xi1>
        %eq3A_835 = arith.constant 0 : i32
        %eq3A_836 = vector.broadcast %eq3A_835 : i32 to vector<16xi32>
        %eq3A_837 = arith.cmpi eq, %iota3A, %eq3A_836 : vector<16xi32>
        tpu.vector_store_idx %arg19[%broadcast_in_dim3A_825], %gather3A_824 masked %eq3A_837 : memref<48xi32, #tpu.memory_space<vmem>>[vector<16xi32>], vector<16xi32>, vector<16xi1>
      }
      %scan3A_276 = arith.constant 24 : i32
      %dma_start3A_277 = arith.constant 0 : i32
      %dma_start3A_278 = arith.constant 0 : i32
      %dma_start3A_279 = tpu.memref_slice %arg27[%dma_start3A_277, %dma_start3A_278] : memref<10112x128xf32, #tpu.memory_space<vmem_shared>> -> memref<10112x128xf32, #tpu.memory_space<vmem_shared>>
      tpu.enqueue_indirect_dma source(%arg21 : memref<48x128xf32, #tpu.memory_space<vmem>>) target(%dma_start3A_279 : memref<10112x128xf32, #tpu.memory_space<vmem_shared>>) offsets(%arg14 : memref<48xi32, #tpu.memory_space<vmem>>) semaphore(%arg33 : memref<!tpu.dma_semaphore, #tpu.memory_space<semaphore_mem>>) {add = true}
      %dma_start3A_280 = arith.constant 0 : i32
      %dma_start3A_281 = arith.constant 0 : i32
      %dma_start3A_282 = tpu.memref_slice %arg28[%dma_start3A_280, %dma_start3A_281] : memref<1280x128xf32, #tpu.memory_space<vmem_shared>> -> memref<1280x128xf32, #tpu.memory_space<vmem_shared>>
      tpu.enqueue_indirect_dma source(%arg25 : memref<48x128xf32, #tpu.memory_space<vmem>>) target(%dma_start3A_282 : memref<1280x128xf32, #tpu.memory_space<vmem_shared>>) offsets(%arg16 : memref<48xi32, #tpu.memory_space<vmem>>) semaphore(%arg35 : memref<!tpu.dma_semaphore, #tpu.memory_space<semaphore_mem>>) {add = true}
      %add3A_283 = arith.constant 2 : i32
      %add3A_284 = arith.addi %add3A_239, %add3A_283 : i32
      %lt3A_285 = arith.constant 224 : i32
      %lt3A_286 = arith.cmpi slt, %add3A_284, %lt3A_285 : i32
      %convert_element_type3A_287 = arith.extui %lt3A_286 : i1 to i32
      %cond3A_288 = arith.constant 0 : i32
      %cond3A_289 = arith.cmpi ne, %convert_element_type3A_287, %cond3A_288 : i32
      scf.if %cond3A_289 {
        %add3A_348 = arith.constant 2 : i32
        %add3A_349 = arith.addi %add3A_239, %add3A_348 : i32
        %add3A_350 = arith.addi %mul3A_6, %add3A_349 : i32
        %mul3A_351 = arith.constant 192 : i32
        %mul3A_352 = arith.muli %add3A_350, %mul3A_351 : i32
        %dma_start3A_353 = tpu.memref_slice %arg2[%mul3A_352] : memref<688128xi32, #tpu.memory_space<hbm>> -> memref<192xi32, #tpu.memory_space<hbm>>
        %dma_start3A_354 = tpu.memref_slice %arg2[%mul3A_352] : memref<688128xi32, #tpu.memory_space<hbm>> -> memref<192xi32, #tpu.memory_space<hbm>>
        tpu.enqueue_dma source(%dma_start3A_354 : memref<192xi32, #tpu.memory_space<hbm>>) target(%arg8 : memref<192xi32, #tpu.memory_space<vmem>>) target_semaphore(%arg37 : memref<!tpu.dma_semaphore, #tpu.memory_space<semaphore_mem>>)
      } else {
      }
      %mul3A_290 = arith.constant 2 : i32
      %mul3A_291 = arith.muli %mul3A_290, %scan3A_235 : i32
      %add3A_292 = arith.constant 1 : i32
      %add3A_293 = arith.addi %mul3A_291, %add3A_292 : i32
      %add3A_294 = arith.constant 1 : i32
      %add3A_295 = arith.addi %add3A_293, %add3A_294 : i32
      %lt3A_296 = arith.constant 224 : i32
      %lt3A_297 = arith.cmpi slt, %add3A_295, %lt3A_296 : i32
      %convert_element_type3A_298 = arith.extui %lt3A_297 : i1 to i32
      %cond3A_299 = arith.constant 0 : i32
      %cond3A_300 = arith.cmpi ne, %convert_element_type3A_298, %cond3A_299 : i32
      scf.if %cond3A_300 {
        %ge3A = arith.constant 1 : i32
        %ge3A_348 = arith.cmpi sge, %add3A_293, %ge3A : i32
        %convert_element_type3A_349 = arith.extui %ge3A_348 : i1 to i32
        %cond3A_350 = arith.constant 0 : i32
        %cond3A_351 = arith.cmpi ne, %convert_element_type3A_349, %cond3A_350 : i32
        scf.if %cond3A_351 {
          %dma_wait3A_427 = arith.constant 0 : i32
          %dma_wait3A_428 = arith.constant 0 : i32
          %dma_wait3A_429 = tpu.memref_slice %arg27[%dma_wait3A_427, %dma_wait3A_428] : memref<10112x128xf32, #tpu.memory_space<vmem_shared>> -> memref<10112x128xf32, #tpu.memory_space<vmem_shared>>
          tpu.wait_indirect_dma semaphore(%arg33 : memref<!tpu.dma_semaphore, #tpu.memory_space<semaphore_mem>>) src(%arg21 : memref<48x128xf32, #tpu.memory_space<vmem>>) dst(%dma_wait3A_429 : memref<10112x128xf32, #tpu.memory_space<vmem_shared>>)
          %dma_wait3A_430 = arith.constant 0 : i32
          %dma_wait3A_431 = arith.constant 0 : i32
          %dma_wait3A_432 = tpu.memref_slice %arg28[%dma_wait3A_430, %dma_wait3A_431] : memref<1280x128xf32, #tpu.memory_space<vmem_shared>> -> memref<1280x128xf32, #tpu.memory_space<vmem_shared>>
          tpu.wait_indirect_dma semaphore(%arg35 : memref<!tpu.dma_semaphore, #tpu.memory_space<semaphore_mem>>) src(%arg25 : memref<48x128xf32, #tpu.memory_space<vmem>>) dst(%dma_wait3A_432 : memref<1280x128xf32, #tpu.memory_space<vmem_shared>>)
        } else {
        }
        %add3A_352 = arith.constant 1 : i32
        %add3A_353 = arith.addi %add3A_293, %add3A_352 : i32
        %add3A_354 = arith.addi %mul3A_6, %add3A_353 : i32
        %mul3A_355 = arith.constant 192 : i32
        %mul3A_356 = arith.muli %add3A_354, %mul3A_355 : i32
        %dma_wait3A_357 = tpu.memref_slice %arg2[%mul3A_356] : memref<688128xi32, #tpu.memory_space<hbm>> -> memref<192xi32, #tpu.memory_space<hbm>>
        %dma_wait3A_358 = tpu.memref_slice %arg2[%mul3A_356] : memref<688128xi32, #tpu.memory_space<hbm>> -> memref<192xi32, #tpu.memory_space<hbm>>
        tpu.wait_dma2 semaphore(%arg37 : memref<!tpu.dma_semaphore, #tpu.memory_space<semaphore_mem>>) src(%dma_wait3A_358 : memref<192xi32, #tpu.memory_space<hbm>>) dst(%arg8 : memref<192xi32, #tpu.memory_space<vmem>>)
        %add3A_359 = arith.constant 1 : i32
        %add3A_360 = arith.addi %add3A_293, %add3A_359 : i32
        %get3A_361 = arith.constant 0 : index
        %get3A_362 = tpu.vector_load %arg8[%get3A_361] {strides = array<i32>} : memref<192xi32, #tpu.memory_space<vmem>>, vector<16xi32>,
        %add3A_363 = vector.broadcast %mul3A_0 : i32 to vector<16xi32>
        %add3A_364 = arith.addi %get3A_362, %add3A_363 : vector<16xi32>
        %swap3A_365 = arith.constant 0 : index
        %swap3A_366 = tpu.vector_load %arg10[%swap3A_365] {strides = array<i32>} : memref<48xi32, #tpu.memory_space<vmem>>, vector<16xi32>,
        tpu.vector_store %arg10[%swap3A_365], %add3A_364 {strides = array<i32>} : memref<48xi32, #tpu.memory_space<vmem>>, vector<16xi32>,
        %get3A_367 = arith.constant 48 : index
        %get3A_368 = tpu.vector_load %arg8[%get3A_367] {strides = array<i32>} : memref<192xi32, #tpu.memory_space<vmem>>, vector<16xi32>,
        %add3A_369 = vector.broadcast %mul3A_0 : i32 to vector<16xi32>
        %add3A_370 = arith.addi %get3A_368, %add3A_369 : vector<16xi32>
        %swap3A_371 = arith.constant 0 : index
        %swap3A_372 = tpu.vector_load %arg12[%swap3A_371] {strides = array<i32>} : memref<48xi32, #tpu.memory_space<vmem>>, vector<16xi32>,
        tpu.vector_store %arg12[%swap3A_371], %add3A_370 {strides = array<i32>} : memref<48xi32, #tpu.memory_space<vmem>>, vector<16xi32>,
        %get3A_373 = arith.constant 48 : index
        %get3A_374 = tpu.vector_load %arg8[%get3A_373] {strides = array<i32>} : memref<192xi32, #tpu.memory_space<vmem>>, vector<16xi32>,
        %swap3A_375 = arith.constant 0 : index
        %swap3A_376 = tpu.vector_load %arg14[%swap3A_375] {strides = array<i32>} : memref<48xi32, #tpu.memory_space<vmem>>, vector<16xi32>,
        tpu.vector_store %arg14[%swap3A_375], %get3A_374 {strides = array<i32>} : memref<48xi32, #tpu.memory_space<vmem>>, vector<16xi32>,
        %get3A_377 = arith.constant 96 : index
        %get3A_378 = tpu.vector_load %arg8[%get3A_377] {strides = array<i32>} : memref<192xi32, #tpu.memory_space<vmem>>, vector<16xi32>,
        %swap3A_379 = arith.constant 0 : index
        %swap3A_380 = tpu.vector_load %arg16[%swap3A_379] {strides = array<i32>} : memref<48xi32, #tpu.memory_space<vmem>>, vector<16xi32>,
        tpu.vector_store %arg16[%swap3A_379], %get3A_378 {strides = array<i32>} : memref<48xi32, #tpu.memory_space<vmem>>, vector<16xi32>,
        %get3A_381 = arith.constant 16 : index
        %get3A_382 = tpu.vector_load %arg8[%get3A_381] {strides = array<i32>} : memref<192xi32, #tpu.memory_space<vmem>>, vector<16xi32>,
        %add3A_383 = vector.broadcast %mul3A_0 : i32 to vector<16xi32>
        %add3A_384 = arith.addi %get3A_382, %add3A_383 : vector<16xi32>
        %swap3A_385 = arith.constant 16 : index
        %swap3A_386 = tpu.vector_load %arg10[%swap3A_385] {strides = array<i32>} : memref<48xi32, #tpu.memory_space<vmem>>, vector<16xi32>,
        tpu.vector_store %arg10[%swap3A_385], %add3A_384 {strides = array<i32>} : memref<48xi32, #tpu.memory_space<vmem>>, vector<16xi32>,
        %get3A_387 = arith.constant 64 : index
        %get3A_388 = tpu.vector_load %arg8[%get3A_387] {strides = array<i32>} : memref<192xi32, #tpu.memory_space<vmem>>, vector<16xi32>,
        %add3A_389 = vector.broadcast %mul3A_0 : i32 to vector<16xi32>
        %add3A_390 = arith.addi %get3A_388, %add3A_389 : vector<16xi32>
        %swap3A_391 = arith.constant 16 : index
        %swap3A_392 = tpu.vector_load %arg12[%swap3A_391] {strides = array<i32>} : memref<48xi32, #tpu.memory_space<vmem>>, vector<16xi32>,
        tpu.vector_store %arg12[%swap3A_391], %add3A_390 {strides = array<i32>} : memref<48xi32, #tpu.memory_space<vmem>>, vector<16xi32>,
        %get3A_393 = arith.constant 64 : index
        %get3A_394 = tpu.vector_load %arg8[%get3A_393] {strides = array<i32>} : memref<192xi32, #tpu.memory_space<vmem>>, vector<16xi32>,
        %swap3A_395 = arith.constant 16 : index
        %swap3A_396 = tpu.vector_load %arg14[%swap3A_395] {strides = array<i32>} : memref<48xi32, #tpu.memory_space<vmem>>, vector<16xi32>,
        tpu.vector_store %arg14[%swap3A_395], %get3A_394 {strides = array<i32>} : memref<48xi32, #tpu.memory_space<vmem>>, vector<16xi32>,
        %get3A_397 = arith.constant 112 : index
        %get3A_398 = tpu.vector_load %arg8[%get3A_397] {strides = array<i32>} : memref<192xi32, #tpu.memory_space<vmem>>, vector<16xi32>,
        %swap3A_399 = arith.constant 16 : index
        %swap3A_400 = tpu.vector_load %arg16[%swap3A_399] {strides = array<i32>} : memref<48xi32, #tpu.memory_space<vmem>>, vector<16xi32>,
        tpu.vector_store %arg16[%swap3A_399], %get3A_398 {strides = array<i32>} : memref<48xi32, #tpu.memory_space<vmem>>, vector<16xi32>,
        %get3A_401 = arith.constant 32 : index
        %get3A_402 = tpu.vector_load %arg8[%get3A_401] {strides = array<i32>} : memref<192xi32, #tpu.memory_space<vmem>>, vector<16xi32>,
        %add3A_403 = vector.broadcast %mul3A_0 : i32 to vector<16xi32>
        %add3A_404 = arith.addi %get3A_402, %add3A_403 : vector<16xi32>
        %swap3A_405 = arith.constant 32 : index
        %swap3A_406 = tpu.vector_load %arg10[%swap3A_405] {strides = array<i32>} : memref<48xi32, #tpu.memory_space<vmem>>, vector<16xi32>,
        tpu.vector_store %arg10[%swap3A_405], %add3A_404 {strides = array<i32>} : memref<48xi32, #tpu.memory_space<vmem>>, vector<16xi32>,
        %get3A_407 = arith.constant 80 : index
        %get3A_408 = tpu.vector_load %arg8[%get3A_407] {strides = array<i32>} : memref<192xi32, #tpu.memory_space<vmem>>, vector<16xi32>,
        %add3A_409 = vector.broadcast %mul3A_0 : i32 to vector<16xi32>
        %add3A_410 = arith.addi %get3A_408, %add3A_409 : vector<16xi32>
        %swap3A_411 = arith.constant 32 : index
        %swap3A_412 = tpu.vector_load %arg12[%swap3A_411] {strides = array<i32>} : memref<48xi32, #tpu.memory_space<vmem>>, vector<16xi32>,
        tpu.vector_store %arg12[%swap3A_411], %add3A_410 {strides = array<i32>} : memref<48xi32, #tpu.memory_space<vmem>>, vector<16xi32>,
        %get3A_413 = arith.constant 80 : index
        %get3A_414 = tpu.vector_load %arg8[%get3A_413] {strides = array<i32>} : memref<192xi32, #tpu.memory_space<vmem>>, vector<16xi32>,
        %swap3A_415 = arith.constant 32 : index
        %swap3A_416 = tpu.vector_load %arg14[%swap3A_415] {strides = array<i32>} : memref<48xi32, #tpu.memory_space<vmem>>, vector<16xi32>,
        tpu.vector_store %arg14[%swap3A_415], %get3A_414 {strides = array<i32>} : memref<48xi32, #tpu.memory_space<vmem>>, vector<16xi32>,
        %get3A_417 = arith.constant 128 : index
        %get3A_418 = tpu.vector_load %arg8[%get3A_417] {strides = array<i32>} : memref<192xi32, #tpu.memory_space<vmem>>, vector<16xi32>,
        %swap3A_419 = arith.constant 32 : index
        %swap3A_420 = tpu.vector_load %arg16[%swap3A_419] {strides = array<i32>} : memref<48xi32, #tpu.memory_space<vmem>>, vector<16xi32>,
        tpu.vector_store %arg16[%swap3A_419], %get3A_418 {strides = array<i32>} : memref<48xi32, #tpu.memory_space<vmem>>, vector<16xi32>,
        %dma_start3A_421 = arith.constant 0 : i32
        %dma_start3A_422 = arith.constant 0 : i32
        %dma_start3A_423 = tpu.memref_slice %arg3[%dma_start3A_421, %dma_start3A_422] : memref<20224x128xf32, #tpu.memory_space<hbm>> -> memref<20224x128xf32, #tpu.memory_space<hbm>>
        tpu.enqueue_indirect_dma source(%dma_start3A_423 : memref<20224x128xf32, #tpu.memory_space<hbm>>) target(%arg21 : memref<48x128xf32, #tpu.memory_space<vmem>>) offsets(%arg10 : memref<48xi32, #tpu.memory_space<vmem>>) semaphore(%arg29 : memref<!tpu.dma_semaphore, #tpu.memory_space<semaphore_mem>>)
        %dma_start3A_424 = arith.constant 0 : i32
        %dma_start3A_425 = arith.constant 0 : i32
        %dma_start3A_426 = tpu.memref_slice %arg4[%dma_start3A_424, %dma_start3A_425] : memref<20224x128xf32, #tpu.memory_space<hbm>> -> memref<20224x128xf32, #tpu.memory_space<hbm>>
        tpu.enqueue_indirect_dma source(%dma_start3A_426 : memref<20224x128xf32, #tpu.memory_space<hbm>>) target(%arg23 : memref<48x128xf32, #tpu.memory_space<vmem>>) offsets(%arg12 : memref<48xi32, #tpu.memory_space<vmem>>) semaphore(%arg31 : memref<!tpu.dma_semaphore, #tpu.memory_space<semaphore_mem>>)
      } else {
      }
      %dma_wait3A_301 = arith.constant 0 : i32
      %dma_wait3A_302 = arith.constant 0 : i32
      %dma_wait3A_303 = tpu.memref_slice %arg3[%dma_wait3A_301, %dma_wait3A_302] : memref<20224x128xf32, #tpu.memory_space<hbm>> -> memref<20224x128xf32, #tpu.memory_space<hbm>>
      tpu.wait_indirect_dma semaphore(%arg30 : memref<!tpu.dma_semaphore, #tpu.memory_space<semaphore_mem>>) src(%dma_wait3A_303 : memref<20224x128xf32, #tpu.memory_space<hbm>>) dst(%arg22 : memref<48x128xf32, #tpu.memory_space<vmem>>)
      %dma_wait3A_304 = arith.constant 0 : i32
      %dma_wait3A_305 = arith.constant 0 : i32
      %dma_wait3A_306 = tpu.memref_slice %arg4[%dma_wait3A_304, %dma_wait3A_305] : memref<20224x128xf32, #tpu.memory_space<hbm>> -> memref<20224x128xf32, #tpu.memory_space<hbm>>
      tpu.wait_indirect_dma semaphore(%arg32 : memref<!tpu.dma_semaphore, #tpu.memory_space<semaphore_mem>>) src(%dma_wait3A_306 : memref<20224x128xf32, #tpu.memory_space<hbm>>) dst(%arg24 : memref<48x128xf32, #tpu.memory_space<vmem>>)
      %get3A_307 = arith.constant 0 : index
      %get3A_308 = tpu.vector_load %arg18[%get3A_307] {strides = array<i32>} : memref<128xf32, #tpu.memory_space<vmem>>, vector<16xf32>,
      %get3A_309 = arith.constant 16 : index
      %get3A_310 = tpu.vector_load %arg18[%get3A_309] {strides = array<i32>} : memref<128xf32, #tpu.memory_space<vmem>>, vector<16xf32>,
      %get3A_311 = arith.constant 32 : index
      %get3A_312 = tpu.vector_load %arg18[%get3A_311] {strides = array<i32>} : memref<128xf32, #tpu.memory_space<vmem>>, vector<16xf32>,
      %get3A_313 = arith.constant 48 : index
      %get3A_314 = tpu.vector_load %arg18[%get3A_313] {strides = array<i32>} : memref<128xf32, #tpu.memory_space<vmem>>, vector<16xf32>,
      %get3A_315 = arith.constant 64 : index
      %get3A_316 = tpu.vector_load %arg18[%get3A_315] {strides = array<i32>} : memref<128xf32, #tpu.memory_space<vmem>>, vector<16xf32>,
      %get3A_317 = arith.constant 80 : index
      %get3A_318 = tpu.vector_load %arg18[%get3A_317] {strides = array<i32>} : memref<128xf32, #tpu.memory_space<vmem>>, vector<16xf32>,
      %get3A_319 = arith.constant 96 : index
      %get3A_320 = tpu.vector_load %arg18[%get3A_319] {strides = array<i32>} : memref<128xf32, #tpu.memory_space<vmem>>, vector<16xf32>,
      %get3A_321 = arith.constant 112 : index
      %get3A_322 = tpu.vector_load %arg18[%get3A_321] {strides = array<i32>} : memref<128xf32, #tpu.memory_space<vmem>>, vector<16xf32>,
      %iota3A_323 = tpu.iota {dimensions = array<i32: 0>} : vector<16xi32>
      %lt3A_324 = arith.constant 2 : i32
      %lt3A_325 = vector.broadcast %lt3A_324 : i32 to vector<16xi32>
      %lt3A_326 = arith.cmpi slt, %iota3A_323, %lt3A_325 : vector<16xi32>
      %broadcast_in_dim3A_327 = arith.constant 0.000000e+00 : f32
      %broadcast_in_dim3A_328 = vector.broadcast %broadcast_in_dim3A_327 : f32 to vector<16xf32>
      %scan3A_329 = arith.constant 0 : i32
      %scan3A_330 = arith.constant 0 : i32
      %scan3A_331 = arith.constant 24 : i32
      %scan3A_332 = arith.addi %scan3A_330, %scan3A_331 : i32
      %scan3A_333 = arith.constant 1 : i32
      scf.for %scan3A_348 = %scan3A_330 to %scan3A_332 step %scan3A_333  : i32 {
        %mul3A_349 = arith.constant 2 : i32
        %mul3A_350 = arith.muli %mul3A_349, %scan3A_348 : i32
        %get3A_351 = arith.index_cast %mul3A_350 : i32 to index
        %get3A_352 = arith.constant 0 : index
        %get3A_353 = tpu.vector_load %arg22[%get3A_351, %get3A_352] {strides = array<i32>} : memref<48x128xf32, #tpu.memory_space<vmem>>, vector<16xf32>,
        %get3A_354 = arith.index_cast %mul3A_350 : i32 to index
        %get3A_355 = arith.constant 0 : index
        %get3A_356 = tpu.vector_load %arg24[%get3A_354, %get3A_355] {strides = array<i32>} : memref<48x128xf32, #tpu.memory_space<vmem>>, vector<16xf32>,
        %add3A_357 = arith.addf %get3A_353, %get3A_356 : vector<16xf32>
        %max3A = arith.constant 0.000000e+00 : f32
        %max3A_358 = vector.broadcast %max3A : f32 to vector<16xf32>
        %max3A_359 = arith.maximumf %add3A_357, %max3A_358 : vector<16xf32>
        %min3A = arith.constant 0.000000e+00 : f32
        %min3A_360 = vector.broadcast %min3A : f32 to vector<16xf32>
        %min3A_361 = arith.minimumf %add3A_357, %min3A_360 : vector<16xf32>
        %mul3A_362 = arith.constant 2.000000e-01 : f32
        %mul3A_363 = vector.broadcast %mul3A_362 : f32 to vector<16xf32>
        %mul3A_364 = arith.mulf %mul3A_363, %min3A_361 : vector<16xf32>
        %add3A_365 = arith.addf %max3A_359, %mul3A_364 : vector<16xf32>
        %mul3A_366 = arith.mulf %add3A_365, %get3A_308 : vector<16xf32>
        %add3A_367 = arith.addf %broadcast_in_dim3A_328, %mul3A_366 : vector<16xf32>
        %get3A_368 = arith.index_cast %mul3A_350 : i32 to index
        %get3A_369 = arith.constant 16 : index
        %get3A_370 = tpu.vector_load %arg22[%get3A_368, %get3A_369] {strides = array<i32>} : memref<48x128xf32, #tpu.memory_space<vmem>>, vector<16xf32>,
        %get3A_371 = arith.index_cast %mul3A_350 : i32 to index
        %get3A_372 = arith.constant 16 : index
        %get3A_373 = tpu.vector_load %arg24[%get3A_371, %get3A_372] {strides = array<i32>} : memref<48x128xf32, #tpu.memory_space<vmem>>, vector<16xf32>,
        %add3A_374 = arith.addf %get3A_370, %get3A_373 : vector<16xf32>
        %max3A_375 = arith.constant 0.000000e+00 : f32
        %max3A_376 = vector.broadcast %max3A_375 : f32 to vector<16xf32>
        %max3A_377 = arith.maximumf %add3A_374, %max3A_376 : vector<16xf32>
        %min3A_378 = arith.constant 0.000000e+00 : f32
        %min3A_379 = vector.broadcast %min3A_378 : f32 to vector<16xf32>
        %min3A_380 = arith.minimumf %add3A_374, %min3A_379 : vector<16xf32>
        %mul3A_381 = arith.constant 2.000000e-01 : f32
        %mul3A_382 = vector.broadcast %mul3A_381 : f32 to vector<16xf32>
        %mul3A_383 = arith.mulf %mul3A_382, %min3A_380 : vector<16xf32>
        %add3A_384 = arith.addf %max3A_377, %mul3A_383 : vector<16xf32>
        %mul3A_385 = arith.mulf %add3A_384, %get3A_310 : vector<16xf32>
        %add3A_386 = arith.addf %add3A_367, %mul3A_385 : vector<16xf32>
        %get3A_387 = arith.index_cast %mul3A_350 : i32 to index
        %get3A_388 = arith.constant 32 : index
        %get3A_389 = tpu.vector_load %arg22[%get3A_387, %get3A_388] {strides = array<i32>} : memref<48x128xf32, #tpu.memory_space<vmem>>, vector<16xf32>,
        %get3A_390 = arith.index_cast %mul3A_350 : i32 to index
        %get3A_391 = arith.constant 32 : index
        %get3A_392 = tpu.vector_load %arg24[%get3A_390, %get3A_391] {strides = array<i32>} : memref<48x128xf32, #tpu.memory_space<vmem>>, vector<16xf32>,
        %add3A_393 = arith.addf %get3A_389, %get3A_392 : vector<16xf32>
        %max3A_394 = arith.constant 0.000000e+00 : f32
        %max3A_395 = vector.broadcast %max3A_394 : f32 to vector<16xf32>
        %max3A_396 = arith.maximumf %add3A_393, %max3A_395 : vector<16xf32>
        %min3A_397 = arith.constant 0.000000e+00 : f32
        %min3A_398 = vector.broadcast %min3A_397 : f32 to vector<16xf32>
        %min3A_399 = arith.minimumf %add3A_393, %min3A_398 : vector<16xf32>
        %mul3A_400 = arith.constant 2.000000e-01 : f32
        %mul3A_401 = vector.broadcast %mul3A_400 : f32 to vector<16xf32>
        %mul3A_402 = arith.mulf %mul3A_401, %min3A_399 : vector<16xf32>
        %add3A_403 = arith.addf %max3A_396, %mul3A_402 : vector<16xf32>
        %mul3A_404 = arith.mulf %add3A_403, %get3A_312 : vector<16xf32>
        %add3A_405 = arith.addf %add3A_386, %mul3A_404 : vector<16xf32>
        %get3A_406 = arith.index_cast %mul3A_350 : i32 to index
        %get3A_407 = arith.constant 48 : index
        %get3A_408 = tpu.vector_load %arg22[%get3A_406, %get3A_407] {strides = array<i32>} : memref<48x128xf32, #tpu.memory_space<vmem>>, vector<16xf32>,
        %get3A_409 = arith.index_cast %mul3A_350 : i32 to index
        %get3A_410 = arith.constant 48 : index
        %get3A_411 = tpu.vector_load %arg24[%get3A_409, %get3A_410] {strides = array<i32>} : memref<48x128xf32, #tpu.memory_space<vmem>>, vector<16xf32>,
        %add3A_412 = arith.addf %get3A_408, %get3A_411 : vector<16xf32>
        %max3A_413 = arith.constant 0.000000e+00 : f32
        %max3A_414 = vector.broadcast %max3A_413 : f32 to vector<16xf32>
        %max3A_415 = arith.maximumf %add3A_412, %max3A_414 : vector<16xf32>
        %min3A_416 = arith.constant 0.000000e+00 : f32
        %min3A_417 = vector.broadcast %min3A_416 : f32 to vector<16xf32>
        %min3A_418 = arith.minimumf %add3A_412, %min3A_417 : vector<16xf32>
        %mul3A_419 = arith.constant 2.000000e-01 : f32
        %mul3A_420 = vector.broadcast %mul3A_419 : f32 to vector<16xf32>
        %mul3A_421 = arith.mulf %mul3A_420, %min3A_418 : vector<16xf32>
        %add3A_422 = arith.addf %max3A_415, %mul3A_421 : vector<16xf32>
        %mul3A_423 = arith.mulf %add3A_422, %get3A_314 : vector<16xf32>
        %add3A_424 = arith.addf %add3A_405, %mul3A_423 : vector<16xf32>
        %reduce_sum3A = arith.constant true
        %reduce_sum3A_425 = vector.broadcast %reduce_sum3A : i1 to vector<16xi1>
        %reduce_sum3A_426 = tpu.scan <sum>, %add3A_424 masked %reduce_sum3A_425 : vector<16xf32>, vector<16xi1> -> vector<16xf32>
        %reduce_sum3A_427 = vector.extract %reduce_sum3A_426[15] : f32 from vector<16xf32>
        %broadcast_in_dim3A_428 = vector.broadcast %reduce_sum3A_427 : f32 to vector<16xf32>
        %exp3A = math.exp %broadcast_in_dim3A_428 : vector<16xf32>
        %get3A_429 = arith.index_cast %mul3A_350 : i32 to index
        %get3A_430 = arith.constant 0 : index
        %get3A_431 = tpu.vector_load %arg22[%get3A_429, %get3A_430] {strides = array<i32>} : memref<48x128xf32, #tpu.memory_space<vmem>>, vector<16xf32>,
        %mul3A_432 = arith.mulf %get3A_431, %exp3A : vector<16xf32>
        %swap3A_433 = arith.index_cast %mul3A_350 : i32 to index
        %swap3A_434 = arith.constant 0 : index
        %swap3A_435 = tpu.vector_load %arg22[%swap3A_433, %swap3A_434] {strides = array<i32>} : memref<48x128xf32, #tpu.memory_space<vmem>>, vector<16xf32>,
        tpu.vector_store %arg22[%swap3A_433, %swap3A_434], %mul3A_432 {strides = array<i32>} : memref<48x128xf32, #tpu.memory_space<vmem>>, vector<16xf32>,
        %get3A_436 = arith.index_cast %mul3A_350 : i32 to index
        %get3A_437 = arith.constant 16 : index
        %get3A_438 = tpu.vector_load %arg22[%get3A_436, %get3A_437] {strides = array<i32>} : memref<48x128xf32, #tpu.memory_space<vmem>>, vector<16xf32>,
        %mul3A_439 = arith.mulf %get3A_438, %exp3A : vector<16xf32>
        %swap3A_440 = arith.index_cast %mul3A_350 : i32 to index
        %swap3A_441 = arith.constant 16 : index
        %swap3A_442 = tpu.vector_load %arg22[%swap3A_440, %swap3A_441] {strides = array<i32>} : memref<48x128xf32, #tpu.memory_space<vmem>>, vector<16xf32>,
        tpu.vector_store %arg22[%swap3A_440, %swap3A_441], %mul3A_439 {strides = array<i32>} : memref<48x128xf32, #tpu.memory_space<vmem>>, vector<16xf32>,
        %get3A_443 = arith.index_cast %mul3A_350 : i32 to index
        %get3A_444 = arith.constant 32 : index
        %get3A_445 = tpu.vector_load %arg22[%get3A_443, %get3A_444] {strides = array<i32>} : memref<48x128xf32, #tpu.memory_space<vmem>>, vector<16xf32>,
        %mul3A_446 = arith.mulf %get3A_445, %exp3A : vector<16xf32>
        %swap3A_447 = arith.index_cast %mul3A_350 : i32 to index
        %swap3A_448 = arith.constant 32 : index
        %swap3A_449 = tpu.vector_load %arg22[%swap3A_447, %swap3A_448] {strides = array<i32>} : memref<48x128xf32, #tpu.memory_space<vmem>>, vector<16xf32>,
        tpu.vector_store %arg22[%swap3A_447, %swap3A_448], %mul3A_446 {strides = array<i32>} : memref<48x128xf32, #tpu.memory_space<vmem>>, vector<16xf32>,
        %get3A_450 = arith.index_cast %mul3A_350 : i32 to index
        %get3A_451 = arith.constant 48 : index
        %get3A_452 = tpu.vector_load %arg22[%get3A_450, %get3A_451] {strides = array<i32>} : memref<48x128xf32, #tpu.memory_space<vmem>>, vector<16xf32>,
        %mul3A_453 = arith.mulf %get3A_452, %exp3A : vector<16xf32>
        %swap3A_454 = arith.index_cast %mul3A_350 : i32 to index
        %swap3A_455 = arith.constant 48 : index
        %swap3A_456 = tpu.vector_load %arg22[%swap3A_454, %swap3A_455] {strides = array<i32>} : memref<48x128xf32, #tpu.memory_space<vmem>>, vector<16xf32>,
        tpu.vector_store %arg22[%swap3A_454, %swap3A_455], %mul3A_453 {strides = array<i32>} : memref<48x128xf32, #tpu.memory_space<vmem>>, vector<16xf32>,
        %get3A_457 = arith.index_cast %mul3A_350 : i32 to index
        %get3A_458 = arith.constant 64 : index
        %get3A_459 = tpu.vector_load %arg22[%get3A_457, %get3A_458] {strides = array<i32>} : memref<48x128xf32, #tpu.memory_space<vmem>>, vector<16xf32>,
        %get3A_460 = arith.index_cast %mul3A_350 : i32 to index
        %get3A_461 = arith.constant 64 : index
        %get3A_462 = tpu.vector_load %arg24[%get3A_460, %get3A_461] {strides = array<i32>} : memref<48x128xf32, #tpu.memory_space<vmem>>, vector<16xf32>,
        %add3A_463 = arith.addf %get3A_459, %get3A_462 : vector<16xf32>
        %max3A_464 = arith.constant 0.000000e+00 : f32
        %max3A_465 = vector.broadcast %max3A_464 : f32 to vector<16xf32>
        %max3A_466 = arith.maximumf %add3A_463, %max3A_465 : vector<16xf32>
        %min3A_467 = arith.constant 0.000000e+00 : f32
        %min3A_468 = vector.broadcast %min3A_467 : f32 to vector<16xf32>
        %min3A_469 = arith.minimumf %add3A_463, %min3A_468 : vector<16xf32>
        %mul3A_470 = arith.constant 2.000000e-01 : f32
        %mul3A_471 = vector.broadcast %mul3A_470 : f32 to vector<16xf32>
        %mul3A_472 = arith.mulf %mul3A_471, %min3A_469 : vector<16xf32>
        %add3A_473 = arith.addf %max3A_466, %mul3A_472 : vector<16xf32>
        %mul3A_474 = arith.mulf %add3A_473, %get3A_316 : vector<16xf32>
        %add3A_475 = arith.addf %broadcast_in_dim3A_328, %mul3A_474 : vector<16xf32>
        %get3A_476 = arith.index_cast %mul3A_350 : i32 to index
        %get3A_477 = arith.constant 80 : index
        %get3A_478 = tpu.vector_load %arg22[%get3A_476, %get3A_477] {strides = array<i32>} : memref<48x128xf32, #tpu.memory_space<vmem>>, vector<16xf32>,
        %get3A_479 = arith.index_cast %mul3A_350 : i32 to index
        %get3A_480 = arith.constant 80 : index
        %get3A_481 = tpu.vector_load %arg24[%get3A_479, %get3A_480] {strides = array<i32>} : memref<48x128xf32, #tpu.memory_space<vmem>>, vector<16xf32>,
        %add3A_482 = arith.addf %get3A_478, %get3A_481 : vector<16xf32>
        %max3A_483 = arith.constant 0.000000e+00 : f32
        %max3A_484 = vector.broadcast %max3A_483 : f32 to vector<16xf32>
        %max3A_485 = arith.maximumf %add3A_482, %max3A_484 : vector<16xf32>
        %min3A_486 = arith.constant 0.000000e+00 : f32
        %min3A_487 = vector.broadcast %min3A_486 : f32 to vector<16xf32>
        %min3A_488 = arith.minimumf %add3A_482, %min3A_487 : vector<16xf32>
        %mul3A_489 = arith.constant 2.000000e-01 : f32
        %mul3A_490 = vector.broadcast %mul3A_489 : f32 to vector<16xf32>
        %mul3A_491 = arith.mulf %mul3A_490, %min3A_488 : vector<16xf32>
        %add3A_492 = arith.addf %max3A_485, %mul3A_491 : vector<16xf32>
        %mul3A_493 = arith.mulf %add3A_492, %get3A_318 : vector<16xf32>
        %add3A_494 = arith.addf %add3A_475, %mul3A_493 : vector<16xf32>
        %get3A_495 = arith.index_cast %mul3A_350 : i32 to index
        %get3A_496 = arith.constant 96 : index
        %get3A_497 = tpu.vector_load %arg22[%get3A_495, %get3A_496] {strides = array<i32>} : memref<48x128xf32, #tpu.memory_space<vmem>>, vector<16xf32>,
        %get3A_498 = arith.index_cast %mul3A_350 : i32 to index
        %get3A_499 = arith.constant 96 : index
        %get3A_500 = tpu.vector_load %arg24[%get3A_498, %get3A_499] {strides = array<i32>} : memref<48x128xf32, #tpu.memory_space<vmem>>, vector<16xf32>,
        %add3A_501 = arith.addf %get3A_497, %get3A_500 : vector<16xf32>
        %max3A_502 = arith.constant 0.000000e+00 : f32
        %max3A_503 = vector.broadcast %max3A_502 : f32 to vector<16xf32>
        %max3A_504 = arith.maximumf %add3A_501, %max3A_503 : vector<16xf32>
        %min3A_505 = arith.constant 0.000000e+00 : f32
        %min3A_506 = vector.broadcast %min3A_505 : f32 to vector<16xf32>
        %min3A_507 = arith.minimumf %add3A_501, %min3A_506 : vector<16xf32>
        %mul3A_508 = arith.constant 2.000000e-01 : f32
        %mul3A_509 = vector.broadcast %mul3A_508 : f32 to vector<16xf32>
        %mul3A_510 = arith.mulf %mul3A_509, %min3A_507 : vector<16xf32>
        %add3A_511 = arith.addf %max3A_504, %mul3A_510 : vector<16xf32>
        %mul3A_512 = arith.mulf %add3A_511, %get3A_320 : vector<16xf32>
        %add3A_513 = arith.addf %add3A_494, %mul3A_512 : vector<16xf32>
        %get3A_514 = arith.index_cast %mul3A_350 : i32 to index
        %get3A_515 = arith.constant 112 : index
        %get3A_516 = tpu.vector_load %arg22[%get3A_514, %get3A_515] {strides = array<i32>} : memref<48x128xf32, #tpu.memory_space<vmem>>, vector<16xf32>,
        %get3A_517 = arith.index_cast %mul3A_350 : i32 to index
        %get3A_518 = arith.constant 112 : index
        %get3A_519 = tpu.vector_load %arg24[%get3A_517, %get3A_518] {strides = array<i32>} : memref<48x128xf32, #tpu.memory_space<vmem>>, vector<16xf32>,
        %add3A_520 = arith.addf %get3A_516, %get3A_519 : vector<16xf32>
        %max3A_521 = arith.constant 0.000000e+00 : f32
        %max3A_522 = vector.broadcast %max3A_521 : f32 to vector<16xf32>
        %max3A_523 = arith.maximumf %add3A_520, %max3A_522 : vector<16xf32>
        %min3A_524 = arith.constant 0.000000e+00 : f32
        %min3A_525 = vector.broadcast %min3A_524 : f32 to vector<16xf32>
        %min3A_526 = arith.minimumf %add3A_520, %min3A_525 : vector<16xf32>
        %mul3A_527 = arith.constant 2.000000e-01 : f32
        %mul3A_528 = vector.broadcast %mul3A_527 : f32 to vector<16xf32>
        %mul3A_529 = arith.mulf %mul3A_528, %min3A_526 : vector<16xf32>
        %add3A_530 = arith.addf %max3A_523, %mul3A_529 : vector<16xf32>
        %mul3A_531 = arith.mulf %add3A_530, %get3A_322 : vector<16xf32>
        %add3A_532 = arith.addf %add3A_513, %mul3A_531 : vector<16xf32>
        %reduce_sum3A_533 = arith.constant true
        %reduce_sum3A_534 = vector.broadcast %reduce_sum3A_533 : i1 to vector<16xi1>
        %reduce_sum3A_535 = tpu.scan <sum>, %add3A_532 masked %reduce_sum3A_534 : vector<16xf32>, vector<16xi1> -> vector<16xf32>
        %reduce_sum3A_536 = vector.extract %reduce_sum3A_535[15] : f32 from vector<16xf32>
        %broadcast_in_dim3A_537 = vector.broadcast %reduce_sum3A_536 : f32 to vector<16xf32>
        %exp3A_538 = math.exp %broadcast_in_dim3A_537 : vector<16xf32>
        %get3A_539 = arith.index_cast %mul3A_350 : i32 to index
        %get3A_540 = arith.constant 64 : index
        %get3A_541 = tpu.vector_load %arg22[%get3A_539, %get3A_540] {strides = array<i32>} : memref<48x128xf32, #tpu.memory_space<vmem>>, vector<16xf32>,
        %mul3A_542 = arith.mulf %get3A_541, %exp3A_538 : vector<16xf32>
        %swap3A_543 = arith.index_cast %mul3A_350 : i32 to index
        %swap3A_544 = arith.constant 64 : index
        %swap3A_545 = tpu.vector_load %arg22[%swap3A_543, %swap3A_544] {strides = array<i32>} : memref<48x128xf32, #tpu.memory_space<vmem>>, vector<16xf32>,
        tpu.vector_store %arg22[%swap3A_543, %swap3A_544], %mul3A_542 {strides = array<i32>} : memref<48x128xf32, #tpu.memory_space<vmem>>, vector<16xf32>,
        %get3A_546 = arith.index_cast %mul3A_350 : i32 to index
        %get3A_547 = arith.constant 80 : index
        %get3A_548 = tpu.vector_load %arg22[%get3A_546, %get3A_547] {strides = array<i32>} : memref<48x128xf32, #tpu.memory_space<vmem>>, vector<16xf32>,
        %mul3A_549 = arith.mulf %get3A_548, %exp3A_538 : vector<16xf32>
        %swap3A_550 = arith.index_cast %mul3A_350 : i32 to index
        %swap3A_551 = arith.constant 80 : index
        %swap3A_552 = tpu.vector_load %arg22[%swap3A_550, %swap3A_551] {strides = array<i32>} : memref<48x128xf32, #tpu.memory_space<vmem>>, vector<16xf32>,
        tpu.vector_store %arg22[%swap3A_550, %swap3A_551], %mul3A_549 {strides = array<i32>} : memref<48x128xf32, #tpu.memory_space<vmem>>, vector<16xf32>,
        %get3A_553 = arith.index_cast %mul3A_350 : i32 to index
        %get3A_554 = arith.constant 96 : index
        %get3A_555 = tpu.vector_load %arg22[%get3A_553, %get3A_554] {strides = array<i32>} : memref<48x128xf32, #tpu.memory_space<vmem>>, vector<16xf32>,
        %mul3A_556 = arith.mulf %get3A_555, %exp3A_538 : vector<16xf32>
        %swap3A_557 = arith.index_cast %mul3A_350 : i32 to index
        %swap3A_558 = arith.constant 96 : index
        %swap3A_559 = tpu.vector_load %arg22[%swap3A_557, %swap3A_558] {strides = array<i32>} : memref<48x128xf32, #tpu.memory_space<vmem>>, vector<16xf32>,
        tpu.vector_store %arg22[%swap3A_557, %swap3A_558], %mul3A_556 {strides = array<i32>} : memref<48x128xf32, #tpu.memory_space<vmem>>, vector<16xf32>,
        %get3A_560 = arith.index_cast %mul3A_350 : i32 to index
        %get3A_561 = arith.constant 112 : index
        %get3A_562 = tpu.vector_load %arg22[%get3A_560, %get3A_561] {strides = array<i32>} : memref<48x128xf32, #tpu.memory_space<vmem>>, vector<16xf32>,
        %mul3A_563 = arith.mulf %get3A_562, %exp3A_538 : vector<16xf32>
        %swap3A_564 = arith.index_cast %mul3A_350 : i32 to index
        %swap3A_565 = arith.constant 112 : index
        %swap3A_566 = tpu.vector_load %arg22[%swap3A_564, %swap3A_565] {strides = array<i32>} : memref<48x128xf32, #tpu.memory_space<vmem>>, vector<16xf32>,
        tpu.vector_store %arg22[%swap3A_564, %swap3A_565], %mul3A_563 {strides = array<i32>} : memref<48x128xf32, #tpu.memory_space<vmem>>, vector<16xf32>,
        %eq3A = arith.constant 0 : i32
        %eq3A_567 = vector.broadcast %eq3A : i32 to vector<16xi32>
        %eq3A_568 = arith.cmpi eq, %iota3A_323, %eq3A_567 : vector<16xi32>
        %eq3A_569 = arith.constant 1 : i32
        %eq3A_570 = vector.broadcast %eq3A_569 : i32 to vector<16xi32>
        %eq3A_571 = arith.cmpi eq, %iota3A_323, %eq3A_570 : vector<16xi32>
        %select_n3A = arith.select %eq3A_571, %exp3A_538, %broadcast_in_dim3A_328 : vector<16xi1>, vector<16xf32>
        %select_n3A_572 = arith.select %eq3A_568, %exp3A, %select_n3A : vector<16xi1>, vector<16xf32>
        %add3A_573 = arith.constant 144 : i32
        %add3A_574 = arith.addi %add3A_573, %mul3A_350 : i32
        %broadcast_in_dim3A_575 = vector.broadcast %add3A_574 : i32 to vector<16xi32>
        %gather3A = tpu.vector_load_idx %arg9[%broadcast_in_dim3A_575] : memref<192xi32, #tpu.memory_space<vmem>>[vector<16xi32>], vector<16xi32>,
        %broadcast_in_dim3A_576 = vector.broadcast %mul3A_350 : i32 to vector<16xi32>
        %gather3A_577 = tpu.vector_load_idx %arg20[%broadcast_in_dim3A_576] : memref<48xi32, #tpu.memory_space<vmem>>[vector<16xi32>], vector<16xi32>,
        %mul3A_578 = arith.constant 16 : i32
        %mul3A_579 = vector.broadcast %mul3A_578 : i32 to vector<16xi32>
        %mul3A_580 = arith.muli %gather3A_577, %mul3A_579 : vector<16xi32>
        %add3A_581 = arith.addi %mul3A_580, %iota3A_323 : vector<16xi32>
        tpu.vector_store_idx %arg26[%broadcast_in_dim3A_576, %add3A_581], %broadcast_in_dim3A_328 masked %lt3A_326 : memref<48x128xf32, #tpu.memory_space<vmem>>[vector<16xi32>, vector<16xi32>], vector<16xf32>, vector<16xi1>
        %mul3A_582 = arith.constant 16 : i32
        %mul3A_583 = vector.broadcast %mul3A_582 : i32 to vector<16xi32>
        %mul3A_584 = arith.muli %gather3A, %mul3A_583 : vector<16xi32>
        %add3A_585 = arith.addi %mul3A_584, %iota3A_323 : vector<16xi32>
        tpu.vector_store_idx %arg26[%broadcast_in_dim3A_576, %add3A_585], %select_n3A_572 masked %lt3A_326 : memref<48x128xf32, #tpu.memory_space<vmem>>[vector<16xi32>, vector<16xi32>], vector<16xf32>, vector<16xi1>
        %eq3A_586 = arith.constant 0 : i32
        %eq3A_587 = vector.broadcast %eq3A_586 : i32 to vector<16xi32>
        %eq3A_588 = arith.cmpi eq, %iota3A_323, %eq3A_587 : vector<16xi32>
        tpu.vector_store_idx %arg20[%broadcast_in_dim3A_576], %gather3A masked %eq3A_588 : memref<48xi32, #tpu.memory_space<vmem>>[vector<16xi32>], vector<16xi32>, vector<16xi1>
        %mul3A_589 = arith.constant 2 : i32
        %mul3A_590 = arith.muli %mul3A_589, %scan3A_348 : i32
        %add3A_591 = arith.constant 1 : i32
        %add3A_592 = arith.addi %mul3A_590, %add3A_591 : i32
        %get3A_593 = arith.index_cast %add3A_592 : i32 to index
        %get3A_594 = arith.constant 0 : index
        %get3A_595 = tpu.vector_load %arg22[%get3A_593, %get3A_594] {strides = array<i32>} : memref<48x128xf32, #tpu.memory_space<vmem>>, vector<16xf32>,
        %get3A_596 = arith.index_cast %add3A_592 : i32 to index
        %get3A_597 = arith.constant 0 : index
        %get3A_598 = tpu.vector_load %arg24[%get3A_596, %get3A_597] {strides = array<i32>} : memref<48x128xf32, #tpu.memory_space<vmem>>, vector<16xf32>,
        %add3A_599 = arith.addf %get3A_595, %get3A_598 : vector<16xf32>
        %max3A_600 = arith.constant 0.000000e+00 : f32
        %max3A_601 = vector.broadcast %max3A_600 : f32 to vector<16xf32>
        %max3A_602 = arith.maximumf %add3A_599, %max3A_601 : vector<16xf32>
        %min3A_603 = arith.constant 0.000000e+00 : f32
        %min3A_604 = vector.broadcast %min3A_603 : f32 to vector<16xf32>
        %min3A_605 = arith.minimumf %add3A_599, %min3A_604 : vector<16xf32>
        %mul3A_606 = arith.constant 2.000000e-01 : f32
        %mul3A_607 = vector.broadcast %mul3A_606 : f32 to vector<16xf32>
        %mul3A_608 = arith.mulf %mul3A_607, %min3A_605 : vector<16xf32>
        %add3A_609 = arith.addf %max3A_602, %mul3A_608 : vector<16xf32>
        %mul3A_610 = arith.mulf %add3A_609, %get3A_308 : vector<16xf32>
        %add3A_611 = arith.addf %broadcast_in_dim3A_328, %mul3A_610 : vector<16xf32>
        %get3A_612 = arith.index_cast %add3A_592 : i32 to index
        %get3A_613 = arith.constant 16 : index
        %get3A_614 = tpu.vector_load %arg22[%get3A_612, %get3A_613] {strides = array<i32>} : memref<48x128xf32, #tpu.memory_space<vmem>>, vector<16xf32>,
        %get3A_615 = arith.index_cast %add3A_592 : i32 to index
        %get3A_616 = arith.constant 16 : index
        %get3A_617 = tpu.vector_load %arg24[%get3A_615, %get3A_616] {strides = array<i32>} : memref<48x128xf32, #tpu.memory_space<vmem>>, vector<16xf32>,
        %add3A_618 = arith.addf %get3A_614, %get3A_617 : vector<16xf32>
        %max3A_619 = arith.constant 0.000000e+00 : f32
        %max3A_620 = vector.broadcast %max3A_619 : f32 to vector<16xf32>
        %max3A_621 = arith.maximumf %add3A_618, %max3A_620 : vector<16xf32>
        %min3A_622 = arith.constant 0.000000e+00 : f32
        %min3A_623 = vector.broadcast %min3A_622 : f32 to vector<16xf32>
        %min3A_624 = arith.minimumf %add3A_618, %min3A_623 : vector<16xf32>
        %mul3A_625 = arith.constant 2.000000e-01 : f32
        %mul3A_626 = vector.broadcast %mul3A_625 : f32 to vector<16xf32>
        %mul3A_627 = arith.mulf %mul3A_626, %min3A_624 : vector<16xf32>
        %add3A_628 = arith.addf %max3A_621, %mul3A_627 : vector<16xf32>
        %mul3A_629 = arith.mulf %add3A_628, %get3A_310 : vector<16xf32>
        %add3A_630 = arith.addf %add3A_611, %mul3A_629 : vector<16xf32>
        %get3A_631 = arith.index_cast %add3A_592 : i32 to index
        %get3A_632 = arith.constant 32 : index
        %get3A_633 = tpu.vector_load %arg22[%get3A_631, %get3A_632] {strides = array<i32>} : memref<48x128xf32, #tpu.memory_space<vmem>>, vector<16xf32>,
        %get3A_634 = arith.index_cast %add3A_592 : i32 to index
        %get3A_635 = arith.constant 32 : index
        %get3A_636 = tpu.vector_load %arg24[%get3A_634, %get3A_635] {strides = array<i32>} : memref<48x128xf32, #tpu.memory_space<vmem>>, vector<16xf32>,
        %add3A_637 = arith.addf %get3A_633, %get3A_636 : vector<16xf32>
        %max3A_638 = arith.constant 0.000000e+00 : f32
        %max3A_639 = vector.broadcast %max3A_638 : f32 to vector<16xf32>
        %max3A_640 = arith.maximumf %add3A_637, %max3A_639 : vector<16xf32>
        %min3A_641 = arith.constant 0.000000e+00 : f32
        %min3A_642 = vector.broadcast %min3A_641 : f32 to vector<16xf32>
        %min3A_643 = arith.minimumf %add3A_637, %min3A_642 : vector<16xf32>
        %mul3A_644 = arith.constant 2.000000e-01 : f32
        %mul3A_645 = vector.broadcast %mul3A_644 : f32 to vector<16xf32>
        %mul3A_646 = arith.mulf %mul3A_645, %min3A_643 : vector<16xf32>
        %add3A_647 = arith.addf %max3A_640, %mul3A_646 : vector<16xf32>
        %mul3A_648 = arith.mulf %add3A_647, %get3A_312 : vector<16xf32>
        %add3A_649 = arith.addf %add3A_630, %mul3A_648 : vector<16xf32>
        %get3A_650 = arith.index_cast %add3A_592 : i32 to index
        %get3A_651 = arith.constant 48 : index
        %get3A_652 = tpu.vector_load %arg22[%get3A_650, %get3A_651] {strides = array<i32>} : memref<48x128xf32, #tpu.memory_space<vmem>>, vector<16xf32>,
        %get3A_653 = arith.index_cast %add3A_592 : i32 to index
        %get3A_654 = arith.constant 48 : index
        %get3A_655 = tpu.vector_load %arg24[%get3A_653, %get3A_654] {strides = array<i32>} : memref<48x128xf32, #tpu.memory_space<vmem>>, vector<16xf32>,
        %add3A_656 = arith.addf %get3A_652, %get3A_655 : vector<16xf32>
        %max3A_657 = arith.constant 0.000000e+00 : f32
        %max3A_658 = vector.broadcast %max3A_657 : f32 to vector<16xf32>
        %max3A_659 = arith.maximumf %add3A_656, %max3A_658 : vector<16xf32>
        %min3A_660 = arith.constant 0.000000e+00 : f32
        %min3A_661 = vector.broadcast %min3A_660 : f32 to vector<16xf32>
        %min3A_662 = arith.minimumf %add3A_656, %min3A_661 : vector<16xf32>
        %mul3A_663 = arith.constant 2.000000e-01 : f32
        %mul3A_664 = vector.broadcast %mul3A_663 : f32 to vector<16xf32>
        %mul3A_665 = arith.mulf %mul3A_664, %min3A_662 : vector<16xf32>
        %add3A_666 = arith.addf %max3A_659, %mul3A_665 : vector<16xf32>
        %mul3A_667 = arith.mulf %add3A_666, %get3A_314 : vector<16xf32>
        %add3A_668 = arith.addf %add3A_649, %mul3A_667 : vector<16xf32>
        %reduce_sum3A_669 = arith.constant true
        %reduce_sum3A_670 = vector.broadcast %reduce_sum3A_669 : i1 to vector<16xi1>
        %reduce_sum3A_671 = tpu.scan <sum>, %add3A_668 masked %reduce_sum3A_670 : vector<16xf32>, vector<16xi1> -> vector<16xf32>
        %reduce_sum3A_672 = vector.extract %reduce_sum3A_671[15] : f32 from vector<16xf32>
        %broadcast_in_dim3A_673 = vector.broadcast %reduce_sum3A_672 : f32 to vector<16xf32>
        %exp3A_674 = math.exp %broadcast_in_dim3A_673 : vector<16xf32>
        %get3A_675 = arith.index_cast %add3A_592 : i32 to index
        %get3A_676 = arith.constant 0 : index
        %get3A_677 = tpu.vector_load %arg22[%get3A_675, %get3A_676] {strides = array<i32>} : memref<48x128xf32, #tpu.memory_space<vmem>>, vector<16xf32>,
        %mul3A_678 = arith.mulf %get3A_677, %exp3A_674 : vector<16xf32>
        %swap3A_679 = arith.index_cast %add3A_592 : i32 to index
        %swap3A_680 = arith.constant 0 : index
        %swap3A_681 = tpu.vector_load %arg22[%swap3A_679, %swap3A_680] {strides = array<i32>} : memref<48x128xf32, #tpu.memory_space<vmem>>, vector<16xf32>,
        tpu.vector_store %arg22[%swap3A_679, %swap3A_680], %mul3A_678 {strides = array<i32>} : memref<48x128xf32, #tpu.memory_space<vmem>>, vector<16xf32>,
        %get3A_682 = arith.index_cast %add3A_592 : i32 to index
        %get3A_683 = arith.constant 16 : index
        %get3A_684 = tpu.vector_load %arg22[%get3A_682, %get3A_683] {strides = array<i32>} : memref<48x128xf32, #tpu.memory_space<vmem>>, vector<16xf32>,
        %mul3A_685 = arith.mulf %get3A_684, %exp3A_674 : vector<16xf32>
        %swap3A_686 = arith.index_cast %add3A_592 : i32 to index
        %swap3A_687 = arith.constant 16 : index
        %swap3A_688 = tpu.vector_load %arg22[%swap3A_686, %swap3A_687] {strides = array<i32>} : memref<48x128xf32, #tpu.memory_space<vmem>>, vector<16xf32>,
        tpu.vector_store %arg22[%swap3A_686, %swap3A_687], %mul3A_685 {strides = array<i32>} : memref<48x128xf32, #tpu.memory_space<vmem>>, vector<16xf32>,
        %get3A_689 = arith.index_cast %add3A_592 : i32 to index
        %get3A_690 = arith.constant 32 : index
        %get3A_691 = tpu.vector_load %arg22[%get3A_689, %get3A_690] {strides = array<i32>} : memref<48x128xf32, #tpu.memory_space<vmem>>, vector<16xf32>,
        %mul3A_692 = arith.mulf %get3A_691, %exp3A_674 : vector<16xf32>
        %swap3A_693 = arith.index_cast %add3A_592 : i32 to index
        %swap3A_694 = arith.constant 32 : index
        %swap3A_695 = tpu.vector_load %arg22[%swap3A_693, %swap3A_694] {strides = array<i32>} : memref<48x128xf32, #tpu.memory_space<vmem>>, vector<16xf32>,
        tpu.vector_store %arg22[%swap3A_693, %swap3A_694], %mul3A_692 {strides = array<i32>} : memref<48x128xf32, #tpu.memory_space<vmem>>, vector<16xf32>,
        %get3A_696 = arith.index_cast %add3A_592 : i32 to index
        %get3A_697 = arith.constant 48 : index
        %get3A_698 = tpu.vector_load %arg22[%get3A_696, %get3A_697] {strides = array<i32>} : memref<48x128xf32, #tpu.memory_space<vmem>>, vector<16xf32>,
        %mul3A_699 = arith.mulf %get3A_698, %exp3A_674 : vector<16xf32>
        %swap3A_700 = arith.index_cast %add3A_592 : i32 to index
        %swap3A_701 = arith.constant 48 : index
        %swap3A_702 = tpu.vector_load %arg22[%swap3A_700, %swap3A_701] {strides = array<i32>} : memref<48x128xf32, #tpu.memory_space<vmem>>, vector<16xf32>,
        tpu.vector_store %arg22[%swap3A_700, %swap3A_701], %mul3A_699 {strides = array<i32>} : memref<48x128xf32, #tpu.memory_space<vmem>>, vector<16xf32>,
        %get3A_703 = arith.index_cast %add3A_592 : i32 to index
        %get3A_704 = arith.constant 64 : index
        %get3A_705 = tpu.vector_load %arg22[%get3A_703, %get3A_704] {strides = array<i32>} : memref<48x128xf32, #tpu.memory_space<vmem>>, vector<16xf32>,
        %get3A_706 = arith.index_cast %add3A_592 : i32 to index
        %get3A_707 = arith.constant 64 : index
        %get3A_708 = tpu.vector_load %arg24[%get3A_706, %get3A_707] {strides = array<i32>} : memref<48x128xf32, #tpu.memory_space<vmem>>, vector<16xf32>,
        %add3A_709 = arith.addf %get3A_705, %get3A_708 : vector<16xf32>
        %max3A_710 = arith.constant 0.000000e+00 : f32
        %max3A_711 = vector.broadcast %max3A_710 : f32 to vector<16xf32>
        %max3A_712 = arith.maximumf %add3A_709, %max3A_711 : vector<16xf32>
        %min3A_713 = arith.constant 0.000000e+00 : f32
        %min3A_714 = vector.broadcast %min3A_713 : f32 to vector<16xf32>
        %min3A_715 = arith.minimumf %add3A_709, %min3A_714 : vector<16xf32>
        %mul3A_716 = arith.constant 2.000000e-01 : f32
        %mul3A_717 = vector.broadcast %mul3A_716 : f32 to vector<16xf32>
        %mul3A_718 = arith.mulf %mul3A_717, %min3A_715 : vector<16xf32>
        %add3A_719 = arith.addf %max3A_712, %mul3A_718 : vector<16xf32>
        %mul3A_720 = arith.mulf %add3A_719, %get3A_316 : vector<16xf32>
        %add3A_721 = arith.addf %broadcast_in_dim3A_328, %mul3A_720 : vector<16xf32>
        %get3A_722 = arith.index_cast %add3A_592 : i32 to index
        %get3A_723 = arith.constant 80 : index
        %get3A_724 = tpu.vector_load %arg22[%get3A_722, %get3A_723] {strides = array<i32>} : memref<48x128xf32, #tpu.memory_space<vmem>>, vector<16xf32>,
        %get3A_725 = arith.index_cast %add3A_592 : i32 to index
        %get3A_726 = arith.constant 80 : index
        %get3A_727 = tpu.vector_load %arg24[%get3A_725, %get3A_726] {strides = array<i32>} : memref<48x128xf32, #tpu.memory_space<vmem>>, vector<16xf32>,
        %add3A_728 = arith.addf %get3A_724, %get3A_727 : vector<16xf32>
        %max3A_729 = arith.constant 0.000000e+00 : f32
        %max3A_730 = vector.broadcast %max3A_729 : f32 to vector<16xf32>
        %max3A_731 = arith.maximumf %add3A_728, %max3A_730 : vector<16xf32>
        %min3A_732 = arith.constant 0.000000e+00 : f32
        %min3A_733 = vector.broadcast %min3A_732 : f32 to vector<16xf32>
        %min3A_734 = arith.minimumf %add3A_728, %min3A_733 : vector<16xf32>
        %mul3A_735 = arith.constant 2.000000e-01 : f32
        %mul3A_736 = vector.broadcast %mul3A_735 : f32 to vector<16xf32>
        %mul3A_737 = arith.mulf %mul3A_736, %min3A_734 : vector<16xf32>
        %add3A_738 = arith.addf %max3A_731, %mul3A_737 : vector<16xf32>
        %mul3A_739 = arith.mulf %add3A_738, %get3A_318 : vector<16xf32>
        %add3A_740 = arith.addf %add3A_721, %mul3A_739 : vector<16xf32>
        %get3A_741 = arith.index_cast %add3A_592 : i32 to index
        %get3A_742 = arith.constant 96 : index
        %get3A_743 = tpu.vector_load %arg22[%get3A_741, %get3A_742] {strides = array<i32>} : memref<48x128xf32, #tpu.memory_space<vmem>>, vector<16xf32>,
        %get3A_744 = arith.index_cast %add3A_592 : i32 to index
        %get3A_745 = arith.constant 96 : index
        %get3A_746 = tpu.vector_load %arg24[%get3A_744, %get3A_745] {strides = array<i32>} : memref<48x128xf32, #tpu.memory_space<vmem>>, vector<16xf32>,
        %add3A_747 = arith.addf %get3A_743, %get3A_746 : vector<16xf32>
        %max3A_748 = arith.constant 0.000000e+00 : f32
        %max3A_749 = vector.broadcast %max3A_748 : f32 to vector<16xf32>
        %max3A_750 = arith.maximumf %add3A_747, %max3A_749 : vector<16xf32>
        %min3A_751 = arith.constant 0.000000e+00 : f32
        %min3A_752 = vector.broadcast %min3A_751 : f32 to vector<16xf32>
        %min3A_753 = arith.minimumf %add3A_747, %min3A_752 : vector<16xf32>
        %mul3A_754 = arith.constant 2.000000e-01 : f32
        %mul3A_755 = vector.broadcast %mul3A_754 : f32 to vector<16xf32>
        %mul3A_756 = arith.mulf %mul3A_755, %min3A_753 : vector<16xf32>
        %add3A_757 = arith.addf %max3A_750, %mul3A_756 : vector<16xf32>
        %mul3A_758 = arith.mulf %add3A_757, %get3A_320 : vector<16xf32>
        %add3A_759 = arith.addf %add3A_740, %mul3A_758 : vector<16xf32>
        %get3A_760 = arith.index_cast %add3A_592 : i32 to index
        %get3A_761 = arith.constant 112 : index
        %get3A_762 = tpu.vector_load %arg22[%get3A_760, %get3A_761] {strides = array<i32>} : memref<48x128xf32, #tpu.memory_space<vmem>>, vector<16xf32>,
        %get3A_763 = arith.index_cast %add3A_592 : i32 to index
        %get3A_764 = arith.constant 112 : index
        %get3A_765 = tpu.vector_load %arg24[%get3A_763, %get3A_764] {strides = array<i32>} : memref<48x128xf32, #tpu.memory_space<vmem>>, vector<16xf32>,
        %add3A_766 = arith.addf %get3A_762, %get3A_765 : vector<16xf32>
        %max3A_767 = arith.constant 0.000000e+00 : f32
        %max3A_768 = vector.broadcast %max3A_767 : f32 to vector<16xf32>
        %max3A_769 = arith.maximumf %add3A_766, %max3A_768 : vector<16xf32>
        %min3A_770 = arith.constant 0.000000e+00 : f32
        %min3A_771 = vector.broadcast %min3A_770 : f32 to vector<16xf32>
        %min3A_772 = arith.minimumf %add3A_766, %min3A_771 : vector<16xf32>
        %mul3A_773 = arith.constant 2.000000e-01 : f32
        %mul3A_774 = vector.broadcast %mul3A_773 : f32 to vector<16xf32>
        %mul3A_775 = arith.mulf %mul3A_774, %min3A_772 : vector<16xf32>
        %add3A_776 = arith.addf %max3A_769, %mul3A_775 : vector<16xf32>
        %mul3A_777 = arith.mulf %add3A_776, %get3A_322 : vector<16xf32>
        %add3A_778 = arith.addf %add3A_759, %mul3A_777 : vector<16xf32>
        %reduce_sum3A_779 = arith.constant true
        %reduce_sum3A_780 = vector.broadcast %reduce_sum3A_779 : i1 to vector<16xi1>
        %reduce_sum3A_781 = tpu.scan <sum>, %add3A_778 masked %reduce_sum3A_780 : vector<16xf32>, vector<16xi1> -> vector<16xf32>
        %reduce_sum3A_782 = vector.extract %reduce_sum3A_781[15] : f32 from vector<16xf32>
        %broadcast_in_dim3A_783 = vector.broadcast %reduce_sum3A_782 : f32 to vector<16xf32>
        %exp3A_784 = math.exp %broadcast_in_dim3A_783 : vector<16xf32>
        %get3A_785 = arith.index_cast %add3A_592 : i32 to index
        %get3A_786 = arith.constant 64 : index
        %get3A_787 = tpu.vector_load %arg22[%get3A_785, %get3A_786] {strides = array<i32>} : memref<48x128xf32, #tpu.memory_space<vmem>>, vector<16xf32>,
        %mul3A_788 = arith.mulf %get3A_787, %exp3A_784 : vector<16xf32>
        %swap3A_789 = arith.index_cast %add3A_592 : i32 to index
        %swap3A_790 = arith.constant 64 : index
        %swap3A_791 = tpu.vector_load %arg22[%swap3A_789, %swap3A_790] {strides = array<i32>} : memref<48x128xf32, #tpu.memory_space<vmem>>, vector<16xf32>,
        tpu.vector_store %arg22[%swap3A_789, %swap3A_790], %mul3A_788 {strides = array<i32>} : memref<48x128xf32, #tpu.memory_space<vmem>>, vector<16xf32>,
        %get3A_792 = arith.index_cast %add3A_592 : i32 to index
        %get3A_793 = arith.constant 80 : index
        %get3A_794 = tpu.vector_load %arg22[%get3A_792, %get3A_793] {strides = array<i32>} : memref<48x128xf32, #tpu.memory_space<vmem>>, vector<16xf32>,
        %mul3A_795 = arith.mulf %get3A_794, %exp3A_784 : vector<16xf32>
        %swap3A_796 = arith.index_cast %add3A_592 : i32 to index
        %swap3A_797 = arith.constant 80 : index
        %swap3A_798 = tpu.vector_load %arg22[%swap3A_796, %swap3A_797] {strides = array<i32>} : memref<48x128xf32, #tpu.memory_space<vmem>>, vector<16xf32>,
        tpu.vector_store %arg22[%swap3A_796, %swap3A_797], %mul3A_795 {strides = array<i32>} : memref<48x128xf32, #tpu.memory_space<vmem>>, vector<16xf32>,
        %get3A_799 = arith.index_cast %add3A_592 : i32 to index
        %get3A_800 = arith.constant 96 : index
        %get3A_801 = tpu.vector_load %arg22[%get3A_799, %get3A_800] {strides = array<i32>} : memref<48x128xf32, #tpu.memory_space<vmem>>, vector<16xf32>,
        %mul3A_802 = arith.mulf %get3A_801, %exp3A_784 : vector<16xf32>
        %swap3A_803 = arith.index_cast %add3A_592 : i32 to index
        %swap3A_804 = arith.constant 96 : index
        %swap3A_805 = tpu.vector_load %arg22[%swap3A_803, %swap3A_804] {strides = array<i32>} : memref<48x128xf32, #tpu.memory_space<vmem>>, vector<16xf32>,
        tpu.vector_store %arg22[%swap3A_803, %swap3A_804], %mul3A_802 {strides = array<i32>} : memref<48x128xf32, #tpu.memory_space<vmem>>, vector<16xf32>,
        %get3A_806 = arith.index_cast %add3A_592 : i32 to index
        %get3A_807 = arith.constant 112 : index
        %get3A_808 = tpu.vector_load %arg22[%get3A_806, %get3A_807] {strides = array<i32>} : memref<48x128xf32, #tpu.memory_space<vmem>>, vector<16xf32>,
        %mul3A_809 = arith.mulf %get3A_808, %exp3A_784 : vector<16xf32>
        %swap3A_810 = arith.index_cast %add3A_592 : i32 to index
        %swap3A_811 = arith.constant 112 : index
        %swap3A_812 = tpu.vector_load %arg22[%swap3A_810, %swap3A_811] {strides = array<i32>} : memref<48x128xf32, #tpu.memory_space<vmem>>, vector<16xf32>,
        tpu.vector_store %arg22[%swap3A_810, %swap3A_811], %mul3A_809 {strides = array<i32>} : memref<48x128xf32, #tpu.memory_space<vmem>>, vector<16xf32>,
        %eq3A_813 = arith.constant 0 : i32
        %eq3A_814 = vector.broadcast %eq3A_813 : i32 to vector<16xi32>
        %eq3A_815 = arith.cmpi eq, %iota3A_323, %eq3A_814 : vector<16xi32>
        %eq3A_816 = arith.constant 1 : i32
        %eq3A_817 = vector.broadcast %eq3A_816 : i32 to vector<16xi32>
        %eq3A_818 = arith.cmpi eq, %iota3A_323, %eq3A_817 : vector<16xi32>
        %select_n3A_819 = arith.select %eq3A_818, %exp3A_784, %broadcast_in_dim3A_328 : vector<16xi1>, vector<16xf32>
        %select_n3A_820 = arith.select %eq3A_815, %exp3A_674, %select_n3A_819 : vector<16xi1>, vector<16xf32>
        %add3A_821 = arith.constant 144 : i32
        %add3A_822 = arith.addi %add3A_821, %add3A_592 : i32
        %broadcast_in_dim3A_823 = vector.broadcast %add3A_822 : i32 to vector<16xi32>
        %gather3A_824 = tpu.vector_load_idx %arg9[%broadcast_in_dim3A_823] : memref<192xi32, #tpu.memory_space<vmem>>[vector<16xi32>], vector<16xi32>,
        %broadcast_in_dim3A_825 = vector.broadcast %add3A_592 : i32 to vector<16xi32>
        %gather3A_826 = tpu.vector_load_idx %arg20[%broadcast_in_dim3A_825] : memref<48xi32, #tpu.memory_space<vmem>>[vector<16xi32>], vector<16xi32>,
        %mul3A_827 = arith.constant 16 : i32
        %mul3A_828 = vector.broadcast %mul3A_827 : i32 to vector<16xi32>
        %mul3A_829 = arith.muli %gather3A_826, %mul3A_828 : vector<16xi32>
        %add3A_830 = arith.addi %mul3A_829, %iota3A_323 : vector<16xi32>
        tpu.vector_store_idx %arg26[%broadcast_in_dim3A_825, %add3A_830], %broadcast_in_dim3A_328 masked %lt3A_326 : memref<48x128xf32, #tpu.memory_space<vmem>>[vector<16xi32>, vector<16xi32>], vector<16xf32>, vector<16xi1>
        %mul3A_831 = arith.constant 16 : i32
        %mul3A_832 = vector.broadcast %mul3A_831 : i32 to vector<16xi32>
        %mul3A_833 = arith.muli %gather3A_824, %mul3A_832 : vector<16xi32>
        %add3A_834 = arith.addi %mul3A_833, %iota3A_323 : vector<16xi32>
        tpu.vector_store_idx %arg26[%broadcast_in_dim3A_825, %add3A_834], %select_n3A_820 masked %lt3A_326 : memref<48x128xf32, #tpu.memory_space<vmem>>[vector<16xi32>, vector<16xi32>], vector<16xf32>, vector<16xi1>
        %eq3A_835 = arith.constant 0 : i32
        %eq3A_836 = vector.broadcast %eq3A_835 : i32 to vector<16xi32>
        %eq3A_837 = arith.cmpi eq, %iota3A_323, %eq3A_836 : vector<16xi32>
        tpu.vector_store_idx %arg20[%broadcast_in_dim3A_825], %gather3A_824 masked %eq3A_837 : memref<48xi32, #tpu.memory_space<vmem>>[vector<16xi32>], vector<16xi32>, vector<16xi1>
      }
      %scan3A_334 = arith.constant 24 : i32
      %dma_start3A_335 = arith.constant 0 : i32
      %dma_start3A_336 = arith.constant 0 : i32
      %dma_start3A_337 = tpu.memref_slice %arg27[%dma_start3A_335, %dma_start3A_336] : memref<10112x128xf32, #tpu.memory_space<vmem_shared>> -> memref<10112x128xf32, #tpu.memory_space<vmem_shared>>
      tpu.enqueue_indirect_dma source(%arg22 : memref<48x128xf32, #tpu.memory_space<vmem>>) target(%dma_start3A_337 : memref<10112x128xf32, #tpu.memory_space<vmem_shared>>) offsets(%arg15 : memref<48xi32, #tpu.memory_space<vmem>>) semaphore(%arg34 : memref<!tpu.dma_semaphore, #tpu.memory_space<semaphore_mem>>) {add = true}
      %dma_start3A_338 = arith.constant 0 : i32
      %dma_start3A_339 = arith.constant 0 : i32
      %dma_start3A_340 = tpu.memref_slice %arg28[%dma_start3A_338, %dma_start3A_339] : memref<1280x128xf32, #tpu.memory_space<vmem_shared>> -> memref<1280x128xf32, #tpu.memory_space<vmem_shared>>
      tpu.enqueue_indirect_dma source(%arg26 : memref<48x128xf32, #tpu.memory_space<vmem>>) target(%dma_start3A_340 : memref<1280x128xf32, #tpu.memory_space<vmem_shared>>) offsets(%arg17 : memref<48xi32, #tpu.memory_space<vmem>>) semaphore(%arg36 : memref<!tpu.dma_semaphore, #tpu.memory_space<semaphore_mem>>) {add = true}
      %add3A_341 = arith.constant 2 : i32
      %add3A_342 = arith.addi %add3A_293, %add3A_341 : i32
      %lt3A_343 = arith.constant 224 : i32
      %lt3A_344 = arith.cmpi slt, %add3A_342, %lt3A_343 : i32
      %convert_element_type3A_345 = arith.extui %lt3A_344 : i1 to i32
      %cond3A_346 = arith.constant 0 : i32
      %cond3A_347 = arith.cmpi ne, %convert_element_type3A_345, %cond3A_346 : i32
      scf.if %cond3A_347 {
        %add3A_348 = arith.constant 2 : i32
        %add3A_349 = arith.addi %add3A_293, %add3A_348 : i32
        %add3A_350 = arith.addi %mul3A_6, %add3A_349 : i32
        %mul3A_351 = arith.constant 192 : i32
        %mul3A_352 = arith.muli %add3A_350, %mul3A_351 : i32
        %dma_start3A_353 = tpu.memref_slice %arg2[%mul3A_352] : memref<688128xi32, #tpu.memory_space<hbm>> -> memref<192xi32, #tpu.memory_space<hbm>>
        %dma_start3A_354 = tpu.memref_slice %arg2[%mul3A_352] : memref<688128xi32, #tpu.memory_space<hbm>> -> memref<192xi32, #tpu.memory_space<hbm>>
        tpu.enqueue_dma source(%dma_start3A_354 : memref<192xi32, #tpu.memory_space<hbm>>) target(%arg9 : memref<192xi32, #tpu.memory_space<vmem>>) target_semaphore(%arg38 : memref<!tpu.dma_semaphore, #tpu.memory_space<semaphore_mem>>)
      } else {
      }
    }
    %scan3A_142 = arith.constant 112 : i32
    %dma_wait3A = arith.constant 0 : i32
    %dma_wait3A_143 = arith.constant 0 : i32
    %dma_wait3A_144 = tpu.memref_slice %arg27[%dma_wait3A, %dma_wait3A_143] : memref<10112x128xf32, #tpu.memory_space<vmem_shared>> -> memref<10112x128xf32, #tpu.memory_space<vmem_shared>>
    tpu.wait_indirect_dma semaphore(%arg33 : memref<!tpu.dma_semaphore, #tpu.memory_space<semaphore_mem>>) src(%arg21 : memref<48x128xf32, #tpu.memory_space<vmem>>) dst(%dma_wait3A_144 : memref<10112x128xf32, #tpu.memory_space<vmem_shared>>)
    %dma_wait3A_145 = arith.constant 0 : i32
    %dma_wait3A_146 = arith.constant 0 : i32
    %dma_wait3A_147 = tpu.memref_slice %arg28[%dma_wait3A_145, %dma_wait3A_146] : memref<1280x128xf32, #tpu.memory_space<vmem_shared>> -> memref<1280x128xf32, #tpu.memory_space<vmem_shared>>
    tpu.wait_indirect_dma semaphore(%arg35 : memref<!tpu.dma_semaphore, #tpu.memory_space<semaphore_mem>>) src(%arg25 : memref<48x128xf32, #tpu.memory_space<vmem>>) dst(%dma_wait3A_147 : memref<1280x128xf32, #tpu.memory_space<vmem_shared>>)
    %dma_wait3A_148 = arith.constant 0 : i32
    %dma_wait3A_149 = arith.constant 0 : i32
    %dma_wait3A_150 = tpu.memref_slice %arg27[%dma_wait3A_148, %dma_wait3A_149] : memref<10112x128xf32, #tpu.memory_space<vmem_shared>> -> memref<10112x128xf32, #tpu.memory_space<vmem_shared>>
    tpu.wait_indirect_dma semaphore(%arg34 : memref<!tpu.dma_semaphore, #tpu.memory_space<semaphore_mem>>) src(%arg22 : memref<48x128xf32, #tpu.memory_space<vmem>>) dst(%dma_wait3A_150 : memref<10112x128xf32, #tpu.memory_space<vmem_shared>>)
    %dma_wait3A_151 = arith.constant 0 : i32
    %dma_wait3A_152 = arith.constant 0 : i32
    %dma_wait3A_153 = tpu.memref_slice %arg28[%dma_wait3A_151, %dma_wait3A_152] : memref<1280x128xf32, #tpu.memory_space<vmem_shared>> -> memref<1280x128xf32, #tpu.memory_space<vmem_shared>>
    tpu.wait_indirect_dma semaphore(%arg36 : memref<!tpu.dma_semaphore, #tpu.memory_space<semaphore_mem>>) src(%arg26 : memref<48x128xf32, #tpu.memory_space<vmem>>) dst(%dma_wait3A_153 : memref<1280x128xf32, #tpu.memory_space<vmem_shared>>)
    %barrier3A_154 = arith.constant 0 : index
    tpu.barrier barrier_id(%barrier3A_154)
    %add3A_155 = arith.constant 0 : i32
    %add3A_156 = arith.addi %mul3A_2, %add3A_155 : i32
    "tpu.region"() ({
      %run_scoped3A = tpu.sem_alloc : memref<!tpu.dma_semaphore, #tpu.memory_space<semaphore_mem>>
      %dma_start3A_235 = arith.constant 0 : i32
      %dma_start3A_236 = tpu.memref_slice %arg27[%add3A_156, %dma_start3A_235] : memref<10112x128xf32, #tpu.memory_space<vmem_shared>> -> memref<48x128xf32, #tpu.memory_space<vmem_shared>>
      %dma_start3A_237 = arith.constant 0 : i32
      %dma_start3A_238 = tpu.memref_slice %arg27[%add3A_156, %dma_start3A_237] : memref<10112x128xf32, #tpu.memory_space<vmem_shared>> -> memref<48x128xf32, #tpu.memory_space<vmem_shared>>
      tpu.enqueue_dma source(%dma_start3A_238 : memref<48x128xf32, #tpu.memory_space<vmem_shared>>) target(%arg21 : memref<48x128xf32, #tpu.memory_space<vmem>>) target_semaphore(%run_scoped3A : memref<!tpu.dma_semaphore, #tpu.memory_space<semaphore_mem>>)
      %dma_wait3A_239 = arith.constant 0 : i32
      %dma_wait3A_240 = tpu.memref_slice %arg27[%add3A_156, %dma_wait3A_239] : memref<10112x128xf32, #tpu.memory_space<vmem_shared>> -> memref<48x128xf32, #tpu.memory_space<vmem_shared>>
      %dma_wait3A_241 = arith.constant 0 : i32
      %dma_wait3A_242 = tpu.memref_slice %arg27[%add3A_156, %dma_wait3A_241] : memref<10112x128xf32, #tpu.memory_space<vmem_shared>> -> memref<48x128xf32, #tpu.memory_space<vmem_shared>>
      tpu.wait_dma2 semaphore(%run_scoped3A : memref<!tpu.dma_semaphore, #tpu.memory_space<semaphore_mem>>) src(%dma_wait3A_242 : memref<48x128xf32, #tpu.memory_space<vmem_shared>>) dst(%arg21 : memref<48x128xf32, #tpu.memory_space<vmem>>)
      tpu.yield
    }) : () -> ()
    %add3A_157 = arith.addi %mul3A_0, %mul3A_2 : i32
    %add3A_158 = arith.constant 0 : i32
    %add3A_159 = arith.addi %add3A_157, %add3A_158 : i32
    "tpu.region"() ({
      %run_scoped3A = tpu.sem_alloc : memref<!tpu.dma_semaphore, #tpu.memory_space<semaphore_mem>>
      %dma_start3A_235 = arith.constant 0 : i32
      %dma_start3A_236 = tpu.memref_slice %arg6[%add3A_159, %dma_start3A_235] : memref<20224x128xf32, #tpu.memory_space<hbm>> -> memref<48x128xf32, #tpu.memory_space<hbm>>
      %dma_start3A_237 = arith.constant 0 : i32
      %dma_start3A_238 = tpu.memref_slice %arg6[%add3A_159, %dma_start3A_237] : memref<20224x128xf32, #tpu.memory_space<hbm>> -> memref<48x128xf32, #tpu.memory_space<hbm>>
      tpu.enqueue_dma source(%arg21 : memref<48x128xf32, #tpu.memory_space<vmem>>) target(%dma_start3A_238 : memref<48x128xf32, #tpu.memory_space<hbm>>) target_semaphore(%run_scoped3A : memref<!tpu.dma_semaphore, #tpu.memory_space<semaphore_mem>>)
      %dma_wait3A_239 = arith.constant 0 : i32
      %dma_wait3A_240 = tpu.memref_slice %arg6[%add3A_159, %dma_wait3A_239] : memref<20224x128xf32, #tpu.memory_space<hbm>> -> memref<48x128xf32, #tpu.memory_space<hbm>>
      %dma_wait3A_241 = arith.constant 0 : i32
      %dma_wait3A_242 = tpu.memref_slice %arg6[%add3A_159, %dma_wait3A_241] : memref<20224x128xf32, #tpu.memory_space<hbm>> -> memref<48x128xf32, #tpu.memory_space<hbm>>
      tpu.wait_dma2 semaphore(%run_scoped3A : memref<!tpu.dma_semaphore, #tpu.memory_space<semaphore_mem>>) src(%arg21 : memref<48x128xf32, #tpu.memory_space<vmem>>) dst(%dma_wait3A_242 : memref<48x128xf32, #tpu.memory_space<hbm>>)
      tpu.yield
    }) : () -> ()
    %add3A_160 = arith.constant 48 : i32
    %add3A_161 = arith.addi %mul3A_2, %add3A_160 : i32
    "tpu.region"() ({
      %run_scoped3A = tpu.sem_alloc : memref<!tpu.dma_semaphore, #tpu.memory_space<semaphore_mem>>
      %dma_start3A_235 = arith.constant 0 : i32
      %dma_start3A_236 = tpu.memref_slice %arg27[%add3A_161, %dma_start3A_235] : memref<10112x128xf32, #tpu.memory_space<vmem_shared>> -> memref<48x128xf32, #tpu.memory_space<vmem_shared>>
      %dma_start3A_237 = arith.constant 0 : i32
      %dma_start3A_238 = tpu.memref_slice %arg27[%add3A_161, %dma_start3A_237] : memref<10112x128xf32, #tpu.memory_space<vmem_shared>> -> memref<48x128xf32, #tpu.memory_space<vmem_shared>>
      tpu.enqueue_dma source(%dma_start3A_238 : memref<48x128xf32, #tpu.memory_space<vmem_shared>>) target(%arg21 : memref<48x128xf32, #tpu.memory_space<vmem>>) target_semaphore(%run_scoped3A : memref<!tpu.dma_semaphore, #tpu.memory_space<semaphore_mem>>)
      %dma_wait3A_239 = arith.constant 0 : i32
      %dma_wait3A_240 = tpu.memref_slice %arg27[%add3A_161, %dma_wait3A_239] : memref<10112x128xf32, #tpu.memory_space<vmem_shared>> -> memref<48x128xf32, #tpu.memory_space<vmem_shared>>
      %dma_wait3A_241 = arith.constant 0 : i32
      %dma_wait3A_242 = tpu.memref_slice %arg27[%add3A_161, %dma_wait3A_241] : memref<10112x128xf32, #tpu.memory_space<vmem_shared>> -> memref<48x128xf32, #tpu.memory_space<vmem_shared>>
      tpu.wait_dma2 semaphore(%run_scoped3A : memref<!tpu.dma_semaphore, #tpu.memory_space<semaphore_mem>>) src(%dma_wait3A_242 : memref<48x128xf32, #tpu.memory_space<vmem_shared>>) dst(%arg21 : memref<48x128xf32, #tpu.memory_space<vmem>>)
      tpu.yield
    }) : () -> ()
    %add3A_162 = arith.addi %mul3A_0, %mul3A_2 : i32
    %add3A_163 = arith.constant 48 : i32
    %add3A_164 = arith.addi %add3A_162, %add3A_163 : i32
    "tpu.region"() ({
      %run_scoped3A = tpu.sem_alloc : memref<!tpu.dma_semaphore, #tpu.memory_space<semaphore_mem>>
      %dma_start3A_235 = arith.constant 0 : i32
      %dma_start3A_236 = tpu.memref_slice %arg6[%add3A_164, %dma_start3A_235] : memref<20224x128xf32, #tpu.memory_space<hbm>> -> memref<48x128xf32, #tpu.memory_space<hbm>>
      %dma_start3A_237 = arith.constant 0 : i32
      %dma_start3A_238 = tpu.memref_slice %arg6[%add3A_164, %dma_start3A_237] : memref<20224x128xf32, #tpu.memory_space<hbm>> -> memref<48x128xf32, #tpu.memory_space<hbm>>
      tpu.enqueue_dma source(%arg21 : memref<48x128xf32, #tpu.memory_space<vmem>>) target(%dma_start3A_238 : memref<48x128xf32, #tpu.memory_space<hbm>>) target_semaphore(%run_scoped3A : memref<!tpu.dma_semaphore, #tpu.memory_space<semaphore_mem>>)
      %dma_wait3A_239 = arith.constant 0 : i32
      %dma_wait3A_240 = tpu.memref_slice %arg6[%add3A_164, %dma_wait3A_239] : memref<20224x128xf32, #tpu.memory_space<hbm>> -> memref<48x128xf32, #tpu.memory_space<hbm>>
      %dma_wait3A_241 = arith.constant 0 : i32
      %dma_wait3A_242 = tpu.memref_slice %arg6[%add3A_164, %dma_wait3A_241] : memref<20224x128xf32, #tpu.memory_space<hbm>> -> memref<48x128xf32, #tpu.memory_space<hbm>>
      tpu.wait_dma2 semaphore(%run_scoped3A : memref<!tpu.dma_semaphore, #tpu.memory_space<semaphore_mem>>) src(%arg21 : memref<48x128xf32, #tpu.memory_space<vmem>>) dst(%dma_wait3A_242 : memref<48x128xf32, #tpu.memory_space<hbm>>)
      tpu.yield
    }) : () -> ()
    %add3A_165 = arith.constant 96 : i32
    %add3A_166 = arith.addi %mul3A_2, %add3A_165 : i32
    "tpu.region"() ({
      %run_scoped3A = tpu.sem_alloc : memref<!tpu.dma_semaphore, #tpu.memory_space<semaphore_mem>>
      %dma_start3A_235 = arith.constant 0 : i32
      %dma_start3A_236 = tpu.memref_slice %arg27[%add3A_166, %dma_start3A_235] : memref<10112x128xf32, #tpu.memory_space<vmem_shared>> -> memref<48x128xf32, #tpu.memory_space<vmem_shared>>
      %dma_start3A_237 = arith.constant 0 : i32
      %dma_start3A_238 = tpu.memref_slice %arg27[%add3A_166, %dma_start3A_237] : memref<10112x128xf32, #tpu.memory_space<vmem_shared>> -> memref<48x128xf32, #tpu.memory_space<vmem_shared>>
      tpu.enqueue_dma source(%dma_start3A_238 : memref<48x128xf32, #tpu.memory_space<vmem_shared>>) target(%arg21 : memref<48x128xf32, #tpu.memory_space<vmem>>) target_semaphore(%run_scoped3A : memref<!tpu.dma_semaphore, #tpu.memory_space<semaphore_mem>>)
      %dma_wait3A_239 = arith.constant 0 : i32
      %dma_wait3A_240 = tpu.memref_slice %arg27[%add3A_166, %dma_wait3A_239] : memref<10112x128xf32, #tpu.memory_space<vmem_shared>> -> memref<48x128xf32, #tpu.memory_space<vmem_shared>>
      %dma_wait3A_241 = arith.constant 0 : i32
      %dma_wait3A_242 = tpu.memref_slice %arg27[%add3A_166, %dma_wait3A_241] : memref<10112x128xf32, #tpu.memory_space<vmem_shared>> -> memref<48x128xf32, #tpu.memory_space<vmem_shared>>
      tpu.wait_dma2 semaphore(%run_scoped3A : memref<!tpu.dma_semaphore, #tpu.memory_space<semaphore_mem>>) src(%dma_wait3A_242 : memref<48x128xf32, #tpu.memory_space<vmem_shared>>) dst(%arg21 : memref<48x128xf32, #tpu.memory_space<vmem>>)
      tpu.yield
    }) : () -> ()
    %add3A_167 = arith.addi %mul3A_0, %mul3A_2 : i32
    %add3A_168 = arith.constant 96 : i32
    %add3A_169 = arith.addi %add3A_167, %add3A_168 : i32
    "tpu.region"() ({
      %run_scoped3A = tpu.sem_alloc : memref<!tpu.dma_semaphore, #tpu.memory_space<semaphore_mem>>
      %dma_start3A_235 = arith.constant 0 : i32
      %dma_start3A_236 = tpu.memref_slice %arg6[%add3A_169, %dma_start3A_235] : memref<20224x128xf32, #tpu.memory_space<hbm>> -> memref<48x128xf32, #tpu.memory_space<hbm>>
      %dma_start3A_237 = arith.constant 0 : i32
      %dma_start3A_238 = tpu.memref_slice %arg6[%add3A_169, %dma_start3A_237] : memref<20224x128xf32, #tpu.memory_space<hbm>> -> memref<48x128xf32, #tpu.memory_space<hbm>>
      tpu.enqueue_dma source(%arg21 : memref<48x128xf32, #tpu.memory_space<vmem>>) target(%dma_start3A_238 : memref<48x128xf32, #tpu.memory_space<hbm>>) target_semaphore(%run_scoped3A : memref<!tpu.dma_semaphore, #tpu.memory_space<semaphore_mem>>)
      %dma_wait3A_239 = arith.constant 0 : i32
      %dma_wait3A_240 = tpu.memref_slice %arg6[%add3A_169, %dma_wait3A_239] : memref<20224x128xf32, #tpu.memory_space<hbm>> -> memref<48x128xf32, #tpu.memory_space<hbm>>
      %dma_wait3A_241 = arith.constant 0 : i32
      %dma_wait3A_242 = tpu.memref_slice %arg6[%add3A_169, %dma_wait3A_241] : memref<20224x128xf32, #tpu.memory_space<hbm>> -> memref<48x128xf32, #tpu.memory_space<hbm>>
      tpu.wait_dma2 semaphore(%run_scoped3A : memref<!tpu.dma_semaphore, #tpu.memory_space<semaphore_mem>>) src(%arg21 : memref<48x128xf32, #tpu.memory_space<vmem>>) dst(%dma_wait3A_242 : memref<48x128xf32, #tpu.memory_space<hbm>>)
      tpu.yield
    }) : () -> ()
    %add3A_170 = arith.constant 144 : i32
    %add3A_171 = arith.addi %mul3A_2, %add3A_170 : i32
    "tpu.region"() ({
      %run_scoped3A = tpu.sem_alloc : memref<!tpu.dma_semaphore, #tpu.memory_space<semaphore_mem>>
      %dma_start3A_235 = arith.constant 0 : i32
      %dma_start3A_236 = tpu.memref_slice %arg27[%add3A_171, %dma_start3A_235] : memref<10112x128xf32, #tpu.memory_space<vmem_shared>> -> memref<48x128xf32, #tpu.memory_space<vmem_shared>>
      %dma_start3A_237 = arith.constant 0 : i32
      %dma_start3A_238 = tpu.memref_slice %arg27[%add3A_171, %dma_start3A_237] : memref<10112x128xf32, #tpu.memory_space<vmem_shared>> -> memref<48x128xf32, #tpu.memory_space<vmem_shared>>
      tpu.enqueue_dma source(%dma_start3A_238 : memref<48x128xf32, #tpu.memory_space<vmem_shared>>) target(%arg21 : memref<48x128xf32, #tpu.memory_space<vmem>>) target_semaphore(%run_scoped3A : memref<!tpu.dma_semaphore, #tpu.memory_space<semaphore_mem>>)
      %dma_wait3A_239 = arith.constant 0 : i32
      %dma_wait3A_240 = tpu.memref_slice %arg27[%add3A_171, %dma_wait3A_239] : memref<10112x128xf32, #tpu.memory_space<vmem_shared>> -> memref<48x128xf32, #tpu.memory_space<vmem_shared>>
      %dma_wait3A_241 = arith.constant 0 : i32
      %dma_wait3A_242 = tpu.memref_slice %arg27[%add3A_171, %dma_wait3A_241] : memref<10112x128xf32, #tpu.memory_space<vmem_shared>> -> memref<48x128xf32, #tpu.memory_space<vmem_shared>>
      tpu.wait_dma2 semaphore(%run_scoped3A : memref<!tpu.dma_semaphore, #tpu.memory_space<semaphore_mem>>) src(%dma_wait3A_242 : memref<48x128xf32, #tpu.memory_space<vmem_shared>>) dst(%arg21 : memref<48x128xf32, #tpu.memory_space<vmem>>)
      tpu.yield
    }) : () -> ()
    %add3A_172 = arith.addi %mul3A_0, %mul3A_2 : i32
    %add3A_173 = arith.constant 144 : i32
    %add3A_174 = arith.addi %add3A_172, %add3A_173 : i32
    "tpu.region"() ({
      %run_scoped3A = tpu.sem_alloc : memref<!tpu.dma_semaphore, #tpu.memory_space<semaphore_mem>>
      %dma_start3A_235 = arith.constant 0 : i32
      %dma_start3A_236 = tpu.memref_slice %arg6[%add3A_174, %dma_start3A_235] : memref<20224x128xf32, #tpu.memory_space<hbm>> -> memref<48x128xf32, #tpu.memory_space<hbm>>
      %dma_start3A_237 = arith.constant 0 : i32
      %dma_start3A_238 = tpu.memref_slice %arg6[%add3A_174, %dma_start3A_237] : memref<20224x128xf32, #tpu.memory_space<hbm>> -> memref<48x128xf32, #tpu.memory_space<hbm>>
      tpu.enqueue_dma source(%arg21 : memref<48x128xf32, #tpu.memory_space<vmem>>) target(%dma_start3A_238 : memref<48x128xf32, #tpu.memory_space<hbm>>) target_semaphore(%run_scoped3A : memref<!tpu.dma_semaphore, #tpu.memory_space<semaphore_mem>>)
      %dma_wait3A_239 = arith.constant 0 : i32
      %dma_wait3A_240 = tpu.memref_slice %arg6[%add3A_174, %dma_wait3A_239] : memref<20224x128xf32, #tpu.memory_space<hbm>> -> memref<48x128xf32, #tpu.memory_space<hbm>>
      %dma_wait3A_241 = arith.constant 0 : i32
      %dma_wait3A_242 = tpu.memref_slice %arg6[%add3A_174, %dma_wait3A_241] : memref<20224x128xf32, #tpu.memory_space<hbm>> -> memref<48x128xf32, #tpu.memory_space<hbm>>
      tpu.wait_dma2 semaphore(%run_scoped3A : memref<!tpu.dma_semaphore, #tpu.memory_space<semaphore_mem>>) src(%arg21 : memref<48x128xf32, #tpu.memory_space<vmem>>) dst(%dma_wait3A_242 : memref<48x128xf32, #tpu.memory_space<hbm>>)
      tpu.yield
    }) : () -> ()
    %add3A_175 = arith.constant 192 : i32
    %add3A_176 = arith.addi %mul3A_2, %add3A_175 : i32
    "tpu.region"() ({
      %run_scoped3A = tpu.sem_alloc : memref<!tpu.dma_semaphore, #tpu.memory_space<semaphore_mem>>
      %dma_start3A_235 = arith.constant 0 : i32
      %dma_start3A_236 = tpu.memref_slice %arg27[%add3A_176, %dma_start3A_235] : memref<10112x128xf32, #tpu.memory_space<vmem_shared>> -> memref<48x128xf32, #tpu.memory_space<vmem_shared>>
      %dma_start3A_237 = arith.constant 0 : i32
      %dma_start3A_238 = tpu.memref_slice %arg27[%add3A_176, %dma_start3A_237] : memref<10112x128xf32, #tpu.memory_space<vmem_shared>> -> memref<48x128xf32, #tpu.memory_space<vmem_shared>>
      tpu.enqueue_dma source(%dma_start3A_238 : memref<48x128xf32, #tpu.memory_space<vmem_shared>>) target(%arg21 : memref<48x128xf32, #tpu.memory_space<vmem>>) target_semaphore(%run_scoped3A : memref<!tpu.dma_semaphore, #tpu.memory_space<semaphore_mem>>)
      %dma_wait3A_239 = arith.constant 0 : i32
      %dma_wait3A_240 = tpu.memref_slice %arg27[%add3A_176, %dma_wait3A_239] : memref<10112x128xf32, #tpu.memory_space<vmem_shared>> -> memref<48x128xf32, #tpu.memory_space<vmem_shared>>
      %dma_wait3A_241 = arith.constant 0 : i32
      %dma_wait3A_242 = tpu.memref_slice %arg27[%add3A_176, %dma_wait3A_241] : memref<10112x128xf32, #tpu.memory_space<vmem_shared>> -> memref<48x128xf32, #tpu.memory_space<vmem_shared>>
      tpu.wait_dma2 semaphore(%run_scoped3A : memref<!tpu.dma_semaphore, #tpu.memory_space<semaphore_mem>>) src(%dma_wait3A_242 : memref<48x128xf32, #tpu.memory_space<vmem_shared>>) dst(%arg21 : memref<48x128xf32, #tpu.memory_space<vmem>>)
      tpu.yield
    }) : () -> ()
    %add3A_177 = arith.addi %mul3A_0, %mul3A_2 : i32
    %add3A_178 = arith.constant 192 : i32
    %add3A_179 = arith.addi %add3A_177, %add3A_178 : i32
    "tpu.region"() ({
      %run_scoped3A = tpu.sem_alloc : memref<!tpu.dma_semaphore, #tpu.memory_space<semaphore_mem>>
      %dma_start3A_235 = arith.constant 0 : i32
      %dma_start3A_236 = tpu.memref_slice %arg6[%add3A_179, %dma_start3A_235] : memref<20224x128xf32, #tpu.memory_space<hbm>> -> memref<48x128xf32, #tpu.memory_space<hbm>>
      %dma_start3A_237 = arith.constant 0 : i32
      %dma_start3A_238 = tpu.memref_slice %arg6[%add3A_179, %dma_start3A_237] : memref<20224x128xf32, #tpu.memory_space<hbm>> -> memref<48x128xf32, #tpu.memory_space<hbm>>
      tpu.enqueue_dma source(%arg21 : memref<48x128xf32, #tpu.memory_space<vmem>>) target(%dma_start3A_238 : memref<48x128xf32, #tpu.memory_space<hbm>>) target_semaphore(%run_scoped3A : memref<!tpu.dma_semaphore, #tpu.memory_space<semaphore_mem>>)
      %dma_wait3A_239 = arith.constant 0 : i32
      %dma_wait3A_240 = tpu.memref_slice %arg6[%add3A_179, %dma_wait3A_239] : memref<20224x128xf32, #tpu.memory_space<hbm>> -> memref<48x128xf32, #tpu.memory_space<hbm>>
      %dma_wait3A_241 = arith.constant 0 : i32
      %dma_wait3A_242 = tpu.memref_slice %arg6[%add3A_179, %dma_wait3A_241] : memref<20224x128xf32, #tpu.memory_space<hbm>> -> memref<48x128xf32, #tpu.memory_space<hbm>>
      tpu.wait_dma2 semaphore(%run_scoped3A : memref<!tpu.dma_semaphore, #tpu.memory_space<semaphore_mem>>) src(%arg21 : memref<48x128xf32, #tpu.memory_space<vmem>>) dst(%dma_wait3A_242 : memref<48x128xf32, #tpu.memory_space<hbm>>)
      tpu.yield
    }) : () -> ()
    %add3A_180 = arith.constant 240 : i32
    %add3A_181 = arith.addi %mul3A_2, %add3A_180 : i32
    "tpu.region"() ({
      %run_scoped3A = tpu.sem_alloc : memref<!tpu.dma_semaphore, #tpu.memory_space<semaphore_mem>>
      %dma_start3A_235 = arith.constant 0 : i32
      %dma_start3A_236 = tpu.memref_slice %arg27[%add3A_181, %dma_start3A_235] : memref<10112x128xf32, #tpu.memory_space<vmem_shared>> -> memref<48x128xf32, #tpu.memory_space<vmem_shared>>
      %dma_start3A_237 = arith.constant 0 : i32
      %dma_start3A_238 = tpu.memref_slice %arg27[%add3A_181, %dma_start3A_237] : memref<10112x128xf32, #tpu.memory_space<vmem_shared>> -> memref<48x128xf32, #tpu.memory_space<vmem_shared>>
      tpu.enqueue_dma source(%dma_start3A_238 : memref<48x128xf32, #tpu.memory_space<vmem_shared>>) target(%arg21 : memref<48x128xf32, #tpu.memory_space<vmem>>) target_semaphore(%run_scoped3A : memref<!tpu.dma_semaphore, #tpu.memory_space<semaphore_mem>>)
      %dma_wait3A_239 = arith.constant 0 : i32
      %dma_wait3A_240 = tpu.memref_slice %arg27[%add3A_181, %dma_wait3A_239] : memref<10112x128xf32, #tpu.memory_space<vmem_shared>> -> memref<48x128xf32, #tpu.memory_space<vmem_shared>>
      %dma_wait3A_241 = arith.constant 0 : i32
      %dma_wait3A_242 = tpu.memref_slice %arg27[%add3A_181, %dma_wait3A_241] : memref<10112x128xf32, #tpu.memory_space<vmem_shared>> -> memref<48x128xf32, #tpu.memory_space<vmem_shared>>
      tpu.wait_dma2 semaphore(%run_scoped3A : memref<!tpu.dma_semaphore, #tpu.memory_space<semaphore_mem>>) src(%dma_wait3A_242 : memref<48x128xf32, #tpu.memory_space<vmem_shared>>) dst(%arg21 : memref<48x128xf32, #tpu.memory_space<vmem>>)
      tpu.yield
    }) : () -> ()
    %add3A_182 = arith.addi %mul3A_0, %mul3A_2 : i32
    %add3A_183 = arith.constant 240 : i32
    %add3A_184 = arith.addi %add3A_182, %add3A_183 : i32
    "tpu.region"() ({
      %run_scoped3A = tpu.sem_alloc : memref<!tpu.dma_semaphore, #tpu.memory_space<semaphore_mem>>
      %dma_start3A_235 = arith.constant 0 : i32
      %dma_start3A_236 = tpu.memref_slice %arg6[%add3A_184, %dma_start3A_235] : memref<20224x128xf32, #tpu.memory_space<hbm>> -> memref<48x128xf32, #tpu.memory_space<hbm>>
      %dma_start3A_237 = arith.constant 0 : i32
      %dma_start3A_238 = tpu.memref_slice %arg6[%add3A_184, %dma_start3A_237] : memref<20224x128xf32, #tpu.memory_space<hbm>> -> memref<48x128xf32, #tpu.memory_space<hbm>>
      tpu.enqueue_dma source(%arg21 : memref<48x128xf32, #tpu.memory_space<vmem>>) target(%dma_start3A_238 : memref<48x128xf32, #tpu.memory_space<hbm>>) target_semaphore(%run_scoped3A : memref<!tpu.dma_semaphore, #tpu.memory_space<semaphore_mem>>)
      %dma_wait3A_239 = arith.constant 0 : i32
      %dma_wait3A_240 = tpu.memref_slice %arg6[%add3A_184, %dma_wait3A_239] : memref<20224x128xf32, #tpu.memory_space<hbm>> -> memref<48x128xf32, #tpu.memory_space<hbm>>
      %dma_wait3A_241 = arith.constant 0 : i32
      %dma_wait3A_242 = tpu.memref_slice %arg6[%add3A_184, %dma_wait3A_241] : memref<20224x128xf32, #tpu.memory_space<hbm>> -> memref<48x128xf32, #tpu.memory_space<hbm>>
      tpu.wait_dma2 semaphore(%run_scoped3A : memref<!tpu.dma_semaphore, #tpu.memory_space<semaphore_mem>>) src(%arg21 : memref<48x128xf32, #tpu.memory_space<vmem>>) dst(%dma_wait3A_242 : memref<48x128xf32, #tpu.memory_space<hbm>>)
      tpu.yield
    }) : () -> ()
    %add3A_185 = arith.constant 288 : i32
    %add3A_186 = arith.addi %mul3A_2, %add3A_185 : i32
    "tpu.region"() ({
      %run_scoped3A = tpu.sem_alloc : memref<!tpu.dma_semaphore, #tpu.memory_space<semaphore_mem>>
      %dma_start3A_235 = arith.constant 0 : i32
      %dma_start3A_236 = tpu.memref_slice %arg27[%add3A_186, %dma_start3A_235] : memref<10112x128xf32, #tpu.memory_space<vmem_shared>> -> memref<48x128xf32, #tpu.memory_space<vmem_shared>>
      %dma_start3A_237 = arith.constant 0 : i32
      %dma_start3A_238 = tpu.memref_slice %arg27[%add3A_186, %dma_start3A_237] : memref<10112x128xf32, #tpu.memory_space<vmem_shared>> -> memref<48x128xf32, #tpu.memory_space<vmem_shared>>
      tpu.enqueue_dma source(%dma_start3A_238 : memref<48x128xf32, #tpu.memory_space<vmem_shared>>) target(%arg21 : memref<48x128xf32, #tpu.memory_space<vmem>>) target_semaphore(%run_scoped3A : memref<!tpu.dma_semaphore, #tpu.memory_space<semaphore_mem>>)
      %dma_wait3A_239 = arith.constant 0 : i32
      %dma_wait3A_240 = tpu.memref_slice %arg27[%add3A_186, %dma_wait3A_239] : memref<10112x128xf32, #tpu.memory_space<vmem_shared>> -> memref<48x128xf32, #tpu.memory_space<vmem_shared>>
      %dma_wait3A_241 = arith.constant 0 : i32
      %dma_wait3A_242 = tpu.memref_slice %arg27[%add3A_186, %dma_wait3A_241] : memref<10112x128xf32, #tpu.memory_space<vmem_shared>> -> memref<48x128xf32, #tpu.memory_space<vmem_shared>>
      tpu.wait_dma2 semaphore(%run_scoped3A : memref<!tpu.dma_semaphore, #tpu.memory_space<semaphore_mem>>) src(%dma_wait3A_242 : memref<48x128xf32, #tpu.memory_space<vmem_shared>>) dst(%arg21 : memref<48x128xf32, #tpu.memory_space<vmem>>)
      tpu.yield
    }) : () -> ()
    %add3A_187 = arith.addi %mul3A_0, %mul3A_2 : i32
    %add3A_188 = arith.constant 288 : i32
    %add3A_189 = arith.addi %add3A_187, %add3A_188 : i32
    "tpu.region"() ({
      %run_scoped3A = tpu.sem_alloc : memref<!tpu.dma_semaphore, #tpu.memory_space<semaphore_mem>>
      %dma_start3A_235 = arith.constant 0 : i32
      %dma_start3A_236 = tpu.memref_slice %arg6[%add3A_189, %dma_start3A_235] : memref<20224x128xf32, #tpu.memory_space<hbm>> -> memref<48x128xf32, #tpu.memory_space<hbm>>
      %dma_start3A_237 = arith.constant 0 : i32
      %dma_start3A_238 = tpu.memref_slice %arg6[%add3A_189, %dma_start3A_237] : memref<20224x128xf32, #tpu.memory_space<hbm>> -> memref<48x128xf32, #tpu.memory_space<hbm>>
      tpu.enqueue_dma source(%arg21 : memref<48x128xf32, #tpu.memory_space<vmem>>) target(%dma_start3A_238 : memref<48x128xf32, #tpu.memory_space<hbm>>) target_semaphore(%run_scoped3A : memref<!tpu.dma_semaphore, #tpu.memory_space<semaphore_mem>>)
      %dma_wait3A_239 = arith.constant 0 : i32
      %dma_wait3A_240 = tpu.memref_slice %arg6[%add3A_189, %dma_wait3A_239] : memref<20224x128xf32, #tpu.memory_space<hbm>> -> memref<48x128xf32, #tpu.memory_space<hbm>>
      %dma_wait3A_241 = arith.constant 0 : i32
      %dma_wait3A_242 = tpu.memref_slice %arg6[%add3A_189, %dma_wait3A_241] : memref<20224x128xf32, #tpu.memory_space<hbm>> -> memref<48x128xf32, #tpu.memory_space<hbm>>
      tpu.wait_dma2 semaphore(%run_scoped3A : memref<!tpu.dma_semaphore, #tpu.memory_space<semaphore_mem>>) src(%arg21 : memref<48x128xf32, #tpu.memory_space<vmem>>) dst(%dma_wait3A_242 : memref<48x128xf32, #tpu.memory_space<hbm>>)
      tpu.yield
    }) : () -> ()
    %add3A_190 = arith.constant 336 : i32
    %add3A_191 = arith.addi %mul3A_2, %add3A_190 : i32
    "tpu.region"() ({
      %run_scoped3A = tpu.sem_alloc : memref<!tpu.dma_semaphore, #tpu.memory_space<semaphore_mem>>
      %dma_start3A_235 = arith.constant 0 : i32
      %dma_start3A_236 = tpu.memref_slice %arg27[%add3A_191, %dma_start3A_235] : memref<10112x128xf32, #tpu.memory_space<vmem_shared>> -> memref<48x128xf32, #tpu.memory_space<vmem_shared>>
      %dma_start3A_237 = arith.constant 0 : i32
      %dma_start3A_238 = tpu.memref_slice %arg27[%add3A_191, %dma_start3A_237] : memref<10112x128xf32, #tpu.memory_space<vmem_shared>> -> memref<48x128xf32, #tpu.memory_space<vmem_shared>>
      tpu.enqueue_dma source(%dma_start3A_238 : memref<48x128xf32, #tpu.memory_space<vmem_shared>>) target(%arg21 : memref<48x128xf32, #tpu.memory_space<vmem>>) target_semaphore(%run_scoped3A : memref<!tpu.dma_semaphore, #tpu.memory_space<semaphore_mem>>)
      %dma_wait3A_239 = arith.constant 0 : i32
      %dma_wait3A_240 = tpu.memref_slice %arg27[%add3A_191, %dma_wait3A_239] : memref<10112x128xf32, #tpu.memory_space<vmem_shared>> -> memref<48x128xf32, #tpu.memory_space<vmem_shared>>
      %dma_wait3A_241 = arith.constant 0 : i32
      %dma_wait3A_242 = tpu.memref_slice %arg27[%add3A_191, %dma_wait3A_241] : memref<10112x128xf32, #tpu.memory_space<vmem_shared>> -> memref<48x128xf32, #tpu.memory_space<vmem_shared>>
      tpu.wait_dma2 semaphore(%run_scoped3A : memref<!tpu.dma_semaphore, #tpu.memory_space<semaphore_mem>>) src(%dma_wait3A_242 : memref<48x128xf32, #tpu.memory_space<vmem_shared>>) dst(%arg21 : memref<48x128xf32, #tpu.memory_space<vmem>>)
      tpu.yield
    }) : () -> ()
    %add3A_192 = arith.addi %mul3A_0, %mul3A_2 : i32
    %add3A_193 = arith.constant 336 : i32
    %add3A_194 = arith.addi %add3A_192, %add3A_193 : i32
    "tpu.region"() ({
      %run_scoped3A = tpu.sem_alloc : memref<!tpu.dma_semaphore, #tpu.memory_space<semaphore_mem>>
      %dma_start3A_235 = arith.constant 0 : i32
      %dma_start3A_236 = tpu.memref_slice %arg6[%add3A_194, %dma_start3A_235] : memref<20224x128xf32, #tpu.memory_space<hbm>> -> memref<48x128xf32, #tpu.memory_space<hbm>>
      %dma_start3A_237 = arith.constant 0 : i32
      %dma_start3A_238 = tpu.memref_slice %arg6[%add3A_194, %dma_start3A_237] : memref<20224x128xf32, #tpu.memory_space<hbm>> -> memref<48x128xf32, #tpu.memory_space<hbm>>
      tpu.enqueue_dma source(%arg21 : memref<48x128xf32, #tpu.memory_space<vmem>>) target(%dma_start3A_238 : memref<48x128xf32, #tpu.memory_space<hbm>>) target_semaphore(%run_scoped3A : memref<!tpu.dma_semaphore, #tpu.memory_space<semaphore_mem>>)
      %dma_wait3A_239 = arith.constant 0 : i32
      %dma_wait3A_240 = tpu.memref_slice %arg6[%add3A_194, %dma_wait3A_239] : memref<20224x128xf32, #tpu.memory_space<hbm>> -> memref<48x128xf32, #tpu.memory_space<hbm>>
      %dma_wait3A_241 = arith.constant 0 : i32
      %dma_wait3A_242 = tpu.memref_slice %arg6[%add3A_194, %dma_wait3A_241] : memref<20224x128xf32, #tpu.memory_space<hbm>> -> memref<48x128xf32, #tpu.memory_space<hbm>>
      tpu.wait_dma2 semaphore(%run_scoped3A : memref<!tpu.dma_semaphore, #tpu.memory_space<semaphore_mem>>) src(%arg21 : memref<48x128xf32, #tpu.memory_space<vmem>>) dst(%dma_wait3A_242 : memref<48x128xf32, #tpu.memory_space<hbm>>)
      tpu.yield
    }) : () -> ()
    %add3A_195 = arith.constant 384 : i32
    %add3A_196 = arith.addi %mul3A_2, %add3A_195 : i32
    "tpu.region"() ({
      %run_scoped3A = tpu.sem_alloc : memref<!tpu.dma_semaphore, #tpu.memory_space<semaphore_mem>>
      %dma_start3A_235 = arith.constant 0 : i32
      %dma_start3A_236 = tpu.memref_slice %arg27[%add3A_196, %dma_start3A_235] : memref<10112x128xf32, #tpu.memory_space<vmem_shared>> -> memref<48x128xf32, #tpu.memory_space<vmem_shared>>
      %dma_start3A_237 = arith.constant 0 : i32
      %dma_start3A_238 = tpu.memref_slice %arg27[%add3A_196, %dma_start3A_237] : memref<10112x128xf32, #tpu.memory_space<vmem_shared>> -> memref<48x128xf32, #tpu.memory_space<vmem_shared>>
      tpu.enqueue_dma source(%dma_start3A_238 : memref<48x128xf32, #tpu.memory_space<vmem_shared>>) target(%arg21 : memref<48x128xf32, #tpu.memory_space<vmem>>) target_semaphore(%run_scoped3A : memref<!tpu.dma_semaphore, #tpu.memory_space<semaphore_mem>>)
      %dma_wait3A_239 = arith.constant 0 : i32
      %dma_wait3A_240 = tpu.memref_slice %arg27[%add3A_196, %dma_wait3A_239] : memref<10112x128xf32, #tpu.memory_space<vmem_shared>> -> memref<48x128xf32, #tpu.memory_space<vmem_shared>>
      %dma_wait3A_241 = arith.constant 0 : i32
      %dma_wait3A_242 = tpu.memref_slice %arg27[%add3A_196, %dma_wait3A_241] : memref<10112x128xf32, #tpu.memory_space<vmem_shared>> -> memref<48x128xf32, #tpu.memory_space<vmem_shared>>
      tpu.wait_dma2 semaphore(%run_scoped3A : memref<!tpu.dma_semaphore, #tpu.memory_space<semaphore_mem>>) src(%dma_wait3A_242 : memref<48x128xf32, #tpu.memory_space<vmem_shared>>) dst(%arg21 : memref<48x128xf32, #tpu.memory_space<vmem>>)
      tpu.yield
    }) : () -> ()
    %add3A_197 = arith.addi %mul3A_0, %mul3A_2 : i32
    %add3A_198 = arith.constant 384 : i32
    %add3A_199 = arith.addi %add3A_197, %add3A_198 : i32
    "tpu.region"() ({
      %run_scoped3A = tpu.sem_alloc : memref<!tpu.dma_semaphore, #tpu.memory_space<semaphore_mem>>
      %dma_start3A_235 = arith.constant 0 : i32
      %dma_start3A_236 = tpu.memref_slice %arg6[%add3A_199, %dma_start3A_235] : memref<20224x128xf32, #tpu.memory_space<hbm>> -> memref<48x128xf32, #tpu.memory_space<hbm>>
      %dma_start3A_237 = arith.constant 0 : i32
      %dma_start3A_238 = tpu.memref_slice %arg6[%add3A_199, %dma_start3A_237] : memref<20224x128xf32, #tpu.memory_space<hbm>> -> memref<48x128xf32, #tpu.memory_space<hbm>>
      tpu.enqueue_dma source(%arg21 : memref<48x128xf32, #tpu.memory_space<vmem>>) target(%dma_start3A_238 : memref<48x128xf32, #tpu.memory_space<hbm>>) target_semaphore(%run_scoped3A : memref<!tpu.dma_semaphore, #tpu.memory_space<semaphore_mem>>)
      %dma_wait3A_239 = arith.constant 0 : i32
      %dma_wait3A_240 = tpu.memref_slice %arg6[%add3A_199, %dma_wait3A_239] : memref<20224x128xf32, #tpu.memory_space<hbm>> -> memref<48x128xf32, #tpu.memory_space<hbm>>
      %dma_wait3A_241 = arith.constant 0 : i32
      %dma_wait3A_242 = tpu.memref_slice %arg6[%add3A_199, %dma_wait3A_241] : memref<20224x128xf32, #tpu.memory_space<hbm>> -> memref<48x128xf32, #tpu.memory_space<hbm>>
      tpu.wait_dma2 semaphore(%run_scoped3A : memref<!tpu.dma_semaphore, #tpu.memory_space<semaphore_mem>>) src(%arg21 : memref<48x128xf32, #tpu.memory_space<vmem>>) dst(%dma_wait3A_242 : memref<48x128xf32, #tpu.memory_space<hbm>>)
      tpu.yield
    }) : () -> ()
    %add3A_200 = arith.constant 432 : i32
    %add3A_201 = arith.addi %mul3A_2, %add3A_200 : i32
    "tpu.region"() ({
      %run_scoped3A = tpu.sem_alloc : memref<!tpu.dma_semaphore, #tpu.memory_space<semaphore_mem>>
      %dma_start3A_235 = arith.constant 0 : i32
      %dma_start3A_236 = tpu.memref_slice %arg27[%add3A_201, %dma_start3A_235] : memref<10112x128xf32, #tpu.memory_space<vmem_shared>> -> memref<48x128xf32, #tpu.memory_space<vmem_shared>>
      %dma_start3A_237 = arith.constant 0 : i32
      %dma_start3A_238 = tpu.memref_slice %arg27[%add3A_201, %dma_start3A_237] : memref<10112x128xf32, #tpu.memory_space<vmem_shared>> -> memref<48x128xf32, #tpu.memory_space<vmem_shared>>
      tpu.enqueue_dma source(%dma_start3A_238 : memref<48x128xf32, #tpu.memory_space<vmem_shared>>) target(%arg21 : memref<48x128xf32, #tpu.memory_space<vmem>>) target_semaphore(%run_scoped3A : memref<!tpu.dma_semaphore, #tpu.memory_space<semaphore_mem>>)
      %dma_wait3A_239 = arith.constant 0 : i32
      %dma_wait3A_240 = tpu.memref_slice %arg27[%add3A_201, %dma_wait3A_239] : memref<10112x128xf32, #tpu.memory_space<vmem_shared>> -> memref<48x128xf32, #tpu.memory_space<vmem_shared>>
      %dma_wait3A_241 = arith.constant 0 : i32
      %dma_wait3A_242 = tpu.memref_slice %arg27[%add3A_201, %dma_wait3A_241] : memref<10112x128xf32, #tpu.memory_space<vmem_shared>> -> memref<48x128xf32, #tpu.memory_space<vmem_shared>>
      tpu.wait_dma2 semaphore(%run_scoped3A : memref<!tpu.dma_semaphore, #tpu.memory_space<semaphore_mem>>) src(%dma_wait3A_242 : memref<48x128xf32, #tpu.memory_space<vmem_shared>>) dst(%arg21 : memref<48x128xf32, #tpu.memory_space<vmem>>)
      tpu.yield
    }) : () -> ()
    %add3A_202 = arith.addi %mul3A_0, %mul3A_2 : i32
    %add3A_203 = arith.constant 432 : i32
    %add3A_204 = arith.addi %add3A_202, %add3A_203 : i32
    "tpu.region"() ({
      %run_scoped3A = tpu.sem_alloc : memref<!tpu.dma_semaphore, #tpu.memory_space<semaphore_mem>>
      %dma_start3A_235 = arith.constant 0 : i32
      %dma_start3A_236 = tpu.memref_slice %arg6[%add3A_204, %dma_start3A_235] : memref<20224x128xf32, #tpu.memory_space<hbm>> -> memref<48x128xf32, #tpu.memory_space<hbm>>
      %dma_start3A_237 = arith.constant 0 : i32
      %dma_start3A_238 = tpu.memref_slice %arg6[%add3A_204, %dma_start3A_237] : memref<20224x128xf32, #tpu.memory_space<hbm>> -> memref<48x128xf32, #tpu.memory_space<hbm>>
      tpu.enqueue_dma source(%arg21 : memref<48x128xf32, #tpu.memory_space<vmem>>) target(%dma_start3A_238 : memref<48x128xf32, #tpu.memory_space<hbm>>) target_semaphore(%run_scoped3A : memref<!tpu.dma_semaphore, #tpu.memory_space<semaphore_mem>>)
      %dma_wait3A_239 = arith.constant 0 : i32
      %dma_wait3A_240 = tpu.memref_slice %arg6[%add3A_204, %dma_wait3A_239] : memref<20224x128xf32, #tpu.memory_space<hbm>> -> memref<48x128xf32, #tpu.memory_space<hbm>>
      %dma_wait3A_241 = arith.constant 0 : i32
      %dma_wait3A_242 = tpu.memref_slice %arg6[%add3A_204, %dma_wait3A_241] : memref<20224x128xf32, #tpu.memory_space<hbm>> -> memref<48x128xf32, #tpu.memory_space<hbm>>
      tpu.wait_dma2 semaphore(%run_scoped3A : memref<!tpu.dma_semaphore, #tpu.memory_space<semaphore_mem>>) src(%arg21 : memref<48x128xf32, #tpu.memory_space<vmem>>) dst(%dma_wait3A_242 : memref<48x128xf32, #tpu.memory_space<hbm>>)
      tpu.yield
    }) : () -> ()
    %add3A_205 = arith.constant 480 : i32
    %add3A_206 = arith.addi %mul3A_2, %add3A_205 : i32
    "tpu.region"() ({
      %run_scoped3A = tpu.sem_alloc : memref<!tpu.dma_semaphore, #tpu.memory_space<semaphore_mem>>
      %dma_start3A_235 = arith.constant 0 : i32
      %dma_start3A_236 = tpu.memref_slice %arg27[%add3A_206, %dma_start3A_235] : memref<10112x128xf32, #tpu.memory_space<vmem_shared>> -> memref<48x128xf32, #tpu.memory_space<vmem_shared>>
      %dma_start3A_237 = arith.constant 0 : i32
      %dma_start3A_238 = tpu.memref_slice %arg27[%add3A_206, %dma_start3A_237] : memref<10112x128xf32, #tpu.memory_space<vmem_shared>> -> memref<48x128xf32, #tpu.memory_space<vmem_shared>>
      tpu.enqueue_dma source(%dma_start3A_238 : memref<48x128xf32, #tpu.memory_space<vmem_shared>>) target(%arg21 : memref<48x128xf32, #tpu.memory_space<vmem>>) target_semaphore(%run_scoped3A : memref<!tpu.dma_semaphore, #tpu.memory_space<semaphore_mem>>)
      %dma_wait3A_239 = arith.constant 0 : i32
      %dma_wait3A_240 = tpu.memref_slice %arg27[%add3A_206, %dma_wait3A_239] : memref<10112x128xf32, #tpu.memory_space<vmem_shared>> -> memref<48x128xf32, #tpu.memory_space<vmem_shared>>
      %dma_wait3A_241 = arith.constant 0 : i32
      %dma_wait3A_242 = tpu.memref_slice %arg27[%add3A_206, %dma_wait3A_241] : memref<10112x128xf32, #tpu.memory_space<vmem_shared>> -> memref<48x128xf32, #tpu.memory_space<vmem_shared>>
      tpu.wait_dma2 semaphore(%run_scoped3A : memref<!tpu.dma_semaphore, #tpu.memory_space<semaphore_mem>>) src(%dma_wait3A_242 : memref<48x128xf32, #tpu.memory_space<vmem_shared>>) dst(%arg21 : memref<48x128xf32, #tpu.memory_space<vmem>>)
      tpu.yield
    }) : () -> ()
    %add3A_207 = arith.addi %mul3A_0, %mul3A_2 : i32
    %add3A_208 = arith.constant 480 : i32
    %add3A_209 = arith.addi %add3A_207, %add3A_208 : i32
    "tpu.region"() ({
      %run_scoped3A = tpu.sem_alloc : memref<!tpu.dma_semaphore, #tpu.memory_space<semaphore_mem>>
      %dma_start3A_235 = arith.constant 0 : i32
      %dma_start3A_236 = tpu.memref_slice %arg6[%add3A_209, %dma_start3A_235] : memref<20224x128xf32, #tpu.memory_space<hbm>> -> memref<48x128xf32, #tpu.memory_space<hbm>>
      %dma_start3A_237 = arith.constant 0 : i32
      %dma_start3A_238 = tpu.memref_slice %arg6[%add3A_209, %dma_start3A_237] : memref<20224x128xf32, #tpu.memory_space<hbm>> -> memref<48x128xf32, #tpu.memory_space<hbm>>
      tpu.enqueue_dma source(%arg21 : memref<48x128xf32, #tpu.memory_space<vmem>>) target(%dma_start3A_238 : memref<48x128xf32, #tpu.memory_space<hbm>>) target_semaphore(%run_scoped3A : memref<!tpu.dma_semaphore, #tpu.memory_space<semaphore_mem>>)
      %dma_wait3A_239 = arith.constant 0 : i32
      %dma_wait3A_240 = tpu.memref_slice %arg6[%add3A_209, %dma_wait3A_239] : memref<20224x128xf32, #tpu.memory_space<hbm>> -> memref<48x128xf32, #tpu.memory_space<hbm>>
      %dma_wait3A_241 = arith.constant 0 : i32
      %dma_wait3A_242 = tpu.memref_slice %arg6[%add3A_209, %dma_wait3A_241] : memref<20224x128xf32, #tpu.memory_space<hbm>> -> memref<48x128xf32, #tpu.memory_space<hbm>>
      tpu.wait_dma2 semaphore(%run_scoped3A : memref<!tpu.dma_semaphore, #tpu.memory_space<semaphore_mem>>) src(%arg21 : memref<48x128xf32, #tpu.memory_space<vmem>>) dst(%dma_wait3A_242 : memref<48x128xf32, #tpu.memory_space<hbm>>)
      tpu.yield
    }) : () -> ()
    %add3A_210 = arith.constant 528 : i32
    %add3A_211 = arith.addi %mul3A_2, %add3A_210 : i32
    "tpu.region"() ({
      %run_scoped3A = tpu.sem_alloc : memref<!tpu.dma_semaphore, #tpu.memory_space<semaphore_mem>>
      %dma_start3A_235 = arith.constant 0 : i32
      %dma_start3A_236 = tpu.memref_slice %arg27[%add3A_211, %dma_start3A_235] : memref<10112x128xf32, #tpu.memory_space<vmem_shared>> -> memref<48x128xf32, #tpu.memory_space<vmem_shared>>
      %dma_start3A_237 = arith.constant 0 : i32
      %dma_start3A_238 = tpu.memref_slice %arg27[%add3A_211, %dma_start3A_237] : memref<10112x128xf32, #tpu.memory_space<vmem_shared>> -> memref<48x128xf32, #tpu.memory_space<vmem_shared>>
      tpu.enqueue_dma source(%dma_start3A_238 : memref<48x128xf32, #tpu.memory_space<vmem_shared>>) target(%arg21 : memref<48x128xf32, #tpu.memory_space<vmem>>) target_semaphore(%run_scoped3A : memref<!tpu.dma_semaphore, #tpu.memory_space<semaphore_mem>>)
      %dma_wait3A_239 = arith.constant 0 : i32
      %dma_wait3A_240 = tpu.memref_slice %arg27[%add3A_211, %dma_wait3A_239] : memref<10112x128xf32, #tpu.memory_space<vmem_shared>> -> memref<48x128xf32, #tpu.memory_space<vmem_shared>>
      %dma_wait3A_241 = arith.constant 0 : i32
      %dma_wait3A_242 = tpu.memref_slice %arg27[%add3A_211, %dma_wait3A_241] : memref<10112x128xf32, #tpu.memory_space<vmem_shared>> -> memref<48x128xf32, #tpu.memory_space<vmem_shared>>
      tpu.wait_dma2 semaphore(%run_scoped3A : memref<!tpu.dma_semaphore, #tpu.memory_space<semaphore_mem>>) src(%dma_wait3A_242 : memref<48x128xf32, #tpu.memory_space<vmem_shared>>) dst(%arg21 : memref<48x128xf32, #tpu.memory_space<vmem>>)
      tpu.yield
    }) : () -> ()
    %add3A_212 = arith.addi %mul3A_0, %mul3A_2 : i32
    %add3A_213 = arith.constant 528 : i32
    %add3A_214 = arith.addi %add3A_212, %add3A_213 : i32
    "tpu.region"() ({
      %run_scoped3A = tpu.sem_alloc : memref<!tpu.dma_semaphore, #tpu.memory_space<semaphore_mem>>
      %dma_start3A_235 = arith.constant 0 : i32
      %dma_start3A_236 = tpu.memref_slice %arg6[%add3A_214, %dma_start3A_235] : memref<20224x128xf32, #tpu.memory_space<hbm>> -> memref<48x128xf32, #tpu.memory_space<hbm>>
      %dma_start3A_237 = arith.constant 0 : i32
      %dma_start3A_238 = tpu.memref_slice %arg6[%add3A_214, %dma_start3A_237] : memref<20224x128xf32, #tpu.memory_space<hbm>> -> memref<48x128xf32, #tpu.memory_space<hbm>>
      tpu.enqueue_dma source(%arg21 : memref<48x128xf32, #tpu.memory_space<vmem>>) target(%dma_start3A_238 : memref<48x128xf32, #tpu.memory_space<hbm>>) target_semaphore(%run_scoped3A : memref<!tpu.dma_semaphore, #tpu.memory_space<semaphore_mem>>)
      %dma_wait3A_239 = arith.constant 0 : i32
      %dma_wait3A_240 = tpu.memref_slice %arg6[%add3A_214, %dma_wait3A_239] : memref<20224x128xf32, #tpu.memory_space<hbm>> -> memref<48x128xf32, #tpu.memory_space<hbm>>
      %dma_wait3A_241 = arith.constant 0 : i32
      %dma_wait3A_242 = tpu.memref_slice %arg6[%add3A_214, %dma_wait3A_241] : memref<20224x128xf32, #tpu.memory_space<hbm>> -> memref<48x128xf32, #tpu.memory_space<hbm>>
      tpu.wait_dma2 semaphore(%run_scoped3A : memref<!tpu.dma_semaphore, #tpu.memory_space<semaphore_mem>>) src(%arg21 : memref<48x128xf32, #tpu.memory_space<vmem>>) dst(%dma_wait3A_242 : memref<48x128xf32, #tpu.memory_space<hbm>>)
      tpu.yield
    }) : () -> ()
    %add3A_215 = arith.constant 576 : i32
    %add3A_216 = arith.addi %mul3A_2, %add3A_215 : i32
    "tpu.region"() ({
      %run_scoped3A = tpu.sem_alloc : memref<!tpu.dma_semaphore, #tpu.memory_space<semaphore_mem>>
      %dma_start3A_235 = arith.constant 0 : i32
      %dma_start3A_236 = tpu.memref_slice %arg27[%add3A_216, %dma_start3A_235] : memref<10112x128xf32, #tpu.memory_space<vmem_shared>> -> memref<48x128xf32, #tpu.memory_space<vmem_shared>>
      %dma_start3A_237 = arith.constant 0 : i32
      %dma_start3A_238 = tpu.memref_slice %arg27[%add3A_216, %dma_start3A_237] : memref<10112x128xf32, #tpu.memory_space<vmem_shared>> -> memref<48x128xf32, #tpu.memory_space<vmem_shared>>
      tpu.enqueue_dma source(%dma_start3A_238 : memref<48x128xf32, #tpu.memory_space<vmem_shared>>) target(%arg21 : memref<48x128xf32, #tpu.memory_space<vmem>>) target_semaphore(%run_scoped3A : memref<!tpu.dma_semaphore, #tpu.memory_space<semaphore_mem>>)
      %dma_wait3A_239 = arith.constant 0 : i32
      %dma_wait3A_240 = tpu.memref_slice %arg27[%add3A_216, %dma_wait3A_239] : memref<10112x128xf32, #tpu.memory_space<vmem_shared>> -> memref<48x128xf32, #tpu.memory_space<vmem_shared>>
      %dma_wait3A_241 = arith.constant 0 : i32
      %dma_wait3A_242 = tpu.memref_slice %arg27[%add3A_216, %dma_wait3A_241] : memref<10112x128xf32, #tpu.memory_space<vmem_shared>> -> memref<48x128xf32, #tpu.memory_space<vmem_shared>>
      tpu.wait_dma2 semaphore(%run_scoped3A : memref<!tpu.dma_semaphore, #tpu.memory_space<semaphore_mem>>) src(%dma_wait3A_242 : memref<48x128xf32, #tpu.memory_space<vmem_shared>>) dst(%arg21 : memref<48x128xf32, #tpu.memory_space<vmem>>)
      tpu.yield
    }) : () -> ()
    %add3A_217 = arith.addi %mul3A_0, %mul3A_2 : i32
    %add3A_218 = arith.constant 576 : i32
    %add3A_219 = arith.addi %add3A_217, %add3A_218 : i32
    "tpu.region"() ({
      %run_scoped3A = tpu.sem_alloc : memref<!tpu.dma_semaphore, #tpu.memory_space<semaphore_mem>>
      %dma_start3A_235 = arith.constant 0 : i32
      %dma_start3A_236 = tpu.memref_slice %arg6[%add3A_219, %dma_start3A_235] : memref<20224x128xf32, #tpu.memory_space<hbm>> -> memref<48x128xf32, #tpu.memory_space<hbm>>
      %dma_start3A_237 = arith.constant 0 : i32
      %dma_start3A_238 = tpu.memref_slice %arg6[%add3A_219, %dma_start3A_237] : memref<20224x128xf32, #tpu.memory_space<hbm>> -> memref<48x128xf32, #tpu.memory_space<hbm>>
      tpu.enqueue_dma source(%arg21 : memref<48x128xf32, #tpu.memory_space<vmem>>) target(%dma_start3A_238 : memref<48x128xf32, #tpu.memory_space<hbm>>) target_semaphore(%run_scoped3A : memref<!tpu.dma_semaphore, #tpu.memory_space<semaphore_mem>>)
      %dma_wait3A_239 = arith.constant 0 : i32
      %dma_wait3A_240 = tpu.memref_slice %arg6[%add3A_219, %dma_wait3A_239] : memref<20224x128xf32, #tpu.memory_space<hbm>> -> memref<48x128xf32, #tpu.memory_space<hbm>>
      %dma_wait3A_241 = arith.constant 0 : i32
      %dma_wait3A_242 = tpu.memref_slice %arg6[%add3A_219, %dma_wait3A_241] : memref<20224x128xf32, #tpu.memory_space<hbm>> -> memref<48x128xf32, #tpu.memory_space<hbm>>
      tpu.wait_dma2 semaphore(%run_scoped3A : memref<!tpu.dma_semaphore, #tpu.memory_space<semaphore_mem>>) src(%arg21 : memref<48x128xf32, #tpu.memory_space<vmem>>) dst(%dma_wait3A_242 : memref<48x128xf32, #tpu.memory_space<hbm>>)
      tpu.yield
    }) : () -> ()
    %add3A_220 = arith.constant 624 : i32
    %add3A_221 = arith.addi %mul3A_2, %add3A_220 : i32
    "tpu.region"() ({
      %run_scoped3A = tpu.sem_alloc : memref<!tpu.dma_semaphore, #tpu.memory_space<semaphore_mem>>
      %dma_start3A_235 = arith.constant 0 : i32
      %dma_start3A_236 = arith.constant 0 : i32
      %dma_start3A_237 = tpu.memref_slice %arg21[%dma_start3A_235, %dma_start3A_236] : memref<48x128xf32, #tpu.memory_space<vmem>> -> memref<8x128xf32, #tpu.memory_space<vmem>>
      %dma_start3A_238 = arith.constant 0 : i32
      %dma_start3A_239 = tpu.memref_slice %arg27[%add3A_221, %dma_start3A_238] : memref<10112x128xf32, #tpu.memory_space<vmem_shared>> -> memref<8x128xf32, #tpu.memory_space<vmem_shared>>
      %dma_start3A_240 = arith.constant 0 : i32
      %dma_start3A_241 = arith.constant 0 : i32
      %dma_start3A_242 = tpu.memref_slice %arg21[%dma_start3A_240, %dma_start3A_241] : memref<48x128xf32, #tpu.memory_space<vmem>> -> memref<8x128xf32, #tpu.memory_space<vmem>>
      %dma_start3A_243 = arith.constant 0 : i32
      %dma_start3A_244 = tpu.memref_slice %arg27[%add3A_221, %dma_start3A_243] : memref<10112x128xf32, #tpu.memory_space<vmem_shared>> -> memref<8x128xf32, #tpu.memory_space<vmem_shared>>
      tpu.enqueue_dma source(%dma_start3A_244 : memref<8x128xf32, #tpu.memory_space<vmem_shared>>) target(%dma_start3A_242 : memref<8x128xf32, #tpu.memory_space<vmem>>) target_semaphore(%run_scoped3A : memref<!tpu.dma_semaphore, #tpu.memory_space<semaphore_mem>>)
      %dma_wait3A_245 = arith.constant 0 : i32
      %dma_wait3A_246 = arith.constant 0 : i32
      %dma_wait3A_247 = tpu.memref_slice %arg21[%dma_wait3A_245, %dma_wait3A_246] : memref<48x128xf32, #tpu.memory_space<vmem>> -> memref<8x128xf32, #tpu.memory_space<vmem>>
      %dma_wait3A_248 = arith.constant 0 : i32
      %dma_wait3A_249 = tpu.memref_slice %arg27[%add3A_221, %dma_wait3A_248] : memref<10112x128xf32, #tpu.memory_space<vmem_shared>> -> memref<8x128xf32, #tpu.memory_space<vmem_shared>>
      %dma_wait3A_250 = arith.constant 0 : i32
      %dma_wait3A_251 = arith.constant 0 : i32
      %dma_wait3A_252 = tpu.memref_slice %arg21[%dma_wait3A_250, %dma_wait3A_251] : memref<48x128xf32, #tpu.memory_space<vmem>> -> memref<8x128xf32, #tpu.memory_space<vmem>>
      %dma_wait3A_253 = arith.constant 0 : i32
      %dma_wait3A_254 = tpu.memref_slice %arg27[%add3A_221, %dma_wait3A_253] : memref<10112x128xf32, #tpu.memory_space<vmem_shared>> -> memref<8x128xf32, #tpu.memory_space<vmem_shared>>
      tpu.wait_dma2 semaphore(%run_scoped3A : memref<!tpu.dma_semaphore, #tpu.memory_space<semaphore_mem>>) src(%dma_wait3A_254 : memref<8x128xf32, #tpu.memory_space<vmem_shared>>) dst(%dma_wait3A_252 : memref<8x128xf32, #tpu.memory_space<vmem>>)
      tpu.yield
    }) : () -> ()
    %add3A_222 = arith.addi %mul3A_0, %mul3A_2 : i32
    %add3A_223 = arith.constant 624 : i32
    %add3A_224 = arith.addi %add3A_222, %add3A_223 : i32
    "tpu.region"() ({
      %run_scoped3A = tpu.sem_alloc : memref<!tpu.dma_semaphore, #tpu.memory_space<semaphore_mem>>
      %dma_start3A_235 = arith.constant 0 : i32
      %dma_start3A_236 = arith.constant 0 : i32
      %dma_start3A_237 = tpu.memref_slice %arg21[%dma_start3A_235, %dma_start3A_236] : memref<48x128xf32, #tpu.memory_space<vmem>> -> memref<8x128xf32, #tpu.memory_space<vmem>>
      %dma_start3A_238 = arith.constant 0 : i32
      %dma_start3A_239 = tpu.memref_slice %arg6[%add3A_224, %dma_start3A_238] : memref<20224x128xf32, #tpu.memory_space<hbm>> -> memref<8x128xf32, #tpu.memory_space<hbm>>
      %dma_start3A_240 = arith.constant 0 : i32
      %dma_start3A_241 = tpu.memref_slice %arg6[%add3A_224, %dma_start3A_240] : memref<20224x128xf32, #tpu.memory_space<hbm>> -> memref<8x128xf32, #tpu.memory_space<hbm>>
      %dma_start3A_242 = arith.constant 0 : i32
      %dma_start3A_243 = arith.constant 0 : i32
      %dma_start3A_244 = tpu.memref_slice %arg21[%dma_start3A_242, %dma_start3A_243] : memref<48x128xf32, #tpu.memory_space<vmem>> -> memref<8x128xf32, #tpu.memory_space<vmem>>
      tpu.enqueue_dma source(%dma_start3A_244 : memref<8x128xf32, #tpu.memory_space<vmem>>) target(%dma_start3A_241 : memref<8x128xf32, #tpu.memory_space<hbm>>) target_semaphore(%run_scoped3A : memref<!tpu.dma_semaphore, #tpu.memory_space<semaphore_mem>>)
      %dma_wait3A_245 = arith.constant 0 : i32
      %dma_wait3A_246 = arith.constant 0 : i32
      %dma_wait3A_247 = tpu.memref_slice %arg21[%dma_wait3A_245, %dma_wait3A_246] : memref<48x128xf32, #tpu.memory_space<vmem>> -> memref<8x128xf32, #tpu.memory_space<vmem>>
      %dma_wait3A_248 = arith.constant 0 : i32
      %dma_wait3A_249 = tpu.memref_slice %arg6[%add3A_224, %dma_wait3A_248] : memref<20224x128xf32, #tpu.memory_space<hbm>> -> memref<8x128xf32, #tpu.memory_space<hbm>>
      %dma_wait3A_250 = arith.constant 0 : i32
      %dma_wait3A_251 = tpu.memref_slice %arg6[%add3A_224, %dma_wait3A_250] : memref<20224x128xf32, #tpu.memory_space<hbm>> -> memref<8x128xf32, #tpu.memory_space<hbm>>
      %dma_wait3A_252 = arith.constant 0 : i32
      %dma_wait3A_253 = arith.constant 0 : i32
      %dma_wait3A_254 = tpu.memref_slice %arg21[%dma_wait3A_252, %dma_wait3A_253] : memref<48x128xf32, #tpu.memory_space<vmem>> -> memref<8x128xf32, #tpu.memory_space<vmem>>
      tpu.wait_dma2 semaphore(%run_scoped3A : memref<!tpu.dma_semaphore, #tpu.memory_space<semaphore_mem>>) src(%dma_wait3A_254 : memref<8x128xf32, #tpu.memory_space<vmem>>) dst(%dma_wait3A_251 : memref<8x128xf32, #tpu.memory_space<hbm>>)
      tpu.yield
    }) : () -> ()
    "tpu.region"() ({
      %run_scoped3A = tpu.sem_alloc : memref<!tpu.dma_semaphore, #tpu.memory_space<semaphore_mem>>
      %dma_start3A_235 = arith.constant 0 : i32
      %dma_start3A_236 = tpu.memref_slice %arg28[%mul3A_4, %dma_start3A_235] : memref<1280x128xf32, #tpu.memory_space<vmem_shared>> -> memref<48x128xf32, #tpu.memory_space<vmem_shared>>
      %dma_start3A_237 = arith.constant 0 : i32
      %dma_start3A_238 = tpu.memref_slice %arg28[%mul3A_4, %dma_start3A_237] : memref<1280x128xf32, #tpu.memory_space<vmem_shared>> -> memref<48x128xf32, #tpu.memory_space<vmem_shared>>
      tpu.enqueue_dma source(%dma_start3A_238 : memref<48x128xf32, #tpu.memory_space<vmem_shared>>) target(%arg25 : memref<48x128xf32, #tpu.memory_space<vmem>>) target_semaphore(%run_scoped3A : memref<!tpu.dma_semaphore, #tpu.memory_space<semaphore_mem>>)
      %dma_wait3A_239 = arith.constant 0 : i32
      %dma_wait3A_240 = tpu.memref_slice %arg28[%mul3A_4, %dma_wait3A_239] : memref<1280x128xf32, #tpu.memory_space<vmem_shared>> -> memref<48x128xf32, #tpu.memory_space<vmem_shared>>
      %dma_wait3A_241 = arith.constant 0 : i32
      %dma_wait3A_242 = tpu.memref_slice %arg28[%mul3A_4, %dma_wait3A_241] : memref<1280x128xf32, #tpu.memory_space<vmem_shared>> -> memref<48x128xf32, #tpu.memory_space<vmem_shared>>
      tpu.wait_dma2 semaphore(%run_scoped3A : memref<!tpu.dma_semaphore, #tpu.memory_space<semaphore_mem>>) src(%dma_wait3A_242 : memref<48x128xf32, #tpu.memory_space<vmem_shared>>) dst(%arg25 : memref<48x128xf32, #tpu.memory_space<vmem>>)
      tpu.yield
    }) : () -> ()
    %mul3A_225 = arith.constant 1280 : i32
    %mul3A_226 = arith.muli %arg0, %mul3A_225 : i32
    %add3A_227 = arith.addi %mul3A_226, %mul3A_4 : i32
    "tpu.region"() ({
      %run_scoped3A = tpu.sem_alloc : memref<!tpu.dma_semaphore, #tpu.memory_space<semaphore_mem>>
      %dma_start3A_235 = arith.constant 0 : i32
      %dma_start3A_236 = tpu.memref_slice %arg7[%add3A_227, %dma_start3A_235] : memref<2560x128xf32, #tpu.memory_space<hbm>> -> memref<48x128xf32, #tpu.memory_space<hbm>>
      %dma_start3A_237 = arith.constant 0 : i32
      %dma_start3A_238 = tpu.memref_slice %arg7[%add3A_227, %dma_start3A_237] : memref<2560x128xf32, #tpu.memory_space<hbm>> -> memref<48x128xf32, #tpu.memory_space<hbm>>
      tpu.enqueue_dma source(%arg25 : memref<48x128xf32, #tpu.memory_space<vmem>>) target(%dma_start3A_238 : memref<48x128xf32, #tpu.memory_space<hbm>>) target_semaphore(%run_scoped3A : memref<!tpu.dma_semaphore, #tpu.memory_space<semaphore_mem>>)
      %dma_wait3A_239 = arith.constant 0 : i32
      %dma_wait3A_240 = tpu.memref_slice %arg7[%add3A_227, %dma_wait3A_239] : memref<2560x128xf32, #tpu.memory_space<hbm>> -> memref<48x128xf32, #tpu.memory_space<hbm>>
      %dma_wait3A_241 = arith.constant 0 : i32
      %dma_wait3A_242 = tpu.memref_slice %arg7[%add3A_227, %dma_wait3A_241] : memref<2560x128xf32, #tpu.memory_space<hbm>> -> memref<48x128xf32, #tpu.memory_space<hbm>>
      tpu.wait_dma2 semaphore(%run_scoped3A : memref<!tpu.dma_semaphore, #tpu.memory_space<semaphore_mem>>) src(%arg25 : memref<48x128xf32, #tpu.memory_space<vmem>>) dst(%dma_wait3A_242 : memref<48x128xf32, #tpu.memory_space<hbm>>)
      tpu.yield
    }) : () -> ()
    %add3A_228 = arith.constant 48 : i32
    %add3A_229 = arith.addi %mul3A_4, %add3A_228 : i32
    "tpu.region"() ({
      %run_scoped3A = tpu.sem_alloc : memref<!tpu.dma_semaphore, #tpu.memory_space<semaphore_mem>>
      %dma_start3A_235 = arith.constant 0 : i32
      %dma_start3A_236 = arith.constant 0 : i32
      %dma_start3A_237 = tpu.memref_slice %arg25[%dma_start3A_235, %dma_start3A_236] : memref<48x128xf32, #tpu.memory_space<vmem>> -> memref<32x128xf32, #tpu.memory_space<vmem>>
      %dma_start3A_238 = arith.constant 0 : i32
      %dma_start3A_239 = tpu.memref_slice %arg28[%add3A_229, %dma_start3A_238] : memref<1280x128xf32, #tpu.memory_space<vmem_shared>> -> memref<32x128xf32, #tpu.memory_space<vmem_shared>>
      %dma_start3A_240 = arith.constant 0 : i32
      %dma_start3A_241 = arith.constant 0 : i32
      %dma_start3A_242 = tpu.memref_slice %arg25[%dma_start3A_240, %dma_start3A_241] : memref<48x128xf32, #tpu.memory_space<vmem>> -> memref<32x128xf32, #tpu.memory_space<vmem>>
      %dma_start3A_243 = arith.constant 0 : i32
      %dma_start3A_244 = tpu.memref_slice %arg28[%add3A_229, %dma_start3A_243] : memref<1280x128xf32, #tpu.memory_space<vmem_shared>> -> memref<32x128xf32, #tpu.memory_space<vmem_shared>>
      tpu.enqueue_dma source(%dma_start3A_244 : memref<32x128xf32, #tpu.memory_space<vmem_shared>>) target(%dma_start3A_242 : memref<32x128xf32, #tpu.memory_space<vmem>>) target_semaphore(%run_scoped3A : memref<!tpu.dma_semaphore, #tpu.memory_space<semaphore_mem>>)
      %dma_wait3A_245 = arith.constant 0 : i32
      %dma_wait3A_246 = arith.constant 0 : i32
      %dma_wait3A_247 = tpu.memref_slice %arg25[%dma_wait3A_245, %dma_wait3A_246] : memref<48x128xf32, #tpu.memory_space<vmem>> -> memref<32x128xf32, #tpu.memory_space<vmem>>
      %dma_wait3A_248 = arith.constant 0 : i32
      %dma_wait3A_249 = tpu.memref_slice %arg28[%add3A_229, %dma_wait3A_248] : memref<1280x128xf32, #tpu.memory_space<vmem_shared>> -> memref<32x128xf32, #tpu.memory_space<vmem_shared>>
      %dma_wait3A_250 = arith.constant 0 : i32
      %dma_wait3A_251 = arith.constant 0 : i32
      %dma_wait3A_252 = tpu.memref_slice %arg25[%dma_wait3A_250, %dma_wait3A_251] : memref<48x128xf32, #tpu.memory_space<vmem>> -> memref<32x128xf32, #tpu.memory_space<vmem>>
      %dma_wait3A_253 = arith.constant 0 : i32
      %dma_wait3A_254 = tpu.memref_slice %arg28[%add3A_229, %dma_wait3A_253] : memref<1280x128xf32, #tpu.memory_space<vmem_shared>> -> memref<32x128xf32, #tpu.memory_space<vmem_shared>>
      tpu.wait_dma2 semaphore(%run_scoped3A : memref<!tpu.dma_semaphore, #tpu.memory_space<semaphore_mem>>) src(%dma_wait3A_254 : memref<32x128xf32, #tpu.memory_space<vmem_shared>>) dst(%dma_wait3A_252 : memref<32x128xf32, #tpu.memory_space<vmem>>)
      tpu.yield
    }) : () -> ()
    %mul3A_230 = arith.constant 1280 : i32
    %mul3A_231 = arith.muli %arg0, %mul3A_230 : i32
    %add3A_232 = arith.addi %mul3A_231, %mul3A_4 : i32
    %add3A_233 = arith.constant 48 : i32
    %add3A_234 = arith.addi %add3A_232, %add3A_233 : i32
    "tpu.region"() ({
      %run_scoped3A = tpu.sem_alloc : memref<!tpu.dma_semaphore, #tpu.memory_space<semaphore_mem>>
      %dma_start3A_235 = arith.constant 0 : i32
      %dma_start3A_236 = arith.constant 0 : i32
      %dma_start3A_237 = tpu.memref_slice %arg25[%dma_start3A_235, %dma_start3A_236] : memref<48x128xf32, #tpu.memory_space<vmem>> -> memref<32x128xf32, #tpu.memory_space<vmem>>
      %dma_start3A_238 = arith.constant 0 : i32
      %dma_start3A_239 = tpu.memref_slice %arg7[%add3A_234, %dma_start3A_238] : memref<2560x128xf32, #tpu.memory_space<hbm>> -> memref<32x128xf32, #tpu.memory_space<hbm>>
      %dma_start3A_240 = arith.constant 0 : i32
      %dma_start3A_241 = tpu.memref_slice %arg7[%add3A_234, %dma_start3A_240] : memref<2560x128xf32, #tpu.memory_space<hbm>> -> memref<32x128xf32, #tpu.memory_space<hbm>>
      %dma_start3A_242 = arith.constant 0 : i32
      %dma_start3A_243 = arith.constant 0 : i32
      %dma_start3A_244 = tpu.memref_slice %arg25[%dma_start3A_242, %dma_start3A_243] : memref<48x128xf32, #tpu.memory_space<vmem>> -> memref<32x128xf32, #tpu.memory_space<vmem>>
      tpu.enqueue_dma source(%dma_start3A_244 : memref<32x128xf32, #tpu.memory_space<vmem>>) target(%dma_start3A_241 : memref<32x128xf32, #tpu.memory_space<hbm>>) target_semaphore(%run_scoped3A : memref<!tpu.dma_semaphore, #tpu.memory_space<semaphore_mem>>)
      %dma_wait3A_245 = arith.constant 0 : i32
      %dma_wait3A_246 = arith.constant 0 : i32
      %dma_wait3A_247 = tpu.memref_slice %arg25[%dma_wait3A_245, %dma_wait3A_246] : memref<48x128xf32, #tpu.memory_space<vmem>> -> memref<32x128xf32, #tpu.memory_space<vmem>>
      %dma_wait3A_248 = arith.constant 0 : i32
      %dma_wait3A_249 = tpu.memref_slice %arg7[%add3A_234, %dma_wait3A_248] : memref<2560x128xf32, #tpu.memory_space<hbm>> -> memref<32x128xf32, #tpu.memory_space<hbm>>
      %dma_wait3A_250 = arith.constant 0 : i32
      %dma_wait3A_251 = tpu.memref_slice %arg7[%add3A_234, %dma_wait3A_250] : memref<2560x128xf32, #tpu.memory_space<hbm>> -> memref<32x128xf32, #tpu.memory_space<hbm>>
      %dma_wait3A_252 = arith.constant 0 : i32
      %dma_wait3A_253 = arith.constant 0 : i32
      %dma_wait3A_254 = tpu.memref_slice %arg25[%dma_wait3A_252, %dma_wait3A_253] : memref<48x128xf32, #tpu.memory_space<vmem>> -> memref<32x128xf32, #tpu.memory_space<vmem>>
      tpu.wait_dma2 semaphore(%run_scoped3A : memref<!tpu.dma_semaphore, #tpu.memory_space<semaphore_mem>>) src(%dma_wait3A_254 : memref<32x128xf32, #tpu.memory_space<vmem>>) dst(%dma_wait3A_251 : memref<32x128xf32, #tpu.memory_space<hbm>>)
      tpu.yield
    }) : () -> ()
    return
  }
}

module attributes {stable_mosaic.version = 14 : i64} {
  func.func @_s1_body(%arg0: i32, %arg1: memref<128x256xf32, #tpu.memory_space<vmem>>, %arg2: memref<256x256xf32, #tpu.memory_space<vmem>>, %arg3: memref<1x256xf32, #tpu.memory_space<vmem>>, %arg4: memref<256x256xf32, #tpu.memory_space<vmem>>, %arg5: memref<1x256xf32, #tpu.memory_space<vmem>>, %arg6: memref<256x256xf32, #tpu.memory_space<vmem>>, %arg7: memref<1x256xf32, #tpu.memory_space<vmem>>, %arg8: memref<2x128x128xf32, #tpu.memory_space<vmem>>, %arg9: memref<2x128x128xf32, #tpu.memory_space<vmem>>, %arg10: memref<128x256xf32, #tpu.memory_space<vmem>>) attributes {dimension_semantics = [#tpu.dimension_semantics<arbitrary>], iteration_bounds = array<i64: 79>, scalar_prefetch = 0 : i64, scratch_operands = 0 : i64, tpu.core_type = #tpu.core_type<tc>, window_params = [{transform_indices = @transform_0, window_bounds = array<i64: 128, 256>}, {pipeline_mode = #tpu.pipeline_mode<synchronous>, transform_indices = @transform_1, window_bounds = array<i64: 256, 256>}, {pipeline_mode = #tpu.pipeline_mode<synchronous>, transform_indices = @transform_2, window_bounds = array<i64: 1, 256>}, {pipeline_mode = #tpu.pipeline_mode<synchronous>, transform_indices = @transform_3, window_bounds = array<i64: 256, 256>}, {pipeline_mode = #tpu.pipeline_mode<synchronous>, transform_indices = @transform_4, window_bounds = array<i64: 1, 256>}, {pipeline_mode = #tpu.pipeline_mode<synchronous>, transform_indices = @transform_5, window_bounds = array<i64: 256, 256>}, {pipeline_mode = #tpu.pipeline_mode<synchronous>, transform_indices = @transform_6, window_bounds = array<i64: 1, 256>}, {transform_indices = @transform_7, window_bounds = array<i64: 2, 128, 128>}, {transform_indices = @transform_8, window_bounds = array<i64: 2, 128, 128>}, {transform_indices = @transform_9, window_bounds = array<i64: 128, 256>}]} {
    %get3A = arith.constant 0 : index
    %get3A_0 = arith.constant 0 : index
    %get3A_1 = vector.load %arg1[%get3A, %get3A_0] : memref<128x256xf32, #tpu.memory_space<vmem>>, vector<128x256xf32>
    %get3A_2 = arith.constant 0 : index
    %get3A_3 = arith.constant 0 : index
    %get3A_4 = vector.load %arg2[%get3A_2, %get3A_3] : memref<256x256xf32, #tpu.memory_space<vmem>>, vector<256x256xf32>
    %dot_general3A = arith.constant dense<0.000000e+00> : vector<128x256xf32>
    %dot_general3A_5 = tpu.matmul %get3A_1, %get3A_4, %dot_general3A {dimension_numbers = #tpu.dot_dimension_numbers<[1], [0], [0], [1], [0, 0, 1, 1], [], []>, transpose_lhs_hint = false} : vector<128x256xf32>, vector<256x256xf32>, vector<128x256xf32> -> vector<128x256xf32>
    %get3A_6 = arith.constant 0 : index
    %get3A_7 = arith.constant 0 : index
    %get3A_8 = vector.load %arg3[%get3A_6, %get3A_7] : memref<1x256xf32, #tpu.memory_space<vmem>>, vector<1x256xf32>
    %add3A = vector.broadcast %get3A_8 : vector<1x256xf32> to vector<128x256xf32>
    %add3A_9 = arith.addf %dot_general3A_5, %add3A : vector<128x256xf32>
    %get3A_10 = arith.constant 0 : index
    %get3A_11 = arith.constant 0 : index
    %get3A_12 = vector.load %arg4[%get3A_10, %get3A_11] : memref<256x256xf32, #tpu.memory_space<vmem>>, vector<256x256xf32>
    %dot_general3A_13 = arith.constant dense<0.000000e+00> : vector<128x256xf32>
    %dot_general3A_14 = tpu.matmul %get3A_1, %get3A_12, %dot_general3A_13 {dimension_numbers = #tpu.dot_dimension_numbers<[1], [0], [0], [1], [0, 0, 1, 1], [], []>, transpose_lhs_hint = false} : vector<128x256xf32>, vector<256x256xf32>, vector<128x256xf32> -> vector<128x256xf32>
    %get3A_15 = arith.constant 0 : index
    %get3A_16 = arith.constant 0 : index
    %get3A_17 = vector.load %arg5[%get3A_15, %get3A_16] : memref<1x256xf32, #tpu.memory_space<vmem>>, vector<1x256xf32>
    %add3A_18 = vector.broadcast %get3A_17 : vector<1x256xf32> to vector<128x256xf32>
    %add3A_19 = arith.addf %dot_general3A_14, %add3A_18 : vector<128x256xf32>
    %slice3A = vector.extract_strided_slice %add3A_9 {offsets = [0, 0], sizes = [128, 128], strides = [1, 1]} : vector<128x256xf32> to vector<128x128xf32>
    %swap3A = arith.constant 0 : index
    %swap3A_20 = arith.constant 0 : index
    %swap3A_21 = arith.constant 0 : index
    %swap3A_22 = vector.load %arg8[%swap3A, %swap3A_20, %swap3A_21] : memref<2x128x128xf32, #tpu.memory_space<vmem>>, vector<1x128x128xf32>
    %swap3A_23 = vector.shape_cast %swap3A_22 : vector<1x128x128xf32> to vector<128x128xf32>
    %swap3A_24 = vector.shape_cast %slice3A : vector<128x128xf32> to vector<1x128x128xf32>
    tpu.vector_store %arg8[%swap3A, %swap3A_20, %swap3A_21], %swap3A_24 {strides = array<i32>} : memref<2x128x128xf32, #tpu.memory_space<vmem>>, vector<1x128x128xf32>,
    %slice3A_25 = vector.extract_strided_slice %add3A_9 {offsets = [0, 128], sizes = [128, 128], strides = [1, 1]} : vector<128x256xf32> to vector<128x128xf32>
    %swap3A_26 = arith.constant 1 : index
    %swap3A_27 = arith.constant 0 : index
    %swap3A_28 = arith.constant 0 : index
    %swap3A_29 = vector.load %arg8[%swap3A_26, %swap3A_27, %swap3A_28] : memref<2x128x128xf32, #tpu.memory_space<vmem>>, vector<1x128x128xf32>
    %swap3A_30 = vector.shape_cast %swap3A_29 : vector<1x128x128xf32> to vector<128x128xf32>
    %swap3A_31 = vector.shape_cast %slice3A_25 : vector<128x128xf32> to vector<1x128x128xf32>
    tpu.vector_store %arg8[%swap3A_26, %swap3A_27, %swap3A_28], %swap3A_31 {strides = array<i32>} : memref<2x128x128xf32, #tpu.memory_space<vmem>>, vector<1x128x128xf32>,
    %slice3A_32 = vector.extract_strided_slice %add3A_19 {offsets = [0, 0], sizes = [128, 128], strides = [1, 1]} : vector<128x256xf32> to vector<128x128xf32>
    %swap3A_33 = arith.constant 0 : index
    %swap3A_34 = arith.constant 0 : index
    %swap3A_35 = arith.constant 0 : index
    %swap3A_36 = vector.load %arg9[%swap3A_33, %swap3A_34, %swap3A_35] : memref<2x128x128xf32, #tpu.memory_space<vmem>>, vector<1x128x128xf32>
    %swap3A_37 = vector.shape_cast %swap3A_36 : vector<1x128x128xf32> to vector<128x128xf32>
    %swap3A_38 = vector.shape_cast %slice3A_32 : vector<128x128xf32> to vector<1x128x128xf32>
    tpu.vector_store %arg9[%swap3A_33, %swap3A_34, %swap3A_35], %swap3A_38 {strides = array<i32>} : memref<2x128x128xf32, #tpu.memory_space<vmem>>, vector<1x128x128xf32>,
    %slice3A_39 = vector.extract_strided_slice %add3A_19 {offsets = [0, 128], sizes = [128, 128], strides = [1, 1]} : vector<128x256xf32> to vector<128x128xf32>
    %swap3A_40 = arith.constant 1 : index
    %swap3A_41 = arith.constant 0 : index
    %swap3A_42 = arith.constant 0 : index
    %swap3A_43 = vector.load %arg9[%swap3A_40, %swap3A_41, %swap3A_42] : memref<2x128x128xf32, #tpu.memory_space<vmem>>, vector<1x128x128xf32>
    %swap3A_44 = vector.shape_cast %swap3A_43 : vector<1x128x128xf32> to vector<128x128xf32>
    %swap3A_45 = vector.shape_cast %slice3A_39 : vector<128x128xf32> to vector<1x128x128xf32>
    tpu.vector_store %arg9[%swap3A_40, %swap3A_41, %swap3A_42], %swap3A_45 {strides = array<i32>} : memref<2x128x128xf32, #tpu.memory_space<vmem>>, vector<1x128x128xf32>,
    %get3A_46 = arith.constant 0 : index
    %get3A_47 = arith.constant 0 : index
    %get3A_48 = vector.load %arg6[%get3A_46, %get3A_47] : memref<256x256xf32, #tpu.memory_space<vmem>>, vector<256x256xf32>
    %dot_general3A_49 = arith.constant dense<0.000000e+00> : vector<128x256xf32>
    %dot_general3A_50 = tpu.matmul %get3A_1, %get3A_48, %dot_general3A_49 {dimension_numbers = #tpu.dot_dimension_numbers<[1], [0], [0], [1], [0, 0, 1, 1], [], []>, transpose_lhs_hint = false} : vector<128x256xf32>, vector<256x256xf32>, vector<128x256xf32> -> vector<128x256xf32>
    %get3A_51 = arith.constant 0 : index
    %get3A_52 = arith.constant 0 : index
    %get3A_53 = vector.load %arg7[%get3A_51, %get3A_52] : memref<1x256xf32, #tpu.memory_space<vmem>>, vector<1x256xf32>
    %add3A_54 = vector.broadcast %get3A_53 : vector<1x256xf32> to vector<128x256xf32>
    %add3A_55 = arith.addf %dot_general3A_50, %add3A_54 : vector<128x256xf32>
    %swap3A_56 = arith.constant 0 : index
    %swap3A_57 = arith.constant 0 : index
    %swap3A_58 = vector.load %arg10[%swap3A_56, %swap3A_57] : memref<128x256xf32, #tpu.memory_space<vmem>>, vector<128x256xf32>
    tpu.vector_store %arg10[%swap3A_56, %swap3A_57], %add3A_55 {strides = array<i32>} : memref<128x256xf32, #tpu.memory_space<vmem>>, vector<128x256xf32>,
    return
  }
  func.func @transform_0(%arg0: i32) -> (i32, i32) {
    %c0_i32 = arith.constant 0 : i32
    %c0_i32_0 = arith.constant 0 : i32
    return %arg0, %c0_i32 : i32, i32
  }
  func.func @transform_1(%arg0: i32) -> (i32, i32) {
    %c0_i32 = arith.constant 0 : i32
    %c0_i32_0 = arith.constant 0 : i32
    %c0_i32_1 = arith.constant 0 : i32
    return %c0_i32, %c0_i32_0 : i32, i32
  }
  func.func @transform_2(%arg0: i32) -> (i32, i32) {
    %c0_i32 = arith.constant 0 : i32
    %c0_i32_0 = arith.constant 0 : i32
    %c0_i32_1 = arith.constant 0 : i32
    return %c0_i32, %c0_i32_0 : i32, i32
  }
  func.func @transform_3(%arg0: i32) -> (i32, i32) {
    %c0_i32 = arith.constant 0 : i32
    %c0_i32_0 = arith.constant 0 : i32
    %c0_i32_1 = arith.constant 0 : i32
    return %c0_i32, %c0_i32_0 : i32, i32
  }
  func.func @transform_4(%arg0: i32) -> (i32, i32) {
    %c0_i32 = arith.constant 0 : i32
    %c0_i32_0 = arith.constant 0 : i32
    %c0_i32_1 = arith.constant 0 : i32
    return %c0_i32, %c0_i32_0 : i32, i32
  }
  func.func @transform_5(%arg0: i32) -> (i32, i32) {
    %c0_i32 = arith.constant 0 : i32
    %c0_i32_0 = arith.constant 0 : i32
    %c0_i32_1 = arith.constant 0 : i32
    return %c0_i32, %c0_i32_0 : i32, i32
  }
  func.func @transform_6(%arg0: i32) -> (i32, i32) {
    %c0_i32 = arith.constant 0 : i32
    %c0_i32_0 = arith.constant 0 : i32
    %c0_i32_1 = arith.constant 0 : i32
    return %c0_i32, %c0_i32_0 : i32, i32
  }
  func.func @transform_7(%arg0: i32) -> (i32, i32, i32) {
    %c0_i32 = arith.constant 0 : i32
    %c0_i32_0 = arith.constant 0 : i32
    %c0_i32_1 = arith.constant 0 : i32
    return %c0_i32, %arg0, %c0_i32_0 : i32, i32, i32
  }
  func.func @transform_8(%arg0: i32) -> (i32, i32, i32) {
    %c0_i32 = arith.constant 0 : i32
    %c0_i32_0 = arith.constant 0 : i32
    %c0_i32_1 = arith.constant 0 : i32
    return %c0_i32, %arg0, %c0_i32_0 : i32, i32, i32
  }
  func.func @transform_9(%arg0: i32) -> (i32, i32) {
    %c0_i32 = arith.constant 0 : i32
    %c0_i32_0 = arith.constant 0 : i32
    return %arg0, %c0_i32 : i32, i32
  }
}

module attributes {stable_mosaic.version = 14 : i64} {
  func.func @_s3_body(%arg0: i32, %arg1: i32, %arg2: memref<128x128xf32, #tpu.memory_space<vmem>>, %arg3: memref<128x128xf32, #tpu.memory_space<vmem>>, %arg4: memref<128x16xf32, #tpu.memory_space<vmem>>, %arg5: memref<128x16xf32, #tpu.memory_space<vmem>>, %arg6: memref<128x256xf32, #tpu.memory_space<vmem>>, %arg7: memref<128x1xi32, #tpu.memory_space<vmem>>, %arg8: memref<1x256xf32, #tpu.memory_space<vmem>>, %arg9: memref<1x256xf32, #tpu.memory_space<vmem>>, %arg10: memref<1x256xf32, #tpu.memory_space<vmem>>, %arg11: memref<1x256xf32, #tpu.memory_space<vmem>>, %arg12: memref<1x256xf32, #tpu.memory_space<vmem>>, %arg13: memref<1x256xf32, #tpu.memory_space<vmem>>, %arg14: memref<1x256xf32, #tpu.memory_space<vmem>>, %arg15: memref<128x256xf32, #tpu.memory_space<vmem>>, %arg16: memref<64x256xf32, #tpu.memory_space<vmem>>, %arg17: memref<64x256xf32, #tpu.memory_space<vmem>>, %arg18: memref<64x256xf32, #tpu.memory_space<vmem>>, %arg19: memref<64x256xf32, #tpu.memory_space<vmem>>, %arg20: memref<64x256xf32, #tpu.memory_space<vmem>>) attributes {dimension_semantics = [#tpu.dimension_semantics<arbitrary>, #tpu.dimension_semantics<arbitrary>], iteration_bounds = array<i64: 2, 79>, scalar_prefetch = 0 : i64, scratch_operands = 5 : i64, tpu.core_type = #tpu.core_type<tc>, window_params = [{transform_indices = @transform_0, window_bounds = array<i64: 128, 128>}, {transform_indices = @transform_1, window_bounds = array<i64: 128, 128>}, {transform_indices = @transform_2, window_bounds = array<i64: 128, 16>}, {transform_indices = @transform_3, window_bounds = array<i64: 128, 16>}, {transform_indices = @transform_4, window_bounds = array<i64: 128, 256>}, {transform_indices = @transform_5, window_bounds = array<i64: 128, 1>}, {pipeline_mode = #tpu.pipeline_mode<synchronous>, transform_indices = @transform_6, window_bounds = array<i64: 1, 256>}, {pipeline_mode = #tpu.pipeline_mode<synchronous>, transform_indices = @transform_7, window_bounds = array<i64: 1, 256>}, {pipeline_mode = #tpu.pipeline_mode<synchronous>, transform_indices = @transform_8, window_bounds = array<i64: 1, 256>}, {pipeline_mode = #tpu.pipeline_mode<synchronous>, transform_indices = @transform_9, window_bounds = array<i64: 1, 256>}, {pipeline_mode = #tpu.pipeline_mode<synchronous>, transform_indices = @transform_10, window_bounds = array<i64: 1, 256>}, {pipeline_mode = #tpu.pipeline_mode<synchronous>, transform_indices = @transform_11, window_bounds = array<i64: 1, 256>}, {pipeline_mode = #tpu.pipeline_mode<synchronous>, transform_indices = @transform_12, window_bounds = array<i64: 1, 256>}, {transform_indices = @transform_13, window_bounds = array<i64: 128, 256>}]} {
    %get3A = arith.constant 0 : index
    %get3A_0 = arith.constant 0 : index
    %get3A_1 = vector.load %arg2[%get3A, %get3A_0] : memref<128x128xf32, #tpu.memory_space<vmem>>, vector<128x128xf32>
    %get3A_2 = arith.constant 0 : index
    %get3A_3 = arith.constant 0 : index
    %get3A_4 = vector.load %arg3[%get3A_2, %get3A_3] : memref<128x128xf32, #tpu.memory_space<vmem>>, vector<128x128xf32>
    %get3A_5 = arith.constant 0 : index
    %get3A_6 = arith.constant 0 : index
    %get3A_7 = vector.load %arg4[%get3A_5, %get3A_6] : memref<128x16xf32, #tpu.memory_space<vmem>>, vector<128x16xf32>
    %get3A_8 = arith.constant 0 : index
    %get3A_9 = arith.constant 0 : index
    %get3A_10 = vector.load %arg5[%get3A_8, %get3A_9] : memref<128x16xf32, #tpu.memory_space<vmem>>, vector<128x16xf32>
    %slice3A = vector.extract_strided_slice %get3A_7 {offsets = [0, 0], sizes = [128, 1], strides = [1, 1]} : vector<128x16xf32> to vector<128x1xf32>
    %broadcast_in_dim3A = vector.shape_cast %slice3A : vector<128x1xf32> to vector<128x1xf32>
    %broadcast_in_dim3A_11 = vector.broadcast %broadcast_in_dim3A : vector<128x1xf32> to vector<128x64xf32>
    %slice3A_12 = vector.extract_strided_slice %get3A_7 {offsets = [0, 1], sizes = [128, 1], strides = [1, 1]} : vector<128x16xf32> to vector<128x1xf32>
    %broadcast_in_dim3A_13 = vector.shape_cast %slice3A_12 : vector<128x1xf32> to vector<128x1xf32>
    %broadcast_in_dim3A_14 = vector.broadcast %broadcast_in_dim3A_13 : vector<128x1xf32> to vector<128x64xf32>
    %slice3A_15 = vector.extract_strided_slice %get3A_10 {offsets = [0, 0], sizes = [128, 1], strides = [1, 1]} : vector<128x16xf32> to vector<128x1xf32>
    %broadcast_in_dim3A_16 = vector.shape_cast %slice3A_15 : vector<128x1xf32> to vector<128x1xf32>
    %broadcast_in_dim3A_17 = vector.broadcast %broadcast_in_dim3A_16 : vector<128x1xf32> to vector<128x64xf32>
    %slice3A_18 = vector.extract_strided_slice %get3A_10 {offsets = [0, 1], sizes = [128, 1], strides = [1, 1]} : vector<128x16xf32> to vector<128x1xf32>
    %broadcast_in_dim3A_19 = vector.shape_cast %slice3A_18 : vector<128x1xf32> to vector<128x1xf32>
    %broadcast_in_dim3A_20 = vector.broadcast %broadcast_in_dim3A_19 : vector<128x1xf32> to vector<128x64xf32>
    %concatenate3A = tpu.concatenate %broadcast_in_dim3A_11, %broadcast_in_dim3A_14, %broadcast_in_dim3A_17, %broadcast_in_dim3A_20 in 1 : vector<128x64xf32>, vector<128x64xf32>, vector<128x64xf32>, vector<128x64xf32> -> vector<128x256xf32>
    %max3A = arith.constant 1.000000e-30 : f32
    %max3A_21 = vector.broadcast %max3A : f32 to vector<128x256xf32>
    %max3A_22 = arith.maximumf %concatenate3A, %max3A_21 : vector<128x256xf32>
    %concatenate3A_23 = tpu.concatenate %get3A_1, %get3A_4 in 1 : vector<128x128xf32>, vector<128x128xf32> -> vector<128x256xf32>
    %div3A = arith.divf %concatenate3A_23, %max3A_22 : vector<128x256xf32>
    %get3A_24 = arith.constant 0 : index
    %get3A_25 = arith.constant 0 : index
    %get3A_26 = vector.load %arg8[%get3A_24, %get3A_25] : memref<1x256xf32, #tpu.memory_space<vmem>>, vector<1x256xf32>
    %add3A = vector.broadcast %get3A_26 : vector<1x256xf32> to vector<128x256xf32>
    %add3A_27 = arith.addf %div3A, %add3A : vector<128x256xf32>
    %get3A_28 = arith.constant 0 : index
    %get3A_29 = arith.constant 0 : index
    %get3A_30 = vector.load %arg6[%get3A_28, %get3A_29] : memref<128x256xf32, #tpu.memory_space<vmem>>, vector<128x256xf32>
    %iota3A = tpu.iota {dimensions = array<i32: 1>} : vector<128x64xi32>
    %get3A_31 = arith.constant 0 : index
    %get3A_32 = arith.constant 0 : index
    %get3A_33 = vector.load %arg7[%get3A_31, %get3A_32] : memref<128x1xi32, #tpu.memory_space<vmem>>, vector<128x1xi32>
    %eq3A = vector.broadcast %get3A_33 : vector<128x1xi32> to vector<128x64xi32>
    %eq3A_34 = arith.cmpi eq, %eq3A, %iota3A : vector<128x64xi32>
    %jit3A = arith.constant 1.000000e+00 : f32
    %jit3A_35 = arith.constant 0.000000e+00 : f32
    %broadcast_in_dim3A_36 = vector.broadcast %jit3A : f32 to vector<128x64xf32>
    %broadcast_in_dim3A_37 = vector.broadcast %jit3A_35 : f32 to vector<128x64xf32>
    %select_n3A = arith.select %eq3A_34, %broadcast_in_dim3A_36, %broadcast_in_dim3A_37 : vector<128x64xi1>, vector<128x64xf32>
    %eq3A_38 = arith.constant 0 : i32
    %eq3A_39 = arith.cmpi eq, %arg0, %eq3A_38 : i32
    %convert_element_type3A = arith.extui %eq3A_39 : i1 to i32
    %cond3A = arith.constant 0 : i32
    %cond3A_40 = arith.cmpi ne, %convert_element_type3A, %cond3A : i32
    scf.if %cond3A_40 {
      %eq3A_46 = arith.constant 0 : i32
      %eq3A_47 = arith.cmpi eq, %arg1, %eq3A_46 : i32
      %convert_element_type3A_48 = arith.extui %eq3A_47 : i1 to i32
      %cond3A_49 = arith.constant 0 : i32
      %cond3A_50 = arith.cmpi ne, %convert_element_type3A_48, %cond3A_49 : i32
      scf.if %cond3A_50 {
        %broadcast_in_dim3A_97 = arith.constant 0.000000e+00 : f32
        %broadcast_in_dim3A_98 = vector.broadcast %broadcast_in_dim3A_97 : f32 to vector<64x256xf32>
        %swap3A_99 = arith.constant 0 : index
        %swap3A_100 = arith.constant 0 : index
        %swap3A_101 = vector.load %arg16[%swap3A_99, %swap3A_100] : memref<64x256xf32, #tpu.memory_space<vmem>>, vector<64x256xf32>
        tpu.vector_store %arg16[%swap3A_99, %swap3A_100], %broadcast_in_dim3A_98 {strides = array<i32>} : memref<64x256xf32, #tpu.memory_space<vmem>>, vector<64x256xf32>,
        %broadcast_in_dim3A_102 = arith.constant 0.000000e+00 : f32
        %broadcast_in_dim3A_103 = vector.broadcast %broadcast_in_dim3A_102 : f32 to vector<64x256xf32>
        %swap3A_104 = arith.constant 0 : index
        %swap3A_105 = arith.constant 0 : index
        %swap3A_106 = vector.load %arg17[%swap3A_104, %swap3A_105] : memref<64x256xf32, #tpu.memory_space<vmem>>, vector<64x256xf32>
        tpu.vector_store %arg17[%swap3A_104, %swap3A_105], %broadcast_in_dim3A_103 {strides = array<i32>} : memref<64x256xf32, #tpu.memory_space<vmem>>, vector<64x256xf32>,
        %broadcast_in_dim3A_107 = arith.constant 0.000000e+00 : f32
        %broadcast_in_dim3A_108 = vector.broadcast %broadcast_in_dim3A_107 : f32 to vector<64x256xf32>
        %swap3A_109 = arith.constant 0 : index
        %swap3A_110 = arith.constant 0 : index
        %swap3A_111 = vector.load %arg18[%swap3A_109, %swap3A_110] : memref<64x256xf32, #tpu.memory_space<vmem>>, vector<64x256xf32>
        tpu.vector_store %arg18[%swap3A_109, %swap3A_110], %broadcast_in_dim3A_108 {strides = array<i32>} : memref<64x256xf32, #tpu.memory_space<vmem>>, vector<64x256xf32>,
        %broadcast_in_dim3A_112 = arith.constant 0.000000e+00 : f32
        %broadcast_in_dim3A_113 = vector.broadcast %broadcast_in_dim3A_112 : f32 to vector<64x256xf32>
        %swap3A_114 = arith.constant 0 : index
        %swap3A_115 = arith.constant 0 : index
        %swap3A_116 = vector.load %arg19[%swap3A_114, %swap3A_115] : memref<64x256xf32, #tpu.memory_space<vmem>>, vector<64x256xf32>
        tpu.vector_store %arg19[%swap3A_114, %swap3A_115], %broadcast_in_dim3A_113 {strides = array<i32>} : memref<64x256xf32, #tpu.memory_space<vmem>>, vector<64x256xf32>,
        %broadcast_in_dim3A_117 = arith.constant 0.000000e+00 : f32
        %broadcast_in_dim3A_118 = vector.broadcast %broadcast_in_dim3A_117 : f32 to vector<64x256xf32>
        %swap3A_119 = arith.constant 0 : index
        %swap3A_120 = arith.constant 0 : index
        %swap3A_121 = vector.load %arg20[%swap3A_119, %swap3A_120] : memref<64x256xf32, #tpu.memory_space<vmem>>, vector<64x256xf32>
        tpu.vector_store %arg20[%swap3A_119, %swap3A_120], %broadcast_in_dim3A_118 {strides = array<i32>} : memref<64x256xf32, #tpu.memory_space<vmem>>, vector<64x256xf32>,
      } else {
      }
      %get3A_51 = arith.constant 0 : index
      %get3A_52 = arith.constant 0 : index
      %get3A_53 = vector.load %arg16[%get3A_51, %get3A_52] : memref<64x256xf32, #tpu.memory_space<vmem>>, vector<64x256xf32>
      %dot_general3A = arith.constant dense<0.000000e+00> : vector<64x256xf32>
      %dot_general3A_54 = tpu.matmul %select_n3A, %add3A_27, %dot_general3A {dimension_numbers = #tpu.dot_dimension_numbers<[0], [0], [1], [1], [0, 1, 1, 1], [], []>, transpose_lhs_hint = false} : vector<128x64xf32>, vector<128x256xf32>, vector<64x256xf32> -> vector<64x256xf32>
      %add3A_55 = arith.addf %get3A_53, %dot_general3A_54 : vector<64x256xf32>
      %swap3A = arith.constant 0 : index
      %swap3A_56 = arith.constant 0 : index
      %swap3A_57 = vector.load %arg16[%swap3A, %swap3A_56] : memref<64x256xf32, #tpu.memory_space<vmem>>, vector<64x256xf32>
      tpu.vector_store %arg16[%swap3A, %swap3A_56], %add3A_55 {strides = array<i32>} : memref<64x256xf32, #tpu.memory_space<vmem>>, vector<64x256xf32>,
      %get3A_58 = arith.constant 0 : index
      %get3A_59 = arith.constant 0 : index
      %get3A_60 = vector.load %arg17[%get3A_58, %get3A_59] : memref<64x256xf32, #tpu.memory_space<vmem>>, vector<64x256xf32>
      %mul3A = arith.mulf %add3A_27, %add3A_27 : vector<128x256xf32>
      %dot_general3A_61 = arith.constant dense<0.000000e+00> : vector<64x256xf32>
      %dot_general3A_62 = tpu.matmul %select_n3A, %mul3A, %dot_general3A_61 {dimension_numbers = #tpu.dot_dimension_numbers<[0], [0], [1], [1], [0, 1, 1, 1], [], []>, transpose_lhs_hint = false} : vector<128x64xf32>, vector<128x256xf32>, vector<64x256xf32> -> vector<64x256xf32>
      %add3A_63 = arith.addf %get3A_60, %dot_general3A_62 : vector<64x256xf32>
      %swap3A_64 = arith.constant 0 : index
      %swap3A_65 = arith.constant 0 : index
      %swap3A_66 = vector.load %arg17[%swap3A_64, %swap3A_65] : memref<64x256xf32, #tpu.memory_space<vmem>>, vector<64x256xf32>
      tpu.vector_store %arg17[%swap3A_64, %swap3A_65], %add3A_63 {strides = array<i32>} : memref<64x256xf32, #tpu.memory_space<vmem>>, vector<64x256xf32>,
      %get3A_67 = arith.constant 0 : index
      %get3A_68 = arith.constant 0 : index
      %get3A_69 = vector.load %arg18[%get3A_67, %get3A_68] : memref<64x256xf32, #tpu.memory_space<vmem>>, vector<64x256xf32>
      %dot_general3A_70 = arith.constant dense<0.000000e+00> : vector<64x256xf32>
      %dot_general3A_71 = tpu.matmul %select_n3A, %get3A_30, %dot_general3A_70 {dimension_numbers = #tpu.dot_dimension_numbers<[0], [0], [1], [1], [0, 1, 1, 1], [], []>, transpose_lhs_hint = false} : vector<128x64xf32>, vector<128x256xf32>, vector<64x256xf32> -> vector<64x256xf32>
      %add3A_72 = arith.addf %get3A_69, %dot_general3A_71 : vector<64x256xf32>
      %swap3A_73 = arith.constant 0 : index
      %swap3A_74 = arith.constant 0 : index
      %swap3A_75 = vector.load %arg18[%swap3A_73, %swap3A_74] : memref<64x256xf32, #tpu.memory_space<vmem>>, vector<64x256xf32>
      tpu.vector_store %arg18[%swap3A_73, %swap3A_74], %add3A_72 {strides = array<i32>} : memref<64x256xf32, #tpu.memory_space<vmem>>, vector<64x256xf32>,
      %get3A_76 = arith.constant 0 : index
      %get3A_77 = arith.constant 0 : index
      %get3A_78 = vector.load %arg19[%get3A_76, %get3A_77] : memref<64x256xf32, #tpu.memory_space<vmem>>, vector<64x256xf32>
      %mul3A_79 = arith.mulf %get3A_30, %get3A_30 : vector<128x256xf32>
      %dot_general3A_80 = arith.constant dense<0.000000e+00> : vector<64x256xf32>
      %dot_general3A_81 = tpu.matmul %select_n3A, %mul3A_79, %dot_general3A_80 {dimension_numbers = #tpu.dot_dimension_numbers<[0], [0], [1], [1], [0, 1, 1, 1], [], []>, transpose_lhs_hint = false} : vector<128x64xf32>, vector<128x256xf32>, vector<64x256xf32> -> vector<64x256xf32>
      %add3A_82 = arith.addf %get3A_78, %dot_general3A_81 : vector<64x256xf32>
      %swap3A_83 = arith.constant 0 : index
      %swap3A_84 = arith.constant 0 : index
      %swap3A_85 = vector.load %arg19[%swap3A_83, %swap3A_84] : memref<64x256xf32, #tpu.memory_space<vmem>>, vector<64x256xf32>
      tpu.vector_store %arg19[%swap3A_83, %swap3A_84], %add3A_82 {strides = array<i32>} : memref<64x256xf32, #tpu.memory_space<vmem>>, vector<64x256xf32>,
      %get3A_86 = arith.constant 0 : index
      %get3A_87 = arith.constant 0 : index
      %get3A_88 = vector.load %arg20[%get3A_86, %get3A_87] : memref<64x256xf32, #tpu.memory_space<vmem>>, vector<64x256xf32>
      %broadcast_in_dim3A_89 = arith.constant 1.000000e+00 : f32
      %broadcast_in_dim3A_90 = vector.broadcast %broadcast_in_dim3A_89 : f32 to vector<128x256xf32>
      %dot_general3A_91 = arith.constant dense<0.000000e+00> : vector<64x256xf32>
      %dot_general3A_92 = tpu.matmul %select_n3A, %broadcast_in_dim3A_90, %dot_general3A_91 {dimension_numbers = #tpu.dot_dimension_numbers<[0], [0], [1], [1], [0, 1, 1, 1], [], []>, transpose_lhs_hint = false} : vector<128x64xf32>, vector<128x256xf32>, vector<64x256xf32> -> vector<64x256xf32>
      %add3A_93 = arith.addf %get3A_88, %dot_general3A_92 : vector<64x256xf32>
      %swap3A_94 = arith.constant 0 : index
      %swap3A_95 = arith.constant 0 : index
      %swap3A_96 = vector.load %arg20[%swap3A_94, %swap3A_95] : memref<64x256xf32, #tpu.memory_space<vmem>>, vector<64x256xf32>
      tpu.vector_store %arg20[%swap3A_94, %swap3A_95], %add3A_93 {strides = array<i32>} : memref<64x256xf32, #tpu.memory_space<vmem>>, vector<64x256xf32>,
    } else {
    }
    %eq3A_41 = arith.constant 1 : i32
    %eq3A_42 = arith.cmpi eq, %arg0, %eq3A_41 : i32
    %convert_element_type3A_43 = arith.extui %eq3A_42 : i1 to i32
    %cond3A_44 = arith.constant 0 : i32
    %cond3A_45 = arith.cmpi ne, %convert_element_type3A_43, %cond3A_44 : i32
    scf.if %cond3A_45 {
      %get3A_46 = arith.constant 0 : index
      %get3A_47 = arith.constant 0 : index
      %get3A_48 = vector.load %arg20[%get3A_46, %get3A_47] : memref<64x256xf32, #tpu.memory_space<vmem>>, vector<64x256xf32>
      %max3A_49 = arith.constant 1.000000e+00 : f32
      %max3A_50 = vector.broadcast %max3A_49 : f32 to vector<64x256xf32>
      %max3A_51 = arith.maximumf %get3A_48, %max3A_50 : vector<64x256xf32>
      %get3A_52 = arith.constant 0 : index
      %get3A_53 = arith.constant 0 : index
      %get3A_54 = vector.load %arg16[%get3A_52, %get3A_53] : memref<64x256xf32, #tpu.memory_space<vmem>>, vector<64x256xf32>
      %get3A_55 = arith.constant 0 : index
      %get3A_56 = arith.constant 0 : index
      %get3A_57 = vector.load %arg17[%get3A_55, %get3A_56] : memref<64x256xf32, #tpu.memory_space<vmem>>, vector<64x256xf32>
      %get3A_58 = arith.constant 0 : index
      %get3A_59 = arith.constant 0 : index
      %get3A_60 = vector.load %arg9[%get3A_58, %get3A_59] : memref<1x256xf32, #tpu.memory_space<vmem>>, vector<1x256xf32>
      %get3A_61 = arith.constant 0 : index
      %get3A_62 = arith.constant 0 : index
      %get3A_63 = vector.load %arg10[%get3A_61, %get3A_62] : memref<1x256xf32, #tpu.memory_space<vmem>>, vector<1x256xf32>
      %get3A_64 = arith.constant 0 : index
      %get3A_65 = arith.constant 0 : index
      %get3A_66 = vector.load %arg11[%get3A_64, %get3A_65] : memref<1x256xf32, #tpu.memory_space<vmem>>, vector<1x256xf32>
      %div3A_67 = arith.divf %get3A_54, %max3A_51 : vector<64x256xf32>
      %div3A_68 = arith.divf %get3A_57, %max3A_51 : vector<64x256xf32>
      %mul3A = arith.constant 2.000000e+00 : f32
      %mul3A_69 = vector.broadcast %mul3A : f32 to vector<1x256xf32>
      %mul3A_70 = arith.mulf %mul3A_69, %get3A_66 : vector<1x256xf32>
      %mul3A_71 = arith.mulf %get3A_66, %get3A_66 : vector<1x256xf32>
      %sub3A = arith.subf %mul3A_70, %mul3A_71 : vector<1x256xf32>
      %mul3A_72 = vector.broadcast %sub3A : vector<1x256xf32> to vector<64x256xf32>
      %mul3A_73 = arith.mulf %mul3A_72, %div3A_67 : vector<64x256xf32>
      %mul3A_74 = arith.mulf %mul3A_73, %div3A_67 : vector<64x256xf32>
      %sub3A_75 = arith.subf %div3A_68, %mul3A_74 : vector<64x256xf32>
      %max3A_76 = arith.constant 0.000000e+00 : f32
      %max3A_77 = vector.broadcast %max3A_76 : f32 to vector<64x256xf32>
      %max3A_78 = arith.maximumf %sub3A_75, %max3A_77 : vector<64x256xf32>
      %add3A_79 = arith.constant 9.99999974E-6 : f32
      %add3A_80 = vector.broadcast %add3A_79 : f32 to vector<64x256xf32>
      %add3A_81 = arith.addf %max3A_78, %add3A_80 : vector<64x256xf32>
      %sqrt3A = math.sqrt %add3A_81 : vector<64x256xf32>
      %dot_general3A = arith.constant dense<0.000000e+00> : vector<128x256xf32>
      %dot_general3A_82 = tpu.matmul %select_n3A, %div3A_67, %dot_general3A {dimension_numbers = #tpu.dot_dimension_numbers<[1], [0], [0], [1], [0, 0, 1, 1], [], []>, transpose_lhs_hint = false} : vector<128x64xf32>, vector<64x256xf32>, vector<128x256xf32> -> vector<128x256xf32>
      %dot_general3A_83 = arith.constant dense<0.000000e+00> : vector<128x256xf32>
      %dot_general3A_84 = tpu.matmul %select_n3A, %sqrt3A, %dot_general3A_83 {dimension_numbers = #tpu.dot_dimension_numbers<[1], [0], [0], [1], [0, 0, 1, 1], [], []>, transpose_lhs_hint = false} : vector<128x64xf32>, vector<64x256xf32>, vector<128x256xf32> -> vector<128x256xf32>
      %mul3A_85 = vector.broadcast %get3A_66 : vector<1x256xf32> to vector<128x256xf32>
      %mul3A_86 = arith.mulf %mul3A_85, %dot_general3A_82 : vector<128x256xf32>
      %sub3A_87 = arith.subf %add3A_27, %mul3A_86 : vector<128x256xf32>
      %mul3A_88 = vector.broadcast %get3A_60 : vector<1x256xf32> to vector<128x256xf32>
      %mul3A_89 = arith.mulf %mul3A_88, %sub3A_87 : vector<128x256xf32>
      %div3A_90 = arith.divf %mul3A_89, %dot_general3A_84 : vector<128x256xf32>
      %add3A_91 = vector.broadcast %get3A_63 : vector<1x256xf32> to vector<128x256xf32>
      %add3A_92 = arith.addf %div3A_90, %add3A_91 : vector<128x256xf32>
      %get3A_93 = arith.constant 0 : index
      %get3A_94 = arith.constant 0 : index
      %get3A_95 = vector.load %arg18[%get3A_93, %get3A_94] : memref<64x256xf32, #tpu.memory_space<vmem>>, vector<64x256xf32>
      %get3A_96 = arith.constant 0 : index
      %get3A_97 = arith.constant 0 : index
      %get3A_98 = vector.load %arg19[%get3A_96, %get3A_97] : memref<64x256xf32, #tpu.memory_space<vmem>>, vector<64x256xf32>
      %get3A_99 = arith.constant 0 : index
      %get3A_100 = arith.constant 0 : index
      %get3A_101 = vector.load %arg12[%get3A_99, %get3A_100] : memref<1x256xf32, #tpu.memory_space<vmem>>, vector<1x256xf32>
      %get3A_102 = arith.constant 0 : index
      %get3A_103 = arith.constant 0 : index
      %get3A_104 = vector.load %arg13[%get3A_102, %get3A_103] : memref<1x256xf32, #tpu.memory_space<vmem>>, vector<1x256xf32>
      %get3A_105 = arith.constant 0 : index
      %get3A_106 = arith.constant 0 : index
      %get3A_107 = vector.load %arg14[%get3A_105, %get3A_106] : memref<1x256xf32, #tpu.memory_space<vmem>>, vector<1x256xf32>
      %div3A_108 = arith.divf %get3A_95, %max3A_51 : vector<64x256xf32>
      %div3A_109 = arith.divf %get3A_98, %max3A_51 : vector<64x256xf32>
      %mul3A_110 = arith.constant 2.000000e+00 : f32
      %mul3A_111 = vector.broadcast %mul3A_110 : f32 to vector<1x256xf32>
      %mul3A_112 = arith.mulf %mul3A_111, %get3A_107 : vector<1x256xf32>
      %mul3A_113 = arith.mulf %get3A_107, %get3A_107 : vector<1x256xf32>
      %sub3A_114 = arith.subf %mul3A_112, %mul3A_113 : vector<1x256xf32>
      %mul3A_115 = vector.broadcast %sub3A_114 : vector<1x256xf32> to vector<64x256xf32>
      %mul3A_116 = arith.mulf %mul3A_115, %div3A_108 : vector<64x256xf32>
      %mul3A_117 = arith.mulf %mul3A_116, %div3A_108 : vector<64x256xf32>
      %sub3A_118 = arith.subf %div3A_109, %mul3A_117 : vector<64x256xf32>
      %max3A_119 = arith.constant 0.000000e+00 : f32
      %max3A_120 = vector.broadcast %max3A_119 : f32 to vector<64x256xf32>
      %max3A_121 = arith.maximumf %sub3A_118, %max3A_120 : vector<64x256xf32>
      %add3A_122 = arith.constant 9.99999974E-6 : f32
      %add3A_123 = vector.broadcast %add3A_122 : f32 to vector<64x256xf32>
      %add3A_124 = arith.addf %max3A_121, %add3A_123 : vector<64x256xf32>
      %sqrt3A_125 = math.sqrt %add3A_124 : vector<64x256xf32>
      %dot_general3A_126 = arith.constant dense<0.000000e+00> : vector<128x256xf32>
      %dot_general3A_127 = tpu.matmul %select_n3A, %div3A_108, %dot_general3A_126 {dimension_numbers = #tpu.dot_dimension_numbers<[1], [0], [0], [1], [0, 0, 1, 1], [], []>, transpose_lhs_hint = false} : vector<128x64xf32>, vector<64x256xf32>, vector<128x256xf32> -> vector<128x256xf32>
      %dot_general3A_128 = arith.constant dense<0.000000e+00> : vector<128x256xf32>
      %dot_general3A_129 = tpu.matmul %select_n3A, %sqrt3A_125, %dot_general3A_128 {dimension_numbers = #tpu.dot_dimension_numbers<[1], [0], [0], [1], [0, 0, 1, 1], [], []>, transpose_lhs_hint = false} : vector<128x64xf32>, vector<64x256xf32>, vector<128x256xf32> -> vector<128x256xf32>
      %mul3A_130 = vector.broadcast %get3A_107 : vector<1x256xf32> to vector<128x256xf32>
      %mul3A_131 = arith.mulf %mul3A_130, %dot_general3A_127 : vector<128x256xf32>
      %sub3A_132 = arith.subf %get3A_30, %mul3A_131 : vector<128x256xf32>
      %mul3A_133 = vector.broadcast %get3A_101 : vector<1x256xf32> to vector<128x256xf32>
      %mul3A_134 = arith.mulf %mul3A_133, %sub3A_132 : vector<128x256xf32>
      %div3A_135 = arith.divf %mul3A_134, %dot_general3A_129 : vector<128x256xf32>
      %add3A_136 = vector.broadcast %get3A_104 : vector<1x256xf32> to vector<128x256xf32>
      %add3A_137 = arith.addf %div3A_135, %add3A_136 : vector<128x256xf32>
      %add3A_138 = arith.addf %add3A_92, %add3A_137 : vector<128x256xf32>
      %gt3A = arith.constant 0.000000e+00 : f32
      %gt3A_139 = vector.broadcast %gt3A : f32 to vector<128x256xf32>
      %gt3A_140 = arith.cmpf ogt, %add3A_138, %gt3A_139 : vector<128x256xf32>
      %min3A = arith.constant 0.000000e+00 : f32
      %min3A_141 = vector.broadcast %min3A : f32 to vector<128x256xf32>
      %min3A_142 = arith.minimumf %add3A_138, %min3A_141 : vector<128x256xf32>
      %exp3A = math.exp %min3A_142 : vector<128x256xf32>
      %sub3A_143 = arith.constant 1.000000e+00 : f32
      %sub3A_144 = vector.broadcast %sub3A_143 : f32 to vector<128x256xf32>
      %sub3A_145 = arith.subf %exp3A, %sub3A_144 : vector<128x256xf32>
      %select_n3A_146 = arith.select %gt3A_140, %add3A_138, %sub3A_145 : vector<128x256xi1>, vector<128x256xf32>
      %swap3A = arith.constant 0 : index
      %swap3A_147 = arith.constant 0 : index
      %swap3A_148 = vector.load %arg15[%swap3A, %swap3A_147] : memref<128x256xf32, #tpu.memory_space<vmem>>, vector<128x256xf32>
      tpu.vector_store %arg15[%swap3A, %swap3A_147], %select_n3A_146 {strides = array<i32>} : memref<128x256xf32, #tpu.memory_space<vmem>>, vector<128x256xf32>,
    } else {
    }
    return
  }
  func.func @transform_0(%arg0: i32, %arg1: i32) -> (i32, i32) {
    %c0_i32 = arith.constant 0 : i32
    %c0_i32_0 = arith.constant 0 : i32
    return %arg1, %c0_i32 : i32, i32
  }
  func.func @transform_1(%arg0: i32, %arg1: i32) -> (i32, i32) {
    %add3A = arith.constant 79 : i32
    %add3A_0 = arith.addi %add3A, %arg1 : i32
    %c0_i32 = arith.constant 0 : i32
    %c0_i32_1 = arith.constant 0 : i32
    return %add3A_0, %c0_i32 : i32, i32
  }
  func.func @transform_2(%arg0: i32, %arg1: i32) -> (i32, i32) {
    %c0_i32 = arith.constant 0 : i32
    %c0_i32_0 = arith.constant 0 : i32
    return %arg1, %c0_i32 : i32, i32
  }
  func.func @transform_3(%arg0: i32, %arg1: i32) -> (i32, i32) {
    %add3A = arith.constant 79 : i32
    %add3A_0 = arith.addi %add3A, %arg1 : i32
    %c0_i32 = arith.constant 0 : i32
    %c0_i32_1 = arith.constant 0 : i32
    return %add3A_0, %c0_i32 : i32, i32
  }
  func.func @transform_4(%arg0: i32, %arg1: i32) -> (i32, i32) {
    %c0_i32 = arith.constant 0 : i32
    %c0_i32_0 = arith.constant 0 : i32
    return %arg1, %c0_i32 : i32, i32
  }
  func.func @transform_5(%arg0: i32, %arg1: i32) -> (i32, i32) {
    %c0_i32 = arith.constant 0 : i32
    %c0_i32_0 = arith.constant 0 : i32
    return %arg1, %c0_i32 : i32, i32
  }
  func.func @transform_6(%arg0: i32, %arg1: i32) -> (i32, i32) {
    %c0_i32 = arith.constant 0 : i32
    %c0_i32_0 = arith.constant 0 : i32
    %c0_i32_1 = arith.constant 0 : i32
    return %c0_i32, %c0_i32_0 : i32, i32
  }
  func.func @transform_7(%arg0: i32, %arg1: i32) -> (i32, i32) {
    %c0_i32 = arith.constant 0 : i32
    %c0_i32_0 = arith.constant 0 : i32
    %c0_i32_1 = arith.constant 0 : i32
    return %c0_i32, %c0_i32_0 : i32, i32
  }
  func.func @transform_8(%arg0: i32, %arg1: i32) -> (i32, i32) {
    %c0_i32 = arith.constant 0 : i32
    %c0_i32_0 = arith.constant 0 : i32
    %c0_i32_1 = arith.constant 0 : i32
    return %c0_i32, %c0_i32_0 : i32, i32
  }
  func.func @transform_9(%arg0: i32, %arg1: i32) -> (i32, i32) {
    %c0_i32 = arith.constant 0 : i32
    %c0_i32_0 = arith.constant 0 : i32
    %c0_i32_1 = arith.constant 0 : i32
    return %c0_i32, %c0_i32_0 : i32, i32
  }
  func.func @transform_10(%arg0: i32, %arg1: i32) -> (i32, i32) {
    %c0_i32 = arith.constant 0 : i32
    %c0_i32_0 = arith.constant 0 : i32
    %c0_i32_1 = arith.constant 0 : i32
    return %c0_i32, %c0_i32_0 : i32, i32
  }
  func.func @transform_11(%arg0: i32, %arg1: i32) -> (i32, i32) {
    %c0_i32 = arith.constant 0 : i32
    %c0_i32_0 = arith.constant 0 : i32
    %c0_i32_1 = arith.constant 0 : i32
    return %c0_i32, %c0_i32_0 : i32, i32
  }
  func.func @transform_12(%arg0: i32, %arg1: i32) -> (i32, i32) {
    %c0_i32 = arith.constant 0 : i32
    %c0_i32_0 = arith.constant 0 : i32
    %c0_i32_1 = arith.constant 0 : i32
    return %c0_i32, %c0_i32_0 : i32, i32
  }
  func.func @transform_13(%arg0: i32, %arg1: i32) -> (i32, i32) {
    %c0_i32 = arith.constant 0 : i32
    %c0_i32_0 = arith.constant 0 : i32
    return %arg1, %c0_i32 : i32, i32
  }
}

</mosaic_0001>

<sc_bundles>
// kernel: kernel.5.cloned.1.call-start
scs
__scs_entry_jumppad:
0x0: {  	(pc) =	sbr.rel $0x88, $3  }
0x1: {  	(tag) =	ssettag $0x0;
	lr =	simm.s32 $0x1  }
0x2: {  	[smem:$0x3F90] =	sst lr;
	_ =	strace $0xD0000000  }
0x3: {  	_ = 	snop  }
0x4: {  	_ = 	snop  }
0x5: {  	_ = 	snop  }
0x6: {  	_ = 	snop  }
0x7: {  	_ = 	snop  }
__scs_overlays_trampoline_lowered:
0x8: {  	[smem:$0x3F9F] =	sst s0  }
0x9: {  	[smem:$0x3FA0] =	sst s1  }
0xa: {  	[smem:$0x3FA1] =	sst s2  }
0xb: {  	[smem:$0x3FA2] =	sst s3  }
0xc: {  	[smem:$0x3FA3] =	sst s4  }
0xd: {  	[smem:$0x3FA4] =	sst s5  }
0xe: {  	[smem:$0x3FA5] =	sst s6  }
0xf: {  	[smem:$0x3FA6] =	sst s7  }
0x10: {  	[smem:$0x3FA7] =	sst s8  }
0x11: {  	[smem:$0x3FA8] =	sst s9;
	s0 =	simm.s32 @!p0 $0x0  }
0x12: {  	s1 =	sld [smem:$0x3F8E];
	s0 =	simm.s32 @p0 $0x1  }
0x13: {  	[smem:$0x3FA9] =	sst s0;
	s0 =	simm.s32 @!p1 $0x0  }
0x14: {  	s2 =	sld [smem:$0x3F8D];
	s0 =	simm.s32 @p1 $0x1  }
0x15: {  	[smem:$0x3FAA] =	sst s0;
	s0 =	simm.s32 @!p2 $0x0  }
0x16: {  	s3 =	sld [smem:$0x3FDB];
	s0 =	simm.s32 @p2 $0x1  }
0x17: {  	s4 =	simm.s32 $0x1BF5;
	[smem:$0x3FAC] =	sst s0  }
0x18: {  	s0 =	sld [smem:$0x3F8F];
	_ =	swait.ge [sflag:s4], $0x0  }
0x19: {  	s7 =	sld [smem:$0x3F90]  }
0x1a: {  	s8 =	sadd.s32 $0xFFFFE003, lr  }
0x1b: {  	s9 =	sadd.s32 $0xFFFFFEF7, lr;
	s5 =	simm.s32 $0xFFFFFFFF;
	p2 =	slt.u32 s8, $0xFFFFF086  }
0x1c: {  	p1 =	slt.u32 s9, $0xF7A;
	s5 =	simm.s32 @!p2 $0x0  }
0x1d: {  	s5 =	simm.s32 @p1 $0x1;
	p0 =	seq.s32 s7, s2  }
0x1e: {  	s7 =	smul.u32 @!p0 $0xF7A, s2;
	p2 =	seq.s32 @!p0 s5, $0x0  }
0x1f: {  	s9 =	smul.u32 $0xF7A, s1;
	s8 =	simm.s32 @!p0 $0x1BF5;
	p2 =	por !p2, p0  }
0x20: {  	[sflag:s8] =	ssyncset.s32 @!p0 $0xFFFFF086;
	s6 =	sadd.s32 @!p0 s3, s7;
	s7 =	simm.s32 @!p0 $0x108  }
0x21: {  	s3 =	sadd.s32 s3, s9;
	s6 =	sadd.s32 @!p0 $0x88, s6;
	s7 =	simm.s32 @p2 $0x1082  }
0x22: {  	[simem:s7], [sflag:s8] =	dma.local @!p0 [hbm:s6], $0xF7A  }
0x23: {  	s9 =	sor.u32 $0xD0000000, s2;
	s6 =	simm.s32 $0x108;
	_ =	swait.ge @!p0 [sflag:s8], $0x0  }
0x24: {  	s3 =	sadd.s32 $0x88, s3;
	s6 =	simm.s32 @!p1 $0x1082;
	[sflag:s4] =	ssyncset.s32 $0xFFFFF086  }
0x25: {  	[simem:s6], [sflag:s4] =	dma.local [hbm:s3], $0xF7A  }
0x26: {  	[smem:$0x3F90] =	sst s1;
	(tag) =	ssettag s2;
	_ =	strace s9  }
0x27: {  	s1 =	sld [smem:$0x3FA0]  }
0x28: {  	s2 =	sld [smem:$0x3FA1]  }
0x29: {  	s4 =	sld [smem:$0x3FA3]  }
0x2a: {  	p0 =	seq.s32 s5, $0x0;
	s5 =	sld [smem:$0x3FA4]  }
0x2b: {  	s6 =	sld [smem:$0x3FA5]  }
0x2c: {  	s7 =	sld [smem:$0x3FA6]  }
0x2d: {  	s3 =	simm.s32 $0x108;
	s8 =	sld [smem:$0x3FA7]  }
0x2e: {  	s3 =	simm.s32 @!p0 $0x1082;
	s9 =	sld [smem:$0x3FA8]  }
0x2f: {  	lr =	sadd.s32 s0, s3;
	s0 =	sld [smem:$0x3F9F]  }
0x30: {  	s3 =	sld [smem:$0x3FA2]  }
0x31: {  	[smem:$0x3FAB] =	sst s10  }
0x32: {  	s10 =	sld [smem:$0x3FA9];
	_ =	sdelay $0x3  }
0x33: {  	p0 =	seq.s32 s10, $0x1;
	s10 =	sld [smem:$0x3FAB];
	_ =	sdelay $0x3  }
0x34: {  	[smem:$0x3FAB] =	sst s10  }
0x35: {  	s10 =	sld [smem:$0x3FAA];
	_ =	sdelay $0x3  }
0x36: {  	p1 =	seq.s32 s10, $0x1;
	s10 =	sld [smem:$0x3FAB];
	_ =	sdelay $0x3  }
0x37: {  	[smem:$0x3FAB] =	sst s10  }
0x38: {  	s10 =	sld [smem:$0x3FAC]  }
0x39: {  	_ = 	snop;
	(pc) =	sbr.ind lr, $3  }
0x3a: {  	_ = 	snop  }
0x3b: {  	_ = 	snop  }
0x3c: {  	p2 =	seq.s32 s10, $0x1;
	s10 =	sld [smem:$0x3FAB]  }
0x3d: {  	_ =	shalt  }
0x3e: {  	_ =	shalt  }
0x3f: {  	_ =	shalt  }
0x40: {  	_ =	shalt  }
0x41: {  	_ =	shalt  }
0x42: {  	_ =	shalt  }
0x43: {  	_ =	shalt  }
0x44: {  	_ =	shalt  }
0x45: {  	_ =	shalt  }
0x46: {  	_ =	shalt  }
0x47: {  	_ =	shalt  }
0x48: {  	_ =	shalt  }
0x49: {  	_ =	shalt  }
0x4a: {  	_ =	shalt  }
0x4b: {  	_ =	shalt  }
0x4c: {  	_ =	shalt  }
0x4d: {  	_ =	shalt  }
0x4e: {  	_ =	shalt  }
0x4f: {  	_ =	shalt  }
0x50: {  	_ =	shalt  }
0x51: {  	_ =	shalt  }
0x52: {  	_ =	shalt  }
0x53: {  	_ =	shalt  }
0x54: {  	_ =	shalt  }
0x55: {  	_ =	shalt  }
0x56: {  	_ =	shalt  }
0x57: {  	_ =	shalt  }
0x58: {  	_ =	shalt  }
0x59: {  	_ =	shalt  }
0x5a: {  	_ =	shalt  }
0x5b: {  	_ =	shalt  }
0x5c: {  	_ =	shalt  }
0x5d: {  	_ =	shalt  }
0x5e: {  	_ =	shalt  }
0x5f: {  	_ =	shalt  }
0x60: {  	_ =	shalt  }
0x61: {  	_ =	shalt  }
0x62: {  	_ =	shalt  }
0x63: {  	_ =	shalt  }
0x64: {  	_ =	shalt  }
0x65: {  	_ =	shalt  }
0x66: {  	_ =	shalt  }
0x67: {  	_ =	shalt  }
0x68: {  	_ =	shalt  }
0x69: {  	_ =	shalt  }
0x6a: {  	_ =	shalt  }
0x6b: {  	_ =	shalt  }
0x6c: {  	_ =	shalt  }
0x6d: {  	_ =	shalt  }
0x6e: {  	_ =	shalt  }
0x6f: {  	_ =	shalt  }
0x70: {  	_ =	shalt  }
0x71: {  	_ =	shalt  }
0x72: {  	_ =	shalt  }
0x73: {  	_ =	shalt  }
0x74: {  	_ =	shalt  }
0x75: {  	_ =	shalt  }
0x76: {  	_ =	shalt  }
0x77: {  	_ =	shalt  }
0x78: {  	_ =	shalt  }
0x79: {  	_ =	shalt  }
0x7a: {  	_ =	shalt  }
0x7b: {  	_ =	shalt  }
0x7c: {  	_ =	shalt  }
0x7d: {  	_ =	shalt  }
0x7e: {  	_ =	shalt  }
0x7f: {  	_ =	shalt  }
0x80: {  	_ =	shalt  }
0x81: {  	_ =	shalt  }
0x82: {  	_ =	shalt  }
0x83: {  	_ =	shalt  }
0x84: {  	_ =	shalt  }
0x85: {  	_ =	shalt  }
0x86: {  	_ =	shalt  }
0x87: {  	_ =	shalt  }
.Lfunc_end0:
.L_simem_size_0:
called_computation_lowered:
.L_overlay_start_0:
0x88: {  	s2 =	sld [smem:$0x3FD9]  }
0x89: {  	s3 =	sld [smem:$0x3FFE];
	_ =	sdelay $0x1  }
0x8a: {  	s1 =	srdreg.scid  }
0x8b: {  	s0 =	sand.u32 $0x1, s1  }
0x8c: {  	s17 =	sshll.u32 s0, $0xA;
	s2 =	sadd.s32 s3, s2  }
0x8d: {  	s2 =	sadd.s32 s2, s17  }
0x8e: {  	[smem:$0x3FB7] =	sst s2  }
0x8f: {  	_ = 	snop  }
0x90: {  	s2 =	sld [smem:$0x3FD0];
	(tm) =	ssettm $0x1  }
0x91: {  	s18 =	sld [smem:$0x3FFB];
	_ =	sdelay $0x3  }
0x92: {  	_ =	strace s18  }
0x93: {  	s3 =	sld [smem:$0x3FFC];
	_ =	sdelay $0x3  }
0x94: {  	_ =	strace s3  }
0x95: {  	s3 =	sld [smem:$0x3FFD];
	_ =	sdelay $0x3  }
0x96: {  	_ =	strace s3  }
0x97: {  	_ =	strace $0x8FFFFFFF  }
0x98: {  	s19 =	sld [smem:$0x3FDB];
	_ =	sdelay $0x1  }
0x99: {  	s4 =	simm.s32 $_scs_section_size  }
0x9a: {  	s5 =	simm.s32 $_size__tile_overlayer_lowered;
	s6 =	simm.s32 $_tile_overlayer_lowered  }
0x9b: {  	s22 =	simm.s32 $0x1BFF;
	s21 =	sshll.u32 s6, $0x1;
	s3 =	sadd.s32 s4, s19  }
0x9c: {  	s7 =	simm.s32 $0x0;
	s20 =	sshll.u32 s5, $0x1;
	s5 =	sadd.s32 s21, s3  }
0x9d: {  	[timem:s7], [sflag:s22] =	dma.local [hbm:s5], s20  }
0x9e: {  	_ =	swait.ge [sflag:s22], s20  }
0x9f: {  	s4 =	ssub.s32 $0x0, s20;
	[sflag:s22] =	ssyncset.done $0x0  }
0xa0: {  	[sflag:s22] =	ssyncadd.s32 s4;
	_ =	sdelay $0x1  }
0xa1: {  	s23 =	simm.s32 $0x1B8B  }
0xa2: {  	_ =	swait.ge [sflag:s23], $0x1  }
0xa3: {  	[sflag:s23] =	ssyncset.done $0x0  }
0xa4: {  	s25 =	simm.s32 $0x1B8E;
	s24 =	sld [smem:$0x3FFE];
	[sflag:s23] =	ssyncadd.s32 $0xFFFFFFFF  }
0xa5: {  	s26 =	simm.s32 $execute0_lowered;
	[smem:$0x3FD2] =	sst s25  }
0xa6: {  	s5 =	sshll.u32 s26, $0x1;
	_ =	strace $0x80000046;
	[dreg:$0x1] =	wrdreg $0xFFFFFFFF  }
0xa7: {  	s28 =	simm.s32 $_size_execute0_lowered;
	s3 =	sadd.s32 s3, s5;
	[dreg:$0x0] =	wrdreg $0x0  }
0xa8: {  	s5 =	sshll.u32 s28, $0x1;
	[dreg:$0x2] =	wrdreg s3  }
0xa9: {  	[dreg:$0x3] =	wrdreg s5  }
0xaa: {  	[dreg:$0x4] =	wrdreg $0xC0  }
0xab: {  	_ =	task [dreg:s7], $0x5FFFF  }
0xac: {  	[dreg:$0x1] =	wrdreg $0xFFFFFFFF  }
0xad: {  	[dreg:$0x0] =	wrdreg $0x60  }
0xae: {  	[dreg:$0x2] =	wrdreg s2  }
0xaf: {  	[dreg:$0x3] =	wrdreg s24  }
0xb0: {  	[dreg:$0x4] =	wrdreg $0x97800  }
0xb1: {  	[dreg:$0x5] =	wrdreg $0x1D3800  }
0xb2: {  	[dreg:$0x6] =	wrdreg $0x9  }
0xb3: {  	_ =	task.clear_ibuf [dreg:s7], $0x7FFFF;
	_ =	strace $0x90000046  }
0xb4: {  	s29 =	simm.s32 $0x9;
	_ =	strace $0x80000048  }
0xb5: {  	_ =	swait.ge [sflag:s29], $0x1  }
0xb6: {  	[sflag:s29] =	ssyncadd.s32 $0xFFFFFFFF  }
0xb7: {  	_ =	strace $0x90000048  }
0xb8: {  	_ =	sfence  }
0xb9: {  	s30 =	sld [smem:$0x0];
	_ =	sdelay $0x2  }
0xba: {  	s31 =	sshll.u32 s1, $0xD;
	s1 =	sshrl.u32 s1, $0x2  }
0xbb: {  	s3 =	sand.u32 $0x4000, s31;
	s1 =	sadd.s32 s1, s30  }
0xbc: {  	s0 =	sor.u32 s3, s0;
	s1 =	sshll.u32 s1, $0x11  }
0xbd: {  	s0 =	sor.u32 s1, s0  }
0xbe: {  	s0 =	sadd.s32 $0x8F2B, s0  }
0xbf: {  	[sflag:s0] =	ssyncadd.remote.s32 $0x1  }
0xc0: {  	_ =	sfence.sel $0xFFFF  }
0xc1: {  	[dreg:$0x0] =	wrdreg $0xFFFFFFFF;
	(pc) =	sbr.abs _section_cstart, $3  }
0xc2: {  	[dreg:$0x1] =	wrdreg $0xFFFFFFFF  }
0xc3: {  	_ =	task.clear_ibuf [dreg:s7], $0x2FFFF;
	_ =	strace $0x9FFFFFFF  }
0xc4: {  	(tm) =	ssettm $0x7FFFFFFF  }
0xc5: {  	_ =	shalt  }
tec
execute0_lowered:
.L_overlay_start_1:
0x0: {  	(tag) =	ssettag $0x1  }
0x1: {  	s15 =	stileid.u32  }
0x2: {  	s1 =	rddreg [dreg:$0x0];
	s7 =	smul.u32 $0x278, s15  }
0x3: {  	s4 =	rddreg [dreg:$0x1];
	s9 =	smul.u32 $0x50, s15  }
0x4: {  	s2 =	rddreg [dreg:$0x2];
	s17 =	smul.u32 $0x4F000, s15  }
0x5: {  	s3 =	rddreg [dreg:$0x3];
	s13 =	smul.u32 $0xA000, s15  }
0x6: {  	s0 =	srdreg.scid;
	s5 =	simm.s32 $0x0;
	s14 =	smul.u32 $0xE0, s15  }
0x7: {  	s8 =	sand.u32 $0x1, s0;
	[smem:$0x7FF] =	sst s5;
	s15 =	smul.u32 $0x1500, s15  }
0x8: {  	s6 =	sadd.s32 $0x3400, s4;
	s0 =	smul.u32 $0x2780, s8;
	s10 =	sshll.u32 s8, $0x4  }
0x9: {  	_ =	strace $0x80000047;
	s12 =	smul.u32 $0x500, s8;
	s10 =	sadd.s32 s10, s4  }
0xa: {  	s13 =	sshrl.u32 s13, $0x2;
	s11 =	sadd.s32 s7, s0;
	s7 =	sadd.s32 $0xA1400, s4  }
0xb: {  	s9 =	sadd.s32 s9, s12;
	s12 =	sshrl.u32 s17, $0x2;
	s19 =	sadd.s32 $0x3200, s10  }
0xc: {  	s24 =	sadd.s32 s13, s3;
	s11 =	sshll.u32 s11, $0x4;
	[dreg:$0x7] =	wrdreg s19  }
0xd: {  	s9 =	sshll.u32 s9, $0x4;
	s16 =	sadd.s32 s12, s2;
	[dreg:$0x6] =	wrdreg s24  }
0xe: {  	s11 =	sadd.s32 s11, s4;
	s10 =	sadd.s32 $0x6000, s16;
	[dreg:$0x5] =	wrdreg s16  }
0xf: {  	s4 =	sadd.s32 s9, s4;
	s9 =	sadd.s32 s1, s15;
	[dreg:$0x1d] =	wrdreg s10  }
0x10: {  	s20 =	sadd.s32 $0xFA400, s11;
	[dreg:$0x8] =	wrdreg s9  }
0x11: {  	s21 =	sadd.s32 $0xFA700, s11;
	[dreg:$0x9] =	wrdreg s20  }
0x12: {  	s22 =	sadd.s32 $0xFAA00, s11;
	[dreg:$0xa] =	wrdreg s21  }
0x13: {  	s23 =	sadd.s32 $0xFAD00, s11;
	[dreg:$0xb] =	wrdreg s22  }
0x14: {  	s25 =	sadd.s32 $0xFB000, s11;
	[dreg:$0xc] =	wrdreg s23  }
0x15: {  	s13 =	sor.u32 $0x3, s14;
	s26 =	sadd.s32 $0xFB300, s11;
	[dreg:$0xd] =	wrdreg s25  }
0x16: {  	s12 =	sor.u32 $0x2, s14;
	s14 =	sadd.s32 $0xFB600, s11;
	[dreg:$0xe] =	wrdreg s26  }
0x17: {  	s8 =	ssub.s32 $0x2, s8;
	s15 =	sadd.s32 $0xFB900, s11;
	[dreg:$0xf] =	wrdreg s14  }
0x18: {  	s18 =	sshrl.u32 s8, $0x1;
	s17 =	sadd.s32 $0xFBC00, s11;
	[dreg:$0x10] =	wrdreg s15  }
0x19: {  	s8 =	ssub.s32 s8, s18;
	s18 =	sadd.s32 $0xFBF00, s11;
	[dreg:$0x11] =	wrdreg s17  }
0x1a: {  	s19 =	sadd.s32 $0xFC200, s11;
	[dreg:$0x12] =	wrdreg s18  }
0x1b: {  	[dreg:$0x13] =	wrdreg s19;
	s20 =	sadd.s32 $0xFC500, s11  }
0x1c: {  	s21 =	sadd.s32 $0xFC800, s11;
	[dreg:$0x14] =	wrdreg s20  }
0x1d: {  	s22 =	sadd.s32 $0xFCB00, s11;
	[dreg:$0x15] =	wrdreg s21  }
0x1e: {  	s23 =	sadd.s32 $0xF0400, s4;
	[dreg:$0x16] =	wrdreg s22  }
0x1f: {  	s4 =	sadd.s32 $0xF0700, s4;
	[dreg:$0x17] =	wrdreg s23  }
0x20: {  	s25 =	smax.u32 s8, $0x1;
	[dreg:$0x18] =	wrdreg s4  }
0x21: {  	s28 =	simm.s32 $0xB;
	s26 =	sadd.s32 $0x4800, s16;
	[dreg:$0x19] =	wrdreg s25  }
0x22: {  	s29 =	simm.s32 $0x6780;
	s11 =	sadd.s32 $0x7800, s16;
	[dreg:$0x1c] =	wrdreg s26  }
0x23: {  	s30 =	simm.s32 $0x30;
	s14 =	sadd.s32 $0x9000, s16;
	[dreg:$0x1e] =	wrdreg s11  }
0x24: {  	s31 =	simm.s32 $0x100;
	s15 =	sadd.s32 $0xA800, s16;
	[dreg:$0x1f] =	wrdreg s14  }
0x25: {  	s10 =	simm.s32 $0x1;
	s17 =	sadd.s32 $0xC000, s16;
	[smem:$0x7F5] =	sst s15  }
0x26: {  	s8 =	sadd.s32 $0x1800, s16;
	s18 =	sadd.s32 $0xD800, s16;
	[smem:$0x7F6] =	sst s17  }
0x27: {  	s19 =	sadd.s32 $0xF000, s16;
	s25 =	sadd.s32 $0x3000, s16;
	[smem:$0x7F7] =	sst s18  }
0x28: {  	[smem:$0x7F8] =	sst s19;
	s20 =	sadd.s32 $0x10800, s16;
	s21 =	sadd.s32 $0x12000, s16  }
0x29: {  	s22 =	sadd.s32 $0x13800, s16;
	s23 =	sadd.s32 $0x1800, s24;
	[dreg:$0x1a] =	wrdreg s8  }
0x2a: {  	s26 =	sadd.s32 $0x18, s9;
	s11 =	simm.s32 $0xA;
	[smem:$0x7F9] =	sst s20  }
0x2b: {  	s9 =	simm.s32 $0x1F80;
	s14 =	simm.s32 $0x3;
	[smem:$0x7FA] =	sst s21  }
.Ltmp0:
0x2c: {  	s15 =	simm.s32 $0x680;
	[smem:$0x7FB] =	sst s22;
	(pc) =	sbr.rel .LBB2_1-.Ltmp0, $4  }
0x2d: {  	s17 =	simm.s32 $0x500;
	s18 =	simm.s32 $0x2;
	[smem:$0x7FC] =	sst s23  }
0x2e: {  	s19 =	simm.s32 $0x4;
	s4 =	simm.s32 $0x0;
	[smem:$0x7FD] =	sst s26  }
0x2f: {  	v1 =	vimm.f32 $0.0e+00;
	v2 =	vimm.s32 $0x0;
	vm0 =	vcmask $0x3F08;
	s26 =	simm.s32 $0x780;
	s20 =	simm.s32 $0x700;
	s21 =	simm.s32 $0x7F80  }
0x30: {  	vm1 =	vmmov $0x1;
	v3 =	vlaneseq.u32;
	v0 =	vmov s0;
	s22 =	simm.s32 $0x480;
	s23 =	simm.s32 $0x580;
	[dreg:$0x1b] =	wrdreg s25  }
.LBB2_10:
0x31: {  	s0 =	simm.s32 $0x5  }
0x32: {  	_ =	swait.ge [sflag:s0], $0x1800  }
0x33: {  	[sflag:s0] =	ssyncset.done $0x0  }
0x34: {  	s8 =	simm.s32 $0x7;
	[sflag:s0] =	ssyncadd.s32 $0xFFFFE800  }
0x35: {  	_ =	swait.ge [sflag:s8], $0x1800  }
0x36: {  	[sflag:s8] =	ssyncset.done $0x0  }
0x37: {  	s16 =	simm.s32 $0x6;
	[sflag:s8] =	ssyncadd.s32 $0xFFFFE800  }
0x38: {  	_ =	swait.ge [sflag:s16], $0x1800  }
0x39: {  	[sflag:s16] =	ssyncset.done $0x0  }
0x3a: {  	s24 =	simm.s32 $0x8;
	[sflag:s16] =	ssyncadd.s32 $0xFFFFE800  }
0x3b: {  	_ =	swait.ge [sflag:s24], $0x1800  }
0x3c: {  	[sflag:s24] =	ssyncset.done $0x0  }
0x3d: {  	[sflag:s24] =	ssyncadd.s32 $0xFFFFE800  }
0x3e: {  	[bflag:$0x0] =	sbarrier.arrive $0xFFFF  }
0x3f: {  	s16 =	rddreg [dreg:$0x5]  }
0x40: {  	[tilespmem:s26], [sflag:$0xB] =	stream.linear.gather [spmem:s16], $0x1800, $0x38;
	[tilespmem:$0x1FB80] =	vst v63  }
0x41: {  	_ =	swait.ge [sflag:s28], $0x1800  }
0x42: {  	[sflag:s28] =	ssyncset.done $0x0  }
0x43: {  	s25 =	rddreg [dreg:$0x9];
	[sflag:s28] =	ssyncadd.s32 $0xFFFFE800  }
0x44: {  	[hbm4b:s25+s5] =	stream.linear.scatter [tilespmem:s26], [sflag:$0xB], $0x1800, $0x38;
	[tilespmem:$0x1FB80] =	vst v63  }
0x45: {  	_ =	swait.ge [sflag:s28], $0x1800  }
0x46: {  	[sflag:s28] =	ssyncset.done $0x0  }
0x47: {  	s8 =	rddreg [dreg:$0x1a];
	[sflag:s28] =	ssyncadd.s32 $0xFFFFE800  }
0x48: {  	[tilespmem:s26], [sflag:$0xB] =	stream.linear.gather [spmem:s8], $0x1800, $0x38;
	[tilespmem:$0x1FB80] =	vst v63  }
0x49: {  	_ =	swait.ge [sflag:s28], $0x1800  }
0x4a: {  	[sflag:s28] =	ssyncset.done $0x0  }
0x4b: {  	s4 =	rddreg [dreg:$0xa];
	[sflag:s28] =	ssyncadd.s32 $0xFFFFE800  }
0x4c: {  	[hbm4b:s4+s5] =	stream.linear.scatter [tilespmem:s26], [sflag:$0xB], $0x1800, $0x38;
	[tilespmem:$0x1FB80] =	vst v63  }
0x4d: {  	_ =	swait.ge [sflag:s28], $0x1800  }
0x4e: {  	[sflag:s28] =	ssyncset.done $0x0  }
0x4f: {  	s25 =	rddreg [dreg:$0x1b];
	[sflag:s28] =	ssyncadd.s32 $0xFFFFE800  }
0x50: {  	[tilespmem:s26], [sflag:$0xB] =	stream.linear.gather [spmem:s25], $0x1800, $0x38;
	[tilespmem:$0x1FB80] =	vst v63  }
0x51: {  	_ =	swait.ge [sflag:s28], $0x1800  }
0x52: {  	[sflag:s28] =	ssyncset.done $0x0  }
0x53: {  	s24 =	rddreg [dreg:$0xb];
	[sflag:s28] =	ssyncadd.s32 $0xFFFFE800  }
0x54: {  	[hbm4b:s24+s5] =	stream.linear.scatter [tilespmem:s26], [sflag:$0xB], $0x1800, $0x38;
	[tilespmem:$0x1FB80] =	vst v63  }
0x55: {  	_ =	swait.ge [sflag:s28], $0x1800  }
0x56: {  	[sflag:s28] =	ssyncset.done $0x0  }
0x57: {  	s4 =	rddreg [dreg:$0x1c];
	[sflag:s28] =	ssyncadd.s32 $0xFFFFE800  }
0x58: {  	[tilespmem:s26], [sflag:$0xB] =	stream.linear.gather [spmem:s4], $0x1800, $0x38;
	[tilespmem:$0x1FB80] =	vst v63  }
0x59: {  	_ =	swait.ge [sflag:s28], $0x1800  }
0x5a: {  	[sflag:s28] =	ssyncset.done $0x0  }
0x5b: {  	s24 =	rddreg [dreg:$0xc];
	[sflag:s28] =	ssyncadd.s32 $0xFFFFE800  }
0x5c: {  	[hbm4b:s24+s5] =	stream.linear.scatter [tilespmem:s26], [sflag:$0xB], $0x1800, $0x38;
	[tilespmem:$0x1FB80] =	vst v63  }
0x5d: {  	_ =	swait.ge [sflag:s28], $0x1800  }
0x5e: {  	[sflag:s28] =	ssyncset.done $0x0  }
0x5f: {  	s4 =	rddreg [dreg:$0x1d];
	[sflag:s28] =	ssyncadd.s32 $0xFFFFE800  }
0x60: {  	[tilespmem:s26], [sflag:$0xB] =	stream.linear.gather [spmem:s4], $0x1800, $0x38;
	[tilespmem:$0x1FB80] =	vst v63  }
0x61: {  	_ =	swait.ge [sflag:s28], $0x1800  }
0x62: {  	[sflag:s28] =	ssyncset.done $0x0  }
0x63: {  	s24 =	rddreg [dreg:$0xd];
	[sflag:s28] =	ssyncadd.s32 $0xFFFFE800  }
0x64: {  	[hbm4b:s24+s5] =	stream.linear.scatter [tilespmem:s26], [sflag:$0xB], $0x1800, $0x38;
	[tilespmem:$0x1FB80] =	vst v63  }
0x65: {  	_ =	swait.ge [sflag:s28], $0x1800  }
0x66: {  	[sflag:s28] =	ssyncset.done $0x0  }
0x67: {  	s4 =	rddreg [dreg:$0x1e];
	[sflag:s28] =	ssyncadd.s32 $0xFFFFE800  }
0x68: {  	[tilespmem:s26], [sflag:$0xB] =	stream.linear.gather [spmem:s4], $0x1800, $0x38;
	[tilespmem:$0x1FB80] =	vst v63  }
0x69: {  	_ =	swait.ge [sflag:s28], $0x1800  }
0x6a: {  	[sflag:s28] =	ssyncset.done $0x0  }
0x6b: {  	s24 =	rddreg [dreg:$0xe];
	[sflag:s28] =	ssyncadd.s32 $0xFFFFE800  }
0x6c: {  	[hbm4b:s24+s5] =	stream.linear.scatter [tilespmem:s26], [sflag:$0xB], $0x1800, $0x38;
	[tilespmem:$0x1FB80] =	vst v63  }
0x6d: {  	_ =	swait.ge [sflag:s28], $0x1800  }
0x6e: {  	[sflag:s28] =	ssyncset.done $0x0  }
0x6f: {  	s4 =	rddreg [dreg:$0x1f];
	[sflag:s28] =	ssyncadd.s32 $0xFFFFE800  }
0x70: {  	[tilespmem:s26], [sflag:$0xB] =	stream.linear.gather [spmem:s4], $0x1800, $0x38;
	[tilespmem:$0x1FB80] =	vst v63  }
0x71: {  	_ =	swait.ge [sflag:s28], $0x1800  }
0x72: {  	[sflag:s28] =	ssyncset.done $0x0  }
0x73: {  	s24 =	rddreg [dreg:$0xf];
	[sflag:s28] =	ssyncadd.s32 $0xFFFFE800  }
0x74: {  	[hbm4b:s24+s5] =	stream.linear.scatter [tilespmem:s26], [sflag:$0xB], $0x1800, $0x38;
	[tilespmem:$0x1FB80] =	vst v63  }
0x75: {  	_ =	swait.ge [sflag:s28], $0x1800  }
0x76: {  	s4 =	sld [smem:$0x7F5]  }
0x77: {  	[sflag:s28] =	ssyncset.done $0x0  }
0x78: {  	[sflag:s28] =	ssyncadd.s32 $0xFFFFE800  }
0x79: {  	[tilespmem:s26], [sflag:$0xB] =	stream.linear.gather [spmem:s4], $0x1800, $0x38;
	[tilespmem:$0x1FB80] =	vst v63  }
0x7a: {  	_ =	swait.ge [sflag:s28], $0x1800  }
0x7b: {  	[sflag:s28] =	ssyncset.done $0x0  }
0x7c: {  	s24 =	rddreg [dreg:$0x10];
	[sflag:s28] =	ssyncadd.s32 $0xFFFFE800  }
0x7d: {  	[hbm4b:s24+s5] =	stream.linear.scatter [tilespmem:s26], [sflag:$0xB], $0x1800, $0x38;
	[tilespmem:$0x1FB80] =	vst v63  }
0x7e: {  	_ =	swait.ge [sflag:s28], $0x1800  }
0x7f: {  	s4 =	sld [smem:$0x7F6]  }
0x80: {  	[sflag:s28] =	ssyncset.done $0x0  }
0x81: {  	[sflag:s28] =	ssyncadd.s32 $0xFFFFE800  }
0x82: {  	[tilespmem:s26], [sflag:$0xB] =	stream.linear.gather [spmem:s4], $0x1800, $0x38;
	[tilespmem:$0x1FB80] =	vst v63  }
0x83: {  	_ =	swait.ge [sflag:s28], $0x1800  }
0x84: {  	[sflag:s28] =	ssyncset.done $0x0  }
0x85: {  	s24 =	rddreg [dreg:$0x11];
	[sflag:s28] =	ssyncadd.s32 $0xFFFFE800  }
0x86: {  	[hbm4b:s24+s5] =	stream.linear.scatter [tilespmem:s26], [sflag:$0xB], $0x1800, $0x38;
	[tilespmem:$0x1FB80] =	vst v63  }
0x87: {  	_ =	swait.ge [sflag:s28], $0x1800  }
0x88: {  	s4 =	sld [smem:$0x7F7]  }
0x89: {  	[sflag:s28] =	ssyncset.done $0x0  }
0x8a: {  	[sflag:s28] =	ssyncadd.s32 $0xFFFFE800  }
0x8b: {  	[tilespmem:s26], [sflag:$0xB] =	stream.linear.gather [spmem:s4], $0x1800, $0x38;
	[tilespmem:$0x1FB80] =	vst v63  }
0x8c: {  	_ =	swait.ge [sflag:s28], $0x1800  }
0x8d: {  	[sflag:s28] =	ssyncset.done $0x0  }
0x8e: {  	s24 =	rddreg [dreg:$0x12];
	[sflag:s28] =	ssyncadd.s32 $0xFFFFE800  }
0x8f: {  	[hbm4b:s24+s5] =	stream.linear.scatter [tilespmem:s26], [sflag:$0xB], $0x1800, $0x38;
	[tilespmem:$0x1FB80] =	vst v63  }
0x90: {  	_ =	swait.ge [sflag:s28], $0x1800  }
0x91: {  	s4 =	sld [smem:$0x7F8]  }
0x92: {  	[sflag:s28] =	ssyncset.done $0x0  }
0x93: {  	[sflag:s28] =	ssyncadd.s32 $0xFFFFE800  }
0x94: {  	[tilespmem:s26], [sflag:$0xB] =	stream.linear.gather [spmem:s4], $0x1800, $0x38;
	[tilespmem:$0x1FB80] =	vst v63  }
0x95: {  	_ =	swait.ge [sflag:s28], $0x1800  }
0x96: {  	[sflag:s28] =	ssyncset.done $0x0  }
0x97: {  	s24 =	rddreg [dreg:$0x13];
	[sflag:s28] =	ssyncadd.s32 $0xFFFFE800  }
0x98: {  	[hbm4b:s24+s5] =	stream.linear.scatter [tilespmem:s26], [sflag:$0xB], $0x1800, $0x38;
	[tilespmem:$0x1FB80] =	vst v63  }
0x99: {  	_ =	swait.ge [sflag:s28], $0x1800  }
0x9a: {  	s4 =	sld [smem:$0x7F9]  }
0x9b: {  	[sflag:s28] =	ssyncset.done $0x0  }
0x9c: {  	[sflag:s28] =	ssyncadd.s32 $0xFFFFE800  }
0x9d: {  	[tilespmem:s26], [sflag:$0xB] =	stream.linear.gather [spmem:s4], $0x1800, $0x38;
	[tilespmem:$0x1FB80] =	vst v63  }
0x9e: {  	_ =	swait.ge [sflag:s28], $0x1800  }
0x9f: {  	[sflag:s28] =	ssyncset.done $0x0  }
0xa0: {  	s24 =	rddreg [dreg:$0x14];
	[sflag:s28] =	ssyncadd.s32 $0xFFFFE800  }
0xa1: {  	[hbm4b:s24+s5] =	stream.linear.scatter [tilespmem:s26], [sflag:$0xB], $0x1800, $0x38;
	[tilespmem:$0x1FB80] =	vst v63  }
0xa2: {  	_ =	swait.ge [sflag:s28], $0x1800  }
0xa3: {  	s4 =	sld [smem:$0x7FA]  }
0xa4: {  	[sflag:s28] =	ssyncset.done $0x0  }
0xa5: {  	[sflag:s28] =	ssyncadd.s32 $0xFFFFE800  }
0xa6: {  	[tilespmem:s26], [sflag:$0xB] =	stream.linear.gather [spmem:s4], $0x1800, $0x38;
	[tilespmem:$0x1FB80] =	vst v63  }
0xa7: {  	_ =	swait.ge [sflag:s28], $0x1800  }
0xa8: {  	[sflag:s28] =	ssyncset.done $0x0  }
0xa9: {  	s24 =	rddreg [dreg:$0x15];
	[sflag:s28] =	ssyncadd.s32 $0xFFFFE800  }
0xaa: {  	[hbm4b:s24+s5] =	stream.linear.scatter [tilespmem:s26], [sflag:$0xB], $0x1800, $0x38;
	[tilespmem:$0x1FB80] =	vst v63  }
0xab: {  	_ =	swait.ge [sflag:s28], $0x1800  }
0xac: {  	s4 =	sld [smem:$0x7FB]  }
0xad: {  	[sflag:s28] =	ssyncset.done $0x0  }
0xae: {  	[sflag:s28] =	ssyncadd.s32 $0xFFFFE800  }
0xaf: {  	[tilespmem:s26], [sflag:$0xB] =	stream.linear.gather [spmem:s4], $0x400, $0x38;
	[tilespmem:$0x1FB80] =	vst v63  }
0xb0: {  	_ =	swait.ge [sflag:s28], $0x400  }
0xb1: {  	[sflag:s28] =	ssyncset.done $0x0  }
0xb2: {  	s24 =	rddreg [dreg:$0x16];
	[sflag:s28] =	ssyncadd.s32 $0xFFFFFC00  }
0xb3: {  	[hbm4b:s24+s5] =	stream.linear.scatter [tilespmem:s26], [sflag:$0xB], $0x400, $0x38;
	[tilespmem:$0x1FB80] =	vst v63  }
0xb4: {  	_ =	swait.ge [sflag:s28], $0x400  }
0xb5: {  	[sflag:s28] =	ssyncset.done $0x0  }
0xb6: {  	s24 =	rddreg [dreg:$0x6];
	[sflag:s28] =	ssyncadd.s32 $0xFFFFFC00  }
0xb7: {  	[tilespmem:s29], [sflag:$0xB] =	stream.linear.gather [spmem:s24], $0x1800, $0x38;
	[tilespmem:$0x1FB80] =	vst v63  }
0xb8: {  	_ =	swait.ge [sflag:s28], $0x1800  }
0xb9: {  	[sflag:s28] =	ssyncset.done $0x0  }
0xba: {  	s4 =	rddreg [dreg:$0x17];
	[sflag:s28] =	ssyncadd.s32 $0xFFFFE800  }
0xbb: {  	[hbm4b:s4+s5] =	stream.linear.scatter [tilespmem:s29], [sflag:$0xB], $0x1800, $0x38;
	[tilespmem:$0x1FB80] =	vst v63  }
0xbc: {  	_ =	swait.ge [sflag:s28], $0x1800  }
0xbd: {  	s4 =	sld [smem:$0x7FC]  }
0xbe: {  	[sflag:s28] =	ssyncset.done $0x0  }
0xbf: {  	[sflag:s28] =	ssyncadd.s32 $0xFFFFE800  }
0xc0: {  	[tilespmem:s29], [sflag:$0xB] =	stream.linear.gather [spmem:s4], $0x1000, $0x38;
	[tilespmem:$0x1FB80] =	vst v63  }
0xc1: {  	_ =	swait.ge [sflag:s28], $0x1000  }
0xc2: {  	[sflag:s28] =	ssyncset.done $0x0  }
0xc3: {  	s4 =	rddreg [dreg:$0x18];
	[sflag:s28] =	ssyncadd.s32 $0xFFFFF000  }
0xc4: {  	[hbm4b:s4+s5] =	stream.linear.scatter [tilespmem:s29], [sflag:$0xB], $0x1000, $0x38;
	[tilespmem:$0x1FB80] =	vst v63  }
0xc5: {  	_ =	swait.ge [sflag:s28], $0x1000  }
0xc6: {  	s4 =	sld [smem:$0x7F4];
	_ =	sdelay $0x2  }
0xc7: {  	s0 =	rddreg [dreg:$0x19];
	s4 =	sadd.s32 $0x1, s4  }
0xc8: {  	p0 =	sne.s32 s4, s0  }
.Ltmp1:
0xc9: {  	_ = 	snop;
	(pc) =	sbr.rel @!p0 .LBB2_11-.Ltmp1, $3  }
0xca: {  	_ =	sdelay $0x1  }
0xcb: {  	[sflag:s28] =	ssyncset.done $0x0  }
0xcc: {  	[sflag:s28] =	ssyncadd.s32 $0xFFFFF000  }
.LBB2_1:
0xcd: {  	[smem:$0x7F4] =	sst s4;
	s0 =	simm.s32 $0x0;
	s4 =	simm.s32 $0x200  }
.LBB2_2:
0xce: {  	p0 =	sne.s32 s4, $0x5E00;
	[tilespmem:s0+$0x7FF0] =	vst v1  }
0xcf: {  	[tilespmem:s0+$0x780] =	vst v1  }
0xd0: {  	[tilespmem:s0+$0x6780] =	vst v1  }
0xd1: {  	[tilespmem:s0+$0x7F80] =	vst v1  }
0xd2: {  	[tilespmem:s0+$0x790] =	vst v1  }
0xd3: {  	[tilespmem:s0+$0x6790] =	vst v1  }
0xd4: {  	[tilespmem:s0+$0x7F90] =	vst v1  }
0xd5: {  	[tilespmem:s0+$0x7A0] =	vst v1  }
0xd6: {  	[tilespmem:s0+$0x67A0] =	vst v1  }
0xd7: {  	[tilespmem:s0+$0x7FA0] =	vst v1  }
0xd8: {  	[tilespmem:s0+$0x7B0] =	vst v1  }
0xd9: {  	[tilespmem:s0+$0x67B0] =	vst v1  }
0xda: {  	[tilespmem:s0+$0x7FB0] =	vst v1  }
0xdb: {  	[tilespmem:s0+$0x7C0] =	vst v1  }
0xdc: {  	[tilespmem:s0+$0x67C0] =	vst v1  }
0xdd: {  	[tilespmem:s0+$0x7FC0] =	vst v1  }
0xde: {  	[tilespmem:s0+$0x7D0] =	vst v1  }
0xdf: {  	[tilespmem:s0+$0x67D0] =	vst v1  }
0xe0: {  	[tilespmem:s0+$0x7FD0] =	vst v1  }
.Ltmp2:
0xe1: {  	[tilespmem:s0+$0x7E0] =	vst v1;
	(pc) =	sbr.rel @p0 .LBB2_2-.Ltmp2, $4  }
0xe2: {  	[tilespmem:s0+$0x67E0] =	vst v1  }
0xe3: {  	[tilespmem:s0+$0x7FE0] =	vst v1  }
0xe4: {  	[tilespmem:s0+$0x7F0] =	vst v1  }
0xe5: {  	[tilespmem:s0+$0x67F0] =	vst v1;
	s0 =	sshra.s32 s4, $0x2;
	s4 =	sadd.s32 $0x200, s4  }
0xe6: {  	[tilespmem:s0+$0x7FF0] =	vst v1  }
0xe7: {  	[tilespmem:s0+$0x780] =	vst v1  }
0xe8: {  	[tilespmem:s0+$0x6780] =	vst v1  }
0xe9: {  	[tilespmem:s0+$0x7F80] =	vst v1  }
0xea: {  	[tilespmem:s0+$0x790] =	vst v1  }
0xeb: {  	[tilespmem:s0+$0x6790] =	vst v1  }
0xec: {  	[tilespmem:s0+$0x7F90] =	vst v1  }
0xed: {  	[tilespmem:s0+$0x7A0] =	vst v1  }
0xee: {  	[tilespmem:s0+$0x67A0] =	vst v1  }
0xef: {  	[tilespmem:s0+$0x7FA0] =	vst v1  }
0xf0: {  	[tilespmem:s0+$0x7B0] =	vst v1  }
0xf1: {  	[tilespmem:s0+$0x67B0] =	vst v1  }
0xf2: {  	[tilespmem:s0+$0x7FB0] =	vst v1  }
0xf3: {  	[tilespmem:s0+$0x7C0] =	vst v1  }
0xf4: {  	[tilespmem:s0+$0x67C0] =	vst v1  }
0xf5: {  	[tilespmem:s0+$0x7FC0] =	vst v1  }
0xf6: {  	[tilespmem:s0+$0x7D0] =	vst v1  }
0xf7: {  	[tilespmem:s0+$0x67D0] =	vst v1  }
0xf8: {  	[tilespmem:s0+$0x7FD0] =	vst v1  }
0xf9: {  	[tilespmem:s0+$0x7E0] =	vst v1  }
0xfa: {  	[tilespmem:s0+$0x67E0] =	vst v1  }
0xfb: {  	[tilespmem:s0+$0x7FE0] =	vst v1  }
0xfc: {  	[tilespmem:s0+$0x7F0] =	vst v1  }
0xfd: {  	[tilespmem:s0+$0x67F0] =	vst v1  }
0xfe: {  	[tilespmem:$0x680] =	vst v2  }
0xff: {  	[tilespmem:$0x700] =	vst v2  }
0x100: {  	[tilespmem:$0x690] =	vst v2  }
0x101: {  	[tilespmem:$0x710] =	vst v2  }
0x102: {  	[tilespmem:$0x6A0] =	vst v2  }
0x103: {  	[tilespmem:$0x720] =	vst v2  }
0x104: {  	[spmem:s16] =	stream.linear.scatter [tilespmem:s26], [sflag:$0xB], $0x1800, $0x38;
	[tilespmem:$0x1FB80] =	vst v63  }
0x105: {  	_ =	swait.ge [sflag:s28], $0x1800  }
0x106: {  	[sflag:s28] =	ssyncset.done $0x0  }
0x107: {  	[sflag:s28] =	ssyncadd.s32 $0xFFFFE800  }
0x108: {  	[spmem:s8] =	stream.linear.scatter [tilespmem:s26], [sflag:$0xB], $0x1800, $0x38;
	[tilespmem:$0x1FB80] =	vst v63  }
0x109: {  	_ =	swait.ge [sflag:s28], $0x1800  }
0x10a: {  	[sflag:s28] =	ssyncset.done $0x0  }
0x10b: {  	[sflag:s28] =	ssyncadd.s32 $0xFFFFE800  }
0x10c: {  	[spmem:s25] =	stream.linear.scatter [tilespmem:s26], [sflag:$0xB], $0x1800, $0x38;
	[tilespmem:$0x1FB80] =	vst v63  }
0x10d: {  	_ =	swait.ge [sflag:s28], $0x1800  }
0x10e: {  	[sflag:s28] =	ssyncset.done $0x0  }
0x10f: {  	s25 =	rddreg [dreg:$0x1c];
	[sflag:s28] =	ssyncadd.s32 $0xFFFFE800  }
0x110: {  	[spmem:s25] =	stream.linear.scatter [tilespmem:s26], [sflag:$0xB], $0x1800, $0x38;
	[tilespmem:$0x1FB80] =	vst v63  }
0x111: {  	_ =	swait.ge [sflag:s28], $0x1800  }
0x112: {  	[sflag:s28] =	ssyncset.done $0x0  }
0x113: {  	s4 =	rddreg [dreg:$0x1d];
	[sflag:s28] =	ssyncadd.s32 $0xFFFFE800  }
0x114: {  	[spmem:s4] =	stream.linear.scatter [tilespmem:s26], [sflag:$0xB], $0x1800, $0x38;
	[tilespmem:$0x1FB80] =	vst v63  }
0x115: {  	_ =	swait.ge [sflag:s28], $0x1800  }
0x116: {  	[sflag:s28] =	ssyncset.done $0x0  }
0x117: {  	s8 =	rddreg [dreg:$0x1e];
	[sflag:s28] =	ssyncadd.s32 $0xFFFFE800  }
0x118: {  	[spmem:s8] =	stream.linear.scatter [tilespmem:s26], [sflag:$0xB], $0x1800, $0x38;
	[tilespmem:$0x1FB80] =	vst v63  }
0x119: {  	_ =	swait.ge [sflag:s28], $0x1800  }
0x11a: {  	[sflag:s28] =	ssyncset.done $0x0  }
0x11b: {  	s16 =	rddreg [dreg:$0x1f];
	[sflag:s28] =	ssyncadd.s32 $0xFFFFE800  }
0x11c: {  	[spmem:s16] =	stream.linear.scatter [tilespmem:s26], [sflag:$0xB], $0x1800, $0x38;
	[tilespmem:$0x1FB80] =	vst v63  }
0x11d: {  	_ =	swait.ge [sflag:s28], $0x1800  }
0x11e: {  	s25 =	sld [smem:$0x7F5]  }
0x11f: {  	[sflag:s28] =	ssyncset.done $0x0  }
0x120: {  	[sflag:s28] =	ssyncadd.s32 $0xFFFFE800  }
0x121: {  	[spmem:s25] =	stream.linear.scatter [tilespmem:s26], [sflag:$0xB], $0x1800, $0x38;
	[tilespmem:$0x1FB80] =	vst v63  }
0x122: {  	_ =	swait.ge [sflag:s28], $0x1800  }
0x123: {  	s4 =	sld [smem:$0x7F6]  }
0x124: {  	[sflag:s28] =	ssyncset.done $0x0  }
0x125: {  	[sflag:s28] =	ssyncadd.s32 $0xFFFFE800  }
0x126: {  	[spmem:s4] =	stream.linear.scatter [tilespmem:s26], [sflag:$0xB], $0x1800, $0x38;
	[tilespmem:$0x1FB80] =	vst v63  }
0x127: {  	_ =	swait.ge [sflag:s28], $0x1800  }
0x128: {  	s8 =	sld [smem:$0x7F7]  }
0x129: {  	[sflag:s28] =	ssyncset.done $0x0  }
0x12a: {  	[sflag:s28] =	ssyncadd.s32 $0xFFFFE800  }
0x12b: {  	[spmem:s8] =	stream.linear.scatter [tilespmem:s26], [sflag:$0xB], $0x1800, $0x38;
	[tilespmem:$0x1FB80] =	vst v63  }
0x12c: {  	_ =	swait.ge [sflag:s28], $0x1800  }
0x12d: {  	s16 =	sld [smem:$0x7F8]  }
0x12e: {  	[sflag:s28] =	ssyncset.done $0x0  }
0x12f: {  	[sflag:s28] =	ssyncadd.s32 $0xFFFFE800  }
0x130: {  	[spmem:s16] =	stream.linear.scatter [tilespmem:s26], [sflag:$0xB], $0x1800, $0x38;
	[tilespmem:$0x1FB80] =	vst v63  }
0x131: {  	_ =	swait.ge [sflag:s28], $0x1800  }
0x132: {  	s25 =	sld [smem:$0x7F9]  }
0x133: {  	[sflag:s28] =	ssyncset.done $0x0  }
0x134: {  	[sflag:s28] =	ssyncadd.s32 $0xFFFFE800  }
0x135: {  	[spmem:s25] =	stream.linear.scatter [tilespmem:s26], [sflag:$0xB], $0x1800, $0x38;
	[tilespmem:$0x1FB80] =	vst v63  }
0x136: {  	_ =	swait.ge [sflag:s28], $0x1800  }
0x137: {  	s4 =	sld [smem:$0x7FA]  }
0x138: {  	[sflag:s28] =	ssyncset.done $0x0  }
0x139: {  	[sflag:s28] =	ssyncadd.s32 $0xFFFFE800  }
0x13a: {  	[spmem:s4] =	stream.linear.scatter [tilespmem:s26], [sflag:$0xB], $0x1800, $0x38;
	[tilespmem:$0x1FB80] =	vst v63  }
0x13b: {  	_ =	swait.ge [sflag:s28], $0x1800  }
0x13c: {  	s8 =	sld [smem:$0x7FB]  }
0x13d: {  	[sflag:s28] =	ssyncset.done $0x0  }
0x13e: {  	[sflag:s28] =	ssyncadd.s32 $0xFFFFE800  }
0x13f: {  	[spmem:s8] =	stream.linear.scatter [tilespmem:s26], [sflag:$0xB], $0x400, $0x38;
	[tilespmem:$0x1FB80] =	vst v63  }
0x140: {  	_ =	swait.ge [sflag:s28], $0x400  }
0x141: {  	[sflag:s28] =	ssyncset.done $0x0  }
0x142: {  	[sflag:s28] =	ssyncadd.s32 $0xFFFFFC00  }
0x143: {  	[spmem:s24] =	stream.linear.scatter [tilespmem:s29], [sflag:$0xB], $0x1800, $0x38;
	[tilespmem:$0x1FB80] =	vst v63  }
0x144: {  	_ =	swait.ge [sflag:s28], $0x1800  }
0x145: {  	s16 =	sld [smem:$0x7FC]  }
0x146: {  	[sflag:s28] =	ssyncset.done $0x0  }
0x147: {  	[sflag:s28] =	ssyncadd.s32 $0xFFFFE800  }
0x148: {  	[spmem:s16] =	stream.linear.scatter [tilespmem:s29], [sflag:$0xB], $0x1000, $0x38;
	[tilespmem:$0x1FB80] =	vst v63  }
0x149: {  	_ =	swait.ge [sflag:s28], $0x1000  }
0x14a: {  	[sflag:s28] =	ssyncset.done $0x0  }
0x14b: {  	[sflag:s28] =	ssyncadd.s32 $0xFFFFF000  }
0x14c: {  	[bflag:$0x0] =	sbarrier.arrive $0xFFFF  }
0x14d: {  	s4 =	simm.s32 $0x600;
	s8 =	simm.s32 $0x0;
	s24 =	rddreg [dreg:$0x7]  }
0x14e: {  	[tilespmem:s4], [sflag:$0xB] =	stream.linear.gather [hbm4b:s24+s8], $0x80, $0x38;
	[tilespmem:$0x1FB80] =	vst v63  }
0x14f: {  	_ =	swait.ge [sflag:s28], $0x80  }
0x150: {  	[sflag:s28] =	ssyncset.done $0x0  }
0x151: {  	s25 =	rddreg [dreg:$0x8];
	[sflag:s28] =	ssyncadd.s32 $0xFFFFFF80  }
0x152: {  	[tilespmem:s8], [sflag:$0xB] =	stream.linear.gather [hbm4b:s25+s8], $0xC0, $0x38;
	[tilespmem:$0x1FB80] =	vst v63  }
0x153: {  	_ =	swait.ge [sflag:s28], $0xC0  }
0x154: {  	[sflag:s28] =	ssyncset.done $0x0  }
0x155: {  	[sflag:s28] =	ssyncadd.s32 $0xFFFFFF40  }
0x156: {  	v4 =	vld [tilespmem:$0x0]  }
0x157: {  	v6 =	vld [tilespmem:$0x30]  }
0x158: {  	v5 =	vld [tilespmem:$0x30]  }
0x159: {  	v7 =	vld [tilespmem:$0x60]  }
0x15a: {  	v8 =	vld [tilespmem:$0x10]  }
0x15b: {  	v63 =	vld [tilespmem:$0x50]  }
0x15c: {  	v9 =	vld [tilespmem:$0x40];
	v4 =	vadd.s32 v0, v4;
	[tilespmem:$0x400] =	vst v6  }
0x15d: {  	[tilespmem:$0x200] =	vst v4;
	v4 =	vadd.s32 v0, v5;
	v5 =	vld [tilespmem:$0x40]  }
0x15e: {  	v59 =	vld [tilespmem:$0x20];
	[tilespmem:$0x500] =	vst v7  }
0x15f: {  	[tilespmem:$0x300] =	vst v4;
	v4 =	vld [tilespmem:$0x70]  }
0x160: {  	v61 =	vld [tilespmem:$0x50];
	v60 =	vadd.s32 v0, v8;
	[tilespmem:$0x420] =	vst v63  }
0x161: {  	[tilespmem:$0x210] =	vst v60  }
0x162: {  	v62 =	vadd.s32 v0, v9;
	[tilespmem:$0x410] =	vst v5;
	v5 =	vld [tilespmem:$0x80]  }
0x163: {  	[tilespmem:$0x310] =	vst v62  }
0x164: {  	[tilespmem:$0x510] =	vst v4;
	v4 =	vadd.s32 v0, v59  }
0x165: {  	[tilespmem:$0x220] =	vst v4;
	v4 =	vadd.s32 v0, v61  }
0x166: {  	[tilespmem:$0x320] =	vst v4  }
0x167: {  	s4 =	simm.s32 $0x200;
	[tilespmem:$0x520] =	vst v5  }
0x168: {  	[tilespmem:s26], [sflag:$0x1] =	stream.indirect.gather [hbm4b:s6+s30], $0x80, s4, s30, $0xb8;
	[tilespmem:$0x1FB80] =	vst v63  }
0x169: {  	s16 =	simm.s32 $0x300;
	s24 =	simm.s32 $0x3780;
	s25 =	sld [smem:$0x7FD]  }
0x16a: {  	[tilespmem:s24], [sflag:$0x3] =	stream.indirect.gather [hbm4b:s7+s30], $0x80, s16, s30, $0xb8;
	[tilespmem:$0x1FB80] =	vst v63  }
0x16b: {  	_ = 	snop  }
0x16c: {  	[tilespmem:s31], [sflag:$0xA] =	stream.linear.gather [hbm4b:s25+s8], $0xC0, $0x38;
	[tilespmem:$0x1FB80] =	vst v63  }
.LBB2_4:
0x16d: {  	p0 =	seq.s32 s8, $0x0  }
0x16e: {  	s0 =	simm.s32 @!p0 $0x6  }
0x16f: {  	_ =	swait.ge @!p0 [sflag:s0], $0x1800  }
0x170: {  	[sflag:s0] =	ssyncset.done @!p0 $0x0  }
0x171: {  	[sflag:s0] =	ssyncadd.s32 @!p0 $0xFFFFE800;
	s0 =	simm.s32 @!p0 $0x8  }
0x172: {  	_ =	swait.ge @!p0 [sflag:s0], $0x1800  }
0x173: {  	[sflag:s0] =	ssyncset.done @!p0 $0x0  }
0x174: {  	[sflag:s0] =	ssyncadd.s32 @!p0 $0xFFFFE800  }
0x175: {  	_ =	swait.ge [sflag:s11], $0xC0  }
0x176: {  	[sflag:s11] =	ssyncset.done $0x0  }
0x177: {  	[sflag:s11] =	ssyncadd.s32 $0xFFFFFF40  }
0x178: {  	v4 =	vld [tilespmem:$0x100]  }
0x179: {  	v6 =	vld [tilespmem:$0x130]  }
0x17a: {  	v7 =	vld [tilespmem:$0x160]  }
0x17b: {  	v8 =	vld [tilespmem:$0x110]  }
0x17c: {  	v5 =	vld [tilespmem:$0x130]  }
0x17d: {  	v9 =	vld [tilespmem:$0x140]  }
0x17e: {  	[tilespmem:$0x480] =	vst v6  }
0x17f: {  	v4 =	vadd.s32 v0, v4;
	[tilespmem:$0x580] =	vst v7  }
0x180: {  	v6 =	vld [tilespmem:$0x120];
	v7 =	vadd.s32 v0, v8;
	[tilespmem:$0x280] =	vst v4  }
0x181: {  	v4 =	vadd.s32 v0, v5;
	v5 =	vld [tilespmem:$0x140];
	[tilespmem:$0x290] =	vst v7  }
0x182: {  	v7 =	vadd.s32 v0, v9;
	[tilespmem:$0x380] =	vst v4;
	v4 =	vld [tilespmem:$0x170]  }
0x183: {  	[tilespmem:$0x390] =	vst v7;
	v7 =	vld [tilespmem:$0x150]  }
0x184: {  	v8 =	vld [tilespmem:$0x150];
	_ =	sdelay $0x1  }
0x185: {  	[tilespmem:$0x490] =	vst v5;
	v5 =	vld [tilespmem:$0x180]  }
0x186: {  	[tilespmem:$0x590] =	vst v4  }
0x187: {  	v4 =	vadd.s32 v0, v6;
	[tilespmem:$0x4A0] =	vst v7  }
0x188: {  	[tilespmem:$0x2A0] =	vst v4;
	v4 =	vadd.s32 v0, v8  }
0x189: {  	[tilespmem:$0x3A0] =	vst v4  }
0x18a: {  	s24 =	simm.s32 $0x280;
	[tilespmem:$0x5A0] =	vst v5  }
0x18b: {  	[tilespmem:s9], [sflag:$0x2] =	stream.indirect.gather [hbm4b:s6+s30], $0x80, s24, s30, $0xb8;
	[tilespmem:$0x1FB80] =	vst v63  }
0x18c: {  	s25 =	simm.s32 $0x380;
	s4 =	simm.s32 $0x4F80  }
0x18d: {  	[tilespmem:s4], [sflag:$0x4] =	stream.indirect.gather [hbm4b:s7+s30], $0x80, s25, s30, $0xb8;
	[tilespmem:$0x1FB80] =	vst v63  }
0x18e: {  	_ =	swait.ge [sflag:s10], $0x1800  }
0x18f: {  	[sflag:s10] =	ssyncset.done $0x0  }
0x190: {  	[sflag:s10] =	ssyncadd.s32 $0xFFFFE800  }
0x191: {  	_ =	swait.ge [sflag:s14], $0x1800  }
0x192: {  	[sflag:s14] =	ssyncset.done $0x0  }
0x193: {  	[sflag:s14] =	ssyncadd.s32 $0xFFFFE800  }
0x194: {  	v4 =	vld [tilespmem:$0x600]  }
0x195: {  	v5 =	vld [tilespmem:$0x610]  }
0x196: {  	v6 =	vld [tilespmem:$0x620]  }
0x197: {  	v7 =	vld [tilespmem:$0x630]  }
0x198: {  	v8 =	vld [tilespmem:$0x640]  }
0x199: {  	v9 =	vld [tilespmem:$0x650]  }
0x19a: {  	s0 =	simm.s32 $0x3800;
	v10 =	vld [tilespmem:$0x660]  }
0x19b: {  	s24 =	sshll.u32 s8, $0x1;
	s25 =	simm.s32 $0x800;
	s4 =	simm.s32 $0x0;
	v11 =	vld [tilespmem:$0x670]  }
.LBB2_5:
0x19c: {  	v12 =	vld [tilespmem:s25+$0xFFFFFF80]  }
0x19d: {  	v13 =	vld [tilespmem:s0+$0xFFFFFF80]  }
0x19e: {  	v14 =	vld [tilespmem:s25+$0xFFFFFF90]  }
0x19f: {  	v15 =	vld [tilespmem:s0+$0xFFFFFF90]  }
0x1a0: {  	v16 =	vld [tilespmem:s25+$0xFFFFFFA0]  }
0x1a1: {  	v17 =	vld [tilespmem:s0+$0xFFFFFFA0]  }
0x1a2: {  	v19 =	vld [tilespmem:s25+$0xFFFFFFB0]  }
0x1a3: {  	v20 =	vld [tilespmem:s0+$0xFFFFFFB0]  }
0x1a4: {  	v13 =	vadd.f32 v13, v12;
	_ =	sdelay $0x1  }
0x1a5: {  	v15 =	vadd.f32 v15, v14;
	v18 =	vmin.f32 v13, $0.0e+00  }
0x1a6: {  	v17 =	vadd.f32 v17, v16;
	v18 =	vmul.f32 $2.000000030e-01, v18  }
0x1a7: {  	v20 =	vadd.f32 v20, v19;
	v13 =	vmax.f32 v13, $0.0e+00;
	v32 =	vmin.f32 v15, $0.0e+00  }
0x1a8: {  	v13 =	vadd.f32 v18, v13;
	v18 =	vmul.f32 $2.000000030e-01, v32  }
0x1a9: {  	v15 =	vmax.f32 v15, $0.0e+00;
	v21 =	vmin.f32 v17, $0.0e+00;
	v34 =	vmin.f32 v20, $0.0e+00  }
0x1aa: {  	v33 =	vmul.f32 $2.000000030e-01, v21;
	v13 =	vmul.f32 v13, v4;
	v15 =	vadd.f32 v18, v15  }
0x1ab: {  	v17 =	vmax.f32 v17, $0.0e+00;
	v35 =	vmul.f32 $2.000000030e-01, v34  }
0x1ac: {  	v17 =	vadd.f32 v33, v17;
	v13 =	vadd.f32 $0.0e+00, v13;
	v15 =	vmul.f32 v15, v5  }
0x1ad: {  	v20 =	vmax.f32 v20, $0.0e+00  }
0x1ae: {  	v37 =	vadd.f32 v35, v20;
	v36 =	vmul.f32 v17, v6;
	v13 =	vadd.f32 v15, v13;
	_ =	sdelay $0x1  }
0x1af: {  	v38 =	vmul.f32 v37, v7;
	v13 =	vadd.f32 v36, v13;
	_ =	sdelay $0x1  }
0x1b0: {  	v13 =	vadd.f32 v38, v13;
	_ =	sdelay $0x1  }
0x1b1: {  	(xrf2) =	vadd.scan.msk.f32 $0xffff, v13;
	_ =	sdelay $0x9  }
0x1b2: {  	v13, _, _ =	vpop (xrf2)  }
0x1b3: {  	v13 =	vmul.f32 $1.442695020e+00, v13;
	_ =	sdelay $0x1  }
0x1b4: {  	v13 =	vbroadcast v13, $0xF;
	_ =	sdelay $0x1  }
0x1b5: {  	(erf) = vpow2.f32 v13;
	_ =	sdelay $0x8  }
0x1b6: {  	v13 =	vpop (erf)  }
0x1b7: {  	v12 =	vmul.f32 v13, v12  }
0x1b8: {  	v14 =	vmul.f32 v13, v14  }
0x1b9: {  	v39 =	vmul.f32 v13, v16;
	[tilespmem:s25+$0xFFFFFF80] =	vst v12  }
0x1ba: {  	v41 =	vld [tilespmem:s25+$0xFFFFFFC0];
	v40 =	vmul.f32 v13, v19;
	[tilespmem:s25+$0xFFFFFF90] =	vst v14  }
0x1bb: {  	v42 =	vld [tilespmem:s25+$0xFFFFFFD0];
	[tilespmem:s25+$0xFFFFFFA0] =	vst v39  }
0x1bc: {  	v44 =	vld [tilespmem:s25+$0xFFFFFFE0];
	[tilespmem:s25+$0xFFFFFFB0] =	vst v40  }
0x1bd: {  	v14 =	vld [tilespmem:s0+$0xFFFFFFC0]  }
0x1be: {  	v47 =	vld [tilespmem:s25+$0xFFFFFFF0]  }
0x1bf: {  	v43 =	vld [tilespmem:s0+$0xFFFFFFD0]  }
0x1c0: {  	v45 =	vld [tilespmem:s0+$0xFFFFFFE0]  }
0x1c1: {  	v48 =	vld [tilespmem:s0+$0xFFFFFFF0]  }
0x1c2: {  	v14 =	vadd.f32 v14, v41;
	_ =	sdelay $0x1  }
0x1c3: {  	v16 =	vadd.f32 v43, v42;
	v46 =	vmin.f32 v14, $0.0e+00  }
0x1c4: {  	v18 =	vadd.f32 v45, v44;
	v19 =	vmul.f32 $2.000000030e-01, v46  }
0x1c5: {  	v21 =	vadd.f32 v48, v47;
	v14 =	vmax.f32 v14, $0.0e+00;
	v49 =	vmin.f32 v16, $0.0e+00  }
0x1c6: {  	v14 =	vadd.f32 v19, v14;
	v19 =	vmul.f32 $2.000000030e-01, v49  }
0x1c7: {  	v16 =	vmax.f32 v16, $0.0e+00;
	v22 =	vmin.f32 v18, $0.0e+00;
	v51 =	vmin.f32 v21, $0.0e+00  }
0x1c8: {  	v50 =	vmul.f32 $2.000000030e-01, v22;
	v14 =	vmul.f32 v14, v8;
	v16 =	vadd.f32 v19, v16  }
0x1c9: {  	v18 =	vmax.f32 v18, $0.0e+00;
	v52 =	vmul.f32 $2.000000030e-01, v51  }
0x1ca: {  	v18 =	vadd.f32 v50, v18;
	v14 =	vadd.f32 $0.0e+00, v14;
	v16 =	vmul.f32 v16, v9  }
0x1cb: {  	v21 =	vmax.f32 v21, $0.0e+00  }
0x1cc: {  	v54 =	vadd.f32 v52, v21;
	v53 =	vmul.f32 v18, v10;
	v14 =	vadd.f32 v16, v14;
	_ =	sdelay $0x1  }
0x1cd: {  	v55 =	vmul.f32 v54, v11;
	v14 =	vadd.f32 v53, v14;
	_ =	sdelay $0x1  }
0x1ce: {  	v14 =	vadd.f32 v55, v14;
	_ =	sdelay $0x1  }
0x1cf: {  	(xrf2) =	vadd.scan.msk.f32 $0xffff, v14;
	_ =	sdelay $0x9  }
0x1d0: {  	v14, _, _ =	vpop (xrf2)  }
0x1d1: {  	v14 =	vmul.f32 $1.442695020e+00, v14;
	_ =	sdelay $0x1  }
0x1d2: {  	v14 =	vbroadcast v14, $0xF;
	_ =	sdelay $0x1  }
0x1d3: {  	(erf) = vpow2.f32 v14;
	_ =	sdelay $0x7  }
0x1d4: {  	s16 =	sadd.s32 $0x90, s4  }
0x1d5: {  	v56 =	vmov s16;
	v14 =	vpop (erf)  }
0x1d6: {  	v16 =	vand.u32 $0xFFFFFFFE, v56;
	v12 =	vmul.f32 v14, v41  }
0x1d7: {  	v57 =	vmov s4;
	v16 =	vbroadcast v16, $0x0;
	v15 =	vmul.f32 v14, v42  }
0x1d8: {  	v58 =	vmul.f32 v14, v44;
	[tilespmem:s25+$0xFFFFFFC0] =	vst v12  }
0x1d9: {  	v59 =	vmul.f32 v14, v47;
	[tilespmem:s25+$0xFFFFFFD0] =	vst v15  }
0x1da: {  	[tilespmem:s25+$0xFFFFFFE0] =	vst v58  }
0x1db: {  	[tilespmem:s25+$0xFFFFFFF0] =	vst v59  }
0x1dc: {  	v12 =	vld.idx.msk [tilespmem:v57+s15+$0x0], $0xffff  }
0x1dd: {  	v15 =	vld.idx.msk [tilespmem:v16+s5+$0x0], $0xffff;
	_ =	sdelay $0x4  }
0x1de: {  	v61 =	vshll.u32 v57, $0x7;
	v12 =	vshll.u32 v12, $0x4;
	v62 =	vshll.u32 v15, $0x4  }
0x1df: {  	v60 =	vor.u32 v3, v12;
	v12 =	vand.u32 $0xFFFFFF80, v12;
	v63 =	vor.u32 v3, v62  }
0x1e0: {  	v19 =	vand.u32 $0xFFFFFF80, v62;
	v16 =	vand.u32 $0x7F, v60;
	v12 =	vadd.s32 v61, v12  }
0x1e1: {  	v24 =	vand.u32 $0x7F, v63;
	v17 =	vadd.s32 v61, v19;
	v12 =	vor.u32 v16, v12  }
0x1e2: {  	v16 =	vor.u32 v24, v17;
	_ =	sdelay $0x2  }
0x1e3: {  	v14 =	vsel vm0, $0x0, v14  }
0x1e4: {  	v13 =	vsel vm1, v13, v14;
	[tilespmem:v12+s29+$0x0] =	vst.idx.msk $0x3, v1  }
0x1e5: {  	[tilespmem:v16+s29+$0x0] =	vst.idx.msk $0x3, v13  }
0x1e6: {  	[tilespmem:v57+s15+$0x0] =	vst.idx.msk $0x1, v15  }
0x1e7: {  	v12 =	vld [tilespmem:s25+$0x0]  }
0x1e8: {  	v13 =	vld [tilespmem:s0+$0x0]  }
0x1e9: {  	v25 =	vld [tilespmem:s25+$0x10]  }
0x1ea: {  	v15 =	vld [tilespmem:s0+$0x10]  }
0x1eb: {  	v16 =	vld [tilespmem:s25+$0x20]  }
0x1ec: {  	v26 =	vld [tilespmem:s0+$0x20]  }
0x1ed: {  	v28 =	vld [tilespmem:s25+$0x30]  }
0x1ee: {  	v29 =	vld [tilespmem:s0+$0x30]  }
0x1ef: {  	v13 =	vadd.f32 v13, v12;
	_ =	sdelay $0x1  }
0x1f0: {  	v15 =	vadd.f32 v15, v25;
	v27 =	vmin.f32 v13, $0.0e+00  }
0x1f1: {  	v17 =	vadd.f32 v26, v16;
	v18 =	vmul.f32 $2.000000030e-01, v27  }
0x1f2: {  	v20 =	vadd.f32 v29, v28;
	v13 =	vmax.f32 v13, $0.0e+00;
	v30 =	vmin.f32 v15, $0.0e+00  }
0x1f3: {  	v13 =	vadd.f32 v18, v13;
	v18 =	vmul.f32 $2.000000030e-01, v30  }
0x1f4: {  	v15 =	vmax.f32 v15, $0.0e+00;
	v31 =	vmin.f32 v17, $0.0e+00;
	v33 =	vmin.f32 v20, $0.0e+00  }
0x1f5: {  	v32 =	vmul.f32 $2.000000030e-01, v31;
	v13 =	vmul.f32 v13, v4;
	v15 =	vadd.f32 v18, v15  }
0x1f6: {  	v17 =	vmax.f32 v17, $0.0e+00;
	v34 =	vmul.f32 $2.000000030e-01, v33  }
0x1f7: {  	v17 =	vadd.f32 v32, v17;
	v13 =	vadd.f32 $0.0e+00, v13;
	v15 =	vmul.f32 v15, v5  }
0x1f8: {  	v20 =	vmax.f32 v20, $0.0e+00  }
0x1f9: {  	v36 =	vadd.f32 v34, v20;
	v35 =	vmul.f32 v17, v6;
	v13 =	vadd.f32 v15, v13;
	_ =	sdelay $0x1  }
0x1fa: {  	v37 =	vmul.f32 v36, v7;
	v13 =	vadd.f32 v35, v13;
	_ =	sdelay $0x1  }
0x1fb: {  	v13 =	vadd.f32 v37, v13;
	_ =	sdelay $0x1  }
0x1fc: {  	(xrf2) =	vadd.scan.msk.f32 $0xffff, v13;
	_ =	sdelay $0x9  }
0x1fd: {  	v13, _, _ =	vpop (xrf2)  }
0x1fe: {  	v13 =	vmul.f32 $1.442695020e+00, v13;
	_ =	sdelay $0x1  }
0x1ff: {  	v13 =	vbroadcast v13, $0xF;
	_ =	sdelay $0x1  }
0x200: {  	(erf) = vpow2.f32 v13;
	_ =	sdelay $0x8  }
0x201: {  	v13 =	vpop (erf)  }
0x202: {  	v12 =	vmul.f32 v13, v12  }
0x203: {  	v14 =	vmul.f32 v13, v25  }
0x204: {  	v38 =	vmul.f32 v13, v16;
	[tilespmem:s25+$0x0] =	vst v12  }
0x205: {  	v39 =	vmul.f32 v13, v28;
	[tilespmem:s25+$0x10] =	vst v14  }
0x206: {  	v40 =	vld [tilespmem:s25+$0x40];
	[tilespmem:s25+$0x20] =	vst v38  }
0x207: {  	v41 =	vld [tilespmem:s25+$0x50];
	[tilespmem:s25+$0x30] =	vst v39  }
0x208: {  	v14 =	vld [tilespmem:s0+$0x40]  }
0x209: {  	v43 =	vld [tilespmem:s25+$0x60]  }
0x20a: {  	v42 =	vld [tilespmem:s0+$0x50]  }
0x20b: {  	v44 =	vld [tilespmem:s0+$0x60];
	_ =	sdelay $0x1  }
0x20c: {  	v45 =	vld [tilespmem:s25+$0x70];
	v14 =	vadd.f32 v14, v40  }
0x20d: {  	v46 =	vld [tilespmem:s0+$0x70]  }
0x20e: {  	v16 =	vadd.f32 v42, v41;
	v47 =	vmin.f32 v14, $0.0e+00  }
0x20f: {  	v18 =	vadd.f32 v44, v43;
	v21 =	vmul.f32 $2.000000030e-01, v47  }
0x210: {  	v14 =	vmax.f32 v14, $0.0e+00;
	v48 =	vmin.f32 v16, $0.0e+00  }
0x211: {  	v50 =	vmin.f32 v18, $0.0e+00;
	v49 =	vmul.f32 $2.000000030e-01, v48;
	v14 =	vadd.f32 v21, v14  }
0x212: {  	v20 =	vadd.f32 v46, v45;
	v16 =	vmax.f32 v16, $0.0e+00;
	v22 =	vmul.f32 $2.000000030e-01, v50  }
0x213: {  	v18 =	vmax.f32 v18, $0.0e+00;
	v16 =	vadd.f32 v49, v16;
	v14 =	vmul.f32 v14, v8  }
0x214: {  	v51 =	vmin.f32 v20, $0.0e+00;
	v18 =	vadd.f32 v22, v18  }
0x215: {  	v21 =	vmul.f32 $2.000000030e-01, v51;
	v16 =	vmul.f32 v16, v9;
	v14 =	vadd.f32 $0.0e+00, v14  }
0x216: {  	v20 =	vmax.f32 v20, $0.0e+00  }
0x217: {  	v52 =	vmul.f32 v18, v10;
	v53 =	vadd.f32 v21, v20;
	v14 =	vadd.f32 v16, v14;
	_ =	sdelay $0x1  }
0x218: {  	v54 =	vmul.f32 v53, v11;
	v14 =	vadd.f32 v52, v14;
	_ =	sdelay $0x1  }
0x219: {  	v14 =	vadd.f32 v54, v14;
	_ =	sdelay $0x1  }
0x21a: {  	(xrf2) =	vadd.scan.msk.f32 $0xffff, v14;
	_ =	sdelay $0x9  }
0x21b: {  	v14, _, _ =	vpop (xrf2)  }
0x21c: {  	v14 =	vmul.f32 $1.442695020e+00, v14;
	_ =	sdelay $0x1  }
0x21d: {  	v14 =	vbroadcast v14, $0xF;
	_ =	sdelay $0x1  }
0x21e: {  	(erf) = vpow2.f32 v14;
	_ =	sdelay $0x8  }
0x21f: {  	v14 =	vpop (erf)  }
0x220: {  	s16 =	sadd.s32 $0x1, s4;
	v12 =	vmul.f32 v14, v40  }
0x221: {  	v55 =	vmov s16;
	s16 =	sadd.s32 $0x91, s4;
	v15 =	vmul.f32 v14, v41  }
0x222: {  	v58 =	vmov s16;
	v56 =	vmul.f32 v14, v43;
	[tilespmem:s25+$0x40] =	vst v12  }
0x223: {  	v57 =	vmul.f32 v14, v45;
	[tilespmem:s25+$0x50] =	vst v15  }
0x224: {  	[tilespmem:s25+$0x60] =	vst v56  }
0x225: {  	[tilespmem:s25+$0x70] =	vst v57  }
0x226: {  	v12 =	vld.idx.msk [tilespmem:v55+s15+$0x0], $0xffff  }
0x227: {  	v15 =	vld.idx.msk [tilespmem:v58+s5+$0x0], $0xffff;
	_ =	sdelay $0x4  }
0x228: {  	v60 =	vshll.u32 v55, $0x7;
	v12 =	vshll.u32 v12, $0x4;
	v61 =	vshll.u32 v15, $0x4  }
0x229: {  	v59 =	vor.u32 v3, v12;
	v12 =	vand.u32 $0xFFFFFF80, v12;
	v62 =	vor.u32 v3, v61  }
0x22a: {  	v19 =	vand.u32 $0xFFFFFF80, v61;
	v17 =	vand.u32 $0x7F, v59;
	v12 =	vadd.s32 v60, v12  }
0x22b: {  	v63 =	vand.u32 $0x7F, v62;
	v18 =	vadd.s32 v60, v19;
	v12 =	vor.u32 v17, v12  }
0x22c: {  	v17 =	vor.u32 v63, v18  }
0x22d: {  	p0 =	sne.s32 s4, $0x2E  }
.Ltmp3:
0x22e: {  	_ = 	snop;
	(pc) =	sbr.rel @p0 .LBB2_5-.Ltmp3, $4  }
0x22f: {  	v14 =	vsel vm0, $0x0, v14  }
0x230: {  	v13 =	vsel vm1, v13, v14;
	[tilespmem:v12+s29+$0x0] =	vst.idx.msk $0x3, v1  }
0x231: {  	[tilespmem:v17+s29+$0x0] =	vst.idx.msk $0x3, v13  }
0x232: {  	s4 =	sadd.s32 $0x2, s4;
	s0 =	sadd.s32 $0x100, s0;
	s25 =	sadd.s32 $0x100, s25;
	[tilespmem:v55+s15+$0x0] =	vst.idx.msk $0x1, v15  }
0x233: {  	s0 =	simm.s32 $0x400;
	p0 =	seq.s32 s8, $0x6F  }
0x234: {  	[spmem:s2] =	stream.indirect.scatter.add.f32 [tilespmem:s26], [sflag:$0x5], $0x80, s0, s30, $0xb8;
	[tilespmem:$0x1FB80] =	vst v63  }
0x235: {  	s0 =	sadd.s32 @!p0 s24, s12  }
0x236: {  	s0 =	smul.u32 @!p0 $0x18, s0  }
0x237: {  	[spmem:s3] =	stream.indirect.scatter.add.f32 [tilespmem:s29], [sflag:$0x7], $0x80, s17, s30, $0xb8;
	[tilespmem:$0x1FB80] =	vst v63  }
0x238: {  	s4 =	simm.s32 @!p0 $0x0;
	s0 =	sadd.s32 @!p0 s1, s0  }
0x239: {  	[tilespmem:s4], [sflag:$0x9] =	stream.linear.gather @!p0 [hbm4b:s0+s4], $0xC0, $0x38;
	[tilespmem:$0x1FB80] =	vst v63  }
0x23a: {  	s0 =	simm.s32 @!p0 $0x5  }
0x23b: {  	_ =	swait.ge @!p0 [sflag:s0], $0x1800  }
0x23c: {  	[sflag:s0] =	ssyncset.done @!p0 $0x0  }
0x23d: {  	[sflag:s0] =	ssyncadd.s32 @!p0 $0xFFFFE800;
	s0 =	simm.s32 @!p0 $0x7  }
0x23e: {  	_ =	swait.ge @!p0 [sflag:s0], $0x1800  }
0x23f: {  	[sflag:s0] =	ssyncset.done @!p0 $0x0  }
0x240: {  	[sflag:s0] =	ssyncadd.s32 @!p0 $0xFFFFE800;
	s0 =	simm.s32 @!p0 $0x9  }
0x241: {  	_ =	swait.ge @!p0 [sflag:s0], $0xC0  }
0x242: {  	[sflag:s0] =	ssyncset.done @!p0 $0x0  }
0x243: {  	[sflag:s0] =	ssyncadd.s32 @!p0 $0xFFFFFF40  }
0x244: {  	v4 =	vld @!p0 [tilespmem:$0x0]  }
0x245: {  	v6 =	vld @!p0 [tilespmem:$0x30]  }
0x246: {  	v7 =	vld @!p0 [tilespmem:$0x60]  }
0x247: {  	v8 =	vld @!p0 [tilespmem:$0x10]  }
0x248: {  	v5 =	vld @!p0 [tilespmem:$0x30]  }
0x249: {  	v9 =	vld @!p0 [tilespmem:$0x40]  }
0x24a: {  	[tilespmem:$0x400] =	vst @!p0 v6  }
0x24b: {  	v4 =	vadd.s32 @!p0 v0, v4;
	[tilespmem:$0x500] =	vst @!p0 v7  }
0x24c: {  	v6 =	vld @!p0 [tilespmem:$0x20];
	v7 =	vadd.s32 @!p0 v0, v8;
	[tilespmem:$0x200] =	vst @!p0 v4  }
0x24d: {  	v4 =	vadd.s32 @!p0 v0, v5;
	v5 =	vld @!p0 [tilespmem:$0x40];
	[tilespmem:$0x210] =	vst @!p0 v7  }
0x24e: {  	v7 =	vadd.s32 @!p0 v0, v9;
	[tilespmem:$0x300] =	vst @!p0 v4;
	v4 =	vld @!p0 [tilespmem:$0x70]  }
0x24f: {  	[tilespmem:$0x310] =	vst @!p0 v7;
	v7 =	vld @!p0 [tilespmem:$0x50]  }
0x250: {  	v8 =	vld @!p0 [tilespmem:$0x50];
	_ =	sdelay $0x1  }
0x251: {  	[tilespmem:$0x410] =	vst @!p0 v5;
	v5 =	vld @!p0 [tilespmem:$0x80]  }
0x252: {  	[tilespmem:$0x510] =	vst @!p0 v4  }
0x253: {  	v4 =	vadd.s32 @!p0 v0, v6;
	[tilespmem:$0x420] =	vst @!p0 v7  }
0x254: {  	[tilespmem:$0x220] =	vst @!p0 v4;
	v4 =	vadd.s32 @!p0 v0, v8  }
0x255: {  	[tilespmem:$0x320] =	vst @!p0 v4  }
0x256: {  	s16 =	simm.s32 @!p0 $0x780;
	s4 =	simm.s32 @!p0 $0x200;
	s0 =	simm.s32 @!p0 $0x30;
	[tilespmem:$0x520] =	vst @!p0 v5  }
0x257: {  	[tilespmem:s16], [sflag:$0x1] =	stream.indirect.gather @!p0 [hbm4b:s6+s0], $0x80, s4, s0, $0xb8;
	[tilespmem:$0x1FB80] =	vst v63  }
0x258: {  	s4 =	simm.s32 @!p0 $0x300;
	s16 =	simm.s32 @!p0 $0x3780  }
0x259: {  	[tilespmem:s16], [sflag:$0x3] =	stream.indirect.gather @!p0 [hbm4b:s7+s0], $0x80, s4, s0, $0xb8;
	[tilespmem:$0x1FB80] =	vst v63  }
0x25a: {  	_ =	swait.ge [sflag:s18], $0x1800  }
0x25b: {  	[sflag:s18] =	ssyncset.done $0x0  }
0x25c: {  	[sflag:s18] =	ssyncadd.s32 $0xFFFFE800  }
0x25d: {  	_ =	swait.ge [sflag:s19], $0x1800  }
0x25e: {  	[sflag:s19] =	ssyncset.done $0x0  }
0x25f: {  	[sflag:s19] =	ssyncadd.s32 $0xFFFFE800  }
0x260: {  	v4 =	vld [tilespmem:$0x600]  }
0x261: {  	v5 =	vld [tilespmem:$0x610]  }
0x262: {  	v6 =	vld [tilespmem:$0x620]  }
0x263: {  	v7 =	vld [tilespmem:$0x630]  }
0x264: {  	v8 =	vld [tilespmem:$0x640]  }
0x265: {  	v9 =	vld [tilespmem:$0x650]  }
0x266: {  	v10 =	vld [tilespmem:$0x660]  }
0x267: {  	s25 =	simm.s32 $0x0;
	s0 =	simm.s32 $0x2000;
	s4 =	simm.s32 $0x5000;
	v11 =	vld [tilespmem:$0x670]  }
.LBB2_7:
0x268: {  	v12 =	vld [tilespmem:s0+$0xFFFFFF80]  }
0x269: {  	v13 =	vld [tilespmem:s4+$0xFFFFFF80]  }
0x26a: {  	v14 =	vld [tilespmem:s0+$0xFFFFFF90]  }
0x26b: {  	v15 =	vld [tilespmem:s4+$0xFFFFFF90]  }
0x26c: {  	v16 =	vld [tilespmem:s0+$0xFFFFFFA0]  }
0x26d: {  	v17 =	vld [tilespmem:s4+$0xFFFFFFA0]  }
0x26e: {  	v19 =	vld [tilespmem:s0+$0xFFFFFFB0]  }
0x26f: {  	v20 =	vld [tilespmem:s4+$0xFFFFFFB0]  }
0x270: {  	v13 =	vadd.f32 v13, v12;
	_ =	sdelay $0x1  }
0x271: {  	v15 =	vadd.f32 v15, v14;
	v18 =	vmin.f32 v13, $0.0e+00  }
0x272: {  	v17 =	vadd.f32 v17, v16;
	v18 =	vmul.f32 $2.000000030e-01, v18  }
0x273: {  	v20 =	vadd.f32 v20, v19;
	v13 =	vmax.f32 v13, $0.0e+00;
	v32 =	vmin.f32 v15, $0.0e+00  }
0x274: {  	v13 =	vadd.f32 v18, v13;
	v18 =	vmul.f32 $2.000000030e-01, v32  }
0x275: {  	v15 =	vmax.f32 v15, $0.0e+00;
	v21 =	vmin.f32 v17, $0.0e+00;
	v34 =	vmin.f32 v20, $0.0e+00  }
0x276: {  	v33 =	vmul.f32 $2.000000030e-01, v21;
	v13 =	vmul.f32 v13, v4;
	v15 =	vadd.f32 v18, v15  }
0x277: {  	v17 =	vmax.f32 v17, $0.0e+00;
	v35 =	vmul.f32 $2.000000030e-01, v34  }
0x278: {  	v17 =	vadd.f32 v33, v17;
	v13 =	vadd.f32 $0.0e+00, v13;
	v15 =	vmul.f32 v15, v5  }
0x279: {  	v20 =	vmax.f32 v20, $0.0e+00  }
0x27a: {  	v37 =	vadd.f32 v35, v20;
	v36 =	vmul.f32 v17, v6;
	v13 =	vadd.f32 v15, v13;
	_ =	sdelay $0x1  }
0x27b: {  	v38 =	vmul.f32 v37, v7;
	v13 =	vadd.f32 v36, v13;
	_ =	sdelay $0x1  }
0x27c: {  	v13 =	vadd.f32 v38, v13;
	_ =	sdelay $0x1  }
0x27d: {  	(xrf2) =	vadd.scan.msk.f32 $0xffff, v13;
	_ =	sdelay $0x9  }
0x27e: {  	v13, _, _ =	vpop (xrf2)  }
0x27f: {  	v13 =	vmul.f32 $1.442695020e+00, v13;
	_ =	sdelay $0x1  }
0x280: {  	v13 =	vbroadcast v13, $0xF;
	_ =	sdelay $0x1  }
0x281: {  	(erf) = vpow2.f32 v13;
	_ =	sdelay $0x8  }
0x282: {  	v13 =	vpop (erf)  }
0x283: {  	v12 =	vmul.f32 v13, v12  }
0x284: {  	v14 =	vmul.f32 v13, v14  }
0x285: {  	v39 =	vmul.f32 v13, v16;
	[tilespmem:s0+$0xFFFFFF80] =	vst v12  }
0x286: {  	v41 =	vld [tilespmem:s0+$0xFFFFFFC0];
	v40 =	vmul.f32 v13, v19;
	[tilespmem:s0+$0xFFFFFF90] =	vst v14  }
0x287: {  	v42 =	vld [tilespmem:s0+$0xFFFFFFD0];
	[tilespmem:s0+$0xFFFFFFA0] =	vst v39  }
0x288: {  	v44 =	vld [tilespmem:s0+$0xFFFFFFE0];
	[tilespmem:s0+$0xFFFFFFB0] =	vst v40  }
0x289: {  	v14 =	vld [tilespmem:s4+$0xFFFFFFC0]  }
0x28a: {  	v47 =	vld [tilespmem:s0+$0xFFFFFFF0]  }
0x28b: {  	v43 =	vld [tilespmem:s4+$0xFFFFFFD0]  }
0x28c: {  	v45 =	vld [tilespmem:s4+$0xFFFFFFE0]  }
0x28d: {  	v48 =	vld [tilespmem:s4+$0xFFFFFFF0]  }
0x28e: {  	v14 =	vadd.f32 v14, v41;
	_ =	sdelay $0x1  }
0x28f: {  	v16 =	vadd.f32 v43, v42;
	v46 =	vmin.f32 v14, $0.0e+00  }
0x290: {  	v18 =	vadd.f32 v45, v44;
	v19 =	vmul.f32 $2.000000030e-01, v46  }
0x291: {  	v21 =	vadd.f32 v48, v47;
	v14 =	vmax.f32 v14, $0.0e+00;
	v49 =	vmin.f32 v16, $0.0e+00  }
0x292: {  	v14 =	vadd.f32 v19, v14;
	v19 =	vmul.f32 $2.000000030e-01, v49  }
0x293: {  	v16 =	vmax.f32 v16, $0.0e+00;
	v22 =	vmin.f32 v18, $0.0e+00;
	v51 =	vmin.f32 v21, $0.0e+00  }
0x294: {  	v50 =	vmul.f32 $2.000000030e-01, v22;
	v14 =	vmul.f32 v14, v8;
	v16 =	vadd.f32 v19, v16  }
0x295: {  	v18 =	vmax.f32 v18, $0.0e+00;
	v52 =	vmul.f32 $2.000000030e-01, v51  }
0x296: {  	v18 =	vadd.f32 v50, v18;
	v14 =	vadd.f32 $0.0e+00, v14;
	v16 =	vmul.f32 v16, v9  }
0x297: {  	v21 =	vmax.f32 v21, $0.0e+00  }
0x298: {  	v54 =	vadd.f32 v52, v21;
	v53 =	vmul.f32 v18, v10;
	v14 =	vadd.f32 v16, v14;
	_ =	sdelay $0x1  }
0x299: {  	v55 =	vmul.f32 v54, v11;
	v14 =	vadd.f32 v53, v14;
	_ =	sdelay $0x1  }
0x29a: {  	v14 =	vadd.f32 v55, v14;
	_ =	sdelay $0x1  }
0x29b: {  	(xrf2) =	vadd.scan.msk.f32 $0xffff, v14;
	_ =	sdelay $0x9  }
0x29c: {  	v14, _, _ =	vpop (xrf2)  }
0x29d: {  	v14 =	vmul.f32 $1.442695020e+00, v14;
	_ =	sdelay $0x1  }
0x29e: {  	v14 =	vbroadcast v14, $0xF;
	_ =	sdelay $0x1  }
0x29f: {  	(erf) = vpow2.f32 v14;
	_ =	sdelay $0x7  }
0x2a0: {  	s16 =	sadd.s32 $0x90, s25  }
0x2a1: {  	v56 =	vmov s16;
	v14 =	vpop (erf)  }
0x2a2: {  	v16 =	vand.u32 $0xFFFFFFFE, v56;
	v12 =	vmul.f32 v14, v41  }
0x2a3: {  	v57 =	vmov s25;
	v16 =	vbroadcast v16, $0x0;
	v15 =	vmul.f32 v14, v42  }
0x2a4: {  	v58 =	vmul.f32 v14, v44;
	[tilespmem:s0+$0xFFFFFFC0] =	vst v12  }
0x2a5: {  	v59 =	vmul.f32 v14, v47;
	[tilespmem:s0+$0xFFFFFFD0] =	vst v15  }
0x2a6: {  	[tilespmem:s0+$0xFFFFFFE0] =	vst v58  }
0x2a7: {  	[tilespmem:s0+$0xFFFFFFF0] =	vst v59  }
0x2a8: {  	v12 =	vld.idx.msk [tilespmem:v57+s20+$0x0], $0xffff  }
0x2a9: {  	v15 =	vld.idx.msk [tilespmem:v16+s31+$0x0], $0xffff;
	_ =	sdelay $0x4  }
0x2aa: {  	v61 =	vshll.u32 v57, $0x7;
	v12 =	vshll.u32 v12, $0x4;
	v62 =	vshll.u32 v15, $0x4  }
0x2ab: {  	v60 =	vor.u32 v3, v12;
	v12 =	vand.u32 $0xFFFFFF80, v12;
	v63 =	vor.u32 v3, v62  }
0x2ac: {  	v19 =	vand.u32 $0xFFFFFF80, v62;
	v16 =	vand.u32 $0x7F, v60;
	v12 =	vadd.s32 v61, v12  }
0x2ad: {  	v24 =	vand.u32 $0x7F, v63;
	v17 =	vadd.s32 v61, v19;
	v12 =	vor.u32 v16, v12  }
0x2ae: {  	v16 =	vor.u32 v24, v17;
	_ =	sdelay $0x2  }
0x2af: {  	v14 =	vsel vm0, $0x0, v14  }
0x2b0: {  	v13 =	vsel vm1, v13, v14;
	[tilespmem:v12+s21+$0x0] =	vst.idx.msk $0x3, v1  }
0x2b1: {  	[tilespmem:v16+s21+$0x0] =	vst.idx.msk $0x3, v13  }
0x2b2: {  	[tilespmem:v57+s20+$0x0] =	vst.idx.msk $0x1, v15  }
0x2b3: {  	v12 =	vld [tilespmem:s0+$0x0]  }
0x2b4: {  	v13 =	vld [tilespmem:s4+$0x0]  }
0x2b5: {  	v25 =	vld [tilespmem:s0+$0x10]  }
0x2b6: {  	v15 =	vld [tilespmem:s4+$0x10]  }
0x2b7: {  	v16 =	vld [tilespmem:s0+$0x20]  }
0x2b8: {  	v26 =	vld [tilespmem:s4+$0x20]  }
0x2b9: {  	v28 =	vld [tilespmem:s0+$0x30]  }
0x2ba: {  	v29 =	vld [tilespmem:s4+$0x30]  }
0x2bb: {  	v13 =	vadd.f32 v13, v12;
	_ =	sdelay $0x1  }
0x2bc: {  	v15 =	vadd.f32 v15, v25;
	v27 =	vmin.f32 v13, $0.0e+00  }
0x2bd: {  	v17 =	vadd.f32 v26, v16;
	v18 =	vmul.f32 $2.000000030e-01, v27  }
0x2be: {  	v20 =	vadd.f32 v29, v28;
	v13 =	vmax.f32 v13, $0.0e+00;
	v30 =	vmin.f32 v15, $0.0e+00  }
0x2bf: {  	v13 =	vadd.f32 v18, v13;
	v18 =	vmul.f32 $2.000000030e-01, v30  }
0x2c0: {  	v15 =	vmax.f32 v15, $0.0e+00;
	v31 =	vmin.f32 v17, $0.0e+00;
	v33 =	vmin.f32 v20, $0.0e+00  }
0x2c1: {  	v32 =	vmul.f32 $2.000000030e-01, v31;
	v13 =	vmul.f32 v13, v4;
	v15 =	vadd.f32 v18, v15  }
0x2c2: {  	v17 =	vmax.f32 v17, $0.0e+00;
	v34 =	vmul.f32 $2.000000030e-01, v33  }
0x2c3: {  	v17 =	vadd.f32 v32, v17;
	v13 =	vadd.f32 $0.0e+00, v13;
	v15 =	vmul.f32 v15, v5  }
0x2c4: {  	v20 =	vmax.f32 v20, $0.0e+00  }
0x2c5: {  	v36 =	vadd.f32 v34, v20;
	v35 =	vmul.f32 v17, v6;
	v13 =	vadd.f32 v15, v13;
	_ =	sdelay $0x1  }
0x2c6: {  	v37 =	vmul.f32 v36, v7;
	v13 =	vadd.f32 v35, v13;
	_ =	sdelay $0x1  }
0x2c7: {  	v13 =	vadd.f32 v37, v13;
	_ =	sdelay $0x1  }
0x2c8: {  	(xrf2) =	vadd.scan.msk.f32 $0xffff, v13;
	_ =	sdelay $0x9  }
0x2c9: {  	v13, _, _ =	vpop (xrf2)  }
0x2ca: {  	v13 =	vmul.f32 $1.442695020e+00, v13;
	_ =	sdelay $0x1  }
0x2cb: {  	v13 =	vbroadcast v13, $0xF;
	_ =	sdelay $0x1  }
0x2cc: {  	(erf) = vpow2.f32 v13;
	_ =	sdelay $0x8  }
0x2cd: {  	v13 =	vpop (erf)  }
0x2ce: {  	v12 =	vmul.f32 v13, v12  }
0x2cf: {  	v14 =	vmul.f32 v13, v25  }
0x2d0: {  	v38 =	vmul.f32 v13, v16;
	[tilespmem:s0+$0x0] =	vst v12  }
0x2d1: {  	v39 =	vmul.f32 v13, v28;
	[tilespmem:s0+$0x10] =	vst v14  }
0x2d2: {  	v40 =	vld [tilespmem:s0+$0x40];
	[tilespmem:s0+$0x20] =	vst v38  }
0x2d3: {  	v41 =	vld [tilespmem:s0+$0x50];
	[tilespmem:s0+$0x30] =	vst v39  }
0x2d4: {  	v14 =	vld [tilespmem:s4+$0x40]  }
0x2d5: {  	v43 =	vld [tilespmem:s0+$0x60]  }
0x2d6: {  	v42 =	vld [tilespmem:s4+$0x50]  }
0x2d7: {  	v44 =	vld [tilespmem:s4+$0x60];
	_ =	sdelay $0x1  }
0x2d8: {  	v45 =	vld [tilespmem:s0+$0x70];
	v14 =	vadd.f32 v14, v40  }
0x2d9: {  	v46 =	vld [tilespmem:s4+$0x70]  }
0x2da: {  	v16 =	vadd.f32 v42, v41;
	v47 =	vmin.f32 v14, $0.0e+00  }
0x2db: {  	v18 =	vadd.f32 v44, v43;
	v21 =	vmul.f32 $2.000000030e-01, v47  }
0x2dc: {  	v14 =	vmax.f32 v14, $0.0e+00;
	v48 =	vmin.f32 v16, $0.0e+00  }
0x2dd: {  	v50 =	vmin.f32 v18, $0.0e+00;
	v49 =	vmul.f32 $2.000000030e-01, v48;
	v14 =	vadd.f32 v21, v14  }
0x2de: {  	v20 =	vadd.f32 v46, v45;
	v16 =	vmax.f32 v16, $0.0e+00;
	v22 =	vmul.f32 $2.000000030e-01, v50  }
0x2df: {  	v18 =	vmax.f32 v18, $0.0e+00;
	v16 =	vadd.f32 v49, v16;
	v14 =	vmul.f32 v14, v8  }
0x2e0: {  	v51 =	vmin.f32 v20, $0.0e+00;
	v18 =	vadd.f32 v22, v18  }
0x2e1: {  	v21 =	vmul.f32 $2.000000030e-01, v51;
	v16 =	vmul.f32 v16, v9;
	v14 =	vadd.f32 $0.0e+00, v14  }
0x2e2: {  	v20 =	vmax.f32 v20, $0.0e+00  }
0x2e3: {  	v52 =	vmul.f32 v18, v10;
	v53 =	vadd.f32 v21, v20;
	v14 =	vadd.f32 v16, v14;
	_ =	sdelay $0x1  }
0x2e4: {  	v54 =	vmul.f32 v53, v11;
	v14 =	vadd.f32 v52, v14;
	_ =	sdelay $0x1  }
0x2e5: {  	v14 =	vadd.f32 v54, v14;
	_ =	sdelay $0x1  }
0x2e6: {  	(xrf2) =	vadd.scan.msk.f32 $0xffff, v14;
	_ =	sdelay $0x9  }
0x2e7: {  	v14, _, _ =	vpop (xrf2)  }
0x2e8: {  	v14 =	vmul.f32 $1.442695020e+00, v14;
	_ =	sdelay $0x1  }
0x2e9: {  	v14 =	vbroadcast v14, $0xF;
	_ =	sdelay $0x1  }
0x2ea: {  	(erf) = vpow2.f32 v14;
	_ =	sdelay $0x8  }
0x2eb: {  	v14 =	vpop (erf)  }
0x2ec: {  	s16 =	sadd.s32 $0x1, s25;
	v12 =	vmul.f32 v14, v40  }
0x2ed: {  	v55 =	vmov s16;
	s16 =	sadd.s32 $0x91, s25;
	v15 =	vmul.f32 v14, v41  }
0x2ee: {  	v58 =	vmov s16;
	v56 =	vmul.f32 v14, v43;
	[tilespmem:s0+$0x40] =	vst v12  }
0x2ef: {  	v57 =	vmul.f32 v14, v45;
	[tilespmem:s0+$0x50] =	vst v15  }
0x2f0: {  	[tilespmem:s0+$0x60] =	vst v56  }
0x2f1: {  	[tilespmem:s0+$0x70] =	vst v57  }
0x2f2: {  	v12 =	vld.idx.msk [tilespmem:v55+s20+$0x0], $0xffff  }
0x2f3: {  	v15 =	vld.idx.msk [tilespmem:v58+s31+$0x0], $0xffff;
	_ =	sdelay $0x4  }
0x2f4: {  	v60 =	vshll.u32 v55, $0x7;
	v12 =	vshll.u32 v12, $0x4;
	v61 =	vshll.u32 v15, $0x4  }
0x2f5: {  	v59 =	vor.u32 v3, v12;
	v12 =	vand.u32 $0xFFFFFF80, v12;
	v62 =	vor.u32 v3, v61  }
0x2f6: {  	v19 =	vand.u32 $0xFFFFFF80, v61;
	v17 =	vand.u32 $0x7F, v59;
	v12 =	vadd.s32 v60, v12  }
0x2f7: {  	v63 =	vand.u32 $0x7F, v62;
	v18 =	vadd.s32 v60, v19;
	v12 =	vor.u32 v17, v12  }
0x2f8: {  	v17 =	vor.u32 v63, v18  }
0x2f9: {  	p1 =	sne.s32 s25, $0x2E  }
.Ltmp4:
0x2fa: {  	_ = 	snop;
	(pc) =	sbr.rel @p1 .LBB2_7-.Ltmp4, $4  }
0x2fb: {  	v14 =	vsel vm0, $0x0, v14  }
0x2fc: {  	v13 =	vsel vm1, v13, v14;
	[tilespmem:v12+s21+$0x0] =	vst.idx.msk $0x3, v1  }
0x2fd: {  	[tilespmem:v17+s21+$0x0] =	vst.idx.msk $0x3, v13  }
0x2fe: {  	s25 =	sadd.s32 $0x2, s25;
	s4 =	sadd.s32 $0x100, s4;
	s0 =	sadd.s32 $0x100, s0;
	[tilespmem:v55+s20+$0x0] =	vst.idx.msk $0x1, v15  }
.Ltmp5:
0x2ff: {  	(pc) =	sbr.rel @p0 .LBB2_10-.Ltmp5, $4  }
0x300: {  	_ = 	snop  }
0x301: {  	[spmem:s2] =	stream.indirect.scatter.add.f32 [tilespmem:s9], [sflag:$0x6], $0x80, s22, s30, $0xb8;
	[tilespmem:$0x1FB80] =	vst v63  }
0x302: {  	_ = 	snop  }
0x303: {  	[spmem:s3] =	stream.indirect.scatter.add.f32 [tilespmem:s21], [sflag:$0x8], $0x80, s23, s30, $0xb8;
	[tilespmem:$0x1FB80] =	vst v63  }
.Ltmp6:
0x304: {  	s0 =	sadd.s32 s24, s13;
	(pc) =	sbr.rel .LBB2_4-.Ltmp6, $3  }
0x305: {  	s0 =	smul.u32 $0x18, s0;
	_ =	sdelay $0x1  }
0x306: {  	s8 =	sadd.s32 $0x1, s8;
	s0 =	sadd.s32 s1, s0  }
0x307: {  	[tilespmem:s31], [sflag:$0xA] =	stream.linear.gather [hbm4b:s0+s5], $0xC0, $0x38;
	[tilespmem:$0x1FB80] =	vst v63  }
.LBB2_11:
0x308: {  	_ =	sfence.sel $0x180000  }
0x309: {  	[bflag:$0x0] =	sbarrier.arrive $0xFFFF  }
0x30a: {  	_ =	strace $0x90000047  }
0x30b: {  	s0 =	stileid.u32;
	[bflag:$0x2] =	sbarrier.arrive $0xFFFF  }
0x30c: {  	p0 =	sne.s32 s0, $0x0;
	s0 =	rddreg [dreg:$0x4]  }
0x30d: {  	s0 =	sadd.s32 @!p0 $0x100000, s0  }
0x30e: {  	[sflag:s0] =	ssyncadd.tile.s32 @!p0 $0x1;
	_ =	shalt  }
.Lfunc_end2:
_tile_overlayer_lowered:
.L_overlay_start_2:
0x30f: {  	(tag) =	ssettag $0x2  }
0x310: {  	s0 =	rddreg [dreg:$0x0];
	s2 =	stileid.u32  }
0x311: {  	s1 =	rddreg [dreg:$0x1];
	p0 =	sne.s32 s2, $0x0  }
0x312: {  	s3 =	rddreg [dreg:$0x2];
	[bflag:$0x3] =	sbarrier.arrive $0xFFFF;
	s2 =	simm.s32 @!p0 $0x1C0B  }
0x313: {  	[timem:s3], [sflag:s2] =	dma.local @!p0 [hbm:s0], s1  }
0x314: {  	s0 =	simm.s32 @!p0 $0xB  }
0x315: {  	_ =	swait.ge @!p0 [sflag:s0], s1  }
0x316: {  	s1 =	ssub.s32 @!p0 $0x0, s1;
	[sflag:s0] =	ssyncset.done @!p0 $0x0  }
0x317: {  	[sflag:s0] =	ssyncadd.s32 @!p0 s1  }
0x318: {  	[bflag:$0x3] =	sbarrier.arrive $0xFFFF  }
0x319: {  	_ =	shalt  }

</sc_bundles>
